<compile_context>
chip_gen: v7x
topology: tpu7x:2x2x1
jax: 0.10.2.dev20260603
libtpu: 0.0.44.dev20260713+nightly
codegen_flags: <defaults>
</compile_context>

<pallas_src>
import jax
import jax.numpy as jnp
from jax import lax
from jax.experimental import pallas as pl
from jax.experimental.pallas import tpu as pltpu
from jax.experimental.pallas import tpu_sc as plsc

N = 20000
NP = 20480
NS1 = NP // 16
NC2 = NS1 // 256
KPAD = 112
MAX_DET = 100
SCORE_THRESH = 0.05
NMS_THRESH = 0.5
ULP = 2.0 ** -24
NEG_INF = float("-inf")


def _nms_body(cat_hbm, sc_hbm, out_hbm, cat_v, work_v, seg1_v, kcat_v,
              out_v, sem):
    wid = lax.axis_index("s")

    @pl.when(wid == 0)
    def _():
        iota = lax.broadcasted_iota(jnp.int32, (16,), 0)
        iota_f = iota.astype(jnp.float32)
        iota16 = iota * 16
        lane0 = iota == 0
        gplane = jnp.minimum(iota, 3) * NP
        neg16 = jnp.full((16,), NEG_INF, jnp.float32)

        pltpu.sync_copy(sc_hbm, work_v)
        cdma = pltpu.async_copy(cat_hbm, cat_v, sem)

        def s1(c, _):
            m = neg16
            for j in range(16):
                s = plsc.load_gather(work_v, [c * 256 + iota16 + j])
                m = jnp.maximum(m, jnp.where(s >= SCORE_THRESH, s, NEG_INF))
            seg1_v[pl.ds(c * 16, 16)] = m
            return 0
        lax.fori_loop(0, NS1 // 16, s1, 0, unroll=4)

        ch0 = []
        for c in range(NC2):
            m = neg16
            for j in range(16):
                m = jnp.maximum(m, plsc.load_gather(seg1_v,
                                                    [c * 256 + iota16 + j]))
            ch0.append(m)
        ch0 = tuple(ch0)

        for p, val in enumerate((2.0, 2.0, -2.0, -2.0)):
            for c in range(KPAD // 16):
                kcat_v[pl.ds(p * KPAD + c * 16, 16)] = jnp.full(
                    (16,), val, jnp.float32)

        cdma.wait()

        def pick(ch):
            m = jnp.maximum(jnp.maximum(jnp.maximum(ch[0], ch[1]),
                                        jnp.maximum(ch[2], ch[3])), ch[4])
            vmax = jnp.max(m)
            ms = [ch[c] == vmax for c in range(NC2)]
            ps = [plsc.all_reduce_population_count(ms[c])[0] > 0
                  for c in range(NC2)]
            cstar = jnp.where(
                ps[0], 0, jnp.where(ps[1], 1, jnp.where(
                    ps[2], 2, jnp.where(ps[3], 3, 4))))
            mstar = jnp.where(
                ps[0], ms[0], jnp.where(ps[1], ms[1], jnp.where(
                    ps[2], ms[2], jnp.where(ps[3], ms[3], ms[4]))))
            lane2 = jnp.minimum(plsc.all_reduce_ffs(mstar)[0], 15)
            j2 = cstar * 16 + lane2
            c1 = seg1_v[pl.ds(j2 * 16, 16)]
            l1 = jnp.minimum(plsc.all_reduce_ffs(c1 == vmax)[0], 15)
            j1 = j2 * 16 + l1
            c0 = work_v[pl.ds(j1 * 16, 16)]
            l0 = jnp.minimum(plsc.all_reduce_ffs(c0 == vmax)[0], 15)
            g = j1 * 16 + l0
            return vmax, g, j2, j1, l1, l0, c1, c0

        def kept_test(vmax, g):
            gc = plsc.load_gather(cat_v, [gplane + g])
            cx1, cy1, cx2, cy2 = gc[0], gc[1], gc[2], gc[3]
            carea = jnp.maximum(cx2 - cx1, 0.0) * jnp.maximum(cy2 - cy1, 0.0)
            acc = iota < 0
            for k in range(KPAD // 16):
                kx1 = kcat_v[pl.ds(k * 16, 16)]
                ky1 = kcat_v[pl.ds(KPAD + k * 16, 16)]
                kx2 = kcat_v[pl.ds(2 * KPAD + k * 16, 16)]
                ky2 = kcat_v[pl.ds(3 * KPAD + k * 16, 16)]
                karea = jnp.maximum(kx2 - kx1, 0.0) * \
                    jnp.maximum(ky2 - ky1, 0.0)
                x1 = jnp.maximum(kx1, cx1)
                y1 = jnp.maximum(ky1, cy1)
                x2 = jnp.minimum(kx2, cx2)
                y2 = jnp.minimum(ky2, cy2)
                inter = jnp.maximum(x2 - x1, 0.0) * jnp.maximum(y2 - y1, 0.0)
                union = jnp.maximum(karea + carea - inter, 1e-9)
                acc = acc | (inter + inter - union > union * ULP)
            return (plsc.all_reduce_population_count(acc)[0] > 0) & \
                (vmax > NEG_INF)

        def mark(ch, g, j2, j1, l1, l0, c1, c0):
            plsc.store_scatter(work_v, [jnp.full((16,), g, jnp.int32)],
                               neg16, mask=lane0)
            c0n = jnp.where(iota == l0, NEG_INF, c0)
            nm1 = jnp.max(jnp.where(c0n >= SCORE_THRESH, c0n, NEG_INF))
            plsc.store_scatter(seg1_v, [jnp.full((16,), j1, jnp.int32)],
                               jnp.full((16,), nm1, jnp.float32), mask=lane0)
            nm2 = jnp.max(jnp.where(iota == l1, nm1, c1))
            return tuple(jnp.where((c * 16 + iota) == j2, nm2, ch[c])
                         for c in range(NC2))

        def round_body(it, ch):
            st0 = pick(ch)
            fail0 = kept_test(st0[0], st0[1])

            def body(carry):
                ch_, st, _ = carry
                ch_ = mark(ch_, *st[1:])
                st2 = pick(ch_)
                return ch_, st2, kept_test(st2[0], st2[1])
            ch, st, _ = lax.while_loop(lambda c: c[2], body,
                                       (ch, st0, fail0))
            vmax, g = st[0], st[1]
            ch = mark(ch, *st[1:])
            valid = vmax > NEG_INF

            gc = plsc.load_gather(cat_v, [gplane + g])
            sent = jnp.where(iota < 2, 2.0, jnp.where(iota < 4, -2.0, 0.0))
            app = jnp.where(valid, gc, sent)
            ax1, ay1, ax2, ay2 = app[0], app[1], app[2], app[3]
            for p, v in enumerate((ax1, ay1, ax2, ay2)):
                plsc.store_scatter(
                    kcat_v, [jnp.full((16,), p * KPAD, jnp.int32) + it],
                    jnp.full((16,), v, jnp.float32), mask=lane0)

            row = jnp.where(iota < 4, gc, jnp.where(iota == 4, vmax, 0.0))
            row = jnp.where(valid, row, jnp.zeros((16,), jnp.float32))
            out_v[pl.ds(it * 16, 16)] = row
            return ch

        lax.fori_loop(0, MAX_DET, round_body, ch0, unroll=2)
        pltpu.sync_copy(out_v, out_hbm)


@jax.jit
def _nms(cat, sc):
    mesh = plsc.VectorSubcoreMesh(core_axis_name="c", subcore_axis_name="s",
                                  num_cores=1)
    f = pl.kernel(
        _nms_body,
        out_type=jax.ShapeDtypeStruct((MAX_DET * 16,), jnp.float32),
        mesh=mesh,
        compiler_params=pltpu.CompilerParams(needs_layout_passes=False),
        scratch_types=[
            pltpu.VMEM((4 * NP,), jnp.float32),
            pltpu.VMEM((NP,), jnp.float32),
            pltpu.VMEM((NS1,), jnp.float32),
            pltpu.VMEM((4 * KPAD,), jnp.float32),
            pltpu.VMEM((MAX_DET * 16,), jnp.float32),
            pltpu.SemaphoreType.DMA,
        ],
    )
    return f(cat, sc)


def kernel(boxes, scores):
    b = jnp.pad(boxes, ((0, NP - N), (0, 0)))
    s = jnp.pad(scores, ((0, NP - N),), constant_values=-1.0)
    cat = b.T.reshape(-1)
    out = _nms(cat, s)
    return out.reshape(MAX_DET, 16)[:, :5]

# --- scband reference (transcript-rebuilt; emitter-appended) ---
"""Pipeline reference for scband-yolo-net-83141976916868 (READ-ONLY COPY).

The authoritative reference and input builder live on the scoring server;
editing this copy changes nothing except your own understanding.
"""

import jax, jax.numpy as jnp
import numpy as np

SCORE_THRESH = 0.05
NMS_THRESH = 0.5
MAX_DET = 100
N = 20000


def setup_inputs(seed: int = 0) -> dict:
    key = jax.random.key(seed)
    k1, k2 = jax.random.split(key)
    boxes = jax.random.uniform(k1, (N, 4), dtype=jnp.float32)
    scores = jax.random.uniform(k2, (N,), dtype=jnp.float32)
    return {"boxes": boxes, "scores": scores}


def _iou_one_vs_all(box, boxes):
    x1 = jnp.maximum(box[0], boxes[:, 0])
    y1 = jnp.maximum(box[1], boxes[:, 1])
    x2 = jnp.minimum(box[2], boxes[:, 2])
    y2 = jnp.minimum(box[3], boxes[:, 3])
    inter = jnp.maximum(x2 - x1, 0.0) * jnp.maximum(y2 - y1, 0.0)
    area1 = jnp.maximum(box[2] - box[0], 0.0) * jnp.maximum(box[3] - box[1], 0.0)
    area2 = jnp.maximum(boxes[:, 2] - boxes[:, 0], 0.0) * jnp.maximum(boxes[:, 3] - boxes[:, 1], 0.0)
    union = area1 + area2 - inter
    return inter / jnp.maximum(union, 1e-9)


def reference(boxes, scores):
    neg_inf = jnp.float32(-jnp.inf)
    # score threshold filtering (postprocess_detections step)
    work0 = jnp.where(scores >= SCORE_THRESH, scores, neg_inf)

    # greedy NMS: iteratively pick highest-score box, suppress overlaps
    def step(work, _):
        j = jnp.argmax(work)
        v = work[j]
        ious = _iou_one_vs_all(boxes[j], boxes)
        suppress = ious > NMS_THRESH
        work = jnp.where(suppress, neg_inf, work)
        work = work.at[j].set(neg_inf)
        return work, (j, v)

    _, (idxs, vals) = jax.lax.scan(step, work0, None, length=MAX_DET)
    valid = jnp.isfinite(vals).astype(boxes.dtype)
    sel_boxes = jnp.take(boxes, idxs, axis=0) * valid[:, None]
    sel_scores = jnp.take(scores, idxs, axis=0) * valid
    # [MAX_DET, 5]: kept boxes + their scores (zero-padded past valid detections)
    return jnp.concatenate([sel_boxes, sel_scores[:, None]], axis=1)

if __name__ == "__main__":
    import jax
    _d = setup_inputs()
    print(jax.jit(kernel)(*tuple(_d.values())))

</pallas_src>

<mosaic_0001>
#map = affine_map<(d0, d1) -> (0)>
module attributes {stable_mosaic.version = 14 : i64} {
  func.func @_nms_body(%arg0: i32, %arg1: i32, %arg2: memref<81920xf32, #tpu.memory_space<hbm>>, %arg3: memref<20480xf32, #tpu.memory_space<hbm>>, %arg4: memref<1600xf32, #tpu.memory_space<hbm>>, %arg5: memref<81920xf32, #tpu.memory_space<vmem>>, %arg6: memref<20480xf32, #tpu.memory_space<vmem>>, %arg7: memref<1280xf32, #tpu.memory_space<vmem>>, %arg8: memref<448xf32, #tpu.memory_space<vmem>>, %arg9: memref<1600xf32, #tpu.memory_space<vmem>>, %arg10: memref<!tpu.dma_semaphore, #tpu.memory_space<semaphore_mem>>) attributes {dimension_semantics = [#tpu.dimension_semantics<core_parallel>, #tpu.dimension_semantics<subcore_parallel>], iteration_bounds = array<i64: 1, 16>, scalar_prefetch = 0 : i64, scratch_operands = 6 : i64, tpu.core_type = #tpu.core_type<sc_vector_subcore>, window_params = [{transform_indices = #map}, {transform_indices = #map}, {transform_indices = #map}]} {
    %eq3A = arith.constant 0 : i32
    %eq3A_0 = arith.cmpi eq, %arg1, %eq3A : i32
    %convert_element_type3A = arith.extui %eq3A_0 : i1 to i32
    %cond3A = arith.constant 0 : i32
    %cond3A_1 = arith.cmpi ne, %convert_element_type3A, %cond3A : i32
    scf.if %cond3A_1 {
      %iota3A = tpu.iota {dimensions = array<i32: 0>} : vector<16xi32>
      %convert_element_type3A_2 = arith.sitofp %iota3A : vector<16xi32> to vector<16xf32>
      %mul3A = arith.constant 16 : i32
      %mul3A_3 = vector.broadcast %mul3A : i32 to vector<16xi32>
      %mul3A_4 = arith.muli %iota3A, %mul3A_3 : vector<16xi32>
      %eq3A_5 = arith.constant 0 : i32
      %eq3A_6 = vector.broadcast %eq3A_5 : i32 to vector<16xi32>
      %eq3A_7 = arith.cmpi eq, %iota3A, %eq3A_6 : vector<16xi32>
      %min3A = arith.constant 3 : i32
      %min3A_8 = vector.broadcast %min3A : i32 to vector<16xi32>
      %min3A_9 = arith.minsi %iota3A, %min3A_8 : vector<16xi32>
      %mul3A_10 = arith.constant 20480 : i32
      %mul3A_11 = vector.broadcast %mul3A_10 : i32 to vector<16xi32>
      %mul3A_12 = arith.muli %min3A_9, %mul3A_11 : vector<16xi32>
      %broadcast_in_dim3A = arith.constant 0xFF800000 : f32
      %broadcast_in_dim3A_13 = vector.broadcast %broadcast_in_dim3A : f32 to vector<16xf32>
      "tpu.region"() ({
        %run_scoped3A = tpu.sem_alloc : memref<!tpu.dma_semaphore, #tpu.memory_space<semaphore_mem>>
        tpu.enqueue_dma source(%arg3 : memref<20480xf32, #tpu.memory_space<hbm>>) target(%arg6 : memref<20480xf32, #tpu.memory_space<vmem>>) target_semaphore(%run_scoped3A : memref<!tpu.dma_semaphore, #tpu.memory_space<semaphore_mem>>)
        tpu.wait_dma2 semaphore(%run_scoped3A : memref<!tpu.dma_semaphore, #tpu.memory_space<semaphore_mem>>) src(%arg3 : memref<20480xf32, #tpu.memory_space<hbm>>) dst(%arg6 : memref<20480xf32, #tpu.memory_space<vmem>>)
        tpu.yield
      }) : () -> ()
      tpu.enqueue_dma source(%arg2 : memref<81920xf32, #tpu.memory_space<hbm>>) target(%arg5 : memref<81920xf32, #tpu.memory_space<vmem>>) target_semaphore(%arg10 : memref<!tpu.dma_semaphore, #tpu.memory_space<semaphore_mem>>)
      %scan3A = arith.constant 0 : i32
      %scan3A_14 = arith.constant 0 : i32
      %scan3A_15 = arith.constant 80 : i32
      %scan3A_16 = arith.addi %scan3A_14, %scan3A_15 : i32
      %scan3A_17 = arith.constant 4 : i32
      %scan3A_18 = scf.for %scan3A_774 = %scan3A_14 to %scan3A_16 step %scan3A_17 iter_args(%scan3A_775 = %scan3A) -> (i32)  : i32 {
        %mul3A_776 = arith.constant 256 : i32
        %mul3A_777 = arith.muli %scan3A_774, %mul3A_776 : i32
        %add3A_778 = vector.broadcast %mul3A_777 : i32 to vector<16xi32>
        %add3A_779 = arith.addi %add3A_778, %mul3A_4 : vector<16xi32>
        %add3A_780 = arith.constant 0 : i32
        %add3A_781 = vector.broadcast %add3A_780 : i32 to vector<16xi32>
        %add3A_782 = arith.addi %add3A_779, %add3A_781 : vector<16xi32>
        %gather3A_783 = tpu.vector_load_idx %arg6[%add3A_782] : memref<20480xf32, #tpu.memory_space<vmem>>[vector<16xi32>], vector<16xf32>,
        %ge3A = arith.constant 5.000000e-02 : f32
        %ge3A_784 = vector.broadcast %ge3A : f32 to vector<16xf32>
        %ge3A_785 = arith.cmpf oge, %gather3A_783, %ge3A_784 : vector<16xf32>
        %jit3A = arith.constant 0xFF800000 : f32
        %broadcast_in_dim3A_786 = vector.broadcast %jit3A : f32 to vector<16xf32>
        %select_n3A = arith.select %ge3A_785, %gather3A_783, %broadcast_in_dim3A_786 : vector<16xi1>, vector<16xf32>
        %max3A_787 = arith.maximumf %broadcast_in_dim3A_13, %select_n3A : vector<16xf32>
        %mul3A_788 = arith.constant 256 : i32
        %mul3A_789 = arith.muli %scan3A_774, %mul3A_788 : i32
        %add3A_790 = vector.broadcast %mul3A_789 : i32 to vector<16xi32>
        %add3A_791 = arith.addi %add3A_790, %mul3A_4 : vector<16xi32>
        %add3A_792 = arith.constant 1 : i32
        %add3A_793 = vector.broadcast %add3A_792 : i32 to vector<16xi32>
        %add3A_794 = arith.addi %add3A_791, %add3A_793 : vector<16xi32>
        %gather3A_795 = tpu.vector_load_idx %arg6[%add3A_794] : memref<20480xf32, #tpu.memory_space<vmem>>[vector<16xi32>], vector<16xf32>,
        %ge3A_796 = arith.constant 5.000000e-02 : f32
        %ge3A_797 = vector.broadcast %ge3A_796 : f32 to vector<16xf32>
        %ge3A_798 = arith.cmpf oge, %gather3A_795, %ge3A_797 : vector<16xf32>
        %jit3A_799 = arith.constant 0xFF800000 : f32
        %broadcast_in_dim3A_800 = vector.broadcast %jit3A_799 : f32 to vector<16xf32>
        %select_n3A_801 = arith.select %ge3A_798, %gather3A_795, %broadcast_in_dim3A_800 : vector<16xi1>, vector<16xf32>
        %max3A_802 = arith.maximumf %max3A_787, %select_n3A_801 : vector<16xf32>
        %mul3A_803 = arith.constant 256 : i32
        %mul3A_804 = arith.muli %scan3A_774, %mul3A_803 : i32
        %add3A_805 = vector.broadcast %mul3A_804 : i32 to vector<16xi32>
        %add3A_806 = arith.addi %add3A_805, %mul3A_4 : vector<16xi32>
        %add3A_807 = arith.constant 2 : i32
        %add3A_808 = vector.broadcast %add3A_807 : i32 to vector<16xi32>
        %add3A_809 = arith.addi %add3A_806, %add3A_808 : vector<16xi32>
        %gather3A_810 = tpu.vector_load_idx %arg6[%add3A_809] : memref<20480xf32, #tpu.memory_space<vmem>>[vector<16xi32>], vector<16xf32>,
        %ge3A_811 = arith.constant 5.000000e-02 : f32
        %ge3A_812 = vector.broadcast %ge3A_811 : f32 to vector<16xf32>
        %ge3A_813 = arith.cmpf oge, %gather3A_810, %ge3A_812 : vector<16xf32>
        %jit3A_814 = arith.constant 0xFF800000 : f32
        %broadcast_in_dim3A_815 = vector.broadcast %jit3A_814 : f32 to vector<16xf32>
        %select_n3A_816 = arith.select %ge3A_813, %gather3A_810, %broadcast_in_dim3A_815 : vector<16xi1>, vector<16xf32>
        %max3A_817 = arith.maximumf %max3A_802, %select_n3A_816 : vector<16xf32>
        %mul3A_818 = arith.constant 256 : i32
        %mul3A_819 = arith.muli %scan3A_774, %mul3A_818 : i32
        %add3A_820 = vector.broadcast %mul3A_819 : i32 to vector<16xi32>
        %add3A_821 = arith.addi %add3A_820, %mul3A_4 : vector<16xi32>
        %add3A_822 = arith.constant 3 : i32
        %add3A_823 = vector.broadcast %add3A_822 : i32 to vector<16xi32>
        %add3A_824 = arith.addi %add3A_821, %add3A_823 : vector<16xi32>
        %gather3A_825 = tpu.vector_load_idx %arg6[%add3A_824] : memref<20480xf32, #tpu.memory_space<vmem>>[vector<16xi32>], vector<16xf32>,
        %ge3A_826 = arith.constant 5.000000e-02 : f32
        %ge3A_827 = vector.broadcast %ge3A_826 : f32 to vector<16xf32>
        %ge3A_828 = arith.cmpf oge, %gather3A_825, %ge3A_827 : vector<16xf32>
        %jit3A_829 = arith.constant 0xFF800000 : f32
        %broadcast_in_dim3A_830 = vector.broadcast %jit3A_829 : f32 to vector<16xf32>
        %select_n3A_831 = arith.select %ge3A_828, %gather3A_825, %broadcast_in_dim3A_830 : vector<16xi1>, vector<16xf32>
        %max3A_832 = arith.maximumf %max3A_817, %select_n3A_831 : vector<16xf32>
        %mul3A_833 = arith.constant 256 : i32
        %mul3A_834 = arith.muli %scan3A_774, %mul3A_833 : i32
        %add3A_835 = vector.broadcast %mul3A_834 : i32 to vector<16xi32>
        %add3A_836 = arith.addi %add3A_835, %mul3A_4 : vector<16xi32>
        %add3A_837 = arith.constant 4 : i32
        %add3A_838 = vector.broadcast %add3A_837 : i32 to vector<16xi32>
        %add3A_839 = arith.addi %add3A_836, %add3A_838 : vector<16xi32>
        %gather3A_840 = tpu.vector_load_idx %arg6[%add3A_839] : memref<20480xf32, #tpu.memory_space<vmem>>[vector<16xi32>], vector<16xf32>,
        %ge3A_841 = arith.constant 5.000000e-02 : f32
        %ge3A_842 = vector.broadcast %ge3A_841 : f32 to vector<16xf32>
        %ge3A_843 = arith.cmpf oge, %gather3A_840, %ge3A_842 : vector<16xf32>
        %jit3A_844 = arith.constant 0xFF800000 : f32
        %broadcast_in_dim3A_845 = vector.broadcast %jit3A_844 : f32 to vector<16xf32>
        %select_n3A_846 = arith.select %ge3A_843, %gather3A_840, %broadcast_in_dim3A_845 : vector<16xi1>, vector<16xf32>
        %max3A_847 = arith.maximumf %max3A_832, %select_n3A_846 : vector<16xf32>
        %mul3A_848 = arith.constant 256 : i32
        %mul3A_849 = arith.muli %scan3A_774, %mul3A_848 : i32
        %add3A_850 = vector.broadcast %mul3A_849 : i32 to vector<16xi32>
        %add3A_851 = arith.addi %add3A_850, %mul3A_4 : vector<16xi32>
        %add3A_852 = arith.constant 5 : i32
        %add3A_853 = vector.broadcast %add3A_852 : i32 to vector<16xi32>
        %add3A_854 = arith.addi %add3A_851, %add3A_853 : vector<16xi32>
        %gather3A_855 = tpu.vector_load_idx %arg6[%add3A_854] : memref<20480xf32, #tpu.memory_space<vmem>>[vector<16xi32>], vector<16xf32>,
        %ge3A_856 = arith.constant 5.000000e-02 : f32
        %ge3A_857 = vector.broadcast %ge3A_856 : f32 to vector<16xf32>
        %ge3A_858 = arith.cmpf oge, %gather3A_855, %ge3A_857 : vector<16xf32>
        %jit3A_859 = arith.constant 0xFF800000 : f32
        %broadcast_in_dim3A_860 = vector.broadcast %jit3A_859 : f32 to vector<16xf32>
        %select_n3A_861 = arith.select %ge3A_858, %gather3A_855, %broadcast_in_dim3A_860 : vector<16xi1>, vector<16xf32>
        %max3A_862 = arith.maximumf %max3A_847, %select_n3A_861 : vector<16xf32>
        %mul3A_863 = arith.constant 256 : i32
        %mul3A_864 = arith.muli %scan3A_774, %mul3A_863 : i32
        %add3A_865 = vector.broadcast %mul3A_864 : i32 to vector<16xi32>
        %add3A_866 = arith.addi %add3A_865, %mul3A_4 : vector<16xi32>
        %add3A_867 = arith.constant 6 : i32
        %add3A_868 = vector.broadcast %add3A_867 : i32 to vector<16xi32>
        %add3A_869 = arith.addi %add3A_866, %add3A_868 : vector<16xi32>
        %gather3A_870 = tpu.vector_load_idx %arg6[%add3A_869] : memref<20480xf32, #tpu.memory_space<vmem>>[vector<16xi32>], vector<16xf32>,
        %ge3A_871 = arith.constant 5.000000e-02 : f32
        %ge3A_872 = vector.broadcast %ge3A_871 : f32 to vector<16xf32>
        %ge3A_873 = arith.cmpf oge, %gather3A_870, %ge3A_872 : vector<16xf32>
        %jit3A_874 = arith.constant 0xFF800000 : f32
        %broadcast_in_dim3A_875 = vector.broadcast %jit3A_874 : f32 to vector<16xf32>
        %select_n3A_876 = arith.select %ge3A_873, %gather3A_870, %broadcast_in_dim3A_875 : vector<16xi1>, vector<16xf32>
        %max3A_877 = arith.maximumf %max3A_862, %select_n3A_876 : vector<16xf32>
        %mul3A_878 = arith.constant 256 : i32
        %mul3A_879 = arith.muli %scan3A_774, %mul3A_878 : i32
        %add3A_880 = vector.broadcast %mul3A_879 : i32 to vector<16xi32>
        %add3A_881 = arith.addi %add3A_880, %mul3A_4 : vector<16xi32>
        %add3A_882 = arith.constant 7 : i32
        %add3A_883 = vector.broadcast %add3A_882 : i32 to vector<16xi32>
        %add3A_884 = arith.addi %add3A_881, %add3A_883 : vector<16xi32>
        %gather3A_885 = tpu.vector_load_idx %arg6[%add3A_884] : memref<20480xf32, #tpu.memory_space<vmem>>[vector<16xi32>], vector<16xf32>,
        %ge3A_886 = arith.constant 5.000000e-02 : f32
        %ge3A_887 = vector.broadcast %ge3A_886 : f32 to vector<16xf32>
        %ge3A_888 = arith.cmpf oge, %gather3A_885, %ge3A_887 : vector<16xf32>
        %jit3A_889 = arith.constant 0xFF800000 : f32
        %broadcast_in_dim3A_890 = vector.broadcast %jit3A_889 : f32 to vector<16xf32>
        %select_n3A_891 = arith.select %ge3A_888, %gather3A_885, %broadcast_in_dim3A_890 : vector<16xi1>, vector<16xf32>
        %max3A_892 = arith.maximumf %max3A_877, %select_n3A_891 : vector<16xf32>
        %mul3A_893 = arith.constant 256 : i32
        %mul3A_894 = arith.muli %scan3A_774, %mul3A_893 : i32
        %add3A_895 = vector.broadcast %mul3A_894 : i32 to vector<16xi32>
        %add3A_896 = arith.addi %add3A_895, %mul3A_4 : vector<16xi32>
        %add3A_897 = arith.constant 8 : i32
        %add3A_898 = vector.broadcast %add3A_897 : i32 to vector<16xi32>
        %add3A_899 = arith.addi %add3A_896, %add3A_898 : vector<16xi32>
        %gather3A_900 = tpu.vector_load_idx %arg6[%add3A_899] : memref<20480xf32, #tpu.memory_space<vmem>>[vector<16xi32>], vector<16xf32>,
        %ge3A_901 = arith.constant 5.000000e-02 : f32
        %ge3A_902 = vector.broadcast %ge3A_901 : f32 to vector<16xf32>
        %ge3A_903 = arith.cmpf oge, %gather3A_900, %ge3A_902 : vector<16xf32>
        %jit3A_904 = arith.constant 0xFF800000 : f32
        %broadcast_in_dim3A_905 = vector.broadcast %jit3A_904 : f32 to vector<16xf32>
        %select_n3A_906 = arith.select %ge3A_903, %gather3A_900, %broadcast_in_dim3A_905 : vector<16xi1>, vector<16xf32>
        %max3A_907 = arith.maximumf %max3A_892, %select_n3A_906 : vector<16xf32>
        %mul3A_908 = arith.constant 256 : i32
        %mul3A_909 = arith.muli %scan3A_774, %mul3A_908 : i32
        %add3A_910 = vector.broadcast %mul3A_909 : i32 to vector<16xi32>
        %add3A_911 = arith.addi %add3A_910, %mul3A_4 : vector<16xi32>
        %add3A_912 = arith.constant 9 : i32
        %add3A_913 = vector.broadcast %add3A_912 : i32 to vector<16xi32>
        %add3A_914 = arith.addi %add3A_911, %add3A_913 : vector<16xi32>
        %gather3A_915 = tpu.vector_load_idx %arg6[%add3A_914] : memref<20480xf32, #tpu.memory_space<vmem>>[vector<16xi32>], vector<16xf32>,
        %ge3A_916 = arith.constant 5.000000e-02 : f32
        %ge3A_917 = vector.broadcast %ge3A_916 : f32 to vector<16xf32>
        %ge3A_918 = arith.cmpf oge, %gather3A_915, %ge3A_917 : vector<16xf32>
        %jit3A_919 = arith.constant 0xFF800000 : f32
        %broadcast_in_dim3A_920 = vector.broadcast %jit3A_919 : f32 to vector<16xf32>
        %select_n3A_921 = arith.select %ge3A_918, %gather3A_915, %broadcast_in_dim3A_920 : vector<16xi1>, vector<16xf32>
        %max3A_922 = arith.maximumf %max3A_907, %select_n3A_921 : vector<16xf32>
        %mul3A_923 = arith.constant 256 : i32
        %mul3A_924 = arith.muli %scan3A_774, %mul3A_923 : i32
        %add3A_925 = vector.broadcast %mul3A_924 : i32 to vector<16xi32>
        %add3A_926 = arith.addi %add3A_925, %mul3A_4 : vector<16xi32>
        %add3A_927 = arith.constant 10 : i32
        %add3A_928 = vector.broadcast %add3A_927 : i32 to vector<16xi32>
        %add3A_929 = arith.addi %add3A_926, %add3A_928 : vector<16xi32>
        %gather3A_930 = tpu.vector_load_idx %arg6[%add3A_929] : memref<20480xf32, #tpu.memory_space<vmem>>[vector<16xi32>], vector<16xf32>,
        %ge3A_931 = arith.constant 5.000000e-02 : f32
        %ge3A_932 = vector.broadcast %ge3A_931 : f32 to vector<16xf32>
        %ge3A_933 = arith.cmpf oge, %gather3A_930, %ge3A_932 : vector<16xf32>
        %jit3A_934 = arith.constant 0xFF800000 : f32
        %broadcast_in_dim3A_935 = vector.broadcast %jit3A_934 : f32 to vector<16xf32>
        %select_n3A_936 = arith.select %ge3A_933, %gather3A_930, %broadcast_in_dim3A_935 : vector<16xi1>, vector<16xf32>
        %max3A_937 = arith.maximumf %max3A_922, %select_n3A_936 : vector<16xf32>
        %mul3A_938 = arith.constant 256 : i32
        %mul3A_939 = arith.muli %scan3A_774, %mul3A_938 : i32
        %add3A_940 = vector.broadcast %mul3A_939 : i32 to vector<16xi32>
        %add3A_941 = arith.addi %add3A_940, %mul3A_4 : vector<16xi32>
        %add3A_942 = arith.constant 11 : i32
        %add3A_943 = vector.broadcast %add3A_942 : i32 to vector<16xi32>
        %add3A_944 = arith.addi %add3A_941, %add3A_943 : vector<16xi32>
        %gather3A_945 = tpu.vector_load_idx %arg6[%add3A_944] : memref<20480xf32, #tpu.memory_space<vmem>>[vector<16xi32>], vector<16xf32>,
        %ge3A_946 = arith.constant 5.000000e-02 : f32
        %ge3A_947 = vector.broadcast %ge3A_946 : f32 to vector<16xf32>
        %ge3A_948 = arith.cmpf oge, %gather3A_945, %ge3A_947 : vector<16xf32>
        %jit3A_949 = arith.constant 0xFF800000 : f32
        %broadcast_in_dim3A_950 = vector.broadcast %jit3A_949 : f32 to vector<16xf32>
        %select_n3A_951 = arith.select %ge3A_948, %gather3A_945, %broadcast_in_dim3A_950 : vector<16xi1>, vector<16xf32>
        %max3A_952 = arith.maximumf %max3A_937, %select_n3A_951 : vector<16xf32>
        %mul3A_953 = arith.constant 256 : i32
        %mul3A_954 = arith.muli %scan3A_774, %mul3A_953 : i32
        %add3A_955 = vector.broadcast %mul3A_954 : i32 to vector<16xi32>
        %add3A_956 = arith.addi %add3A_955, %mul3A_4 : vector<16xi32>
        %add3A_957 = arith.constant 12 : i32
        %add3A_958 = vector.broadcast %add3A_957 : i32 to vector<16xi32>
        %add3A_959 = arith.addi %add3A_956, %add3A_958 : vector<16xi32>
        %gather3A_960 = tpu.vector_load_idx %arg6[%add3A_959] : memref<20480xf32, #tpu.memory_space<vmem>>[vector<16xi32>], vector<16xf32>,
        %ge3A_961 = arith.constant 5.000000e-02 : f32
        %ge3A_962 = vector.broadcast %ge3A_961 : f32 to vector<16xf32>
        %ge3A_963 = arith.cmpf oge, %gather3A_960, %ge3A_962 : vector<16xf32>
        %jit3A_964 = arith.constant 0xFF800000 : f32
        %broadcast_in_dim3A_965 = vector.broadcast %jit3A_964 : f32 to vector<16xf32>
        %select_n3A_966 = arith.select %ge3A_963, %gather3A_960, %broadcast_in_dim3A_965 : vector<16xi1>, vector<16xf32>
        %max3A_967 = arith.maximumf %max3A_952, %select_n3A_966 : vector<16xf32>
        %mul3A_968 = arith.constant 256 : i32
        %mul3A_969 = arith.muli %scan3A_774, %mul3A_968 : i32
        %add3A_970 = vector.broadcast %mul3A_969 : i32 to vector<16xi32>
        %add3A_971 = arith.addi %add3A_970, %mul3A_4 : vector<16xi32>
        %add3A_972 = arith.constant 13 : i32
        %add3A_973 = vector.broadcast %add3A_972 : i32 to vector<16xi32>
        %add3A_974 = arith.addi %add3A_971, %add3A_973 : vector<16xi32>
        %gather3A_975 = tpu.vector_load_idx %arg6[%add3A_974] : memref<20480xf32, #tpu.memory_space<vmem>>[vector<16xi32>], vector<16xf32>,
        %ge3A_976 = arith.constant 5.000000e-02 : f32
        %ge3A_977 = vector.broadcast %ge3A_976 : f32 to vector<16xf32>
        %ge3A_978 = arith.cmpf oge, %gather3A_975, %ge3A_977 : vector<16xf32>
        %jit3A_979 = arith.constant 0xFF800000 : f32
        %broadcast_in_dim3A_980 = vector.broadcast %jit3A_979 : f32 to vector<16xf32>
        %select_n3A_981 = arith.select %ge3A_978, %gather3A_975, %broadcast_in_dim3A_980 : vector<16xi1>, vector<16xf32>
        %max3A_982 = arith.maximumf %max3A_967, %select_n3A_981 : vector<16xf32>
        %mul3A_983 = arith.constant 256 : i32
        %mul3A_984 = arith.muli %scan3A_774, %mul3A_983 : i32
        %add3A_985 = vector.broadcast %mul3A_984 : i32 to vector<16xi32>
        %add3A_986 = arith.addi %add3A_985, %mul3A_4 : vector<16xi32>
        %add3A_987 = arith.constant 14 : i32
        %add3A_988 = vector.broadcast %add3A_987 : i32 to vector<16xi32>
        %add3A_989 = arith.addi %add3A_986, %add3A_988 : vector<16xi32>
        %gather3A_990 = tpu.vector_load_idx %arg6[%add3A_989] : memref<20480xf32, #tpu.memory_space<vmem>>[vector<16xi32>], vector<16xf32>,
        %ge3A_991 = arith.constant 5.000000e-02 : f32
        %ge3A_992 = vector.broadcast %ge3A_991 : f32 to vector<16xf32>
        %ge3A_993 = arith.cmpf oge, %gather3A_990, %ge3A_992 : vector<16xf32>
        %jit3A_994 = arith.constant 0xFF800000 : f32
        %broadcast_in_dim3A_995 = vector.broadcast %jit3A_994 : f32 to vector<16xf32>
        %select_n3A_996 = arith.select %ge3A_993, %gather3A_990, %broadcast_in_dim3A_995 : vector<16xi1>, vector<16xf32>
        %max3A_997 = arith.maximumf %max3A_982, %select_n3A_996 : vector<16xf32>
        %mul3A_998 = arith.constant 256 : i32
        %mul3A_999 = arith.muli %scan3A_774, %mul3A_998 : i32
        %add3A_1000 = vector.broadcast %mul3A_999 : i32 to vector<16xi32>
        %add3A_1001 = arith.addi %add3A_1000, %mul3A_4 : vector<16xi32>
        %add3A_1002 = arith.constant 15 : i32
        %add3A_1003 = vector.broadcast %add3A_1002 : i32 to vector<16xi32>
        %add3A_1004 = arith.addi %add3A_1001, %add3A_1003 : vector<16xi32>
        %gather3A_1005 = tpu.vector_load_idx %arg6[%add3A_1004] : memref<20480xf32, #tpu.memory_space<vmem>>[vector<16xi32>], vector<16xf32>,
        %ge3A_1006 = arith.constant 5.000000e-02 : f32
        %ge3A_1007 = vector.broadcast %ge3A_1006 : f32 to vector<16xf32>
        %ge3A_1008 = arith.cmpf oge, %gather3A_1005, %ge3A_1007 : vector<16xf32>
        %jit3A_1009 = arith.constant 0xFF800000 : f32
        %broadcast_in_dim3A_1010 = vector.broadcast %jit3A_1009 : f32 to vector<16xf32>
        %select_n3A_1011 = arith.select %ge3A_1008, %gather3A_1005, %broadcast_in_dim3A_1010 : vector<16xi1>, vector<16xf32>
        %max3A_1012 = arith.maximumf %max3A_997, %select_n3A_1011 : vector<16xf32>
        %mul3A_1013 = arith.constant 16 : i32
        %mul3A_1014 = arith.muli %scan3A_774, %mul3A_1013 : i32
        %swap3A_1015 = arith.index_cast %mul3A_1014 : i32 to index
        %swap3A_1016 = tpu.vector_load %arg7[%swap3A_1015] {strides = array<i32>} : memref<1280xf32, #tpu.memory_space<vmem>>, vector<16xf32>,
        tpu.vector_store %arg7[%swap3A_1015], %max3A_1012 {strides = array<i32>} : memref<1280xf32, #tpu.memory_space<vmem>>, vector<16xf32>,
        %scan3A_1017 = arith.constant 0 : i32
        %scan3A_1018 = arith.constant 1 : i32
        %scan3A_1019 = arith.addi %scan3A_774, %scan3A_1018 : i32
        %mul3A_1020 = arith.constant 256 : i32
        %mul3A_1021 = arith.muli %scan3A_1019, %mul3A_1020 : i32
        %add3A_1022 = vector.broadcast %mul3A_1021 : i32 to vector<16xi32>
        %add3A_1023 = arith.addi %add3A_1022, %mul3A_4 : vector<16xi32>
        %add3A_1024 = arith.constant 0 : i32
        %add3A_1025 = vector.broadcast %add3A_1024 : i32 to vector<16xi32>
        %add3A_1026 = arith.addi %add3A_1023, %add3A_1025 : vector<16xi32>
        %gather3A_1027 = tpu.vector_load_idx %arg6[%add3A_1026] : memref<20480xf32, #tpu.memory_space<vmem>>[vector<16xi32>], vector<16xf32>,
        %ge3A_1028 = arith.constant 5.000000e-02 : f32
        %ge3A_1029 = vector.broadcast %ge3A_1028 : f32 to vector<16xf32>
        %ge3A_1030 = arith.cmpf oge, %gather3A_1027, %ge3A_1029 : vector<16xf32>
        %jit3A_1031 = arith.constant 0xFF800000 : f32
        %broadcast_in_dim3A_1032 = vector.broadcast %jit3A_1031 : f32 to vector<16xf32>
        %select_n3A_1033 = arith.select %ge3A_1030, %gather3A_1027, %broadcast_in_dim3A_1032 : vector<16xi1>, vector<16xf32>
        %max3A_1034 = arith.maximumf %broadcast_in_dim3A_13, %select_n3A_1033 : vector<16xf32>
        %mul3A_1035 = arith.constant 256 : i32
        %mul3A_1036 = arith.muli %scan3A_1019, %mul3A_1035 : i32
        %add3A_1037 = vector.broadcast %mul3A_1036 : i32 to vector<16xi32>
        %add3A_1038 = arith.addi %add3A_1037, %mul3A_4 : vector<16xi32>
        %add3A_1039 = arith.constant 1 : i32
        %add3A_1040 = vector.broadcast %add3A_1039 : i32 to vector<16xi32>
        %add3A_1041 = arith.addi %add3A_1038, %add3A_1040 : vector<16xi32>
        %gather3A_1042 = tpu.vector_load_idx %arg6[%add3A_1041] : memref<20480xf32, #tpu.memory_space<vmem>>[vector<16xi32>], vector<16xf32>,
        %ge3A_1043 = arith.constant 5.000000e-02 : f32
        %ge3A_1044 = vector.broadcast %ge3A_1043 : f32 to vector<16xf32>
        %ge3A_1045 = arith.cmpf oge, %gather3A_1042, %ge3A_1044 : vector<16xf32>
        %jit3A_1046 = arith.constant 0xFF800000 : f32
        %broadcast_in_dim3A_1047 = vector.broadcast %jit3A_1046 : f32 to vector<16xf32>
        %select_n3A_1048 = arith.select %ge3A_1045, %gather3A_1042, %broadcast_in_dim3A_1047 : vector<16xi1>, vector<16xf32>
        %max3A_1049 = arith.maximumf %max3A_1034, %select_n3A_1048 : vector<16xf32>
        %mul3A_1050 = arith.constant 256 : i32
        %mul3A_1051 = arith.muli %scan3A_1019, %mul3A_1050 : i32
        %add3A_1052 = vector.broadcast %mul3A_1051 : i32 to vector<16xi32>
        %add3A_1053 = arith.addi %add3A_1052, %mul3A_4 : vector<16xi32>
        %add3A_1054 = arith.constant 2 : i32
        %add3A_1055 = vector.broadcast %add3A_1054 : i32 to vector<16xi32>
        %add3A_1056 = arith.addi %add3A_1053, %add3A_1055 : vector<16xi32>
        %gather3A_1057 = tpu.vector_load_idx %arg6[%add3A_1056] : memref<20480xf32, #tpu.memory_space<vmem>>[vector<16xi32>], vector<16xf32>,
        %ge3A_1058 = arith.constant 5.000000e-02 : f32
        %ge3A_1059 = vector.broadcast %ge3A_1058 : f32 to vector<16xf32>
        %ge3A_1060 = arith.cmpf oge, %gather3A_1057, %ge3A_1059 : vector<16xf32>
        %jit3A_1061 = arith.constant 0xFF800000 : f32
        %broadcast_in_dim3A_1062 = vector.broadcast %jit3A_1061 : f32 to vector<16xf32>
        %select_n3A_1063 = arith.select %ge3A_1060, %gather3A_1057, %broadcast_in_dim3A_1062 : vector<16xi1>, vector<16xf32>
        %max3A_1064 = arith.maximumf %max3A_1049, %select_n3A_1063 : vector<16xf32>
        %mul3A_1065 = arith.constant 256 : i32
        %mul3A_1066 = arith.muli %scan3A_1019, %mul3A_1065 : i32
        %add3A_1067 = vector.broadcast %mul3A_1066 : i32 to vector<16xi32>
        %add3A_1068 = arith.addi %add3A_1067, %mul3A_4 : vector<16xi32>
        %add3A_1069 = arith.constant 3 : i32
        %add3A_1070 = vector.broadcast %add3A_1069 : i32 to vector<16xi32>
        %add3A_1071 = arith.addi %add3A_1068, %add3A_1070 : vector<16xi32>
        %gather3A_1072 = tpu.vector_load_idx %arg6[%add3A_1071] : memref<20480xf32, #tpu.memory_space<vmem>>[vector<16xi32>], vector<16xf32>,
        %ge3A_1073 = arith.constant 5.000000e-02 : f32
        %ge3A_1074 = vector.broadcast %ge3A_1073 : f32 to vector<16xf32>
        %ge3A_1075 = arith.cmpf oge, %gather3A_1072, %ge3A_1074 : vector<16xf32>
        %jit3A_1076 = arith.constant 0xFF800000 : f32
        %broadcast_in_dim3A_1077 = vector.broadcast %jit3A_1076 : f32 to vector<16xf32>
        %select_n3A_1078 = arith.select %ge3A_1075, %gather3A_1072, %broadcast_in_dim3A_1077 : vector<16xi1>, vector<16xf32>
        %max3A_1079 = arith.maximumf %max3A_1064, %select_n3A_1078 : vector<16xf32>
        %mul3A_1080 = arith.constant 256 : i32
        %mul3A_1081 = arith.muli %scan3A_1019, %mul3A_1080 : i32
        %add3A_1082 = vector.broadcast %mul3A_1081 : i32 to vector<16xi32>
        %add3A_1083 = arith.addi %add3A_1082, %mul3A_4 : vector<16xi32>
        %add3A_1084 = arith.constant 4 : i32
        %add3A_1085 = vector.broadcast %add3A_1084 : i32 to vector<16xi32>
        %add3A_1086 = arith.addi %add3A_1083, %add3A_1085 : vector<16xi32>
        %gather3A_1087 = tpu.vector_load_idx %arg6[%add3A_1086] : memref<20480xf32, #tpu.memory_space<vmem>>[vector<16xi32>], vector<16xf32>,
        %ge3A_1088 = arith.constant 5.000000e-02 : f32
        %ge3A_1089 = vector.broadcast %ge3A_1088 : f32 to vector<16xf32>
        %ge3A_1090 = arith.cmpf oge, %gather3A_1087, %ge3A_1089 : vector<16xf32>
        %jit3A_1091 = arith.constant 0xFF800000 : f32
        %broadcast_in_dim3A_1092 = vector.broadcast %jit3A_1091 : f32 to vector<16xf32>
        %select_n3A_1093 = arith.select %ge3A_1090, %gather3A_1087, %broadcast_in_dim3A_1092 : vector<16xi1>, vector<16xf32>
        %max3A_1094 = arith.maximumf %max3A_1079, %select_n3A_1093 : vector<16xf32>
        %mul3A_1095 = arith.constant 256 : i32
        %mul3A_1096 = arith.muli %scan3A_1019, %mul3A_1095 : i32
        %add3A_1097 = vector.broadcast %mul3A_1096 : i32 to vector<16xi32>
        %add3A_1098 = arith.addi %add3A_1097, %mul3A_4 : vector<16xi32>
        %add3A_1099 = arith.constant 5 : i32
        %add3A_1100 = vector.broadcast %add3A_1099 : i32 to vector<16xi32>
        %add3A_1101 = arith.addi %add3A_1098, %add3A_1100 : vector<16xi32>
        %gather3A_1102 = tpu.vector_load_idx %arg6[%add3A_1101] : memref<20480xf32, #tpu.memory_space<vmem>>[vector<16xi32>], vector<16xf32>,
        %ge3A_1103 = arith.constant 5.000000e-02 : f32
        %ge3A_1104 = vector.broadcast %ge3A_1103 : f32 to vector<16xf32>
        %ge3A_1105 = arith.cmpf oge, %gather3A_1102, %ge3A_1104 : vector<16xf32>
        %jit3A_1106 = arith.constant 0xFF800000 : f32
        %broadcast_in_dim3A_1107 = vector.broadcast %jit3A_1106 : f32 to vector<16xf32>
        %select_n3A_1108 = arith.select %ge3A_1105, %gather3A_1102, %broadcast_in_dim3A_1107 : vector<16xi1>, vector<16xf32>
        %max3A_1109 = arith.maximumf %max3A_1094, %select_n3A_1108 : vector<16xf32>
        %mul3A_1110 = arith.constant 256 : i32
        %mul3A_1111 = arith.muli %scan3A_1019, %mul3A_1110 : i32
        %add3A_1112 = vector.broadcast %mul3A_1111 : i32 to vector<16xi32>
        %add3A_1113 = arith.addi %add3A_1112, %mul3A_4 : vector<16xi32>
        %add3A_1114 = arith.constant 6 : i32
        %add3A_1115 = vector.broadcast %add3A_1114 : i32 to vector<16xi32>
        %add3A_1116 = arith.addi %add3A_1113, %add3A_1115 : vector<16xi32>
        %gather3A_1117 = tpu.vector_load_idx %arg6[%add3A_1116] : memref<20480xf32, #tpu.memory_space<vmem>>[vector<16xi32>], vector<16xf32>,
        %ge3A_1118 = arith.constant 5.000000e-02 : f32
        %ge3A_1119 = vector.broadcast %ge3A_1118 : f32 to vector<16xf32>
        %ge3A_1120 = arith.cmpf oge, %gather3A_1117, %ge3A_1119 : vector<16xf32>
        %jit3A_1121 = arith.constant 0xFF800000 : f32
        %broadcast_in_dim3A_1122 = vector.broadcast %jit3A_1121 : f32 to vector<16xf32>
        %select_n3A_1123 = arith.select %ge3A_1120, %gather3A_1117, %broadcast_in_dim3A_1122 : vector<16xi1>, vector<16xf32>
        %max3A_1124 = arith.maximumf %max3A_1109, %select_n3A_1123 : vector<16xf32>
        %mul3A_1125 = arith.constant 256 : i32
        %mul3A_1126 = arith.muli %scan3A_1019, %mul3A_1125 : i32
        %add3A_1127 = vector.broadcast %mul3A_1126 : i32 to vector<16xi32>
        %add3A_1128 = arith.addi %add3A_1127, %mul3A_4 : vector<16xi32>
        %add3A_1129 = arith.constant 7 : i32
        %add3A_1130 = vector.broadcast %add3A_1129 : i32 to vector<16xi32>
        %add3A_1131 = arith.addi %add3A_1128, %add3A_1130 : vector<16xi32>
        %gather3A_1132 = tpu.vector_load_idx %arg6[%add3A_1131] : memref<20480xf32, #tpu.memory_space<vmem>>[vector<16xi32>], vector<16xf32>,
        %ge3A_1133 = arith.constant 5.000000e-02 : f32
        %ge3A_1134 = vector.broadcast %ge3A_1133 : f32 to vector<16xf32>
        %ge3A_1135 = arith.cmpf oge, %gather3A_1132, %ge3A_1134 : vector<16xf32>
        %jit3A_1136 = arith.constant 0xFF800000 : f32
        %broadcast_in_dim3A_1137 = vector.broadcast %jit3A_1136 : f32 to vector<16xf32>
        %select_n3A_1138 = arith.select %ge3A_1135, %gather3A_1132, %broadcast_in_dim3A_1137 : vector<16xi1>, vector<16xf32>
        %max3A_1139 = arith.maximumf %max3A_1124, %select_n3A_1138 : vector<16xf32>
        %mul3A_1140 = arith.constant 256 : i32
        %mul3A_1141 = arith.muli %scan3A_1019, %mul3A_1140 : i32
        %add3A_1142 = vector.broadcast %mul3A_1141 : i32 to vector<16xi32>
        %add3A_1143 = arith.addi %add3A_1142, %mul3A_4 : vector<16xi32>
        %add3A_1144 = arith.constant 8 : i32
        %add3A_1145 = vector.broadcast %add3A_1144 : i32 to vector<16xi32>
        %add3A_1146 = arith.addi %add3A_1143, %add3A_1145 : vector<16xi32>
        %gather3A_1147 = tpu.vector_load_idx %arg6[%add3A_1146] : memref<20480xf32, #tpu.memory_space<vmem>>[vector<16xi32>], vector<16xf32>,
        %ge3A_1148 = arith.constant 5.000000e-02 : f32
        %ge3A_1149 = vector.broadcast %ge3A_1148 : f32 to vector<16xf32>
        %ge3A_1150 = arith.cmpf oge, %gather3A_1147, %ge3A_1149 : vector<16xf32>
        %jit3A_1151 = arith.constant 0xFF800000 : f32
        %broadcast_in_dim3A_1152 = vector.broadcast %jit3A_1151 : f32 to vector<16xf32>
        %select_n3A_1153 = arith.select %ge3A_1150, %gather3A_1147, %broadcast_in_dim3A_1152 : vector<16xi1>, vector<16xf32>
        %max3A_1154 = arith.maximumf %max3A_1139, %select_n3A_1153 : vector<16xf32>
        %mul3A_1155 = arith.constant 256 : i32
        %mul3A_1156 = arith.muli %scan3A_1019, %mul3A_1155 : i32
        %add3A_1157 = vector.broadcast %mul3A_1156 : i32 to vector<16xi32>
        %add3A_1158 = arith.addi %add3A_1157, %mul3A_4 : vector<16xi32>
        %add3A_1159 = arith.constant 9 : i32
        %add3A_1160 = vector.broadcast %add3A_1159 : i32 to vector<16xi32>
        %add3A_1161 = arith.addi %add3A_1158, %add3A_1160 : vector<16xi32>
        %gather3A_1162 = tpu.vector_load_idx %arg6[%add3A_1161] : memref<20480xf32, #tpu.memory_space<vmem>>[vector<16xi32>], vector<16xf32>,
        %ge3A_1163 = arith.constant 5.000000e-02 : f32
        %ge3A_1164 = vector.broadcast %ge3A_1163 : f32 to vector<16xf32>
        %ge3A_1165 = arith.cmpf oge, %gather3A_1162, %ge3A_1164 : vector<16xf32>
        %jit3A_1166 = arith.constant 0xFF800000 : f32
        %broadcast_in_dim3A_1167 = vector.broadcast %jit3A_1166 : f32 to vector<16xf32>
        %select_n3A_1168 = arith.select %ge3A_1165, %gather3A_1162, %broadcast_in_dim3A_1167 : vector<16xi1>, vector<16xf32>
        %max3A_1169 = arith.maximumf %max3A_1154, %select_n3A_1168 : vector<16xf32>
        %mul3A_1170 = arith.constant 256 : i32
        %mul3A_1171 = arith.muli %scan3A_1019, %mul3A_1170 : i32
        %add3A_1172 = vector.broadcast %mul3A_1171 : i32 to vector<16xi32>
        %add3A_1173 = arith.addi %add3A_1172, %mul3A_4 : vector<16xi32>
        %add3A_1174 = arith.constant 10 : i32
        %add3A_1175 = vector.broadcast %add3A_1174 : i32 to vector<16xi32>
        %add3A_1176 = arith.addi %add3A_1173, %add3A_1175 : vector<16xi32>
        %gather3A_1177 = tpu.vector_load_idx %arg6[%add3A_1176] : memref<20480xf32, #tpu.memory_space<vmem>>[vector<16xi32>], vector<16xf32>,
        %ge3A_1178 = arith.constant 5.000000e-02 : f32
        %ge3A_1179 = vector.broadcast %ge3A_1178 : f32 to vector<16xf32>
        %ge3A_1180 = arith.cmpf oge, %gather3A_1177, %ge3A_1179 : vector<16xf32>
        %jit3A_1181 = arith.constant 0xFF800000 : f32
        %broadcast_in_dim3A_1182 = vector.broadcast %jit3A_1181 : f32 to vector<16xf32>
        %select_n3A_1183 = arith.select %ge3A_1180, %gather3A_1177, %broadcast_in_dim3A_1182 : vector<16xi1>, vector<16xf32>
        %max3A_1184 = arith.maximumf %max3A_1169, %select_n3A_1183 : vector<16xf32>
        %mul3A_1185 = arith.constant 256 : i32
        %mul3A_1186 = arith.muli %scan3A_1019, %mul3A_1185 : i32
        %add3A_1187 = vector.broadcast %mul3A_1186 : i32 to vector<16xi32>
        %add3A_1188 = arith.addi %add3A_1187, %mul3A_4 : vector<16xi32>
        %add3A_1189 = arith.constant 11 : i32
        %add3A_1190 = vector.broadcast %add3A_1189 : i32 to vector<16xi32>
        %add3A_1191 = arith.addi %add3A_1188, %add3A_1190 : vector<16xi32>
        %gather3A_1192 = tpu.vector_load_idx %arg6[%add3A_1191] : memref<20480xf32, #tpu.memory_space<vmem>>[vector<16xi32>], vector<16xf32>,
        %ge3A_1193 = arith.constant 5.000000e-02 : f32
        %ge3A_1194 = vector.broadcast %ge3A_1193 : f32 to vector<16xf32>
        %ge3A_1195 = arith.cmpf oge, %gather3A_1192, %ge3A_1194 : vector<16xf32>
        %jit3A_1196 = arith.constant 0xFF800000 : f32
        %broadcast_in_dim3A_1197 = vector.broadcast %jit3A_1196 : f32 to vector<16xf32>
        %select_n3A_1198 = arith.select %ge3A_1195, %gather3A_1192, %broadcast_in_dim3A_1197 : vector<16xi1>, vector<16xf32>
        %max3A_1199 = arith.maximumf %max3A_1184, %select_n3A_1198 : vector<16xf32>
        %mul3A_1200 = arith.constant 256 : i32
        %mul3A_1201 = arith.muli %scan3A_1019, %mul3A_1200 : i32
        %add3A_1202 = vector.broadcast %mul3A_1201 : i32 to vector<16xi32>
        %add3A_1203 = arith.addi %add3A_1202, %mul3A_4 : vector<16xi32>
        %add3A_1204 = arith.constant 12 : i32
        %add3A_1205 = vector.broadcast %add3A_1204 : i32 to vector<16xi32>
        %add3A_1206 = arith.addi %add3A_1203, %add3A_1205 : vector<16xi32>
        %gather3A_1207 = tpu.vector_load_idx %arg6[%add3A_1206] : memref<20480xf32, #tpu.memory_space<vmem>>[vector<16xi32>], vector<16xf32>,
        %ge3A_1208 = arith.constant 5.000000e-02 : f32
        %ge3A_1209 = vector.broadcast %ge3A_1208 : f32 to vector<16xf32>
        %ge3A_1210 = arith.cmpf oge, %gather3A_1207, %ge3A_1209 : vector<16xf32>
        %jit3A_1211 = arith.constant 0xFF800000 : f32
        %broadcast_in_dim3A_1212 = vector.broadcast %jit3A_1211 : f32 to vector<16xf32>
        %select_n3A_1213 = arith.select %ge3A_1210, %gather3A_1207, %broadcast_in_dim3A_1212 : vector<16xi1>, vector<16xf32>
        %max3A_1214 = arith.maximumf %max3A_1199, %select_n3A_1213 : vector<16xf32>
        %mul3A_1215 = arith.constant 256 : i32
        %mul3A_1216 = arith.muli %scan3A_1019, %mul3A_1215 : i32
        %add3A_1217 = vector.broadcast %mul3A_1216 : i32 to vector<16xi32>
        %add3A_1218 = arith.addi %add3A_1217, %mul3A_4 : vector<16xi32>
        %add3A_1219 = arith.constant 13 : i32
        %add3A_1220 = vector.broadcast %add3A_1219 : i32 to vector<16xi32>
        %add3A_1221 = arith.addi %add3A_1218, %add3A_1220 : vector<16xi32>
        %gather3A_1222 = tpu.vector_load_idx %arg6[%add3A_1221] : memref<20480xf32, #tpu.memory_space<vmem>>[vector<16xi32>], vector<16xf32>,
        %ge3A_1223 = arith.constant 5.000000e-02 : f32
        %ge3A_1224 = vector.broadcast %ge3A_1223 : f32 to vector<16xf32>
        %ge3A_1225 = arith.cmpf oge, %gather3A_1222, %ge3A_1224 : vector<16xf32>
        %jit3A_1226 = arith.constant 0xFF800000 : f32
        %broadcast_in_dim3A_1227 = vector.broadcast %jit3A_1226 : f32 to vector<16xf32>
        %select_n3A_1228 = arith.select %ge3A_1225, %gather3A_1222, %broadcast_in_dim3A_1227 : vector<16xi1>, vector<16xf32>
        %max3A_1229 = arith.maximumf %max3A_1214, %select_n3A_1228 : vector<16xf32>
        %mul3A_1230 = arith.constant 256 : i32
        %mul3A_1231 = arith.muli %scan3A_1019, %mul3A_1230 : i32
        %add3A_1232 = vector.broadcast %mul3A_1231 : i32 to vector<16xi32>
        %add3A_1233 = arith.addi %add3A_1232, %mul3A_4 : vector<16xi32>
        %add3A_1234 = arith.constant 14 : i32
        %add3A_1235 = vector.broadcast %add3A_1234 : i32 to vector<16xi32>
        %add3A_1236 = arith.addi %add3A_1233, %add3A_1235 : vector<16xi32>
        %gather3A_1237 = tpu.vector_load_idx %arg6[%add3A_1236] : memref<20480xf32, #tpu.memory_space<vmem>>[vector<16xi32>], vector<16xf32>,
        %ge3A_1238 = arith.constant 5.000000e-02 : f32
        %ge3A_1239 = vector.broadcast %ge3A_1238 : f32 to vector<16xf32>
        %ge3A_1240 = arith.cmpf oge, %gather3A_1237, %ge3A_1239 : vector<16xf32>
        %jit3A_1241 = arith.constant 0xFF800000 : f32
        %broadcast_in_dim3A_1242 = vector.broadcast %jit3A_1241 : f32 to vector<16xf32>
        %select_n3A_1243 = arith.select %ge3A_1240, %gather3A_1237, %broadcast_in_dim3A_1242 : vector<16xi1>, vector<16xf32>
        %max3A_1244 = arith.maximumf %max3A_1229, %select_n3A_1243 : vector<16xf32>
        %mul3A_1245 = arith.constant 256 : i32
        %mul3A_1246 = arith.muli %scan3A_1019, %mul3A_1245 : i32
        %add3A_1247 = vector.broadcast %mul3A_1246 : i32 to vector<16xi32>
        %add3A_1248 = arith.addi %add3A_1247, %mul3A_4 : vector<16xi32>
        %add3A_1249 = arith.constant 15 : i32
        %add3A_1250 = vector.broadcast %add3A_1249 : i32 to vector<16xi32>
        %add3A_1251 = arith.addi %add3A_1248, %add3A_1250 : vector<16xi32>
        %gather3A_1252 = tpu.vector_load_idx %arg6[%add3A_1251] : memref<20480xf32, #tpu.memory_space<vmem>>[vector<16xi32>], vector<16xf32>,
        %ge3A_1253 = arith.constant 5.000000e-02 : f32
        %ge3A_1254 = vector.broadcast %ge3A_1253 : f32 to vector<16xf32>
        %ge3A_1255 = arith.cmpf oge, %gather3A_1252, %ge3A_1254 : vector<16xf32>
        %jit3A_1256 = arith.constant 0xFF800000 : f32
        %broadcast_in_dim3A_1257 = vector.broadcast %jit3A_1256 : f32 to vector<16xf32>
        %select_n3A_1258 = arith.select %ge3A_1255, %gather3A_1252, %broadcast_in_dim3A_1257 : vector<16xi1>, vector<16xf32>
        %max3A_1259 = arith.maximumf %max3A_1244, %select_n3A_1258 : vector<16xf32>
        %mul3A_1260 = arith.constant 16 : i32
        %mul3A_1261 = arith.muli %scan3A_1019, %mul3A_1260 : i32
        %swap3A_1262 = arith.index_cast %mul3A_1261 : i32 to index
        %swap3A_1263 = tpu.vector_load %arg7[%swap3A_1262] {strides = array<i32>} : memref<1280xf32, #tpu.memory_space<vmem>>, vector<16xf32>,
        tpu.vector_store %arg7[%swap3A_1262], %max3A_1259 {strides = array<i32>} : memref<1280xf32, #tpu.memory_space<vmem>>, vector<16xf32>,
        %scan3A_1264 = arith.constant 0 : i32
        %scan3A_1265 = arith.constant 2 : i32
        %scan3A_1266 = arith.addi %scan3A_774, %scan3A_1265 : i32
        %mul3A_1267 = arith.constant 256 : i32
        %mul3A_1268 = arith.muli %scan3A_1266, %mul3A_1267 : i32
        %add3A_1269 = vector.broadcast %mul3A_1268 : i32 to vector<16xi32>
        %add3A_1270 = arith.addi %add3A_1269, %mul3A_4 : vector<16xi32>
        %add3A_1271 = arith.constant 0 : i32
        %add3A_1272 = vector.broadcast %add3A_1271 : i32 to vector<16xi32>
        %add3A_1273 = arith.addi %add3A_1270, %add3A_1272 : vector<16xi32>
        %gather3A_1274 = tpu.vector_load_idx %arg6[%add3A_1273] : memref<20480xf32, #tpu.memory_space<vmem>>[vector<16xi32>], vector<16xf32>,
        %ge3A_1275 = arith.constant 5.000000e-02 : f32
        %ge3A_1276 = vector.broadcast %ge3A_1275 : f32 to vector<16xf32>
        %ge3A_1277 = arith.cmpf oge, %gather3A_1274, %ge3A_1276 : vector<16xf32>
        %jit3A_1278 = arith.constant 0xFF800000 : f32
        %broadcast_in_dim3A_1279 = vector.broadcast %jit3A_1278 : f32 to vector<16xf32>
        %select_n3A_1280 = arith.select %ge3A_1277, %gather3A_1274, %broadcast_in_dim3A_1279 : vector<16xi1>, vector<16xf32>
        %max3A_1281 = arith.maximumf %broadcast_in_dim3A_13, %select_n3A_1280 : vector<16xf32>
        %mul3A_1282 = arith.constant 256 : i32
        %mul3A_1283 = arith.muli %scan3A_1266, %mul3A_1282 : i32
        %add3A_1284 = vector.broadcast %mul3A_1283 : i32 to vector<16xi32>
        %add3A_1285 = arith.addi %add3A_1284, %mul3A_4 : vector<16xi32>
        %add3A_1286 = arith.constant 1 : i32
        %add3A_1287 = vector.broadcast %add3A_1286 : i32 to vector<16xi32>
        %add3A_1288 = arith.addi %add3A_1285, %add3A_1287 : vector<16xi32>
        %gather3A_1289 = tpu.vector_load_idx %arg6[%add3A_1288] : memref<20480xf32, #tpu.memory_space<vmem>>[vector<16xi32>], vector<16xf32>,
        %ge3A_1290 = arith.constant 5.000000e-02 : f32
        %ge3A_1291 = vector.broadcast %ge3A_1290 : f32 to vector<16xf32>
        %ge3A_1292 = arith.cmpf oge, %gather3A_1289, %ge3A_1291 : vector<16xf32>
        %jit3A_1293 = arith.constant 0xFF800000 : f32
        %broadcast_in_dim3A_1294 = vector.broadcast %jit3A_1293 : f32 to vector<16xf32>
        %select_n3A_1295 = arith.select %ge3A_1292, %gather3A_1289, %broadcast_in_dim3A_1294 : vector<16xi1>, vector<16xf32>
        %max3A_1296 = arith.maximumf %max3A_1281, %select_n3A_1295 : vector<16xf32>
        %mul3A_1297 = arith.constant 256 : i32
        %mul3A_1298 = arith.muli %scan3A_1266, %mul3A_1297 : i32
        %add3A_1299 = vector.broadcast %mul3A_1298 : i32 to vector<16xi32>
        %add3A_1300 = arith.addi %add3A_1299, %mul3A_4 : vector<16xi32>
        %add3A_1301 = arith.constant 2 : i32
        %add3A_1302 = vector.broadcast %add3A_1301 : i32 to vector<16xi32>
        %add3A_1303 = arith.addi %add3A_1300, %add3A_1302 : vector<16xi32>
        %gather3A_1304 = tpu.vector_load_idx %arg6[%add3A_1303] : memref<20480xf32, #tpu.memory_space<vmem>>[vector<16xi32>], vector<16xf32>,
        %ge3A_1305 = arith.constant 5.000000e-02 : f32
        %ge3A_1306 = vector.broadcast %ge3A_1305 : f32 to vector<16xf32>
        %ge3A_1307 = arith.cmpf oge, %gather3A_1304, %ge3A_1306 : vector<16xf32>
        %jit3A_1308 = arith.constant 0xFF800000 : f32
        %broadcast_in_dim3A_1309 = vector.broadcast %jit3A_1308 : f32 to vector<16xf32>
        %select_n3A_1310 = arith.select %ge3A_1307, %gather3A_1304, %broadcast_in_dim3A_1309 : vector<16xi1>, vector<16xf32>
        %max3A_1311 = arith.maximumf %max3A_1296, %select_n3A_1310 : vector<16xf32>
        %mul3A_1312 = arith.constant 256 : i32
        %mul3A_1313 = arith.muli %scan3A_1266, %mul3A_1312 : i32
        %add3A_1314 = vector.broadcast %mul3A_1313 : i32 to vector<16xi32>
        %add3A_1315 = arith.addi %add3A_1314, %mul3A_4 : vector<16xi32>
        %add3A_1316 = arith.constant 3 : i32
        %add3A_1317 = vector.broadcast %add3A_1316 : i32 to vector<16xi32>
        %add3A_1318 = arith.addi %add3A_1315, %add3A_1317 : vector<16xi32>
        %gather3A_1319 = tpu.vector_load_idx %arg6[%add3A_1318] : memref<20480xf32, #tpu.memory_space<vmem>>[vector<16xi32>], vector<16xf32>,
        %ge3A_1320 = arith.constant 5.000000e-02 : f32
        %ge3A_1321 = vector.broadcast %ge3A_1320 : f32 to vector<16xf32>
        %ge3A_1322 = arith.cmpf oge, %gather3A_1319, %ge3A_1321 : vector<16xf32>
        %jit3A_1323 = arith.constant 0xFF800000 : f32
        %broadcast_in_dim3A_1324 = vector.broadcast %jit3A_1323 : f32 to vector<16xf32>
        %select_n3A_1325 = arith.select %ge3A_1322, %gather3A_1319, %broadcast_in_dim3A_1324 : vector<16xi1>, vector<16xf32>
        %max3A_1326 = arith.maximumf %max3A_1311, %select_n3A_1325 : vector<16xf32>
        %mul3A_1327 = arith.constant 256 : i32
        %mul3A_1328 = arith.muli %scan3A_1266, %mul3A_1327 : i32
        %add3A_1329 = vector.broadcast %mul3A_1328 : i32 to vector<16xi32>
        %add3A_1330 = arith.addi %add3A_1329, %mul3A_4 : vector<16xi32>
        %add3A_1331 = arith.constant 4 : i32
        %add3A_1332 = vector.broadcast %add3A_1331 : i32 to vector<16xi32>
        %add3A_1333 = arith.addi %add3A_1330, %add3A_1332 : vector<16xi32>
        %gather3A_1334 = tpu.vector_load_idx %arg6[%add3A_1333] : memref<20480xf32, #tpu.memory_space<vmem>>[vector<16xi32>], vector<16xf32>,
        %ge3A_1335 = arith.constant 5.000000e-02 : f32
        %ge3A_1336 = vector.broadcast %ge3A_1335 : f32 to vector<16xf32>
        %ge3A_1337 = arith.cmpf oge, %gather3A_1334, %ge3A_1336 : vector<16xf32>
        %jit3A_1338 = arith.constant 0xFF800000 : f32
        %broadcast_in_dim3A_1339 = vector.broadcast %jit3A_1338 : f32 to vector<16xf32>
        %select_n3A_1340 = arith.select %ge3A_1337, %gather3A_1334, %broadcast_in_dim3A_1339 : vector<16xi1>, vector<16xf32>
        %max3A_1341 = arith.maximumf %max3A_1326, %select_n3A_1340 : vector<16xf32>
        %mul3A_1342 = arith.constant 256 : i32
        %mul3A_1343 = arith.muli %scan3A_1266, %mul3A_1342 : i32
        %add3A_1344 = vector.broadcast %mul3A_1343 : i32 to vector<16xi32>
        %add3A_1345 = arith.addi %add3A_1344, %mul3A_4 : vector<16xi32>
        %add3A_1346 = arith.constant 5 : i32
        %add3A_1347 = vector.broadcast %add3A_1346 : i32 to vector<16xi32>
        %add3A_1348 = arith.addi %add3A_1345, %add3A_1347 : vector<16xi32>
        %gather3A_1349 = tpu.vector_load_idx %arg6[%add3A_1348] : memref<20480xf32, #tpu.memory_space<vmem>>[vector<16xi32>], vector<16xf32>,
        %ge3A_1350 = arith.constant 5.000000e-02 : f32
        %ge3A_1351 = vector.broadcast %ge3A_1350 : f32 to vector<16xf32>
        %ge3A_1352 = arith.cmpf oge, %gather3A_1349, %ge3A_1351 : vector<16xf32>
        %jit3A_1353 = arith.constant 0xFF800000 : f32
        %broadcast_in_dim3A_1354 = vector.broadcast %jit3A_1353 : f32 to vector<16xf32>
        %select_n3A_1355 = arith.select %ge3A_1352, %gather3A_1349, %broadcast_in_dim3A_1354 : vector<16xi1>, vector<16xf32>
        %max3A_1356 = arith.maximumf %max3A_1341, %select_n3A_1355 : vector<16xf32>
        %mul3A_1357 = arith.constant 256 : i32
        %mul3A_1358 = arith.muli %scan3A_1266, %mul3A_1357 : i32
        %add3A_1359 = vector.broadcast %mul3A_1358 : i32 to vector<16xi32>
        %add3A_1360 = arith.addi %add3A_1359, %mul3A_4 : vector<16xi32>
        %add3A_1361 = arith.constant 6 : i32
        %add3A_1362 = vector.broadcast %add3A_1361 : i32 to vector<16xi32>
        %add3A_1363 = arith.addi %add3A_1360, %add3A_1362 : vector<16xi32>
        %gather3A_1364 = tpu.vector_load_idx %arg6[%add3A_1363] : memref<20480xf32, #tpu.memory_space<vmem>>[vector<16xi32>], vector<16xf32>,
        %ge3A_1365 = arith.constant 5.000000e-02 : f32
        %ge3A_1366 = vector.broadcast %ge3A_1365 : f32 to vector<16xf32>
        %ge3A_1367 = arith.cmpf oge, %gather3A_1364, %ge3A_1366 : vector<16xf32>
        %jit3A_1368 = arith.constant 0xFF800000 : f32
        %broadcast_in_dim3A_1369 = vector.broadcast %jit3A_1368 : f32 to vector<16xf32>
        %select_n3A_1370 = arith.select %ge3A_1367, %gather3A_1364, %broadcast_in_dim3A_1369 : vector<16xi1>, vector<16xf32>
        %max3A_1371 = arith.maximumf %max3A_1356, %select_n3A_1370 : vector<16xf32>
        %mul3A_1372 = arith.constant 256 : i32
        %mul3A_1373 = arith.muli %scan3A_1266, %mul3A_1372 : i32
        %add3A_1374 = vector.broadcast %mul3A_1373 : i32 to vector<16xi32>
        %add3A_1375 = arith.addi %add3A_1374, %mul3A_4 : vector<16xi32>
        %add3A_1376 = arith.constant 7 : i32
        %add3A_1377 = vector.broadcast %add3A_1376 : i32 to vector<16xi32>
        %add3A_1378 = arith.addi %add3A_1375, %add3A_1377 : vector<16xi32>
        %gather3A_1379 = tpu.vector_load_idx %arg6[%add3A_1378] : memref<20480xf32, #tpu.memory_space<vmem>>[vector<16xi32>], vector<16xf32>,
        %ge3A_1380 = arith.constant 5.000000e-02 : f32
        %ge3A_1381 = vector.broadcast %ge3A_1380 : f32 to vector<16xf32>
        %ge3A_1382 = arith.cmpf oge, %gather3A_1379, %ge3A_1381 : vector<16xf32>
        %jit3A_1383 = arith.constant 0xFF800000 : f32
        %broadcast_in_dim3A_1384 = vector.broadcast %jit3A_1383 : f32 to vector<16xf32>
        %select_n3A_1385 = arith.select %ge3A_1382, %gather3A_1379, %broadcast_in_dim3A_1384 : vector<16xi1>, vector<16xf32>
        %max3A_1386 = arith.maximumf %max3A_1371, %select_n3A_1385 : vector<16xf32>
        %mul3A_1387 = arith.constant 256 : i32
        %mul3A_1388 = arith.muli %scan3A_1266, %mul3A_1387 : i32
        %add3A_1389 = vector.broadcast %mul3A_1388 : i32 to vector<16xi32>
        %add3A_1390 = arith.addi %add3A_1389, %mul3A_4 : vector<16xi32>
        %add3A_1391 = arith.constant 8 : i32
        %add3A_1392 = vector.broadcast %add3A_1391 : i32 to vector<16xi32>
        %add3A_1393 = arith.addi %add3A_1390, %add3A_1392 : vector<16xi32>
        %gather3A_1394 = tpu.vector_load_idx %arg6[%add3A_1393] : memref<20480xf32, #tpu.memory_space<vmem>>[vector<16xi32>], vector<16xf32>,
        %ge3A_1395 = arith.constant 5.000000e-02 : f32
        %ge3A_1396 = vector.broadcast %ge3A_1395 : f32 to vector<16xf32>
        %ge3A_1397 = arith.cmpf oge, %gather3A_1394, %ge3A_1396 : vector<16xf32>
        %jit3A_1398 = arith.constant 0xFF800000 : f32
        %broadcast_in_dim3A_1399 = vector.broadcast %jit3A_1398 : f32 to vector<16xf32>
        %select_n3A_1400 = arith.select %ge3A_1397, %gather3A_1394, %broadcast_in_dim3A_1399 : vector<16xi1>, vector<16xf32>
        %max3A_1401 = arith.maximumf %max3A_1386, %select_n3A_1400 : vector<16xf32>
        %mul3A_1402 = arith.constant 256 : i32
        %mul3A_1403 = arith.muli %scan3A_1266, %mul3A_1402 : i32
        %add3A_1404 = vector.broadcast %mul3A_1403 : i32 to vector<16xi32>
        %add3A_1405 = arith.addi %add3A_1404, %mul3A_4 : vector<16xi32>
        %add3A_1406 = arith.constant 9 : i32
        %add3A_1407 = vector.broadcast %add3A_1406 : i32 to vector<16xi32>
        %add3A_1408 = arith.addi %add3A_1405, %add3A_1407 : vector<16xi32>
        %gather3A_1409 = tpu.vector_load_idx %arg6[%add3A_1408] : memref<20480xf32, #tpu.memory_space<vmem>>[vector<16xi32>], vector<16xf32>,
        %ge3A_1410 = arith.constant 5.000000e-02 : f32
        %ge3A_1411 = vector.broadcast %ge3A_1410 : f32 to vector<16xf32>
        %ge3A_1412 = arith.cmpf oge, %gather3A_1409, %ge3A_1411 : vector<16xf32>
        %jit3A_1413 = arith.constant 0xFF800000 : f32
        %broadcast_in_dim3A_1414 = vector.broadcast %jit3A_1413 : f32 to vector<16xf32>
        %select_n3A_1415 = arith.select %ge3A_1412, %gather3A_1409, %broadcast_in_dim3A_1414 : vector<16xi1>, vector<16xf32>
        %max3A_1416 = arith.maximumf %max3A_1401, %select_n3A_1415 : vector<16xf32>
        %mul3A_1417 = arith.constant 256 : i32
        %mul3A_1418 = arith.muli %scan3A_1266, %mul3A_1417 : i32
        %add3A_1419 = vector.broadcast %mul3A_1418 : i32 to vector<16xi32>
        %add3A_1420 = arith.addi %add3A_1419, %mul3A_4 : vector<16xi32>
        %add3A_1421 = arith.constant 10 : i32
        %add3A_1422 = vector.broadcast %add3A_1421 : i32 to vector<16xi32>
        %add3A_1423 = arith.addi %add3A_1420, %add3A_1422 : vector<16xi32>
        %gather3A_1424 = tpu.vector_load_idx %arg6[%add3A_1423] : memref<20480xf32, #tpu.memory_space<vmem>>[vector<16xi32>], vector<16xf32>,
        %ge3A_1425 = arith.constant 5.000000e-02 : f32
        %ge3A_1426 = vector.broadcast %ge3A_1425 : f32 to vector<16xf32>
        %ge3A_1427 = arith.cmpf oge, %gather3A_1424, %ge3A_1426 : vector<16xf32>
        %jit3A_1428 = arith.constant 0xFF800000 : f32
        %broadcast_in_dim3A_1429 = vector.broadcast %jit3A_1428 : f32 to vector<16xf32>
        %select_n3A_1430 = arith.select %ge3A_1427, %gather3A_1424, %broadcast_in_dim3A_1429 : vector<16xi1>, vector<16xf32>
        %max3A_1431 = arith.maximumf %max3A_1416, %select_n3A_1430 : vector<16xf32>
        %mul3A_1432 = arith.constant 256 : i32
        %mul3A_1433 = arith.muli %scan3A_1266, %mul3A_1432 : i32
        %add3A_1434 = vector.broadcast %mul3A_1433 : i32 to vector<16xi32>
        %add3A_1435 = arith.addi %add3A_1434, %mul3A_4 : vector<16xi32>
        %add3A_1436 = arith.constant 11 : i32
        %add3A_1437 = vector.broadcast %add3A_1436 : i32 to vector<16xi32>
        %add3A_1438 = arith.addi %add3A_1435, %add3A_1437 : vector<16xi32>
        %gather3A_1439 = tpu.vector_load_idx %arg6[%add3A_1438] : memref<20480xf32, #tpu.memory_space<vmem>>[vector<16xi32>], vector<16xf32>,
        %ge3A_1440 = arith.constant 5.000000e-02 : f32
        %ge3A_1441 = vector.broadcast %ge3A_1440 : f32 to vector<16xf32>
        %ge3A_1442 = arith.cmpf oge, %gather3A_1439, %ge3A_1441 : vector<16xf32>
        %jit3A_1443 = arith.constant 0xFF800000 : f32
        %broadcast_in_dim3A_1444 = vector.broadcast %jit3A_1443 : f32 to vector<16xf32>
        %select_n3A_1445 = arith.select %ge3A_1442, %gather3A_1439, %broadcast_in_dim3A_1444 : vector<16xi1>, vector<16xf32>
        %max3A_1446 = arith.maximumf %max3A_1431, %select_n3A_1445 : vector<16xf32>
        %mul3A_1447 = arith.constant 256 : i32
        %mul3A_1448 = arith.muli %scan3A_1266, %mul3A_1447 : i32
        %add3A_1449 = vector.broadcast %mul3A_1448 : i32 to vector<16xi32>
        %add3A_1450 = arith.addi %add3A_1449, %mul3A_4 : vector<16xi32>
        %add3A_1451 = arith.constant 12 : i32
        %add3A_1452 = vector.broadcast %add3A_1451 : i32 to vector<16xi32>
        %add3A_1453 = arith.addi %add3A_1450, %add3A_1452 : vector<16xi32>
        %gather3A_1454 = tpu.vector_load_idx %arg6[%add3A_1453] : memref<20480xf32, #tpu.memory_space<vmem>>[vector<16xi32>], vector<16xf32>,
        %ge3A_1455 = arith.constant 5.000000e-02 : f32
        %ge3A_1456 = vector.broadcast %ge3A_1455 : f32 to vector<16xf32>
        %ge3A_1457 = arith.cmpf oge, %gather3A_1454, %ge3A_1456 : vector<16xf32>
        %jit3A_1458 = arith.constant 0xFF800000 : f32
        %broadcast_in_dim3A_1459 = vector.broadcast %jit3A_1458 : f32 to vector<16xf32>
        %select_n3A_1460 = arith.select %ge3A_1457, %gather3A_1454, %broadcast_in_dim3A_1459 : vector<16xi1>, vector<16xf32>
        %max3A_1461 = arith.maximumf %max3A_1446, %select_n3A_1460 : vector<16xf32>
        %mul3A_1462 = arith.constant 256 : i32
        %mul3A_1463 = arith.muli %scan3A_1266, %mul3A_1462 : i32
        %add3A_1464 = vector.broadcast %mul3A_1463 : i32 to vector<16xi32>
        %add3A_1465 = arith.addi %add3A_1464, %mul3A_4 : vector<16xi32>
        %add3A_1466 = arith.constant 13 : i32
        %add3A_1467 = vector.broadcast %add3A_1466 : i32 to vector<16xi32>
        %add3A_1468 = arith.addi %add3A_1465, %add3A_1467 : vector<16xi32>
        %gather3A_1469 = tpu.vector_load_idx %arg6[%add3A_1468] : memref<20480xf32, #tpu.memory_space<vmem>>[vector<16xi32>], vector<16xf32>,
        %ge3A_1470 = arith.constant 5.000000e-02 : f32
        %ge3A_1471 = vector.broadcast %ge3A_1470 : f32 to vector<16xf32>
        %ge3A_1472 = arith.cmpf oge, %gather3A_1469, %ge3A_1471 : vector<16xf32>
        %jit3A_1473 = arith.constant 0xFF800000 : f32
        %broadcast_in_dim3A_1474 = vector.broadcast %jit3A_1473 : f32 to vector<16xf32>
        %select_n3A_1475 = arith.select %ge3A_1472, %gather3A_1469, %broadcast_in_dim3A_1474 : vector<16xi1>, vector<16xf32>
        %max3A_1476 = arith.maximumf %max3A_1461, %select_n3A_1475 : vector<16xf32>
        %mul3A_1477 = arith.constant 256 : i32
        %mul3A_1478 = arith.muli %scan3A_1266, %mul3A_1477 : i32
        %add3A_1479 = vector.broadcast %mul3A_1478 : i32 to vector<16xi32>
        %add3A_1480 = arith.addi %add3A_1479, %mul3A_4 : vector<16xi32>
        %add3A_1481 = arith.constant 14 : i32
        %add3A_1482 = vector.broadcast %add3A_1481 : i32 to vector<16xi32>
        %add3A_1483 = arith.addi %add3A_1480, %add3A_1482 : vector<16xi32>
        %gather3A_1484 = tpu.vector_load_idx %arg6[%add3A_1483] : memref<20480xf32, #tpu.memory_space<vmem>>[vector<16xi32>], vector<16xf32>,
        %ge3A_1485 = arith.constant 5.000000e-02 : f32
        %ge3A_1486 = vector.broadcast %ge3A_1485 : f32 to vector<16xf32>
        %ge3A_1487 = arith.cmpf oge, %gather3A_1484, %ge3A_1486 : vector<16xf32>
        %jit3A_1488 = arith.constant 0xFF800000 : f32
        %broadcast_in_dim3A_1489 = vector.broadcast %jit3A_1488 : f32 to vector<16xf32>
        %select_n3A_1490 = arith.select %ge3A_1487, %gather3A_1484, %broadcast_in_dim3A_1489 : vector<16xi1>, vector<16xf32>
        %max3A_1491 = arith.maximumf %max3A_1476, %select_n3A_1490 : vector<16xf32>
        %mul3A_1492 = arith.constant 256 : i32
        %mul3A_1493 = arith.muli %scan3A_1266, %mul3A_1492 : i32
        %add3A_1494 = vector.broadcast %mul3A_1493 : i32 to vector<16xi32>
        %add3A_1495 = arith.addi %add3A_1494, %mul3A_4 : vector<16xi32>
        %add3A_1496 = arith.constant 15 : i32
        %add3A_1497 = vector.broadcast %add3A_1496 : i32 to vector<16xi32>
        %add3A_1498 = arith.addi %add3A_1495, %add3A_1497 : vector<16xi32>
        %gather3A_1499 = tpu.vector_load_idx %arg6[%add3A_1498] : memref<20480xf32, #tpu.memory_space<vmem>>[vector<16xi32>], vector<16xf32>,
        %ge3A_1500 = arith.constant 5.000000e-02 : f32
        %ge3A_1501 = vector.broadcast %ge3A_1500 : f32 to vector<16xf32>
        %ge3A_1502 = arith.cmpf oge, %gather3A_1499, %ge3A_1501 : vector<16xf32>
        %jit3A_1503 = arith.constant 0xFF800000 : f32
        %broadcast_in_dim3A_1504 = vector.broadcast %jit3A_1503 : f32 to vector<16xf32>
        %select_n3A_1505 = arith.select %ge3A_1502, %gather3A_1499, %broadcast_in_dim3A_1504 : vector<16xi1>, vector<16xf32>
        %max3A_1506 = arith.maximumf %max3A_1491, %select_n3A_1505 : vector<16xf32>
        %mul3A_1507 = arith.constant 16 : i32
        %mul3A_1508 = arith.muli %scan3A_1266, %mul3A_1507 : i32
        %swap3A_1509 = arith.index_cast %mul3A_1508 : i32 to index
        %swap3A_1510 = tpu.vector_load %arg7[%swap3A_1509] {strides = array<i32>} : memref<1280xf32, #tpu.memory_space<vmem>>, vector<16xf32>,
        tpu.vector_store %arg7[%swap3A_1509], %max3A_1506 {strides = array<i32>} : memref<1280xf32, #tpu.memory_space<vmem>>, vector<16xf32>,
        %scan3A_1511 = arith.constant 0 : i32
        %scan3A_1512 = arith.constant 3 : i32
        %scan3A_1513 = arith.addi %scan3A_774, %scan3A_1512 : i32
        %mul3A_1514 = arith.constant 256 : i32
        %mul3A_1515 = arith.muli %scan3A_1513, %mul3A_1514 : i32
        %add3A_1516 = vector.broadcast %mul3A_1515 : i32 to vector<16xi32>
        %add3A_1517 = arith.addi %add3A_1516, %mul3A_4 : vector<16xi32>
        %add3A_1518 = arith.constant 0 : i32
        %add3A_1519 = vector.broadcast %add3A_1518 : i32 to vector<16xi32>
        %add3A_1520 = arith.addi %add3A_1517, %add3A_1519 : vector<16xi32>
        %gather3A_1521 = tpu.vector_load_idx %arg6[%add3A_1520] : memref<20480xf32, #tpu.memory_space<vmem>>[vector<16xi32>], vector<16xf32>,
        %ge3A_1522 = arith.constant 5.000000e-02 : f32
        %ge3A_1523 = vector.broadcast %ge3A_1522 : f32 to vector<16xf32>
        %ge3A_1524 = arith.cmpf oge, %gather3A_1521, %ge3A_1523 : vector<16xf32>
        %jit3A_1525 = arith.constant 0xFF800000 : f32
        %broadcast_in_dim3A_1526 = vector.broadcast %jit3A_1525 : f32 to vector<16xf32>
        %select_n3A_1527 = arith.select %ge3A_1524, %gather3A_1521, %broadcast_in_dim3A_1526 : vector<16xi1>, vector<16xf32>
        %max3A_1528 = arith.maximumf %broadcast_in_dim3A_13, %select_n3A_1527 : vector<16xf32>
        %mul3A_1529 = arith.constant 256 : i32
        %mul3A_1530 = arith.muli %scan3A_1513, %mul3A_1529 : i32
        %add3A_1531 = vector.broadcast %mul3A_1530 : i32 to vector<16xi32>
        %add3A_1532 = arith.addi %add3A_1531, %mul3A_4 : vector<16xi32>
        %add3A_1533 = arith.constant 1 : i32
        %add3A_1534 = vector.broadcast %add3A_1533 : i32 to vector<16xi32>
        %add3A_1535 = arith.addi %add3A_1532, %add3A_1534 : vector<16xi32>
        %gather3A_1536 = tpu.vector_load_idx %arg6[%add3A_1535] : memref<20480xf32, #tpu.memory_space<vmem>>[vector<16xi32>], vector<16xf32>,
        %ge3A_1537 = arith.constant 5.000000e-02 : f32
        %ge3A_1538 = vector.broadcast %ge3A_1537 : f32 to vector<16xf32>
        %ge3A_1539 = arith.cmpf oge, %gather3A_1536, %ge3A_1538 : vector<16xf32>
        %jit3A_1540 = arith.constant 0xFF800000 : f32
        %broadcast_in_dim3A_1541 = vector.broadcast %jit3A_1540 : f32 to vector<16xf32>
        %select_n3A_1542 = arith.select %ge3A_1539, %gather3A_1536, %broadcast_in_dim3A_1541 : vector<16xi1>, vector<16xf32>
        %max3A_1543 = arith.maximumf %max3A_1528, %select_n3A_1542 : vector<16xf32>
        %mul3A_1544 = arith.constant 256 : i32
        %mul3A_1545 = arith.muli %scan3A_1513, %mul3A_1544 : i32
        %add3A_1546 = vector.broadcast %mul3A_1545 : i32 to vector<16xi32>
        %add3A_1547 = arith.addi %add3A_1546, %mul3A_4 : vector<16xi32>
        %add3A_1548 = arith.constant 2 : i32
        %add3A_1549 = vector.broadcast %add3A_1548 : i32 to vector<16xi32>
        %add3A_1550 = arith.addi %add3A_1547, %add3A_1549 : vector<16xi32>
        %gather3A_1551 = tpu.vector_load_idx %arg6[%add3A_1550] : memref<20480xf32, #tpu.memory_space<vmem>>[vector<16xi32>], vector<16xf32>,
        %ge3A_1552 = arith.constant 5.000000e-02 : f32
        %ge3A_1553 = vector.broadcast %ge3A_1552 : f32 to vector<16xf32>
        %ge3A_1554 = arith.cmpf oge, %gather3A_1551, %ge3A_1553 : vector<16xf32>
        %jit3A_1555 = arith.constant 0xFF800000 : f32
        %broadcast_in_dim3A_1556 = vector.broadcast %jit3A_1555 : f32 to vector<16xf32>
        %select_n3A_1557 = arith.select %ge3A_1554, %gather3A_1551, %broadcast_in_dim3A_1556 : vector<16xi1>, vector<16xf32>
        %max3A_1558 = arith.maximumf %max3A_1543, %select_n3A_1557 : vector<16xf32>
        %mul3A_1559 = arith.constant 256 : i32
        %mul3A_1560 = arith.muli %scan3A_1513, %mul3A_1559 : i32
        %add3A_1561 = vector.broadcast %mul3A_1560 : i32 to vector<16xi32>
        %add3A_1562 = arith.addi %add3A_1561, %mul3A_4 : vector<16xi32>
        %add3A_1563 = arith.constant 3 : i32
        %add3A_1564 = vector.broadcast %add3A_1563 : i32 to vector<16xi32>
        %add3A_1565 = arith.addi %add3A_1562, %add3A_1564 : vector<16xi32>
        %gather3A_1566 = tpu.vector_load_idx %arg6[%add3A_1565] : memref<20480xf32, #tpu.memory_space<vmem>>[vector<16xi32>], vector<16xf32>,
        %ge3A_1567 = arith.constant 5.000000e-02 : f32
        %ge3A_1568 = vector.broadcast %ge3A_1567 : f32 to vector<16xf32>
        %ge3A_1569 = arith.cmpf oge, %gather3A_1566, %ge3A_1568 : vector<16xf32>
        %jit3A_1570 = arith.constant 0xFF800000 : f32
        %broadcast_in_dim3A_1571 = vector.broadcast %jit3A_1570 : f32 to vector<16xf32>
        %select_n3A_1572 = arith.select %ge3A_1569, %gather3A_1566, %broadcast_in_dim3A_1571 : vector<16xi1>, vector<16xf32>
        %max3A_1573 = arith.maximumf %max3A_1558, %select_n3A_1572 : vector<16xf32>
        %mul3A_1574 = arith.constant 256 : i32
        %mul3A_1575 = arith.muli %scan3A_1513, %mul3A_1574 : i32
        %add3A_1576 = vector.broadcast %mul3A_1575 : i32 to vector<16xi32>
        %add3A_1577 = arith.addi %add3A_1576, %mul3A_4 : vector<16xi32>
        %add3A_1578 = arith.constant 4 : i32
        %add3A_1579 = vector.broadcast %add3A_1578 : i32 to vector<16xi32>
        %add3A_1580 = arith.addi %add3A_1577, %add3A_1579 : vector<16xi32>
        %gather3A_1581 = tpu.vector_load_idx %arg6[%add3A_1580] : memref<20480xf32, #tpu.memory_space<vmem>>[vector<16xi32>], vector<16xf32>,
        %ge3A_1582 = arith.constant 5.000000e-02 : f32
        %ge3A_1583 = vector.broadcast %ge3A_1582 : f32 to vector<16xf32>
        %ge3A_1584 = arith.cmpf oge, %gather3A_1581, %ge3A_1583 : vector<16xf32>
        %jit3A_1585 = arith.constant 0xFF800000 : f32
        %broadcast_in_dim3A_1586 = vector.broadcast %jit3A_1585 : f32 to vector<16xf32>
        %select_n3A_1587 = arith.select %ge3A_1584, %gather3A_1581, %broadcast_in_dim3A_1586 : vector<16xi1>, vector<16xf32>
        %max3A_1588 = arith.maximumf %max3A_1573, %select_n3A_1587 : vector<16xf32>
        %mul3A_1589 = arith.constant 256 : i32
        %mul3A_1590 = arith.muli %scan3A_1513, %mul3A_1589 : i32
        %add3A_1591 = vector.broadcast %mul3A_1590 : i32 to vector<16xi32>
        %add3A_1592 = arith.addi %add3A_1591, %mul3A_4 : vector<16xi32>
        %add3A_1593 = arith.constant 5 : i32
        %add3A_1594 = vector.broadcast %add3A_1593 : i32 to vector<16xi32>
        %add3A_1595 = arith.addi %add3A_1592, %add3A_1594 : vector<16xi32>
        %gather3A_1596 = tpu.vector_load_idx %arg6[%add3A_1595] : memref<20480xf32, #tpu.memory_space<vmem>>[vector<16xi32>], vector<16xf32>,
        %ge3A_1597 = arith.constant 5.000000e-02 : f32
        %ge3A_1598 = vector.broadcast %ge3A_1597 : f32 to vector<16xf32>
        %ge3A_1599 = arith.cmpf oge, %gather3A_1596, %ge3A_1598 : vector<16xf32>
        %jit3A_1600 = arith.constant 0xFF800000 : f32
        %broadcast_in_dim3A_1601 = vector.broadcast %jit3A_1600 : f32 to vector<16xf32>
        %select_n3A_1602 = arith.select %ge3A_1599, %gather3A_1596, %broadcast_in_dim3A_1601 : vector<16xi1>, vector<16xf32>
        %max3A_1603 = arith.maximumf %max3A_1588, %select_n3A_1602 : vector<16xf32>
        %mul3A_1604 = arith.constant 256 : i32
        %mul3A_1605 = arith.muli %scan3A_1513, %mul3A_1604 : i32
        %add3A_1606 = vector.broadcast %mul3A_1605 : i32 to vector<16xi32>
        %add3A_1607 = arith.addi %add3A_1606, %mul3A_4 : vector<16xi32>
        %add3A_1608 = arith.constant 6 : i32
        %add3A_1609 = vector.broadcast %add3A_1608 : i32 to vector<16xi32>
        %add3A_1610 = arith.addi %add3A_1607, %add3A_1609 : vector<16xi32>
        %gather3A_1611 = tpu.vector_load_idx %arg6[%add3A_1610] : memref<20480xf32, #tpu.memory_space<vmem>>[vector<16xi32>], vector<16xf32>,
        %ge3A_1612 = arith.constant 5.000000e-02 : f32
        %ge3A_1613 = vector.broadcast %ge3A_1612 : f32 to vector<16xf32>
        %ge3A_1614 = arith.cmpf oge, %gather3A_1611, %ge3A_1613 : vector<16xf32>
        %jit3A_1615 = arith.constant 0xFF800000 : f32
        %broadcast_in_dim3A_1616 = vector.broadcast %jit3A_1615 : f32 to vector<16xf32>
        %select_n3A_1617 = arith.select %ge3A_1614, %gather3A_1611, %broadcast_in_dim3A_1616 : vector<16xi1>, vector<16xf32>
        %max3A_1618 = arith.maximumf %max3A_1603, %select_n3A_1617 : vector<16xf32>
        %mul3A_1619 = arith.constant 256 : i32
        %mul3A_1620 = arith.muli %scan3A_1513, %mul3A_1619 : i32
        %add3A_1621 = vector.broadcast %mul3A_1620 : i32 to vector<16xi32>
        %add3A_1622 = arith.addi %add3A_1621, %mul3A_4 : vector<16xi32>
        %add3A_1623 = arith.constant 7 : i32
        %add3A_1624 = vector.broadcast %add3A_1623 : i32 to vector<16xi32>
        %add3A_1625 = arith.addi %add3A_1622, %add3A_1624 : vector<16xi32>
        %gather3A_1626 = tpu.vector_load_idx %arg6[%add3A_1625] : memref<20480xf32, #tpu.memory_space<vmem>>[vector<16xi32>], vector<16xf32>,
        %ge3A_1627 = arith.constant 5.000000e-02 : f32
        %ge3A_1628 = vector.broadcast %ge3A_1627 : f32 to vector<16xf32>
        %ge3A_1629 = arith.cmpf oge, %gather3A_1626, %ge3A_1628 : vector<16xf32>
        %jit3A_1630 = arith.constant 0xFF800000 : f32
        %broadcast_in_dim3A_1631 = vector.broadcast %jit3A_1630 : f32 to vector<16xf32>
        %select_n3A_1632 = arith.select %ge3A_1629, %gather3A_1626, %broadcast_in_dim3A_1631 : vector<16xi1>, vector<16xf32>
        %max3A_1633 = arith.maximumf %max3A_1618, %select_n3A_1632 : vector<16xf32>
        %mul3A_1634 = arith.constant 256 : i32
        %mul3A_1635 = arith.muli %scan3A_1513, %mul3A_1634 : i32
        %add3A_1636 = vector.broadcast %mul3A_1635 : i32 to vector<16xi32>
        %add3A_1637 = arith.addi %add3A_1636, %mul3A_4 : vector<16xi32>
        %add3A_1638 = arith.constant 8 : i32
        %add3A_1639 = vector.broadcast %add3A_1638 : i32 to vector<16xi32>
        %add3A_1640 = arith.addi %add3A_1637, %add3A_1639 : vector<16xi32>
        %gather3A_1641 = tpu.vector_load_idx %arg6[%add3A_1640] : memref<20480xf32, #tpu.memory_space<vmem>>[vector<16xi32>], vector<16xf32>,
        %ge3A_1642 = arith.constant 5.000000e-02 : f32
        %ge3A_1643 = vector.broadcast %ge3A_1642 : f32 to vector<16xf32>
        %ge3A_1644 = arith.cmpf oge, %gather3A_1641, %ge3A_1643 : vector<16xf32>
        %jit3A_1645 = arith.constant 0xFF800000 : f32
        %broadcast_in_dim3A_1646 = vector.broadcast %jit3A_1645 : f32 to vector<16xf32>
        %select_n3A_1647 = arith.select %ge3A_1644, %gather3A_1641, %broadcast_in_dim3A_1646 : vector<16xi1>, vector<16xf32>
        %max3A_1648 = arith.maximumf %max3A_1633, %select_n3A_1647 : vector<16xf32>
        %mul3A_1649 = arith.constant 256 : i32
        %mul3A_1650 = arith.muli %scan3A_1513, %mul3A_1649 : i32
        %add3A_1651 = vector.broadcast %mul3A_1650 : i32 to vector<16xi32>
        %add3A_1652 = arith.addi %add3A_1651, %mul3A_4 : vector<16xi32>
        %add3A_1653 = arith.constant 9 : i32
        %add3A_1654 = vector.broadcast %add3A_1653 : i32 to vector<16xi32>
        %add3A_1655 = arith.addi %add3A_1652, %add3A_1654 : vector<16xi32>
        %gather3A_1656 = tpu.vector_load_idx %arg6[%add3A_1655] : memref<20480xf32, #tpu.memory_space<vmem>>[vector<16xi32>], vector<16xf32>,
        %ge3A_1657 = arith.constant 5.000000e-02 : f32
        %ge3A_1658 = vector.broadcast %ge3A_1657 : f32 to vector<16xf32>
        %ge3A_1659 = arith.cmpf oge, %gather3A_1656, %ge3A_1658 : vector<16xf32>
        %jit3A_1660 = arith.constant 0xFF800000 : f32
        %broadcast_in_dim3A_1661 = vector.broadcast %jit3A_1660 : f32 to vector<16xf32>
        %select_n3A_1662 = arith.select %ge3A_1659, %gather3A_1656, %broadcast_in_dim3A_1661 : vector<16xi1>, vector<16xf32>
        %max3A_1663 = arith.maximumf %max3A_1648, %select_n3A_1662 : vector<16xf32>
        %mul3A_1664 = arith.constant 256 : i32
        %mul3A_1665 = arith.muli %scan3A_1513, %mul3A_1664 : i32
        %add3A_1666 = vector.broadcast %mul3A_1665 : i32 to vector<16xi32>
        %add3A_1667 = arith.addi %add3A_1666, %mul3A_4 : vector<16xi32>
        %add3A_1668 = arith.constant 10 : i32
        %add3A_1669 = vector.broadcast %add3A_1668 : i32 to vector<16xi32>
        %add3A_1670 = arith.addi %add3A_1667, %add3A_1669 : vector<16xi32>
        %gather3A_1671 = tpu.vector_load_idx %arg6[%add3A_1670] : memref<20480xf32, #tpu.memory_space<vmem>>[vector<16xi32>], vector<16xf32>,
        %ge3A_1672 = arith.constant 5.000000e-02 : f32
        %ge3A_1673 = vector.broadcast %ge3A_1672 : f32 to vector<16xf32>
        %ge3A_1674 = arith.cmpf oge, %gather3A_1671, %ge3A_1673 : vector<16xf32>
        %jit3A_1675 = arith.constant 0xFF800000 : f32
        %broadcast_in_dim3A_1676 = vector.broadcast %jit3A_1675 : f32 to vector<16xf32>
        %select_n3A_1677 = arith.select %ge3A_1674, %gather3A_1671, %broadcast_in_dim3A_1676 : vector<16xi1>, vector<16xf32>
        %max3A_1678 = arith.maximumf %max3A_1663, %select_n3A_1677 : vector<16xf32>
        %mul3A_1679 = arith.constant 256 : i32
        %mul3A_1680 = arith.muli %scan3A_1513, %mul3A_1679 : i32
        %add3A_1681 = vector.broadcast %mul3A_1680 : i32 to vector<16xi32>
        %add3A_1682 = arith.addi %add3A_1681, %mul3A_4 : vector<16xi32>
        %add3A_1683 = arith.constant 11 : i32
        %add3A_1684 = vector.broadcast %add3A_1683 : i32 to vector<16xi32>
        %add3A_1685 = arith.addi %add3A_1682, %add3A_1684 : vector<16xi32>
        %gather3A_1686 = tpu.vector_load_idx %arg6[%add3A_1685] : memref<20480xf32, #tpu.memory_space<vmem>>[vector<16xi32>], vector<16xf32>,
        %ge3A_1687 = arith.constant 5.000000e-02 : f32
        %ge3A_1688 = vector.broadcast %ge3A_1687 : f32 to vector<16xf32>
        %ge3A_1689 = arith.cmpf oge, %gather3A_1686, %ge3A_1688 : vector<16xf32>
        %jit3A_1690 = arith.constant 0xFF800000 : f32
        %broadcast_in_dim3A_1691 = vector.broadcast %jit3A_1690 : f32 to vector<16xf32>
        %select_n3A_1692 = arith.select %ge3A_1689, %gather3A_1686, %broadcast_in_dim3A_1691 : vector<16xi1>, vector<16xf32>
        %max3A_1693 = arith.maximumf %max3A_1678, %select_n3A_1692 : vector<16xf32>
        %mul3A_1694 = arith.constant 256 : i32
        %mul3A_1695 = arith.muli %scan3A_1513, %mul3A_1694 : i32
        %add3A_1696 = vector.broadcast %mul3A_1695 : i32 to vector<16xi32>
        %add3A_1697 = arith.addi %add3A_1696, %mul3A_4 : vector<16xi32>
        %add3A_1698 = arith.constant 12 : i32
        %add3A_1699 = vector.broadcast %add3A_1698 : i32 to vector<16xi32>
        %add3A_1700 = arith.addi %add3A_1697, %add3A_1699 : vector<16xi32>
        %gather3A_1701 = tpu.vector_load_idx %arg6[%add3A_1700] : memref<20480xf32, #tpu.memory_space<vmem>>[vector<16xi32>], vector<16xf32>,
        %ge3A_1702 = arith.constant 5.000000e-02 : f32
        %ge3A_1703 = vector.broadcast %ge3A_1702 : f32 to vector<16xf32>
        %ge3A_1704 = arith.cmpf oge, %gather3A_1701, %ge3A_1703 : vector<16xf32>
        %jit3A_1705 = arith.constant 0xFF800000 : f32
        %broadcast_in_dim3A_1706 = vector.broadcast %jit3A_1705 : f32 to vector<16xf32>
        %select_n3A_1707 = arith.select %ge3A_1704, %gather3A_1701, %broadcast_in_dim3A_1706 : vector<16xi1>, vector<16xf32>
        %max3A_1708 = arith.maximumf %max3A_1693, %select_n3A_1707 : vector<16xf32>
        %mul3A_1709 = arith.constant 256 : i32
        %mul3A_1710 = arith.muli %scan3A_1513, %mul3A_1709 : i32
        %add3A_1711 = vector.broadcast %mul3A_1710 : i32 to vector<16xi32>
        %add3A_1712 = arith.addi %add3A_1711, %mul3A_4 : vector<16xi32>
        %add3A_1713 = arith.constant 13 : i32
        %add3A_1714 = vector.broadcast %add3A_1713 : i32 to vector<16xi32>
        %add3A_1715 = arith.addi %add3A_1712, %add3A_1714 : vector<16xi32>
        %gather3A_1716 = tpu.vector_load_idx %arg6[%add3A_1715] : memref<20480xf32, #tpu.memory_space<vmem>>[vector<16xi32>], vector<16xf32>,
        %ge3A_1717 = arith.constant 5.000000e-02 : f32
        %ge3A_1718 = vector.broadcast %ge3A_1717 : f32 to vector<16xf32>
        %ge3A_1719 = arith.cmpf oge, %gather3A_1716, %ge3A_1718 : vector<16xf32>
        %jit3A_1720 = arith.constant 0xFF800000 : f32
        %broadcast_in_dim3A_1721 = vector.broadcast %jit3A_1720 : f32 to vector<16xf32>
        %select_n3A_1722 = arith.select %ge3A_1719, %gather3A_1716, %broadcast_in_dim3A_1721 : vector<16xi1>, vector<16xf32>
        %max3A_1723 = arith.maximumf %max3A_1708, %select_n3A_1722 : vector<16xf32>
        %mul3A_1724 = arith.constant 256 : i32
        %mul3A_1725 = arith.muli %scan3A_1513, %mul3A_1724 : i32
        %add3A_1726 = vector.broadcast %mul3A_1725 : i32 to vector<16xi32>
        %add3A_1727 = arith.addi %add3A_1726, %mul3A_4 : vector<16xi32>
        %add3A_1728 = arith.constant 14 : i32
        %add3A_1729 = vector.broadcast %add3A_1728 : i32 to vector<16xi32>
        %add3A_1730 = arith.addi %add3A_1727, %add3A_1729 : vector<16xi32>
        %gather3A_1731 = tpu.vector_load_idx %arg6[%add3A_1730] : memref<20480xf32, #tpu.memory_space<vmem>>[vector<16xi32>], vector<16xf32>,
        %ge3A_1732 = arith.constant 5.000000e-02 : f32
        %ge3A_1733 = vector.broadcast %ge3A_1732 : f32 to vector<16xf32>
        %ge3A_1734 = arith.cmpf oge, %gather3A_1731, %ge3A_1733 : vector<16xf32>
        %jit3A_1735 = arith.constant 0xFF800000 : f32
        %broadcast_in_dim3A_1736 = vector.broadcast %jit3A_1735 : f32 to vector<16xf32>
        %select_n3A_1737 = arith.select %ge3A_1734, %gather3A_1731, %broadcast_in_dim3A_1736 : vector<16xi1>, vector<16xf32>
        %max3A_1738 = arith.maximumf %max3A_1723, %select_n3A_1737 : vector<16xf32>
        %mul3A_1739 = arith.constant 256 : i32
        %mul3A_1740 = arith.muli %scan3A_1513, %mul3A_1739 : i32
        %add3A_1741 = vector.broadcast %mul3A_1740 : i32 to vector<16xi32>
        %add3A_1742 = arith.addi %add3A_1741, %mul3A_4 : vector<16xi32>
        %add3A_1743 = arith.constant 15 : i32
        %add3A_1744 = vector.broadcast %add3A_1743 : i32 to vector<16xi32>
        %add3A_1745 = arith.addi %add3A_1742, %add3A_1744 : vector<16xi32>
        %gather3A_1746 = tpu.vector_load_idx %arg6[%add3A_1745] : memref<20480xf32, #tpu.memory_space<vmem>>[vector<16xi32>], vector<16xf32>,
        %ge3A_1747 = arith.constant 5.000000e-02 : f32
        %ge3A_1748 = vector.broadcast %ge3A_1747 : f32 to vector<16xf32>
        %ge3A_1749 = arith.cmpf oge, %gather3A_1746, %ge3A_1748 : vector<16xf32>
        %jit3A_1750 = arith.constant 0xFF800000 : f32
        %broadcast_in_dim3A_1751 = vector.broadcast %jit3A_1750 : f32 to vector<16xf32>
        %select_n3A_1752 = arith.select %ge3A_1749, %gather3A_1746, %broadcast_in_dim3A_1751 : vector<16xi1>, vector<16xf32>
        %max3A_1753 = arith.maximumf %max3A_1738, %select_n3A_1752 : vector<16xf32>
        %mul3A_1754 = arith.constant 16 : i32
        %mul3A_1755 = arith.muli %scan3A_1513, %mul3A_1754 : i32
        %swap3A_1756 = arith.index_cast %mul3A_1755 : i32 to index
        %swap3A_1757 = tpu.vector_load %arg7[%swap3A_1756] {strides = array<i32>} : memref<1280xf32, #tpu.memory_space<vmem>>, vector<16xf32>,
        tpu.vector_store %arg7[%swap3A_1756], %max3A_1753 {strides = array<i32>} : memref<1280xf32, #tpu.memory_space<vmem>>, vector<16xf32>,
        %scan3A_1758 = arith.constant 0 : i32
        scf.yield %scan3A_1758 : i32
      }
      %scan3A_19 = arith.constant 80 : i32
      %add3A = arith.constant 0 : i32
      %add3A_20 = vector.broadcast %add3A : i32 to vector<16xi32>
      %add3A_21 = arith.addi %add3A_20, %mul3A_4 : vector<16xi32>
      %add3A_22 = arith.constant 0 : i32
      %add3A_23 = vector.broadcast %add3A_22 : i32 to vector<16xi32>
      %add3A_24 = arith.addi %add3A_21, %add3A_23 : vector<16xi32>
      %gather3A = tpu.vector_load_idx %arg7[%add3A_24] : memref<1280xf32, #tpu.memory_space<vmem>>[vector<16xi32>], vector<16xf32>,
      %max3A = arith.maximumf %broadcast_in_dim3A_13, %gather3A : vector<16xf32>
      %add3A_25 = arith.constant 0 : i32
      %add3A_26 = vector.broadcast %add3A_25 : i32 to vector<16xi32>
      %add3A_27 = arith.addi %add3A_26, %mul3A_4 : vector<16xi32>
      %add3A_28 = arith.constant 1 : i32
      %add3A_29 = vector.broadcast %add3A_28 : i32 to vector<16xi32>
      %add3A_30 = arith.addi %add3A_27, %add3A_29 : vector<16xi32>
      %gather3A_31 = tpu.vector_load_idx %arg7[%add3A_30] : memref<1280xf32, #tpu.memory_space<vmem>>[vector<16xi32>], vector<16xf32>,
      %max3A_32 = arith.maximumf %max3A, %gather3A_31 : vector<16xf32>
      %add3A_33 = arith.constant 0 : i32
      %add3A_34 = vector.broadcast %add3A_33 : i32 to vector<16xi32>
      %add3A_35 = arith.addi %add3A_34, %mul3A_4 : vector<16xi32>
      %add3A_36 = arith.constant 2 : i32
      %add3A_37 = vector.broadcast %add3A_36 : i32 to vector<16xi32>
      %add3A_38 = arith.addi %add3A_35, %add3A_37 : vector<16xi32>
      %gather3A_39 = tpu.vector_load_idx %arg7[%add3A_38] : memref<1280xf32, #tpu.memory_space<vmem>>[vector<16xi32>], vector<16xf32>,
      %max3A_40 = arith.maximumf %max3A_32, %gather3A_39 : vector<16xf32>
      %add3A_41 = arith.constant 0 : i32
      %add3A_42 = vector.broadcast %add3A_41 : i32 to vector<16xi32>
      %add3A_43 = arith.addi %add3A_42, %mul3A_4 : vector<16xi32>
      %add3A_44 = arith.constant 3 : i32
      %add3A_45 = vector.broadcast %add3A_44 : i32 to vector<16xi32>
      %add3A_46 = arith.addi %add3A_43, %add3A_45 : vector<16xi32>
      %gather3A_47 = tpu.vector_load_idx %arg7[%add3A_46] : memref<1280xf32, #tpu.memory_space<vmem>>[vector<16xi32>], vector<16xf32>,
      %max3A_48 = arith.maximumf %max3A_40, %gather3A_47 : vector<16xf32>
      %add3A_49 = arith.constant 0 : i32
      %add3A_50 = vector.broadcast %add3A_49 : i32 to vector<16xi32>
      %add3A_51 = arith.addi %add3A_50, %mul3A_4 : vector<16xi32>
      %add3A_52 = arith.constant 4 : i32
      %add3A_53 = vector.broadcast %add3A_52 : i32 to vector<16xi32>
      %add3A_54 = arith.addi %add3A_51, %add3A_53 : vector<16xi32>
      %gather3A_55 = tpu.vector_load_idx %arg7[%add3A_54] : memref<1280xf32, #tpu.memory_space<vmem>>[vector<16xi32>], vector<16xf32>,
      %max3A_56 = arith.maximumf %max3A_48, %gather3A_55 : vector<16xf32>
      %add3A_57 = arith.constant 0 : i32
      %add3A_58 = vector.broadcast %add3A_57 : i32 to vector<16xi32>
      %add3A_59 = arith.addi %add3A_58, %mul3A_4 : vector<16xi32>
      %add3A_60 = arith.constant 5 : i32
      %add3A_61 = vector.broadcast %add3A_60 : i32 to vector<16xi32>
      %add3A_62 = arith.addi %add3A_59, %add3A_61 : vector<16xi32>
      %gather3A_63 = tpu.vector_load_idx %arg7[%add3A_62] : memref<1280xf32, #tpu.memory_space<vmem>>[vector<16xi32>], vector<16xf32>,
      %max3A_64 = arith.maximumf %max3A_56, %gather3A_63 : vector<16xf32>
      %add3A_65 = arith.constant 0 : i32
      %add3A_66 = vector.broadcast %add3A_65 : i32 to vector<16xi32>
      %add3A_67 = arith.addi %add3A_66, %mul3A_4 : vector<16xi32>
      %add3A_68 = arith.constant 6 : i32
      %add3A_69 = vector.broadcast %add3A_68 : i32 to vector<16xi32>
      %add3A_70 = arith.addi %add3A_67, %add3A_69 : vector<16xi32>
      %gather3A_71 = tpu.vector_load_idx %arg7[%add3A_70] : memref<1280xf32, #tpu.memory_space<vmem>>[vector<16xi32>], vector<16xf32>,
      %max3A_72 = arith.maximumf %max3A_64, %gather3A_71 : vector<16xf32>
      %add3A_73 = arith.constant 0 : i32
      %add3A_74 = vector.broadcast %add3A_73 : i32 to vector<16xi32>
      %add3A_75 = arith.addi %add3A_74, %mul3A_4 : vector<16xi32>
      %add3A_76 = arith.constant 7 : i32
      %add3A_77 = vector.broadcast %add3A_76 : i32 to vector<16xi32>
      %add3A_78 = arith.addi %add3A_75, %add3A_77 : vector<16xi32>
      %gather3A_79 = tpu.vector_load_idx %arg7[%add3A_78] : memref<1280xf32, #tpu.memory_space<vmem>>[vector<16xi32>], vector<16xf32>,
      %max3A_80 = arith.maximumf %max3A_72, %gather3A_79 : vector<16xf32>
      %add3A_81 = arith.constant 0 : i32
      %add3A_82 = vector.broadcast %add3A_81 : i32 to vector<16xi32>
      %add3A_83 = arith.addi %add3A_82, %mul3A_4 : vector<16xi32>
      %add3A_84 = arith.constant 8 : i32
      %add3A_85 = vector.broadcast %add3A_84 : i32 to vector<16xi32>
      %add3A_86 = arith.addi %add3A_83, %add3A_85 : vector<16xi32>
      %gather3A_87 = tpu.vector_load_idx %arg7[%add3A_86] : memref<1280xf32, #tpu.memory_space<vmem>>[vector<16xi32>], vector<16xf32>,
      %max3A_88 = arith.maximumf %max3A_80, %gather3A_87 : vector<16xf32>
      %add3A_89 = arith.constant 0 : i32
      %add3A_90 = vector.broadcast %add3A_89 : i32 to vector<16xi32>
      %add3A_91 = arith.addi %add3A_90, %mul3A_4 : vector<16xi32>
      %add3A_92 = arith.constant 9 : i32
      %add3A_93 = vector.broadcast %add3A_92 : i32 to vector<16xi32>
      %add3A_94 = arith.addi %add3A_91, %add3A_93 : vector<16xi32>
      %gather3A_95 = tpu.vector_load_idx %arg7[%add3A_94] : memref<1280xf32, #tpu.memory_space<vmem>>[vector<16xi32>], vector<16xf32>,
      %max3A_96 = arith.maximumf %max3A_88, %gather3A_95 : vector<16xf32>
      %add3A_97 = arith.constant 0 : i32
      %add3A_98 = vector.broadcast %add3A_97 : i32 to vector<16xi32>
      %add3A_99 = arith.addi %add3A_98, %mul3A_4 : vector<16xi32>
      %add3A_100 = arith.constant 10 : i32
      %add3A_101 = vector.broadcast %add3A_100 : i32 to vector<16xi32>
      %add3A_102 = arith.addi %add3A_99, %add3A_101 : vector<16xi32>
      %gather3A_103 = tpu.vector_load_idx %arg7[%add3A_102] : memref<1280xf32, #tpu.memory_space<vmem>>[vector<16xi32>], vector<16xf32>,
      %max3A_104 = arith.maximumf %max3A_96, %gather3A_103 : vector<16xf32>
      %add3A_105 = arith.constant 0 : i32
      %add3A_106 = vector.broadcast %add3A_105 : i32 to vector<16xi32>
      %add3A_107 = arith.addi %add3A_106, %mul3A_4 : vector<16xi32>
      %add3A_108 = arith.constant 11 : i32
      %add3A_109 = vector.broadcast %add3A_108 : i32 to vector<16xi32>
      %add3A_110 = arith.addi %add3A_107, %add3A_109 : vector<16xi32>
      %gather3A_111 = tpu.vector_load_idx %arg7[%add3A_110] : memref<1280xf32, #tpu.memory_space<vmem>>[vector<16xi32>], vector<16xf32>,
      %max3A_112 = arith.maximumf %max3A_104, %gather3A_111 : vector<16xf32>
      %add3A_113 = arith.constant 0 : i32
      %add3A_114 = vector.broadcast %add3A_113 : i32 to vector<16xi32>
      %add3A_115 = arith.addi %add3A_114, %mul3A_4 : vector<16xi32>
      %add3A_116 = arith.constant 12 : i32
      %add3A_117 = vector.broadcast %add3A_116 : i32 to vector<16xi32>
      %add3A_118 = arith.addi %add3A_115, %add3A_117 : vector<16xi32>
      %gather3A_119 = tpu.vector_load_idx %arg7[%add3A_118] : memref<1280xf32, #tpu.memory_space<vmem>>[vector<16xi32>], vector<16xf32>,
      %max3A_120 = arith.maximumf %max3A_112, %gather3A_119 : vector<16xf32>
      %add3A_121 = arith.constant 0 : i32
      %add3A_122 = vector.broadcast %add3A_121 : i32 to vector<16xi32>
      %add3A_123 = arith.addi %add3A_122, %mul3A_4 : vector<16xi32>
      %add3A_124 = arith.constant 13 : i32
      %add3A_125 = vector.broadcast %add3A_124 : i32 to vector<16xi32>
      %add3A_126 = arith.addi %add3A_123, %add3A_125 : vector<16xi32>
      %gather3A_127 = tpu.vector_load_idx %arg7[%add3A_126] : memref<1280xf32, #tpu.memory_space<vmem>>[vector<16xi32>], vector<16xf32>,
      %max3A_128 = arith.maximumf %max3A_120, %gather3A_127 : vector<16xf32>
      %add3A_129 = arith.constant 0 : i32
      %add3A_130 = vector.broadcast %add3A_129 : i32 to vector<16xi32>
      %add3A_131 = arith.addi %add3A_130, %mul3A_4 : vector<16xi32>
      %add3A_132 = arith.constant 14 : i32
      %add3A_133 = vector.broadcast %add3A_132 : i32 to vector<16xi32>
      %add3A_134 = arith.addi %add3A_131, %add3A_133 : vector<16xi32>
      %gather3A_135 = tpu.vector_load_idx %arg7[%add3A_134] : memref<1280xf32, #tpu.memory_space<vmem>>[vector<16xi32>], vector<16xf32>,
      %max3A_136 = arith.maximumf %max3A_128, %gather3A_135 : vector<16xf32>
      %add3A_137 = arith.constant 0 : i32
      %add3A_138 = vector.broadcast %add3A_137 : i32 to vector<16xi32>
      %add3A_139 = arith.addi %add3A_138, %mul3A_4 : vector<16xi32>
      %add3A_140 = arith.constant 15 : i32
      %add3A_141 = vector.broadcast %add3A_140 : i32 to vector<16xi32>
      %add3A_142 = arith.addi %add3A_139, %add3A_141 : vector<16xi32>
      %gather3A_143 = tpu.vector_load_idx %arg7[%add3A_142] : memref<1280xf32, #tpu.memory_space<vmem>>[vector<16xi32>], vector<16xf32>,
      %max3A_144 = arith.maximumf %max3A_136, %gather3A_143 : vector<16xf32>
      %add3A_145 = arith.constant 256 : i32
      %add3A_146 = vector.broadcast %add3A_145 : i32 to vector<16xi32>
      %add3A_147 = arith.addi %add3A_146, %mul3A_4 : vector<16xi32>
      %add3A_148 = arith.constant 0 : i32
      %add3A_149 = vector.broadcast %add3A_148 : i32 to vector<16xi32>
      %add3A_150 = arith.addi %add3A_147, %add3A_149 : vector<16xi32>
      %gather3A_151 = tpu.vector_load_idx %arg7[%add3A_150] : memref<1280xf32, #tpu.memory_space<vmem>>[vector<16xi32>], vector<16xf32>,
      %max3A_152 = arith.maximumf %broadcast_in_dim3A_13, %gather3A_151 : vector<16xf32>
      %add3A_153 = arith.constant 256 : i32
      %add3A_154 = vector.broadcast %add3A_153 : i32 to vector<16xi32>
      %add3A_155 = arith.addi %add3A_154, %mul3A_4 : vector<16xi32>
      %add3A_156 = arith.constant 1 : i32
      %add3A_157 = vector.broadcast %add3A_156 : i32 to vector<16xi32>
      %add3A_158 = arith.addi %add3A_155, %add3A_157 : vector<16xi32>
      %gather3A_159 = tpu.vector_load_idx %arg7[%add3A_158] : memref<1280xf32, #tpu.memory_space<vmem>>[vector<16xi32>], vector<16xf32>,
      %max3A_160 = arith.maximumf %max3A_152, %gather3A_159 : vector<16xf32>
      %add3A_161 = arith.constant 256 : i32
      %add3A_162 = vector.broadcast %add3A_161 : i32 to vector<16xi32>
      %add3A_163 = arith.addi %add3A_162, %mul3A_4 : vector<16xi32>
      %add3A_164 = arith.constant 2 : i32
      %add3A_165 = vector.broadcast %add3A_164 : i32 to vector<16xi32>
      %add3A_166 = arith.addi %add3A_163, %add3A_165 : vector<16xi32>
      %gather3A_167 = tpu.vector_load_idx %arg7[%add3A_166] : memref<1280xf32, #tpu.memory_space<vmem>>[vector<16xi32>], vector<16xf32>,
      %max3A_168 = arith.maximumf %max3A_160, %gather3A_167 : vector<16xf32>
      %add3A_169 = arith.constant 256 : i32
      %add3A_170 = vector.broadcast %add3A_169 : i32 to vector<16xi32>
      %add3A_171 = arith.addi %add3A_170, %mul3A_4 : vector<16xi32>
      %add3A_172 = arith.constant 3 : i32
      %add3A_173 = vector.broadcast %add3A_172 : i32 to vector<16xi32>
      %add3A_174 = arith.addi %add3A_171, %add3A_173 : vector<16xi32>
      %gather3A_175 = tpu.vector_load_idx %arg7[%add3A_174] : memref<1280xf32, #tpu.memory_space<vmem>>[vector<16xi32>], vector<16xf32>,
      %max3A_176 = arith.maximumf %max3A_168, %gather3A_175 : vector<16xf32>
      %add3A_177 = arith.constant 256 : i32
      %add3A_178 = vector.broadcast %add3A_177 : i32 to vector<16xi32>
      %add3A_179 = arith.addi %add3A_178, %mul3A_4 : vector<16xi32>
      %add3A_180 = arith.constant 4 : i32
      %add3A_181 = vector.broadcast %add3A_180 : i32 to vector<16xi32>
      %add3A_182 = arith.addi %add3A_179, %add3A_181 : vector<16xi32>
      %gather3A_183 = tpu.vector_load_idx %arg7[%add3A_182] : memref<1280xf32, #tpu.memory_space<vmem>>[vector<16xi32>], vector<16xf32>,
      %max3A_184 = arith.maximumf %max3A_176, %gather3A_183 : vector<16xf32>
      %add3A_185 = arith.constant 256 : i32
      %add3A_186 = vector.broadcast %add3A_185 : i32 to vector<16xi32>
      %add3A_187 = arith.addi %add3A_186, %mul3A_4 : vector<16xi32>
      %add3A_188 = arith.constant 5 : i32
      %add3A_189 = vector.broadcast %add3A_188 : i32 to vector<16xi32>
      %add3A_190 = arith.addi %add3A_187, %add3A_189 : vector<16xi32>
      %gather3A_191 = tpu.vector_load_idx %arg7[%add3A_190] : memref<1280xf32, #tpu.memory_space<vmem>>[vector<16xi32>], vector<16xf32>,
      %max3A_192 = arith.maximumf %max3A_184, %gather3A_191 : vector<16xf32>
      %add3A_193 = arith.constant 256 : i32
      %add3A_194 = vector.broadcast %add3A_193 : i32 to vector<16xi32>
      %add3A_195 = arith.addi %add3A_194, %mul3A_4 : vector<16xi32>
      %add3A_196 = arith.constant 6 : i32
      %add3A_197 = vector.broadcast %add3A_196 : i32 to vector<16xi32>
      %add3A_198 = arith.addi %add3A_195, %add3A_197 : vector<16xi32>
      %gather3A_199 = tpu.vector_load_idx %arg7[%add3A_198] : memref<1280xf32, #tpu.memory_space<vmem>>[vector<16xi32>], vector<16xf32>,
      %max3A_200 = arith.maximumf %max3A_192, %gather3A_199 : vector<16xf32>
      %add3A_201 = arith.constant 256 : i32
      %add3A_202 = vector.broadcast %add3A_201 : i32 to vector<16xi32>
      %add3A_203 = arith.addi %add3A_202, %mul3A_4 : vector<16xi32>
      %add3A_204 = arith.constant 7 : i32
      %add3A_205 = vector.broadcast %add3A_204 : i32 to vector<16xi32>
      %add3A_206 = arith.addi %add3A_203, %add3A_205 : vector<16xi32>
      %gather3A_207 = tpu.vector_load_idx %arg7[%add3A_206] : memref<1280xf32, #tpu.memory_space<vmem>>[vector<16xi32>], vector<16xf32>,
      %max3A_208 = arith.maximumf %max3A_200, %gather3A_207 : vector<16xf32>
      %add3A_209 = arith.constant 256 : i32
      %add3A_210 = vector.broadcast %add3A_209 : i32 to vector<16xi32>
      %add3A_211 = arith.addi %add3A_210, %mul3A_4 : vector<16xi32>
      %add3A_212 = arith.constant 8 : i32
      %add3A_213 = vector.broadcast %add3A_212 : i32 to vector<16xi32>
      %add3A_214 = arith.addi %add3A_211, %add3A_213 : vector<16xi32>
      %gather3A_215 = tpu.vector_load_idx %arg7[%add3A_214] : memref<1280xf32, #tpu.memory_space<vmem>>[vector<16xi32>], vector<16xf32>,
      %max3A_216 = arith.maximumf %max3A_208, %gather3A_215 : vector<16xf32>
      %add3A_217 = arith.constant 256 : i32
      %add3A_218 = vector.broadcast %add3A_217 : i32 to vector<16xi32>
      %add3A_219 = arith.addi %add3A_218, %mul3A_4 : vector<16xi32>
      %add3A_220 = arith.constant 9 : i32
      %add3A_221 = vector.broadcast %add3A_220 : i32 to vector<16xi32>
      %add3A_222 = arith.addi %add3A_219, %add3A_221 : vector<16xi32>
      %gather3A_223 = tpu.vector_load_idx %arg7[%add3A_222] : memref<1280xf32, #tpu.memory_space<vmem>>[vector<16xi32>], vector<16xf32>,
      %max3A_224 = arith.maximumf %max3A_216, %gather3A_223 : vector<16xf32>
      %add3A_225 = arith.constant 256 : i32
      %add3A_226 = vector.broadcast %add3A_225 : i32 to vector<16xi32>
      %add3A_227 = arith.addi %add3A_226, %mul3A_4 : vector<16xi32>
      %add3A_228 = arith.constant 10 : i32
      %add3A_229 = vector.broadcast %add3A_228 : i32 to vector<16xi32>
      %add3A_230 = arith.addi %add3A_227, %add3A_229 : vector<16xi32>
      %gather3A_231 = tpu.vector_load_idx %arg7[%add3A_230] : memref<1280xf32, #tpu.memory_space<vmem>>[vector<16xi32>], vector<16xf32>,
      %max3A_232 = arith.maximumf %max3A_224, %gather3A_231 : vector<16xf32>
      %add3A_233 = arith.constant 256 : i32
      %add3A_234 = vector.broadcast %add3A_233 : i32 to vector<16xi32>
      %add3A_235 = arith.addi %add3A_234, %mul3A_4 : vector<16xi32>
      %add3A_236 = arith.constant 11 : i32
      %add3A_237 = vector.broadcast %add3A_236 : i32 to vector<16xi32>
      %add3A_238 = arith.addi %add3A_235, %add3A_237 : vector<16xi32>
      %gather3A_239 = tpu.vector_load_idx %arg7[%add3A_238] : memref<1280xf32, #tpu.memory_space<vmem>>[vector<16xi32>], vector<16xf32>,
      %max3A_240 = arith.maximumf %max3A_232, %gather3A_239 : vector<16xf32>
      %add3A_241 = arith.constant 256 : i32
      %add3A_242 = vector.broadcast %add3A_241 : i32 to vector<16xi32>
      %add3A_243 = arith.addi %add3A_242, %mul3A_4 : vector<16xi32>
      %add3A_244 = arith.constant 12 : i32
      %add3A_245 = vector.broadcast %add3A_244 : i32 to vector<16xi32>
      %add3A_246 = arith.addi %add3A_243, %add3A_245 : vector<16xi32>
      %gather3A_247 = tpu.vector_load_idx %arg7[%add3A_246] : memref<1280xf32, #tpu.memory_space<vmem>>[vector<16xi32>], vector<16xf32>,
      %max3A_248 = arith.maximumf %max3A_240, %gather3A_247 : vector<16xf32>
      %add3A_249 = arith.constant 256 : i32
      %add3A_250 = vector.broadcast %add3A_249 : i32 to vector<16xi32>
      %add3A_251 = arith.addi %add3A_250, %mul3A_4 : vector<16xi32>
      %add3A_252 = arith.constant 13 : i32
      %add3A_253 = vector.broadcast %add3A_252 : i32 to vector<16xi32>
      %add3A_254 = arith.addi %add3A_251, %add3A_253 : vector<16xi32>
      %gather3A_255 = tpu.vector_load_idx %arg7[%add3A_254] : memref<1280xf32, #tpu.memory_space<vmem>>[vector<16xi32>], vector<16xf32>,
      %max3A_256 = arith.maximumf %max3A_248, %gather3A_255 : vector<16xf32>
      %add3A_257 = arith.constant 256 : i32
      %add3A_258 = vector.broadcast %add3A_257 : i32 to vector<16xi32>
      %add3A_259 = arith.addi %add3A_258, %mul3A_4 : vector<16xi32>
      %add3A_260 = arith.constant 14 : i32
      %add3A_261 = vector.broadcast %add3A_260 : i32 to vector<16xi32>
      %add3A_262 = arith.addi %add3A_259, %add3A_261 : vector<16xi32>
      %gather3A_263 = tpu.vector_load_idx %arg7[%add3A_262] : memref<1280xf32, #tpu.memory_space<vmem>>[vector<16xi32>], vector<16xf32>,
      %max3A_264 = arith.maximumf %max3A_256, %gather3A_263 : vector<16xf32>
      %add3A_265 = arith.constant 256 : i32
      %add3A_266 = vector.broadcast %add3A_265 : i32 to vector<16xi32>
      %add3A_267 = arith.addi %add3A_266, %mul3A_4 : vector<16xi32>
      %add3A_268 = arith.constant 15 : i32
      %add3A_269 = vector.broadcast %add3A_268 : i32 to vector<16xi32>
      %add3A_270 = arith.addi %add3A_267, %add3A_269 : vector<16xi32>
      %gather3A_271 = tpu.vector_load_idx %arg7[%add3A_270] : memref<1280xf32, #tpu.memory_space<vmem>>[vector<16xi32>], vector<16xf32>,
      %max3A_272 = arith.maximumf %max3A_264, %gather3A_271 : vector<16xf32>
      %add3A_273 = arith.constant 512 : i32
      %add3A_274 = vector.broadcast %add3A_273 : i32 to vector<16xi32>
      %add3A_275 = arith.addi %add3A_274, %mul3A_4 : vector<16xi32>
      %add3A_276 = arith.constant 0 : i32
      %add3A_277 = vector.broadcast %add3A_276 : i32 to vector<16xi32>
      %add3A_278 = arith.addi %add3A_275, %add3A_277 : vector<16xi32>
      %gather3A_279 = tpu.vector_load_idx %arg7[%add3A_278] : memref<1280xf32, #tpu.memory_space<vmem>>[vector<16xi32>], vector<16xf32>,
      %max3A_280 = arith.maximumf %broadcast_in_dim3A_13, %gather3A_279 : vector<16xf32>
      %add3A_281 = arith.constant 512 : i32
      %add3A_282 = vector.broadcast %add3A_281 : i32 to vector<16xi32>
      %add3A_283 = arith.addi %add3A_282, %mul3A_4 : vector<16xi32>
      %add3A_284 = arith.constant 1 : i32
      %add3A_285 = vector.broadcast %add3A_284 : i32 to vector<16xi32>
      %add3A_286 = arith.addi %add3A_283, %add3A_285 : vector<16xi32>
      %gather3A_287 = tpu.vector_load_idx %arg7[%add3A_286] : memref<1280xf32, #tpu.memory_space<vmem>>[vector<16xi32>], vector<16xf32>,
      %max3A_288 = arith.maximumf %max3A_280, %gather3A_287 : vector<16xf32>
      %add3A_289 = arith.constant 512 : i32
      %add3A_290 = vector.broadcast %add3A_289 : i32 to vector<16xi32>
      %add3A_291 = arith.addi %add3A_290, %mul3A_4 : vector<16xi32>
      %add3A_292 = arith.constant 2 : i32
      %add3A_293 = vector.broadcast %add3A_292 : i32 to vector<16xi32>
      %add3A_294 = arith.addi %add3A_291, %add3A_293 : vector<16xi32>
      %gather3A_295 = tpu.vector_load_idx %arg7[%add3A_294] : memref<1280xf32, #tpu.memory_space<vmem>>[vector<16xi32>], vector<16xf32>,
      %max3A_296 = arith.maximumf %max3A_288, %gather3A_295 : vector<16xf32>
      %add3A_297 = arith.constant 512 : i32
      %add3A_298 = vector.broadcast %add3A_297 : i32 to vector<16xi32>
      %add3A_299 = arith.addi %add3A_298, %mul3A_4 : vector<16xi32>
      %add3A_300 = arith.constant 3 : i32
      %add3A_301 = vector.broadcast %add3A_300 : i32 to vector<16xi32>
      %add3A_302 = arith.addi %add3A_299, %add3A_301 : vector<16xi32>
      %gather3A_303 = tpu.vector_load_idx %arg7[%add3A_302] : memref<1280xf32, #tpu.memory_space<vmem>>[vector<16xi32>], vector<16xf32>,
      %max3A_304 = arith.maximumf %max3A_296, %gather3A_303 : vector<16xf32>
      %add3A_305 = arith.constant 512 : i32
      %add3A_306 = vector.broadcast %add3A_305 : i32 to vector<16xi32>
      %add3A_307 = arith.addi %add3A_306, %mul3A_4 : vector<16xi32>
      %add3A_308 = arith.constant 4 : i32
      %add3A_309 = vector.broadcast %add3A_308 : i32 to vector<16xi32>
      %add3A_310 = arith.addi %add3A_307, %add3A_309 : vector<16xi32>
      %gather3A_311 = tpu.vector_load_idx %arg7[%add3A_310] : memref<1280xf32, #tpu.memory_space<vmem>>[vector<16xi32>], vector<16xf32>,
      %max3A_312 = arith.maximumf %max3A_304, %gather3A_311 : vector<16xf32>
      %add3A_313 = arith.constant 512 : i32
      %add3A_314 = vector.broadcast %add3A_313 : i32 to vector<16xi32>
      %add3A_315 = arith.addi %add3A_314, %mul3A_4 : vector<16xi32>
      %add3A_316 = arith.constant 5 : i32
      %add3A_317 = vector.broadcast %add3A_316 : i32 to vector<16xi32>
      %add3A_318 = arith.addi %add3A_315, %add3A_317 : vector<16xi32>
      %gather3A_319 = tpu.vector_load_idx %arg7[%add3A_318] : memref<1280xf32, #tpu.memory_space<vmem>>[vector<16xi32>], vector<16xf32>,
      %max3A_320 = arith.maximumf %max3A_312, %gather3A_319 : vector<16xf32>
      %add3A_321 = arith.constant 512 : i32
      %add3A_322 = vector.broadcast %add3A_321 : i32 to vector<16xi32>
      %add3A_323 = arith.addi %add3A_322, %mul3A_4 : vector<16xi32>
      %add3A_324 = arith.constant 6 : i32
      %add3A_325 = vector.broadcast %add3A_324 : i32 to vector<16xi32>
      %add3A_326 = arith.addi %add3A_323, %add3A_325 : vector<16xi32>
      %gather3A_327 = tpu.vector_load_idx %arg7[%add3A_326] : memref<1280xf32, #tpu.memory_space<vmem>>[vector<16xi32>], vector<16xf32>,
      %max3A_328 = arith.maximumf %max3A_320, %gather3A_327 : vector<16xf32>
      %add3A_329 = arith.constant 512 : i32
      %add3A_330 = vector.broadcast %add3A_329 : i32 to vector<16xi32>
      %add3A_331 = arith.addi %add3A_330, %mul3A_4 : vector<16xi32>
      %add3A_332 = arith.constant 7 : i32
      %add3A_333 = vector.broadcast %add3A_332 : i32 to vector<16xi32>
      %add3A_334 = arith.addi %add3A_331, %add3A_333 : vector<16xi32>
      %gather3A_335 = tpu.vector_load_idx %arg7[%add3A_334] : memref<1280xf32, #tpu.memory_space<vmem>>[vector<16xi32>], vector<16xf32>,
      %max3A_336 = arith.maximumf %max3A_328, %gather3A_335 : vector<16xf32>
      %add3A_337 = arith.constant 512 : i32
      %add3A_338 = vector.broadcast %add3A_337 : i32 to vector<16xi32>
      %add3A_339 = arith.addi %add3A_338, %mul3A_4 : vector<16xi32>
      %add3A_340 = arith.constant 8 : i32
      %add3A_341 = vector.broadcast %add3A_340 : i32 to vector<16xi32>
      %add3A_342 = arith.addi %add3A_339, %add3A_341 : vector<16xi32>
      %gather3A_343 = tpu.vector_load_idx %arg7[%add3A_342] : memref<1280xf32, #tpu.memory_space<vmem>>[vector<16xi32>], vector<16xf32>,
      %max3A_344 = arith.maximumf %max3A_336, %gather3A_343 : vector<16xf32>
      %add3A_345 = arith.constant 512 : i32
      %add3A_346 = vector.broadcast %add3A_345 : i32 to vector<16xi32>
      %add3A_347 = arith.addi %add3A_346, %mul3A_4 : vector<16xi32>
      %add3A_348 = arith.constant 9 : i32
      %add3A_349 = vector.broadcast %add3A_348 : i32 to vector<16xi32>
      %add3A_350 = arith.addi %add3A_347, %add3A_349 : vector<16xi32>
      %gather3A_351 = tpu.vector_load_idx %arg7[%add3A_350] : memref<1280xf32, #tpu.memory_space<vmem>>[vector<16xi32>], vector<16xf32>,
      %max3A_352 = arith.maximumf %max3A_344, %gather3A_351 : vector<16xf32>
      %add3A_353 = arith.constant 512 : i32
      %add3A_354 = vector.broadcast %add3A_353 : i32 to vector<16xi32>
      %add3A_355 = arith.addi %add3A_354, %mul3A_4 : vector<16xi32>
      %add3A_356 = arith.constant 10 : i32
      %add3A_357 = vector.broadcast %add3A_356 : i32 to vector<16xi32>
      %add3A_358 = arith.addi %add3A_355, %add3A_357 : vector<16xi32>
      %gather3A_359 = tpu.vector_load_idx %arg7[%add3A_358] : memref<1280xf32, #tpu.memory_space<vmem>>[vector<16xi32>], vector<16xf32>,
      %max3A_360 = arith.maximumf %max3A_352, %gather3A_359 : vector<16xf32>
      %add3A_361 = arith.constant 512 : i32
      %add3A_362 = vector.broadcast %add3A_361 : i32 to vector<16xi32>
      %add3A_363 = arith.addi %add3A_362, %mul3A_4 : vector<16xi32>
      %add3A_364 = arith.constant 11 : i32
      %add3A_365 = vector.broadcast %add3A_364 : i32 to vector<16xi32>
      %add3A_366 = arith.addi %add3A_363, %add3A_365 : vector<16xi32>
      %gather3A_367 = tpu.vector_load_idx %arg7[%add3A_366] : memref<1280xf32, #tpu.memory_space<vmem>>[vector<16xi32>], vector<16xf32>,
      %max3A_368 = arith.maximumf %max3A_360, %gather3A_367 : vector<16xf32>
      %add3A_369 = arith.constant 512 : i32
      %add3A_370 = vector.broadcast %add3A_369 : i32 to vector<16xi32>
      %add3A_371 = arith.addi %add3A_370, %mul3A_4 : vector<16xi32>
      %add3A_372 = arith.constant 12 : i32
      %add3A_373 = vector.broadcast %add3A_372 : i32 to vector<16xi32>
      %add3A_374 = arith.addi %add3A_371, %add3A_373 : vector<16xi32>
      %gather3A_375 = tpu.vector_load_idx %arg7[%add3A_374] : memref<1280xf32, #tpu.memory_space<vmem>>[vector<16xi32>], vector<16xf32>,
      %max3A_376 = arith.maximumf %max3A_368, %gather3A_375 : vector<16xf32>
      %add3A_377 = arith.constant 512 : i32
      %add3A_378 = vector.broadcast %add3A_377 : i32 to vector<16xi32>
      %add3A_379 = arith.addi %add3A_378, %mul3A_4 : vector<16xi32>
      %add3A_380 = arith.constant 13 : i32
      %add3A_381 = vector.broadcast %add3A_380 : i32 to vector<16xi32>
      %add3A_382 = arith.addi %add3A_379, %add3A_381 : vector<16xi32>
      %gather3A_383 = tpu.vector_load_idx %arg7[%add3A_382] : memref<1280xf32, #tpu.memory_space<vmem>>[vector<16xi32>], vector<16xf32>,
      %max3A_384 = arith.maximumf %max3A_376, %gather3A_383 : vector<16xf32>
      %add3A_385 = arith.constant 512 : i32
      %add3A_386 = vector.broadcast %add3A_385 : i32 to vector<16xi32>
      %add3A_387 = arith.addi %add3A_386, %mul3A_4 : vector<16xi32>
      %add3A_388 = arith.constant 14 : i32
      %add3A_389 = vector.broadcast %add3A_388 : i32 to vector<16xi32>
      %add3A_390 = arith.addi %add3A_387, %add3A_389 : vector<16xi32>
      %gather3A_391 = tpu.vector_load_idx %arg7[%add3A_390] : memref<1280xf32, #tpu.memory_space<vmem>>[vector<16xi32>], vector<16xf32>,
      %max3A_392 = arith.maximumf %max3A_384, %gather3A_391 : vector<16xf32>
      %add3A_393 = arith.constant 512 : i32
      %add3A_394 = vector.broadcast %add3A_393 : i32 to vector<16xi32>
      %add3A_395 = arith.addi %add3A_394, %mul3A_4 : vector<16xi32>
      %add3A_396 = arith.constant 15 : i32
      %add3A_397 = vector.broadcast %add3A_396 : i32 to vector<16xi32>
      %add3A_398 = arith.addi %add3A_395, %add3A_397 : vector<16xi32>
      %gather3A_399 = tpu.vector_load_idx %arg7[%add3A_398] : memref<1280xf32, #tpu.memory_space<vmem>>[vector<16xi32>], vector<16xf32>,
      %max3A_400 = arith.maximumf %max3A_392, %gather3A_399 : vector<16xf32>
      %add3A_401 = arith.constant 768 : i32
      %add3A_402 = vector.broadcast %add3A_401 : i32 to vector<16xi32>
      %add3A_403 = arith.addi %add3A_402, %mul3A_4 : vector<16xi32>
      %add3A_404 = arith.constant 0 : i32
      %add3A_405 = vector.broadcast %add3A_404 : i32 to vector<16xi32>
      %add3A_406 = arith.addi %add3A_403, %add3A_405 : vector<16xi32>
      %gather3A_407 = tpu.vector_load_idx %arg7[%add3A_406] : memref<1280xf32, #tpu.memory_space<vmem>>[vector<16xi32>], vector<16xf32>,
      %max3A_408 = arith.maximumf %broadcast_in_dim3A_13, %gather3A_407 : vector<16xf32>
      %add3A_409 = arith.constant 768 : i32
      %add3A_410 = vector.broadcast %add3A_409 : i32 to vector<16xi32>
      %add3A_411 = arith.addi %add3A_410, %mul3A_4 : vector<16xi32>
      %add3A_412 = arith.constant 1 : i32
      %add3A_413 = vector.broadcast %add3A_412 : i32 to vector<16xi32>
      %add3A_414 = arith.addi %add3A_411, %add3A_413 : vector<16xi32>
      %gather3A_415 = tpu.vector_load_idx %arg7[%add3A_414] : memref<1280xf32, #tpu.memory_space<vmem>>[vector<16xi32>], vector<16xf32>,
      %max3A_416 = arith.maximumf %max3A_408, %gather3A_415 : vector<16xf32>
      %add3A_417 = arith.constant 768 : i32
      %add3A_418 = vector.broadcast %add3A_417 : i32 to vector<16xi32>
      %add3A_419 = arith.addi %add3A_418, %mul3A_4 : vector<16xi32>
      %add3A_420 = arith.constant 2 : i32
      %add3A_421 = vector.broadcast %add3A_420 : i32 to vector<16xi32>
      %add3A_422 = arith.addi %add3A_419, %add3A_421 : vector<16xi32>
      %gather3A_423 = tpu.vector_load_idx %arg7[%add3A_422] : memref<1280xf32, #tpu.memory_space<vmem>>[vector<16xi32>], vector<16xf32>,
      %max3A_424 = arith.maximumf %max3A_416, %gather3A_423 : vector<16xf32>
      %add3A_425 = arith.constant 768 : i32
      %add3A_426 = vector.broadcast %add3A_425 : i32 to vector<16xi32>
      %add3A_427 = arith.addi %add3A_426, %mul3A_4 : vector<16xi32>
      %add3A_428 = arith.constant 3 : i32
      %add3A_429 = vector.broadcast %add3A_428 : i32 to vector<16xi32>
      %add3A_430 = arith.addi %add3A_427, %add3A_429 : vector<16xi32>
      %gather3A_431 = tpu.vector_load_idx %arg7[%add3A_430] : memref<1280xf32, #tpu.memory_space<vmem>>[vector<16xi32>], vector<16xf32>,
      %max3A_432 = arith.maximumf %max3A_424, %gather3A_431 : vector<16xf32>
      %add3A_433 = arith.constant 768 : i32
      %add3A_434 = vector.broadcast %add3A_433 : i32 to vector<16xi32>
      %add3A_435 = arith.addi %add3A_434, %mul3A_4 : vector<16xi32>
      %add3A_436 = arith.constant 4 : i32
      %add3A_437 = vector.broadcast %add3A_436 : i32 to vector<16xi32>
      %add3A_438 = arith.addi %add3A_435, %add3A_437 : vector<16xi32>
      %gather3A_439 = tpu.vector_load_idx %arg7[%add3A_438] : memref<1280xf32, #tpu.memory_space<vmem>>[vector<16xi32>], vector<16xf32>,
      %max3A_440 = arith.maximumf %max3A_432, %gather3A_439 : vector<16xf32>
      %add3A_441 = arith.constant 768 : i32
      %add3A_442 = vector.broadcast %add3A_441 : i32 to vector<16xi32>
      %add3A_443 = arith.addi %add3A_442, %mul3A_4 : vector<16xi32>
      %add3A_444 = arith.constant 5 : i32
      %add3A_445 = vector.broadcast %add3A_444 : i32 to vector<16xi32>
      %add3A_446 = arith.addi %add3A_443, %add3A_445 : vector<16xi32>
      %gather3A_447 = tpu.vector_load_idx %arg7[%add3A_446] : memref<1280xf32, #tpu.memory_space<vmem>>[vector<16xi32>], vector<16xf32>,
      %max3A_448 = arith.maximumf %max3A_440, %gather3A_447 : vector<16xf32>
      %add3A_449 = arith.constant 768 : i32
      %add3A_450 = vector.broadcast %add3A_449 : i32 to vector<16xi32>
      %add3A_451 = arith.addi %add3A_450, %mul3A_4 : vector<16xi32>
      %add3A_452 = arith.constant 6 : i32
      %add3A_453 = vector.broadcast %add3A_452 : i32 to vector<16xi32>
      %add3A_454 = arith.addi %add3A_451, %add3A_453 : vector<16xi32>
      %gather3A_455 = tpu.vector_load_idx %arg7[%add3A_454] : memref<1280xf32, #tpu.memory_space<vmem>>[vector<16xi32>], vector<16xf32>,
      %max3A_456 = arith.maximumf %max3A_448, %gather3A_455 : vector<16xf32>
      %add3A_457 = arith.constant 768 : i32
      %add3A_458 = vector.broadcast %add3A_457 : i32 to vector<16xi32>
      %add3A_459 = arith.addi %add3A_458, %mul3A_4 : vector<16xi32>
      %add3A_460 = arith.constant 7 : i32
      %add3A_461 = vector.broadcast %add3A_460 : i32 to vector<16xi32>
      %add3A_462 = arith.addi %add3A_459, %add3A_461 : vector<16xi32>
      %gather3A_463 = tpu.vector_load_idx %arg7[%add3A_462] : memref<1280xf32, #tpu.memory_space<vmem>>[vector<16xi32>], vector<16xf32>,
      %max3A_464 = arith.maximumf %max3A_456, %gather3A_463 : vector<16xf32>
      %add3A_465 = arith.constant 768 : i32
      %add3A_466 = vector.broadcast %add3A_465 : i32 to vector<16xi32>
      %add3A_467 = arith.addi %add3A_466, %mul3A_4 : vector<16xi32>
      %add3A_468 = arith.constant 8 : i32
      %add3A_469 = vector.broadcast %add3A_468 : i32 to vector<16xi32>
      %add3A_470 = arith.addi %add3A_467, %add3A_469 : vector<16xi32>
      %gather3A_471 = tpu.vector_load_idx %arg7[%add3A_470] : memref<1280xf32, #tpu.memory_space<vmem>>[vector<16xi32>], vector<16xf32>,
      %max3A_472 = arith.maximumf %max3A_464, %gather3A_471 : vector<16xf32>
      %add3A_473 = arith.constant 768 : i32
      %add3A_474 = vector.broadcast %add3A_473 : i32 to vector<16xi32>
      %add3A_475 = arith.addi %add3A_474, %mul3A_4 : vector<16xi32>
      %add3A_476 = arith.constant 9 : i32
      %add3A_477 = vector.broadcast %add3A_476 : i32 to vector<16xi32>
      %add3A_478 = arith.addi %add3A_475, %add3A_477 : vector<16xi32>
      %gather3A_479 = tpu.vector_load_idx %arg7[%add3A_478] : memref<1280xf32, #tpu.memory_space<vmem>>[vector<16xi32>], vector<16xf32>,
      %max3A_480 = arith.maximumf %max3A_472, %gather3A_479 : vector<16xf32>
      %add3A_481 = arith.constant 768 : i32
      %add3A_482 = vector.broadcast %add3A_481 : i32 to vector<16xi32>
      %add3A_483 = arith.addi %add3A_482, %mul3A_4 : vector<16xi32>
      %add3A_484 = arith.constant 10 : i32
      %add3A_485 = vector.broadcast %add3A_484 : i32 to vector<16xi32>
      %add3A_486 = arith.addi %add3A_483, %add3A_485 : vector<16xi32>
      %gather3A_487 = tpu.vector_load_idx %arg7[%add3A_486] : memref<1280xf32, #tpu.memory_space<vmem>>[vector<16xi32>], vector<16xf32>,
      %max3A_488 = arith.maximumf %max3A_480, %gather3A_487 : vector<16xf32>
      %add3A_489 = arith.constant 768 : i32
      %add3A_490 = vector.broadcast %add3A_489 : i32 to vector<16xi32>
      %add3A_491 = arith.addi %add3A_490, %mul3A_4 : vector<16xi32>
      %add3A_492 = arith.constant 11 : i32
      %add3A_493 = vector.broadcast %add3A_492 : i32 to vector<16xi32>
      %add3A_494 = arith.addi %add3A_491, %add3A_493 : vector<16xi32>
      %gather3A_495 = tpu.vector_load_idx %arg7[%add3A_494] : memref<1280xf32, #tpu.memory_space<vmem>>[vector<16xi32>], vector<16xf32>,
      %max3A_496 = arith.maximumf %max3A_488, %gather3A_495 : vector<16xf32>
      %add3A_497 = arith.constant 768 : i32
      %add3A_498 = vector.broadcast %add3A_497 : i32 to vector<16xi32>
      %add3A_499 = arith.addi %add3A_498, %mul3A_4 : vector<16xi32>
      %add3A_500 = arith.constant 12 : i32
      %add3A_501 = vector.broadcast %add3A_500 : i32 to vector<16xi32>
      %add3A_502 = arith.addi %add3A_499, %add3A_501 : vector<16xi32>
      %gather3A_503 = tpu.vector_load_idx %arg7[%add3A_502] : memref<1280xf32, #tpu.memory_space<vmem>>[vector<16xi32>], vector<16xf32>,
      %max3A_504 = arith.maximumf %max3A_496, %gather3A_503 : vector<16xf32>
      %add3A_505 = arith.constant 768 : i32
      %add3A_506 = vector.broadcast %add3A_505 : i32 to vector<16xi32>
      %add3A_507 = arith.addi %add3A_506, %mul3A_4 : vector<16xi32>
      %add3A_508 = arith.constant 13 : i32
      %add3A_509 = vector.broadcast %add3A_508 : i32 to vector<16xi32>
      %add3A_510 = arith.addi %add3A_507, %add3A_509 : vector<16xi32>
      %gather3A_511 = tpu.vector_load_idx %arg7[%add3A_510] : memref<1280xf32, #tpu.memory_space<vmem>>[vector<16xi32>], vector<16xf32>,
      %max3A_512 = arith.maximumf %max3A_504, %gather3A_511 : vector<16xf32>
      %add3A_513 = arith.constant 768 : i32
      %add3A_514 = vector.broadcast %add3A_513 : i32 to vector<16xi32>
      %add3A_515 = arith.addi %add3A_514, %mul3A_4 : vector<16xi32>
      %add3A_516 = arith.constant 14 : i32
      %add3A_517 = vector.broadcast %add3A_516 : i32 to vector<16xi32>
      %add3A_518 = arith.addi %add3A_515, %add3A_517 : vector<16xi32>
      %gather3A_519 = tpu.vector_load_idx %arg7[%add3A_518] : memref<1280xf32, #tpu.memory_space<vmem>>[vector<16xi32>], vector<16xf32>,
      %max3A_520 = arith.maximumf %max3A_512, %gather3A_519 : vector<16xf32>
      %add3A_521 = arith.constant 768 : i32
      %add3A_522 = vector.broadcast %add3A_521 : i32 to vector<16xi32>
      %add3A_523 = arith.addi %add3A_522, %mul3A_4 : vector<16xi32>
      %add3A_524 = arith.constant 15 : i32
      %add3A_525 = vector.broadcast %add3A_524 : i32 to vector<16xi32>
      %add3A_526 = arith.addi %add3A_523, %add3A_525 : vector<16xi32>
      %gather3A_527 = tpu.vector_load_idx %arg7[%add3A_526] : memref<1280xf32, #tpu.memory_space<vmem>>[vector<16xi32>], vector<16xf32>,
      %max3A_528 = arith.maximumf %max3A_520, %gather3A_527 : vector<16xf32>
      %add3A_529 = arith.constant 1024 : i32
      %add3A_530 = vector.broadcast %add3A_529 : i32 to vector<16xi32>
      %add3A_531 = arith.addi %add3A_530, %mul3A_4 : vector<16xi32>
      %add3A_532 = arith.constant 0 : i32
      %add3A_533 = vector.broadcast %add3A_532 : i32 to vector<16xi32>
      %add3A_534 = arith.addi %add3A_531, %add3A_533 : vector<16xi32>
      %gather3A_535 = tpu.vector_load_idx %arg7[%add3A_534] : memref<1280xf32, #tpu.memory_space<vmem>>[vector<16xi32>], vector<16xf32>,
      %max3A_536 = arith.maximumf %broadcast_in_dim3A_13, %gather3A_535 : vector<16xf32>
      %add3A_537 = arith.constant 1024 : i32
      %add3A_538 = vector.broadcast %add3A_537 : i32 to vector<16xi32>
      %add3A_539 = arith.addi %add3A_538, %mul3A_4 : vector<16xi32>
      %add3A_540 = arith.constant 1 : i32
      %add3A_541 = vector.broadcast %add3A_540 : i32 to vector<16xi32>
      %add3A_542 = arith.addi %add3A_539, %add3A_541 : vector<16xi32>
      %gather3A_543 = tpu.vector_load_idx %arg7[%add3A_542] : memref<1280xf32, #tpu.memory_space<vmem>>[vector<16xi32>], vector<16xf32>,
      %max3A_544 = arith.maximumf %max3A_536, %gather3A_543 : vector<16xf32>
      %add3A_545 = arith.constant 1024 : i32
      %add3A_546 = vector.broadcast %add3A_545 : i32 to vector<16xi32>
      %add3A_547 = arith.addi %add3A_546, %mul3A_4 : vector<16xi32>
      %add3A_548 = arith.constant 2 : i32
      %add3A_549 = vector.broadcast %add3A_548 : i32 to vector<16xi32>
      %add3A_550 = arith.addi %add3A_547, %add3A_549 : vector<16xi32>
      %gather3A_551 = tpu.vector_load_idx %arg7[%add3A_550] : memref<1280xf32, #tpu.memory_space<vmem>>[vector<16xi32>], vector<16xf32>,
      %max3A_552 = arith.maximumf %max3A_544, %gather3A_551 : vector<16xf32>
      %add3A_553 = arith.constant 1024 : i32
      %add3A_554 = vector.broadcast %add3A_553 : i32 to vector<16xi32>
      %add3A_555 = arith.addi %add3A_554, %mul3A_4 : vector<16xi32>
      %add3A_556 = arith.constant 3 : i32
      %add3A_557 = vector.broadcast %add3A_556 : i32 to vector<16xi32>
      %add3A_558 = arith.addi %add3A_555, %add3A_557 : vector<16xi32>
      %gather3A_559 = tpu.vector_load_idx %arg7[%add3A_558] : memref<1280xf32, #tpu.memory_space<vmem>>[vector<16xi32>], vector<16xf32>,
      %max3A_560 = arith.maximumf %max3A_552, %gather3A_559 : vector<16xf32>
      %add3A_561 = arith.constant 1024 : i32
      %add3A_562 = vector.broadcast %add3A_561 : i32 to vector<16xi32>
      %add3A_563 = arith.addi %add3A_562, %mul3A_4 : vector<16xi32>
      %add3A_564 = arith.constant 4 : i32
      %add3A_565 = vector.broadcast %add3A_564 : i32 to vector<16xi32>
      %add3A_566 = arith.addi %add3A_563, %add3A_565 : vector<16xi32>
      %gather3A_567 = tpu.vector_load_idx %arg7[%add3A_566] : memref<1280xf32, #tpu.memory_space<vmem>>[vector<16xi32>], vector<16xf32>,
      %max3A_568 = arith.maximumf %max3A_560, %gather3A_567 : vector<16xf32>
      %add3A_569 = arith.constant 1024 : i32
      %add3A_570 = vector.broadcast %add3A_569 : i32 to vector<16xi32>
      %add3A_571 = arith.addi %add3A_570, %mul3A_4 : vector<16xi32>
      %add3A_572 = arith.constant 5 : i32
      %add3A_573 = vector.broadcast %add3A_572 : i32 to vector<16xi32>
      %add3A_574 = arith.addi %add3A_571, %add3A_573 : vector<16xi32>
      %gather3A_575 = tpu.vector_load_idx %arg7[%add3A_574] : memref<1280xf32, #tpu.memory_space<vmem>>[vector<16xi32>], vector<16xf32>,
      %max3A_576 = arith.maximumf %max3A_568, %gather3A_575 : vector<16xf32>
      %add3A_577 = arith.constant 1024 : i32
      %add3A_578 = vector.broadcast %add3A_577 : i32 to vector<16xi32>
      %add3A_579 = arith.addi %add3A_578, %mul3A_4 : vector<16xi32>
      %add3A_580 = arith.constant 6 : i32
      %add3A_581 = vector.broadcast %add3A_580 : i32 to vector<16xi32>
      %add3A_582 = arith.addi %add3A_579, %add3A_581 : vector<16xi32>
      %gather3A_583 = tpu.vector_load_idx %arg7[%add3A_582] : memref<1280xf32, #tpu.memory_space<vmem>>[vector<16xi32>], vector<16xf32>,
      %max3A_584 = arith.maximumf %max3A_576, %gather3A_583 : vector<16xf32>
      %add3A_585 = arith.constant 1024 : i32
      %add3A_586 = vector.broadcast %add3A_585 : i32 to vector<16xi32>
      %add3A_587 = arith.addi %add3A_586, %mul3A_4 : vector<16xi32>
      %add3A_588 = arith.constant 7 : i32
      %add3A_589 = vector.broadcast %add3A_588 : i32 to vector<16xi32>
      %add3A_590 = arith.addi %add3A_587, %add3A_589 : vector<16xi32>
      %gather3A_591 = tpu.vector_load_idx %arg7[%add3A_590] : memref<1280xf32, #tpu.memory_space<vmem>>[vector<16xi32>], vector<16xf32>,
      %max3A_592 = arith.maximumf %max3A_584, %gather3A_591 : vector<16xf32>
      %add3A_593 = arith.constant 1024 : i32
      %add3A_594 = vector.broadcast %add3A_593 : i32 to vector<16xi32>
      %add3A_595 = arith.addi %add3A_594, %mul3A_4 : vector<16xi32>
      %add3A_596 = arith.constant 8 : i32
      %add3A_597 = vector.broadcast %add3A_596 : i32 to vector<16xi32>
      %add3A_598 = arith.addi %add3A_595, %add3A_597 : vector<16xi32>
      %gather3A_599 = tpu.vector_load_idx %arg7[%add3A_598] : memref<1280xf32, #tpu.memory_space<vmem>>[vector<16xi32>], vector<16xf32>,
      %max3A_600 = arith.maximumf %max3A_592, %gather3A_599 : vector<16xf32>
      %add3A_601 = arith.constant 1024 : i32
      %add3A_602 = vector.broadcast %add3A_601 : i32 to vector<16xi32>
      %add3A_603 = arith.addi %add3A_602, %mul3A_4 : vector<16xi32>
      %add3A_604 = arith.constant 9 : i32
      %add3A_605 = vector.broadcast %add3A_604 : i32 to vector<16xi32>
      %add3A_606 = arith.addi %add3A_603, %add3A_605 : vector<16xi32>
      %gather3A_607 = tpu.vector_load_idx %arg7[%add3A_606] : memref<1280xf32, #tpu.memory_space<vmem>>[vector<16xi32>], vector<16xf32>,
      %max3A_608 = arith.maximumf %max3A_600, %gather3A_607 : vector<16xf32>
      %add3A_609 = arith.constant 1024 : i32
      %add3A_610 = vector.broadcast %add3A_609 : i32 to vector<16xi32>
      %add3A_611 = arith.addi %add3A_610, %mul3A_4 : vector<16xi32>
      %add3A_612 = arith.constant 10 : i32
      %add3A_613 = vector.broadcast %add3A_612 : i32 to vector<16xi32>
      %add3A_614 = arith.addi %add3A_611, %add3A_613 : vector<16xi32>
      %gather3A_615 = tpu.vector_load_idx %arg7[%add3A_614] : memref<1280xf32, #tpu.memory_space<vmem>>[vector<16xi32>], vector<16xf32>,
      %max3A_616 = arith.maximumf %max3A_608, %gather3A_615 : vector<16xf32>
      %add3A_617 = arith.constant 1024 : i32
      %add3A_618 = vector.broadcast %add3A_617 : i32 to vector<16xi32>
      %add3A_619 = arith.addi %add3A_618, %mul3A_4 : vector<16xi32>
      %add3A_620 = arith.constant 11 : i32
      %add3A_621 = vector.broadcast %add3A_620 : i32 to vector<16xi32>
      %add3A_622 = arith.addi %add3A_619, %add3A_621 : vector<16xi32>
      %gather3A_623 = tpu.vector_load_idx %arg7[%add3A_622] : memref<1280xf32, #tpu.memory_space<vmem>>[vector<16xi32>], vector<16xf32>,
      %max3A_624 = arith.maximumf %max3A_616, %gather3A_623 : vector<16xf32>
      %add3A_625 = arith.constant 1024 : i32
      %add3A_626 = vector.broadcast %add3A_625 : i32 to vector<16xi32>
      %add3A_627 = arith.addi %add3A_626, %mul3A_4 : vector<16xi32>
      %add3A_628 = arith.constant 12 : i32
      %add3A_629 = vector.broadcast %add3A_628 : i32 to vector<16xi32>
      %add3A_630 = arith.addi %add3A_627, %add3A_629 : vector<16xi32>
      %gather3A_631 = tpu.vector_load_idx %arg7[%add3A_630] : memref<1280xf32, #tpu.memory_space<vmem>>[vector<16xi32>], vector<16xf32>,
      %max3A_632 = arith.maximumf %max3A_624, %gather3A_631 : vector<16xf32>
      %add3A_633 = arith.constant 1024 : i32
      %add3A_634 = vector.broadcast %add3A_633 : i32 to vector<16xi32>
      %add3A_635 = arith.addi %add3A_634, %mul3A_4 : vector<16xi32>
      %add3A_636 = arith.constant 13 : i32
      %add3A_637 = vector.broadcast %add3A_636 : i32 to vector<16xi32>
      %add3A_638 = arith.addi %add3A_635, %add3A_637 : vector<16xi32>
      %gather3A_639 = tpu.vector_load_idx %arg7[%add3A_638] : memref<1280xf32, #tpu.memory_space<vmem>>[vector<16xi32>], vector<16xf32>,
      %max3A_640 = arith.maximumf %max3A_632, %gather3A_639 : vector<16xf32>
      %add3A_641 = arith.constant 1024 : i32
      %add3A_642 = vector.broadcast %add3A_641 : i32 to vector<16xi32>
      %add3A_643 = arith.addi %add3A_642, %mul3A_4 : vector<16xi32>
      %add3A_644 = arith.constant 14 : i32
      %add3A_645 = vector.broadcast %add3A_644 : i32 to vector<16xi32>
      %add3A_646 = arith.addi %add3A_643, %add3A_645 : vector<16xi32>
      %gather3A_647 = tpu.vector_load_idx %arg7[%add3A_646] : memref<1280xf32, #tpu.memory_space<vmem>>[vector<16xi32>], vector<16xf32>,
      %max3A_648 = arith.maximumf %max3A_640, %gather3A_647 : vector<16xf32>
      %add3A_649 = arith.constant 1024 : i32
      %add3A_650 = vector.broadcast %add3A_649 : i32 to vector<16xi32>
      %add3A_651 = arith.addi %add3A_650, %mul3A_4 : vector<16xi32>
      %add3A_652 = arith.constant 15 : i32
      %add3A_653 = vector.broadcast %add3A_652 : i32 to vector<16xi32>
      %add3A_654 = arith.addi %add3A_651, %add3A_653 : vector<16xi32>
      %gather3A_655 = tpu.vector_load_idx %arg7[%add3A_654] : memref<1280xf32, #tpu.memory_space<vmem>>[vector<16xi32>], vector<16xf32>,
      %max3A_656 = arith.maximumf %max3A_648, %gather3A_655 : vector<16xf32>
      %broadcast_in_dim3A_657 = arith.constant 2.000000e+00 : f32
      %broadcast_in_dim3A_658 = vector.broadcast %broadcast_in_dim3A_657 : f32 to vector<16xf32>
      %swap3A = arith.constant 0 : index
      %swap3A_659 = tpu.vector_load %arg8[%swap3A] {strides = array<i32>} : memref<448xf32, #tpu.memory_space<vmem>>, vector<16xf32>,
      tpu.vector_store %arg8[%swap3A], %broadcast_in_dim3A_658 {strides = array<i32>} : memref<448xf32, #tpu.memory_space<vmem>>, vector<16xf32>,
      %broadcast_in_dim3A_660 = arith.constant 2.000000e+00 : f32
      %broadcast_in_dim3A_661 = vector.broadcast %broadcast_in_dim3A_660 : f32 to vector<16xf32>
      %swap3A_662 = arith.constant 16 : index
      %swap3A_663 = tpu.vector_load %arg8[%swap3A_662] {strides = array<i32>} : memref<448xf32, #tpu.memory_space<vmem>>, vector<16xf32>,
      tpu.vector_store %arg8[%swap3A_662], %broadcast_in_dim3A_661 {strides = array<i32>} : memref<448xf32, #tpu.memory_space<vmem>>, vector<16xf32>,
      %broadcast_in_dim3A_664 = arith.constant 2.000000e+00 : f32
      %broadcast_in_dim3A_665 = vector.broadcast %broadcast_in_dim3A_664 : f32 to vector<16xf32>
      %swap3A_666 = arith.constant 32 : index
      %swap3A_667 = tpu.vector_load %arg8[%swap3A_666] {strides = array<i32>} : memref<448xf32, #tpu.memory_space<vmem>>, vector<16xf32>,
      tpu.vector_store %arg8[%swap3A_666], %broadcast_in_dim3A_665 {strides = array<i32>} : memref<448xf32, #tpu.memory_space<vmem>>, vector<16xf32>,
      %broadcast_in_dim3A_668 = arith.constant 2.000000e+00 : f32
      %broadcast_in_dim3A_669 = vector.broadcast %broadcast_in_dim3A_668 : f32 to vector<16xf32>
      %swap3A_670 = arith.constant 48 : index
      %swap3A_671 = tpu.vector_load %arg8[%swap3A_670] {strides = array<i32>} : memref<448xf32, #tpu.memory_space<vmem>>, vector<16xf32>,
      tpu.vector_store %arg8[%swap3A_670], %broadcast_in_dim3A_669 {strides = array<i32>} : memref<448xf32, #tpu.memory_space<vmem>>, vector<16xf32>,
      %broadcast_in_dim3A_672 = arith.constant 2.000000e+00 : f32
      %broadcast_in_dim3A_673 = vector.broadcast %broadcast_in_dim3A_672 : f32 to vector<16xf32>
      %swap3A_674 = arith.constant 64 : index
      %swap3A_675 = tpu.vector_load %arg8[%swap3A_674] {strides = array<i32>} : memref<448xf32, #tpu.memory_space<vmem>>, vector<16xf32>,
      tpu.vector_store %arg8[%swap3A_674], %broadcast_in_dim3A_673 {strides = array<i32>} : memref<448xf32, #tpu.memory_space<vmem>>, vector<16xf32>,
      %broadcast_in_dim3A_676 = arith.constant 2.000000e+00 : f32
      %broadcast_in_dim3A_677 = vector.broadcast %broadcast_in_dim3A_676 : f32 to vector<16xf32>
      %swap3A_678 = arith.constant 80 : index
      %swap3A_679 = tpu.vector_load %arg8[%swap3A_678] {strides = array<i32>} : memref<448xf32, #tpu.memory_space<vmem>>, vector<16xf32>,
      tpu.vector_store %arg8[%swap3A_678], %broadcast_in_dim3A_677 {strides = array<i32>} : memref<448xf32, #tpu.memory_space<vmem>>, vector<16xf32>,
      %broadcast_in_dim3A_680 = arith.constant 2.000000e+00 : f32
      %broadcast_in_dim3A_681 = vector.broadcast %broadcast_in_dim3A_680 : f32 to vector<16xf32>
      %swap3A_682 = arith.constant 96 : index
      %swap3A_683 = tpu.vector_load %arg8[%swap3A_682] {strides = array<i32>} : memref<448xf32, #tpu.memory_space<vmem>>, vector<16xf32>,
      tpu.vector_store %arg8[%swap3A_682], %broadcast_in_dim3A_681 {strides = array<i32>} : memref<448xf32, #tpu.memory_space<vmem>>, vector<16xf32>,
      %broadcast_in_dim3A_684 = arith.constant 2.000000e+00 : f32
      %broadcast_in_dim3A_685 = vector.broadcast %broadcast_in_dim3A_684 : f32 to vector<16xf32>
      %swap3A_686 = arith.constant 112 : index
      %swap3A_687 = tpu.vector_load %arg8[%swap3A_686] {strides = array<i32>} : memref<448xf32, #tpu.memory_space<vmem>>, vector<16xf32>,
      tpu.vector_store %arg8[%swap3A_686], %broadcast_in_dim3A_685 {strides = array<i32>} : memref<448xf32, #tpu.memory_space<vmem>>, vector<16xf32>,
      %broadcast_in_dim3A_688 = arith.constant 2.000000e+00 : f32
      %broadcast_in_dim3A_689 = vector.broadcast %broadcast_in_dim3A_688 : f32 to vector<16xf32>
      %swap3A_690 = arith.constant 128 : index
      %swap3A_691 = tpu.vector_load %arg8[%swap3A_690] {strides = array<i32>} : memref<448xf32, #tpu.memory_space<vmem>>, vector<16xf32>,
      tpu.vector_store %arg8[%swap3A_690], %broadcast_in_dim3A_689 {strides = array<i32>} : memref<448xf32, #tpu.memory_space<vmem>>, vector<16xf32>,
      %broadcast_in_dim3A_692 = arith.constant 2.000000e+00 : f32
      %broadcast_in_dim3A_693 = vector.broadcast %broadcast_in_dim3A_692 : f32 to vector<16xf32>
      %swap3A_694 = arith.constant 144 : index
      %swap3A_695 = tpu.vector_load %arg8[%swap3A_694] {strides = array<i32>} : memref<448xf32, #tpu.memory_space<vmem>>, vector<16xf32>,
      tpu.vector_store %arg8[%swap3A_694], %broadcast_in_dim3A_693 {strides = array<i32>} : memref<448xf32, #tpu.memory_space<vmem>>, vector<16xf32>,
      %broadcast_in_dim3A_696 = arith.constant 2.000000e+00 : f32
      %broadcast_in_dim3A_697 = vector.broadcast %broadcast_in_dim3A_696 : f32 to vector<16xf32>
      %swap3A_698 = arith.constant 160 : index
      %swap3A_699 = tpu.vector_load %arg8[%swap3A_698] {strides = array<i32>} : memref<448xf32, #tpu.memory_space<vmem>>, vector<16xf32>,
      tpu.vector_store %arg8[%swap3A_698], %broadcast_in_dim3A_697 {strides = array<i32>} : memref<448xf32, #tpu.memory_space<vmem>>, vector<16xf32>,
      %broadcast_in_dim3A_700 = arith.constant 2.000000e+00 : f32
      %broadcast_in_dim3A_701 = vector.broadcast %broadcast_in_dim3A_700 : f32 to vector<16xf32>
      %swap3A_702 = arith.constant 176 : index
      %swap3A_703 = tpu.vector_load %arg8[%swap3A_702] {strides = array<i32>} : memref<448xf32, #tpu.memory_space<vmem>>, vector<16xf32>,
      tpu.vector_store %arg8[%swap3A_702], %broadcast_in_dim3A_701 {strides = array<i32>} : memref<448xf32, #tpu.memory_space<vmem>>, vector<16xf32>,
      %broadcast_in_dim3A_704 = arith.constant 2.000000e+00 : f32
      %broadcast_in_dim3A_705 = vector.broadcast %broadcast_in_dim3A_704 : f32 to vector<16xf32>
      %swap3A_706 = arith.constant 192 : index
      %swap3A_707 = tpu.vector_load %arg8[%swap3A_706] {strides = array<i32>} : memref<448xf32, #tpu.memory_space<vmem>>, vector<16xf32>,
      tpu.vector_store %arg8[%swap3A_706], %broadcast_in_dim3A_705 {strides = array<i32>} : memref<448xf32, #tpu.memory_space<vmem>>, vector<16xf32>,
      %broadcast_in_dim3A_708 = arith.constant 2.000000e+00 : f32
      %broadcast_in_dim3A_709 = vector.broadcast %broadcast_in_dim3A_708 : f32 to vector<16xf32>
      %swap3A_710 = arith.constant 208 : index
      %swap3A_711 = tpu.vector_load %arg8[%swap3A_710] {strides = array<i32>} : memref<448xf32, #tpu.memory_space<vmem>>, vector<16xf32>,
      tpu.vector_store %arg8[%swap3A_710], %broadcast_in_dim3A_709 {strides = array<i32>} : memref<448xf32, #tpu.memory_space<vmem>>, vector<16xf32>,
      %broadcast_in_dim3A_712 = arith.constant -2.000000e+00 : f32
      %broadcast_in_dim3A_713 = vector.broadcast %broadcast_in_dim3A_712 : f32 to vector<16xf32>
      %swap3A_714 = arith.constant 224 : index
      %swap3A_715 = tpu.vector_load %arg8[%swap3A_714] {strides = array<i32>} : memref<448xf32, #tpu.memory_space<vmem>>, vector<16xf32>,
      tpu.vector_store %arg8[%swap3A_714], %broadcast_in_dim3A_713 {strides = array<i32>} : memref<448xf32, #tpu.memory_space<vmem>>, vector<16xf32>,
      %broadcast_in_dim3A_716 = arith.constant -2.000000e+00 : f32
      %broadcast_in_dim3A_717 = vector.broadcast %broadcast_in_dim3A_716 : f32 to vector<16xf32>
      %swap3A_718 = arith.constant 240 : index
      %swap3A_719 = tpu.vector_load %arg8[%swap3A_718] {strides = array<i32>} : memref<448xf32, #tpu.memory_space<vmem>>, vector<16xf32>,
      tpu.vector_store %arg8[%swap3A_718], %broadcast_in_dim3A_717 {strides = array<i32>} : memref<448xf32, #tpu.memory_space<vmem>>, vector<16xf32>,
      %broadcast_in_dim3A_720 = arith.constant -2.000000e+00 : f32
      %broadcast_in_dim3A_721 = vector.broadcast %broadcast_in_dim3A_720 : f32 to vector<16xf32>
      %swap3A_722 = arith.constant 256 : index
      %swap3A_723 = tpu.vector_load %arg8[%swap3A_722] {strides = array<i32>} : memref<448xf32, #tpu.memory_space<vmem>>, vector<16xf32>,
      tpu.vector_store %arg8[%swap3A_722], %broadcast_in_dim3A_721 {strides = array<i32>} : memref<448xf32, #tpu.memory_space<vmem>>, vector<16xf32>,
      %broadcast_in_dim3A_724 = arith.constant -2.000000e+00 : f32
      %broadcast_in_dim3A_725 = vector.broadcast %broadcast_in_dim3A_724 : f32 to vector<16xf32>
      %swap3A_726 = arith.constant 272 : index
      %swap3A_727 = tpu.vector_load %arg8[%swap3A_726] {strides = array<i32>} : memref<448xf32, #tpu.memory_space<vmem>>, vector<16xf32>,
      tpu.vector_store %arg8[%swap3A_726], %broadcast_in_dim3A_725 {strides = array<i32>} : memref<448xf32, #tpu.memory_space<vmem>>, vector<16xf32>,
      %broadcast_in_dim3A_728 = arith.constant -2.000000e+00 : f32
      %broadcast_in_dim3A_729 = vector.broadcast %broadcast_in_dim3A_728 : f32 to vector<16xf32>
      %swap3A_730 = arith.constant 288 : index
      %swap3A_731 = tpu.vector_load %arg8[%swap3A_730] {strides = array<i32>} : memref<448xf32, #tpu.memory_space<vmem>>, vector<16xf32>,
      tpu.vector_store %arg8[%swap3A_730], %broadcast_in_dim3A_729 {strides = array<i32>} : memref<448xf32, #tpu.memory_space<vmem>>, vector<16xf32>,
      %broadcast_in_dim3A_732 = arith.constant -2.000000e+00 : f32
      %broadcast_in_dim3A_733 = vector.broadcast %broadcast_in_dim3A_732 : f32 to vector<16xf32>
      %swap3A_734 = arith.constant 304 : index
      %swap3A_735 = tpu.vector_load %arg8[%swap3A_734] {strides = array<i32>} : memref<448xf32, #tpu.memory_space<vmem>>, vector<16xf32>,
      tpu.vector_store %arg8[%swap3A_734], %broadcast_in_dim3A_733 {strides = array<i32>} : memref<448xf32, #tpu.memory_space<vmem>>, vector<16xf32>,
      %broadcast_in_dim3A_736 = arith.constant -2.000000e+00 : f32
      %broadcast_in_dim3A_737 = vector.broadcast %broadcast_in_dim3A_736 : f32 to vector<16xf32>
      %swap3A_738 = arith.constant 320 : index
      %swap3A_739 = tpu.vector_load %arg8[%swap3A_738] {strides = array<i32>} : memref<448xf32, #tpu.memory_space<vmem>>, vector<16xf32>,
      tpu.vector_store %arg8[%swap3A_738], %broadcast_in_dim3A_737 {strides = array<i32>} : memref<448xf32, #tpu.memory_space<vmem>>, vector<16xf32>,
      %broadcast_in_dim3A_740 = arith.constant -2.000000e+00 : f32
      %broadcast_in_dim3A_741 = vector.broadcast %broadcast_in_dim3A_740 : f32 to vector<16xf32>
      %swap3A_742 = arith.constant 336 : index
      %swap3A_743 = tpu.vector_load %arg8[%swap3A_742] {strides = array<i32>} : memref<448xf32, #tpu.memory_space<vmem>>, vector<16xf32>,
      tpu.vector_store %arg8[%swap3A_742], %broadcast_in_dim3A_741 {strides = array<i32>} : memref<448xf32, #tpu.memory_space<vmem>>, vector<16xf32>,
      %broadcast_in_dim3A_744 = arith.constant -2.000000e+00 : f32
      %broadcast_in_dim3A_745 = vector.broadcast %broadcast_in_dim3A_744 : f32 to vector<16xf32>
      %swap3A_746 = arith.constant 352 : index
      %swap3A_747 = tpu.vector_load %arg8[%swap3A_746] {strides = array<i32>} : memref<448xf32, #tpu.memory_space<vmem>>, vector<16xf32>,
      tpu.vector_store %arg8[%swap3A_746], %broadcast_in_dim3A_745 {strides = array<i32>} : memref<448xf32, #tpu.memory_space<vmem>>, vector<16xf32>,
      %broadcast_in_dim3A_748 = arith.constant -2.000000e+00 : f32
      %broadcast_in_dim3A_749 = vector.broadcast %broadcast_in_dim3A_748 : f32 to vector<16xf32>
      %swap3A_750 = arith.constant 368 : index
      %swap3A_751 = tpu.vector_load %arg8[%swap3A_750] {strides = array<i32>} : memref<448xf32, #tpu.memory_space<vmem>>, vector<16xf32>,
      tpu.vector_store %arg8[%swap3A_750], %broadcast_in_dim3A_749 {strides = array<i32>} : memref<448xf32, #tpu.memory_space<vmem>>, vector<16xf32>,
      %broadcast_in_dim3A_752 = arith.constant -2.000000e+00 : f32
      %broadcast_in_dim3A_753 = vector.broadcast %broadcast_in_dim3A_752 : f32 to vector<16xf32>
      %swap3A_754 = arith.constant 384 : index
      %swap3A_755 = tpu.vector_load %arg8[%swap3A_754] {strides = array<i32>} : memref<448xf32, #tpu.memory_space<vmem>>, vector<16xf32>,
      tpu.vector_store %arg8[%swap3A_754], %broadcast_in_dim3A_753 {strides = array<i32>} : memref<448xf32, #tpu.memory_space<vmem>>, vector<16xf32>,
      %broadcast_in_dim3A_756 = arith.constant -2.000000e+00 : f32
      %broadcast_in_dim3A_757 = vector.broadcast %broadcast_in_dim3A_756 : f32 to vector<16xf32>
      %swap3A_758 = arith.constant 400 : index
      %swap3A_759 = tpu.vector_load %arg8[%swap3A_758] {strides = array<i32>} : memref<448xf32, #tpu.memory_space<vmem>>, vector<16xf32>,
      tpu.vector_store %arg8[%swap3A_758], %broadcast_in_dim3A_757 {strides = array<i32>} : memref<448xf32, #tpu.memory_space<vmem>>, vector<16xf32>,
      %broadcast_in_dim3A_760 = arith.constant -2.000000e+00 : f32
      %broadcast_in_dim3A_761 = vector.broadcast %broadcast_in_dim3A_760 : f32 to vector<16xf32>
      %swap3A_762 = arith.constant 416 : index
      %swap3A_763 = tpu.vector_load %arg8[%swap3A_762] {strides = array<i32>} : memref<448xf32, #tpu.memory_space<vmem>>, vector<16xf32>,
      tpu.vector_store %arg8[%swap3A_762], %broadcast_in_dim3A_761 {strides = array<i32>} : memref<448xf32, #tpu.memory_space<vmem>>, vector<16xf32>,
      %broadcast_in_dim3A_764 = arith.constant -2.000000e+00 : f32
      %broadcast_in_dim3A_765 = vector.broadcast %broadcast_in_dim3A_764 : f32 to vector<16xf32>
      %swap3A_766 = arith.constant 432 : index
      %swap3A_767 = tpu.vector_load %arg8[%swap3A_766] {strides = array<i32>} : memref<448xf32, #tpu.memory_space<vmem>>, vector<16xf32>,
      tpu.vector_store %arg8[%swap3A_766], %broadcast_in_dim3A_765 {strides = array<i32>} : memref<448xf32, #tpu.memory_space<vmem>>, vector<16xf32>,
      tpu.wait_dma2 semaphore(%arg10 : memref<!tpu.dma_semaphore, #tpu.memory_space<semaphore_mem>>) src(%arg2 : memref<81920xf32, #tpu.memory_space<hbm>>) dst(%arg5 : memref<81920xf32, #tpu.memory_space<vmem>>)
      %scan3A_768 = arith.constant 0 : i32
      %scan3A_769 = arith.constant 100 : i32
      %scan3A_770 = arith.addi %scan3A_768, %scan3A_769 : i32
      %scan3A_771 = arith.constant 2 : i32
      %scan3A_772:5 = scf.for %scan3A_774 = %scan3A_768 to %scan3A_770 step %scan3A_771 iter_args(%scan3A_775 = %max3A_144, %scan3A_776 = %max3A_272, %scan3A_777 = %max3A_400, %scan3A_778 = %max3A_528, %scan3A_779 = %max3A_656) -> (vector<16xf32>, vector<16xf32>, vector<16xf32>, vector<16xf32>, vector<16xf32>)  : i32 {
        %max3A_780 = arith.maximumf %scan3A_775, %scan3A_776 : vector<16xf32>
        %max3A_781 = arith.maximumf %scan3A_777, %scan3A_778 : vector<16xf32>
        %max3A_782 = arith.maximumf %max3A_780, %max3A_781 : vector<16xf32>
        %max3A_783 = arith.maximumf %max3A_782, %scan3A_779 : vector<16xf32>
        %reduce_max3A = arith.constant true
        %reduce_max3A_784 = vector.broadcast %reduce_max3A : i1 to vector<16xi1>
        %reduce_max3A_785 = tpu.scan <max>, %max3A_783 masked %reduce_max3A_784 : vector<16xf32>, vector<16xi1> -> vector<16xf32>
        %reduce_max3A_786 = vector.extract %reduce_max3A_785[15] : f32 from vector<16xf32>
        %eq3A_787 = vector.broadcast %reduce_max3A_786 : f32 to vector<16xf32>
        %eq3A_788 = arith.cmpf oeq, %scan3A_775, %eq3A_787 : vector<16xf32>
        %eq3A_789 = vector.broadcast %reduce_max3A_786 : f32 to vector<16xf32>
        %eq3A_790 = arith.cmpf oeq, %scan3A_776, %eq3A_789 : vector<16xf32>
        %eq3A_791 = vector.broadcast %reduce_max3A_786 : f32 to vector<16xf32>
        %eq3A_792 = arith.cmpf oeq, %scan3A_777, %eq3A_791 : vector<16xf32>
        %eq3A_793 = vector.broadcast %reduce_max3A_786 : f32 to vector<16xf32>
        %eq3A_794 = arith.cmpf oeq, %scan3A_778, %eq3A_793 : vector<16xf32>
        %eq3A_795 = vector.broadcast %reduce_max3A_786 : f32 to vector<16xf32>
        %eq3A_796 = arith.cmpf oeq, %scan3A_779, %eq3A_795 : vector<16xf32>
        %all_reduce_population_count3A = tpu.all_reduce %eq3A_788 {dim = 0 : i64, kind = #tpu.reduction_kind<sum>} : vector<16xi1> -> vector<16xi32>
        %slice3A = vector.extract_strided_slice %all_reduce_population_count3A {offsets = [0], sizes = [1], strides = [1]} : vector<16xi32> to vector<1xi32>
        %squeeze3A = vector.extract %slice3A[0] : i32 from vector<1xi32>
        %gt3A = arith.constant 0 : i32
        %gt3A_797 = arith.cmpi sgt, %squeeze3A, %gt3A : i32
        %all_reduce_population_count3A_798 = tpu.all_reduce %eq3A_790 {dim = 0 : i64, kind = #tpu.reduction_kind<sum>} : vector<16xi1> -> vector<16xi32>
        %slice3A_799 = vector.extract_strided_slice %all_reduce_population_count3A_798 {offsets = [0], sizes = [1], strides = [1]} : vector<16xi32> to vector<1xi32>
        %squeeze3A_800 = vector.extract %slice3A_799[0] : i32 from vector<1xi32>
        %gt3A_801 = arith.constant 0 : i32
        %gt3A_802 = arith.cmpi sgt, %squeeze3A_800, %gt3A_801 : i32
        %all_reduce_population_count3A_803 = tpu.all_reduce %eq3A_792 {dim = 0 : i64, kind = #tpu.reduction_kind<sum>} : vector<16xi1> -> vector<16xi32>
        %slice3A_804 = vector.extract_strided_slice %all_reduce_population_count3A_803 {offsets = [0], sizes = [1], strides = [1]} : vector<16xi32> to vector<1xi32>
        %squeeze3A_805 = vector.extract %slice3A_804[0] : i32 from vector<1xi32>
        %gt3A_806 = arith.constant 0 : i32
        %gt3A_807 = arith.cmpi sgt, %squeeze3A_805, %gt3A_806 : i32
        %all_reduce_population_count3A_808 = tpu.all_reduce %eq3A_794 {dim = 0 : i64, kind = #tpu.reduction_kind<sum>} : vector<16xi1> -> vector<16xi32>
        %slice3A_809 = vector.extract_strided_slice %all_reduce_population_count3A_808 {offsets = [0], sizes = [1], strides = [1]} : vector<16xi32> to vector<1xi32>
        %squeeze3A_810 = vector.extract %slice3A_809[0] : i32 from vector<1xi32>
        %gt3A_811 = arith.constant 0 : i32
        %gt3A_812 = arith.cmpi sgt, %squeeze3A_810, %gt3A_811 : i32
        %all_reduce_population_count3A_813 = tpu.all_reduce %eq3A_796 {dim = 0 : i64, kind = #tpu.reduction_kind<sum>} : vector<16xi1> -> vector<16xi32>
        %slice3A_814 = vector.extract_strided_slice %all_reduce_population_count3A_813 {offsets = [0], sizes = [1], strides = [1]} : vector<16xi32> to vector<1xi32>
        %squeeze3A_815 = vector.extract %slice3A_814[0] : i32 from vector<1xi32>
        %gt3A_816 = arith.constant 0 : i32
        %gt3A_817 = arith.cmpi sgt, %squeeze3A_815, %gt3A_816 : i32
        %jit3A = arith.constant 3 : i32
        %jit3A_818 = arith.constant 4 : i32
        %select_n3A = arith.select %gt3A_812, %jit3A, %jit3A_818 : i32
        %jit3A_819 = arith.constant 2 : i32
        %select_n3A_820 = arith.select %gt3A_807, %jit3A_819, %select_n3A : i32
        %jit3A_821 = arith.constant 1 : i32
        %select_n3A_822 = arith.select %gt3A_802, %jit3A_821, %select_n3A_820 : i32
        %jit3A_823 = arith.constant 0 : i32
        %select_n3A_824 = arith.select %gt3A_797, %jit3A_823, %select_n3A_822 : i32
        %select_n3A_825 = arith.select %gt3A_812, %eq3A_794, %eq3A_796 : vector<16xi1>
        %select_n3A_826 = arith.select %gt3A_807, %eq3A_792, %select_n3A_825 : vector<16xi1>
        %select_n3A_827 = arith.select %gt3A_802, %eq3A_790, %select_n3A_826 : vector<16xi1>
        %select_n3A_828 = arith.select %gt3A_797, %eq3A_788, %select_n3A_827 : vector<16xi1>
        %all_reduce_ffs3A = tpu.all_reduce %select_n3A_828 {dim = 0 : i64, kind = #tpu.reduction_kind<find_first_set>} : vector<16xi1> -> vector<16xi32>
        %slice3A_829 = vector.extract_strided_slice %all_reduce_ffs3A {offsets = [0], sizes = [1], strides = [1]} : vector<16xi32> to vector<1xi32>
        %squeeze3A_830 = vector.extract %slice3A_829[0] : i32 from vector<1xi32>
        %min3A_831 = arith.constant 15 : i32
        %min3A_832 = arith.minsi %squeeze3A_830, %min3A_831 : i32
        %mul3A_833 = arith.constant 16 : i32
        %mul3A_834 = arith.muli %select_n3A_824, %mul3A_833 : i32
        %add3A_835 = arith.addi %mul3A_834, %min3A_832 : i32
        %mul3A_836 = arith.constant 16 : i32
        %mul3A_837 = arith.muli %add3A_835, %mul3A_836 : i32
        %get3A = arith.index_cast %mul3A_837 : i32 to index
        %get3A_838 = tpu.vector_load %arg7[%get3A] {strides = array<i32>} : memref<1280xf32, #tpu.memory_space<vmem>>, vector<16xf32>,
        %eq3A_839 = vector.broadcast %reduce_max3A_786 : f32 to vector<16xf32>
        %eq3A_840 = arith.cmpf oeq, %get3A_838, %eq3A_839 : vector<16xf32>
        %all_reduce_ffs3A_841 = tpu.all_reduce %eq3A_840 {dim = 0 : i64, kind = #tpu.reduction_kind<find_first_set>} : vector<16xi1> -> vector<16xi32>
        %slice3A_842 = vector.extract_strided_slice %all_reduce_ffs3A_841 {offsets = [0], sizes = [1], strides = [1]} : vector<16xi32> to vector<1xi32>
        %squeeze3A_843 = vector.extract %slice3A_842[0] : i32 from vector<1xi32>
        %min3A_844 = arith.constant 15 : i32
        %min3A_845 = arith.minsi %squeeze3A_843, %min3A_844 : i32
        %mul3A_846 = arith.constant 16 : i32
        %mul3A_847 = arith.muli %add3A_835, %mul3A_846 : i32
        %add3A_848 = arith.addi %mul3A_847, %min3A_845 : i32
        %mul3A_849 = arith.constant 16 : i32
        %mul3A_850 = arith.muli %add3A_848, %mul3A_849 : i32
        %get3A_851 = arith.index_cast %mul3A_850 : i32 to index
        %get3A_852 = tpu.vector_load %arg6[%get3A_851] {strides = array<i32>} : memref<20480xf32, #tpu.memory_space<vmem>>, vector<16xf32>,
        %eq3A_853 = vector.broadcast %reduce_max3A_786 : f32 to vector<16xf32>
        %eq3A_854 = arith.cmpf oeq, %get3A_852, %eq3A_853 : vector<16xf32>
        %all_reduce_ffs3A_855 = tpu.all_reduce %eq3A_854 {dim = 0 : i64, kind = #tpu.reduction_kind<find_first_set>} : vector<16xi1> -> vector<16xi32>
        %slice3A_856 = vector.extract_strided_slice %all_reduce_ffs3A_855 {offsets = [0], sizes = [1], strides = [1]} : vector<16xi32> to vector<1xi32>
        %squeeze3A_857 = vector.extract %slice3A_856[0] : i32 from vector<1xi32>
        %min3A_858 = arith.constant 15 : i32
        %min3A_859 = arith.minsi %squeeze3A_857, %min3A_858 : i32
        %mul3A_860 = arith.constant 16 : i32
        %mul3A_861 = arith.muli %add3A_848, %mul3A_860 : i32
        %add3A_862 = arith.addi %mul3A_861, %min3A_859 : i32
        %add3A_863 = vector.broadcast %add3A_862 : i32 to vector<16xi32>
        %add3A_864 = arith.addi %mul3A_12, %add3A_863 : vector<16xi32>
        %gather3A_865 = tpu.vector_load_idx %arg5[%add3A_864] : memref<81920xf32, #tpu.memory_space<vmem>>[vector<16xi32>], vector<16xf32>,
        %slice3A_866 = vector.extract_strided_slice %gather3A_865 {offsets = [0], sizes = [1], strides = [1]} : vector<16xf32> to vector<1xf32>
        %squeeze3A_867 = vector.extract %slice3A_866[0] : f32 from vector<1xf32>
        %slice3A_868 = vector.extract_strided_slice %gather3A_865 {offsets = [1], sizes = [1], strides = [1]} : vector<16xf32> to vector<1xf32>
        %squeeze3A_869 = vector.extract %slice3A_868[0] : f32 from vector<1xf32>
        %slice3A_870 = vector.extract_strided_slice %gather3A_865 {offsets = [2], sizes = [1], strides = [1]} : vector<16xf32> to vector<1xf32>
        %squeeze3A_871 = vector.extract %slice3A_870[0] : f32 from vector<1xf32>
        %slice3A_872 = vector.extract_strided_slice %gather3A_865 {offsets = [3], sizes = [1], strides = [1]} : vector<16xf32> to vector<1xf32>
        %squeeze3A_873 = vector.extract %slice3A_872[0] : f32 from vector<1xf32>
        %sub3A = arith.subf %squeeze3A_871, %squeeze3A_867 : f32
        %max3A_874 = arith.constant 0.000000e+00 : f32
        %max3A_875 = arith.maximumf %sub3A, %max3A_874 : f32
        %sub3A_876 = arith.subf %squeeze3A_873, %squeeze3A_869 : f32
        %max3A_877 = arith.constant 0.000000e+00 : f32
        %max3A_878 = arith.maximumf %sub3A_876, %max3A_877 : f32
        %mul3A_879 = arith.mulf %max3A_875, %max3A_878 : f32
        %lt3A = arith.constant 0 : i32
        %lt3A_880 = vector.broadcast %lt3A : i32 to vector<16xi32>
        %lt3A_881 = arith.cmpi slt, %iota3A, %lt3A_880 : vector<16xi32>
        %get3A_882 = arith.constant 0 : index
        %get3A_883 = tpu.vector_load %arg8[%get3A_882] {strides = array<i32>} : memref<448xf32, #tpu.memory_space<vmem>>, vector<16xf32>,
        %get3A_884 = arith.constant 112 : index
        %get3A_885 = tpu.vector_load %arg8[%get3A_884] {strides = array<i32>} : memref<448xf32, #tpu.memory_space<vmem>>, vector<16xf32>,
        %get3A_886 = arith.constant 224 : index
        %get3A_887 = tpu.vector_load %arg8[%get3A_886] {strides = array<i32>} : memref<448xf32, #tpu.memory_space<vmem>>, vector<16xf32>,
        %get3A_888 = arith.constant 336 : index
        %get3A_889 = tpu.vector_load %arg8[%get3A_888] {strides = array<i32>} : memref<448xf32, #tpu.memory_space<vmem>>, vector<16xf32>,
        %sub3A_890 = arith.subf %get3A_887, %get3A_883 : vector<16xf32>
        %max3A_891 = arith.constant 0.000000e+00 : f32
        %max3A_892 = vector.broadcast %max3A_891 : f32 to vector<16xf32>
        %max3A_893 = arith.maximumf %sub3A_890, %max3A_892 : vector<16xf32>
        %sub3A_894 = arith.subf %get3A_889, %get3A_885 : vector<16xf32>
        %max3A_895 = arith.constant 0.000000e+00 : f32
        %max3A_896 = vector.broadcast %max3A_895 : f32 to vector<16xf32>
        %max3A_897 = arith.maximumf %sub3A_894, %max3A_896 : vector<16xf32>
        %mul3A_898 = arith.mulf %max3A_893, %max3A_897 : vector<16xf32>
        %max3A_899 = vector.broadcast %squeeze3A_867 : f32 to vector<16xf32>
        %max3A_900 = arith.maximumf %get3A_883, %max3A_899 : vector<16xf32>
        %max3A_901 = vector.broadcast %squeeze3A_869 : f32 to vector<16xf32>
        %max3A_902 = arith.maximumf %get3A_885, %max3A_901 : vector<16xf32>
        %min3A_903 = vector.broadcast %squeeze3A_871 : f32 to vector<16xf32>
        %min3A_904 = arith.minimumf %get3A_887, %min3A_903 : vector<16xf32>
        %min3A_905 = vector.broadcast %squeeze3A_873 : f32 to vector<16xf32>
        %min3A_906 = arith.minimumf %get3A_889, %min3A_905 : vector<16xf32>
        %sub3A_907 = arith.subf %min3A_904, %max3A_900 : vector<16xf32>
        %max3A_908 = arith.constant 0.000000e+00 : f32
        %max3A_909 = vector.broadcast %max3A_908 : f32 to vector<16xf32>
        %max3A_910 = arith.maximumf %sub3A_907, %max3A_909 : vector<16xf32>
        %sub3A_911 = arith.subf %min3A_906, %max3A_902 : vector<16xf32>
        %max3A_912 = arith.constant 0.000000e+00 : f32
        %max3A_913 = vector.broadcast %max3A_912 : f32 to vector<16xf32>
        %max3A_914 = arith.maximumf %sub3A_911, %max3A_913 : vector<16xf32>
        %mul3A_915 = arith.mulf %max3A_910, %max3A_914 : vector<16xf32>
        %add3A_916 = vector.broadcast %mul3A_879 : f32 to vector<16xf32>
        %add3A_917 = arith.addf %mul3A_898, %add3A_916 : vector<16xf32>
        %sub3A_918 = arith.subf %add3A_917, %mul3A_915 : vector<16xf32>
        %max3A_919 = arith.constant 9.99999971E-10 : f32
        %max3A_920 = vector.broadcast %max3A_919 : f32 to vector<16xf32>
        %max3A_921 = arith.maximumf %sub3A_918, %max3A_920 : vector<16xf32>
        %add3A_922 = arith.addf %mul3A_915, %mul3A_915 : vector<16xf32>
        %sub3A_923 = arith.subf %add3A_922, %max3A_921 : vector<16xf32>
        %mul3A_924 = arith.constant 5.96046448E-8 : f32
        %mul3A_925 = vector.broadcast %mul3A_924 : f32 to vector<16xf32>
        %mul3A_926 = arith.mulf %max3A_921, %mul3A_925 : vector<16xf32>
        %gt3A_927 = arith.cmpf ogt, %sub3A_923, %mul3A_926 : vector<16xf32>
        %or3A = arith.ori %lt3A_881, %gt3A_927 : vector<16xi1>
        %get3A_928 = arith.constant 16 : index
        %get3A_929 = tpu.vector_load %arg8[%get3A_928] {strides = array<i32>} : memref<448xf32, #tpu.memory_space<vmem>>, vector<16xf32>,
        %get3A_930 = arith.constant 128 : index
        %get3A_931 = tpu.vector_load %arg8[%get3A_930] {strides = array<i32>} : memref<448xf32, #tpu.memory_space<vmem>>, vector<16xf32>,
        %get3A_932 = arith.constant 240 : index
        %get3A_933 = tpu.vector_load %arg8[%get3A_932] {strides = array<i32>} : memref<448xf32, #tpu.memory_space<vmem>>, vector<16xf32>,
        %get3A_934 = arith.constant 352 : index
        %get3A_935 = tpu.vector_load %arg8[%get3A_934] {strides = array<i32>} : memref<448xf32, #tpu.memory_space<vmem>>, vector<16xf32>,
        %sub3A_936 = arith.subf %get3A_933, %get3A_929 : vector<16xf32>
        %max3A_937 = arith.constant 0.000000e+00 : f32
        %max3A_938 = vector.broadcast %max3A_937 : f32 to vector<16xf32>
        %max3A_939 = arith.maximumf %sub3A_936, %max3A_938 : vector<16xf32>
        %sub3A_940 = arith.subf %get3A_935, %get3A_931 : vector<16xf32>
        %max3A_941 = arith.constant 0.000000e+00 : f32
        %max3A_942 = vector.broadcast %max3A_941 : f32 to vector<16xf32>
        %max3A_943 = arith.maximumf %sub3A_940, %max3A_942 : vector<16xf32>
        %mul3A_944 = arith.mulf %max3A_939, %max3A_943 : vector<16xf32>
        %max3A_945 = vector.broadcast %squeeze3A_867 : f32 to vector<16xf32>
        %max3A_946 = arith.maximumf %get3A_929, %max3A_945 : vector<16xf32>
        %max3A_947 = vector.broadcast %squeeze3A_869 : f32 to vector<16xf32>
        %max3A_948 = arith.maximumf %get3A_931, %max3A_947 : vector<16xf32>
        %min3A_949 = vector.broadcast %squeeze3A_871 : f32 to vector<16xf32>
        %min3A_950 = arith.minimumf %get3A_933, %min3A_949 : vector<16xf32>
        %min3A_951 = vector.broadcast %squeeze3A_873 : f32 to vector<16xf32>
        %min3A_952 = arith.minimumf %get3A_935, %min3A_951 : vector<16xf32>
        %sub3A_953 = arith.subf %min3A_950, %max3A_946 : vector<16xf32>
        %max3A_954 = arith.constant 0.000000e+00 : f32
        %max3A_955 = vector.broadcast %max3A_954 : f32 to vector<16xf32>
        %max3A_956 = arith.maximumf %sub3A_953, %max3A_955 : vector<16xf32>
        %sub3A_957 = arith.subf %min3A_952, %max3A_948 : vector<16xf32>
        %max3A_958 = arith.constant 0.000000e+00 : f32
        %max3A_959 = vector.broadcast %max3A_958 : f32 to vector<16xf32>
        %max3A_960 = arith.maximumf %sub3A_957, %max3A_959 : vector<16xf32>
        %mul3A_961 = arith.mulf %max3A_956, %max3A_960 : vector<16xf32>
        %add3A_962 = vector.broadcast %mul3A_879 : f32 to vector<16xf32>
        %add3A_963 = arith.addf %mul3A_944, %add3A_962 : vector<16xf32>
        %sub3A_964 = arith.subf %add3A_963, %mul3A_961 : vector<16xf32>
        %max3A_965 = arith.constant 9.99999971E-10 : f32
        %max3A_966 = vector.broadcast %max3A_965 : f32 to vector<16xf32>
        %max3A_967 = arith.maximumf %sub3A_964, %max3A_966 : vector<16xf32>
        %add3A_968 = arith.addf %mul3A_961, %mul3A_961 : vector<16xf32>
        %sub3A_969 = arith.subf %add3A_968, %max3A_967 : vector<16xf32>
        %mul3A_970 = arith.constant 5.96046448E-8 : f32
        %mul3A_971 = vector.broadcast %mul3A_970 : f32 to vector<16xf32>
        %mul3A_972 = arith.mulf %max3A_967, %mul3A_971 : vector<16xf32>
        %gt3A_973 = arith.cmpf ogt, %sub3A_969, %mul3A_972 : vector<16xf32>
        %or3A_974 = arith.ori %or3A, %gt3A_973 : vector<16xi1>
        %get3A_975 = arith.constant 32 : index
        %get3A_976 = tpu.vector_load %arg8[%get3A_975] {strides = array<i32>} : memref<448xf32, #tpu.memory_space<vmem>>, vector<16xf32>,
        %get3A_977 = arith.constant 144 : index
        %get3A_978 = tpu.vector_load %arg8[%get3A_977] {strides = array<i32>} : memref<448xf32, #tpu.memory_space<vmem>>, vector<16xf32>,
        %get3A_979 = arith.constant 256 : index
        %get3A_980 = tpu.vector_load %arg8[%get3A_979] {strides = array<i32>} : memref<448xf32, #tpu.memory_space<vmem>>, vector<16xf32>,
        %get3A_981 = arith.constant 368 : index
        %get3A_982 = tpu.vector_load %arg8[%get3A_981] {strides = array<i32>} : memref<448xf32, #tpu.memory_space<vmem>>, vector<16xf32>,
        %sub3A_983 = arith.subf %get3A_980, %get3A_976 : vector<16xf32>
        %max3A_984 = arith.constant 0.000000e+00 : f32
        %max3A_985 = vector.broadcast %max3A_984 : f32 to vector<16xf32>
        %max3A_986 = arith.maximumf %sub3A_983, %max3A_985 : vector<16xf32>
        %sub3A_987 = arith.subf %get3A_982, %get3A_978 : vector<16xf32>
        %max3A_988 = arith.constant 0.000000e+00 : f32
        %max3A_989 = vector.broadcast %max3A_988 : f32 to vector<16xf32>
        %max3A_990 = arith.maximumf %sub3A_987, %max3A_989 : vector<16xf32>
        %mul3A_991 = arith.mulf %max3A_986, %max3A_990 : vector<16xf32>
        %max3A_992 = vector.broadcast %squeeze3A_867 : f32 to vector<16xf32>
        %max3A_993 = arith.maximumf %get3A_976, %max3A_992 : vector<16xf32>
        %max3A_994 = vector.broadcast %squeeze3A_869 : f32 to vector<16xf32>
        %max3A_995 = arith.maximumf %get3A_978, %max3A_994 : vector<16xf32>
        %min3A_996 = vector.broadcast %squeeze3A_871 : f32 to vector<16xf32>
        %min3A_997 = arith.minimumf %get3A_980, %min3A_996 : vector<16xf32>
        %min3A_998 = vector.broadcast %squeeze3A_873 : f32 to vector<16xf32>
        %min3A_999 = arith.minimumf %get3A_982, %min3A_998 : vector<16xf32>
        %sub3A_1000 = arith.subf %min3A_997, %max3A_993 : vector<16xf32>
        %max3A_1001 = arith.constant 0.000000e+00 : f32
        %max3A_1002 = vector.broadcast %max3A_1001 : f32 to vector<16xf32>
        %max3A_1003 = arith.maximumf %sub3A_1000, %max3A_1002 : vector<16xf32>
        %sub3A_1004 = arith.subf %min3A_999, %max3A_995 : vector<16xf32>
        %max3A_1005 = arith.constant 0.000000e+00 : f32
        %max3A_1006 = vector.broadcast %max3A_1005 : f32 to vector<16xf32>
        %max3A_1007 = arith.maximumf %sub3A_1004, %max3A_1006 : vector<16xf32>
        %mul3A_1008 = arith.mulf %max3A_1003, %max3A_1007 : vector<16xf32>
        %add3A_1009 = vector.broadcast %mul3A_879 : f32 to vector<16xf32>
        %add3A_1010 = arith.addf %mul3A_991, %add3A_1009 : vector<16xf32>
        %sub3A_1011 = arith.subf %add3A_1010, %mul3A_1008 : vector<16xf32>
        %max3A_1012 = arith.constant 9.99999971E-10 : f32
        %max3A_1013 = vector.broadcast %max3A_1012 : f32 to vector<16xf32>
        %max3A_1014 = arith.maximumf %sub3A_1011, %max3A_1013 : vector<16xf32>
        %add3A_1015 = arith.addf %mul3A_1008, %mul3A_1008 : vector<16xf32>
        %sub3A_1016 = arith.subf %add3A_1015, %max3A_1014 : vector<16xf32>
        %mul3A_1017 = arith.constant 5.96046448E-8 : f32
        %mul3A_1018 = vector.broadcast %mul3A_1017 : f32 to vector<16xf32>
        %mul3A_1019 = arith.mulf %max3A_1014, %mul3A_1018 : vector<16xf32>
        %gt3A_1020 = arith.cmpf ogt, %sub3A_1016, %mul3A_1019 : vector<16xf32>
        %or3A_1021 = arith.ori %or3A_974, %gt3A_1020 : vector<16xi1>
        %get3A_1022 = arith.constant 48 : index
        %get3A_1023 = tpu.vector_load %arg8[%get3A_1022] {strides = array<i32>} : memref<448xf32, #tpu.memory_space<vmem>>, vector<16xf32>,
        %get3A_1024 = arith.constant 160 : index
        %get3A_1025 = tpu.vector_load %arg8[%get3A_1024] {strides = array<i32>} : memref<448xf32, #tpu.memory_space<vmem>>, vector<16xf32>,
        %get3A_1026 = arith.constant 272 : index
        %get3A_1027 = tpu.vector_load %arg8[%get3A_1026] {strides = array<i32>} : memref<448xf32, #tpu.memory_space<vmem>>, vector<16xf32>,
        %get3A_1028 = arith.constant 384 : index
        %get3A_1029 = tpu.vector_load %arg8[%get3A_1028] {strides = array<i32>} : memref<448xf32, #tpu.memory_space<vmem>>, vector<16xf32>,
        %sub3A_1030 = arith.subf %get3A_1027, %get3A_1023 : vector<16xf32>
        %max3A_1031 = arith.constant 0.000000e+00 : f32
        %max3A_1032 = vector.broadcast %max3A_1031 : f32 to vector<16xf32>
        %max3A_1033 = arith.maximumf %sub3A_1030, %max3A_1032 : vector<16xf32>
        %sub3A_1034 = arith.subf %get3A_1029, %get3A_1025 : vector<16xf32>
        %max3A_1035 = arith.constant 0.000000e+00 : f32
        %max3A_1036 = vector.broadcast %max3A_1035 : f32 to vector<16xf32>
        %max3A_1037 = arith.maximumf %sub3A_1034, %max3A_1036 : vector<16xf32>
        %mul3A_1038 = arith.mulf %max3A_1033, %max3A_1037 : vector<16xf32>
        %max3A_1039 = vector.broadcast %squeeze3A_867 : f32 to vector<16xf32>
        %max3A_1040 = arith.maximumf %get3A_1023, %max3A_1039 : vector<16xf32>
        %max3A_1041 = vector.broadcast %squeeze3A_869 : f32 to vector<16xf32>
        %max3A_1042 = arith.maximumf %get3A_1025, %max3A_1041 : vector<16xf32>
        %min3A_1043 = vector.broadcast %squeeze3A_871 : f32 to vector<16xf32>
        %min3A_1044 = arith.minimumf %get3A_1027, %min3A_1043 : vector<16xf32>
        %min3A_1045 = vector.broadcast %squeeze3A_873 : f32 to vector<16xf32>
        %min3A_1046 = arith.minimumf %get3A_1029, %min3A_1045 : vector<16xf32>
        %sub3A_1047 = arith.subf %min3A_1044, %max3A_1040 : vector<16xf32>
        %max3A_1048 = arith.constant 0.000000e+00 : f32
        %max3A_1049 = vector.broadcast %max3A_1048 : f32 to vector<16xf32>
        %max3A_1050 = arith.maximumf %sub3A_1047, %max3A_1049 : vector<16xf32>
        %sub3A_1051 = arith.subf %min3A_1046, %max3A_1042 : vector<16xf32>
        %max3A_1052 = arith.constant 0.000000e+00 : f32
        %max3A_1053 = vector.broadcast %max3A_1052 : f32 to vector<16xf32>
        %max3A_1054 = arith.maximumf %sub3A_1051, %max3A_1053 : vector<16xf32>
        %mul3A_1055 = arith.mulf %max3A_1050, %max3A_1054 : vector<16xf32>
        %add3A_1056 = vector.broadcast %mul3A_879 : f32 to vector<16xf32>
        %add3A_1057 = arith.addf %mul3A_1038, %add3A_1056 : vector<16xf32>
        %sub3A_1058 = arith.subf %add3A_1057, %mul3A_1055 : vector<16xf32>
        %max3A_1059 = arith.constant 9.99999971E-10 : f32
        %max3A_1060 = vector.broadcast %max3A_1059 : f32 to vector<16xf32>
        %max3A_1061 = arith.maximumf %sub3A_1058, %max3A_1060 : vector<16xf32>
        %add3A_1062 = arith.addf %mul3A_1055, %mul3A_1055 : vector<16xf32>
        %sub3A_1063 = arith.subf %add3A_1062, %max3A_1061 : vector<16xf32>
        %mul3A_1064 = arith.constant 5.96046448E-8 : f32
        %mul3A_1065 = vector.broadcast %mul3A_1064 : f32 to vector<16xf32>
        %mul3A_1066 = arith.mulf %max3A_1061, %mul3A_1065 : vector<16xf32>
        %gt3A_1067 = arith.cmpf ogt, %sub3A_1063, %mul3A_1066 : vector<16xf32>
        %or3A_1068 = arith.ori %or3A_1021, %gt3A_1067 : vector<16xi1>
        %get3A_1069 = arith.constant 64 : index
        %get3A_1070 = tpu.vector_load %arg8[%get3A_1069] {strides = array<i32>} : memref<448xf32, #tpu.memory_space<vmem>>, vector<16xf32>,
        %get3A_1071 = arith.constant 176 : index
        %get3A_1072 = tpu.vector_load %arg8[%get3A_1071] {strides = array<i32>} : memref<448xf32, #tpu.memory_space<vmem>>, vector<16xf32>,
        %get3A_1073 = arith.constant 288 : index
        %get3A_1074 = tpu.vector_load %arg8[%get3A_1073] {strides = array<i32>} : memref<448xf32, #tpu.memory_space<vmem>>, vector<16xf32>,
        %get3A_1075 = arith.constant 400 : index
        %get3A_1076 = tpu.vector_load %arg8[%get3A_1075] {strides = array<i32>} : memref<448xf32, #tpu.memory_space<vmem>>, vector<16xf32>,
        %sub3A_1077 = arith.subf %get3A_1074, %get3A_1070 : vector<16xf32>
        %max3A_1078 = arith.constant 0.000000e+00 : f32
        %max3A_1079 = vector.broadcast %max3A_1078 : f32 to vector<16xf32>
        %max3A_1080 = arith.maximumf %sub3A_1077, %max3A_1079 : vector<16xf32>
        %sub3A_1081 = arith.subf %get3A_1076, %get3A_1072 : vector<16xf32>
        %max3A_1082 = arith.constant 0.000000e+00 : f32
        %max3A_1083 = vector.broadcast %max3A_1082 : f32 to vector<16xf32>
        %max3A_1084 = arith.maximumf %sub3A_1081, %max3A_1083 : vector<16xf32>
        %mul3A_1085 = arith.mulf %max3A_1080, %max3A_1084 : vector<16xf32>
        %max3A_1086 = vector.broadcast %squeeze3A_867 : f32 to vector<16xf32>
        %max3A_1087 = arith.maximumf %get3A_1070, %max3A_1086 : vector<16xf32>
        %max3A_1088 = vector.broadcast %squeeze3A_869 : f32 to vector<16xf32>
        %max3A_1089 = arith.maximumf %get3A_1072, %max3A_1088 : vector<16xf32>
        %min3A_1090 = vector.broadcast %squeeze3A_871 : f32 to vector<16xf32>
        %min3A_1091 = arith.minimumf %get3A_1074, %min3A_1090 : vector<16xf32>
        %min3A_1092 = vector.broadcast %squeeze3A_873 : f32 to vector<16xf32>
        %min3A_1093 = arith.minimumf %get3A_1076, %min3A_1092 : vector<16xf32>
        %sub3A_1094 = arith.subf %min3A_1091, %max3A_1087 : vector<16xf32>
        %max3A_1095 = arith.constant 0.000000e+00 : f32
        %max3A_1096 = vector.broadcast %max3A_1095 : f32 to vector<16xf32>
        %max3A_1097 = arith.maximumf %sub3A_1094, %max3A_1096 : vector<16xf32>
        %sub3A_1098 = arith.subf %min3A_1093, %max3A_1089 : vector<16xf32>
        %max3A_1099 = arith.constant 0.000000e+00 : f32
        %max3A_1100 = vector.broadcast %max3A_1099 : f32 to vector<16xf32>
        %max3A_1101 = arith.maximumf %sub3A_1098, %max3A_1100 : vector<16xf32>
        %mul3A_1102 = arith.mulf %max3A_1097, %max3A_1101 : vector<16xf32>
        %add3A_1103 = vector.broadcast %mul3A_879 : f32 to vector<16xf32>
        %add3A_1104 = arith.addf %mul3A_1085, %add3A_1103 : vector<16xf32>
        %sub3A_1105 = arith.subf %add3A_1104, %mul3A_1102 : vector<16xf32>
        %max3A_1106 = arith.constant 9.99999971E-10 : f32
        %max3A_1107 = vector.broadcast %max3A_1106 : f32 to vector<16xf32>
        %max3A_1108 = arith.maximumf %sub3A_1105, %max3A_1107 : vector<16xf32>
        %add3A_1109 = arith.addf %mul3A_1102, %mul3A_1102 : vector<16xf32>
        %sub3A_1110 = arith.subf %add3A_1109, %max3A_1108 : vector<16xf32>
        %mul3A_1111 = arith.constant 5.96046448E-8 : f32
        %mul3A_1112 = vector.broadcast %mul3A_1111 : f32 to vector<16xf32>
        %mul3A_1113 = arith.mulf %max3A_1108, %mul3A_1112 : vector<16xf32>
        %gt3A_1114 = arith.cmpf ogt, %sub3A_1110, %mul3A_1113 : vector<16xf32>
        %or3A_1115 = arith.ori %or3A_1068, %gt3A_1114 : vector<16xi1>
        %get3A_1116 = arith.constant 80 : index
        %get3A_1117 = tpu.vector_load %arg8[%get3A_1116] {strides = array<i32>} : memref<448xf32, #tpu.memory_space<vmem>>, vector<16xf32>,
        %get3A_1118 = arith.constant 192 : index
        %get3A_1119 = tpu.vector_load %arg8[%get3A_1118] {strides = array<i32>} : memref<448xf32, #tpu.memory_space<vmem>>, vector<16xf32>,
        %get3A_1120 = arith.constant 304 : index
        %get3A_1121 = tpu.vector_load %arg8[%get3A_1120] {strides = array<i32>} : memref<448xf32, #tpu.memory_space<vmem>>, vector<16xf32>,
        %get3A_1122 = arith.constant 416 : index
        %get3A_1123 = tpu.vector_load %arg8[%get3A_1122] {strides = array<i32>} : memref<448xf32, #tpu.memory_space<vmem>>, vector<16xf32>,
        %sub3A_1124 = arith.subf %get3A_1121, %get3A_1117 : vector<16xf32>
        %max3A_1125 = arith.constant 0.000000e+00 : f32
        %max3A_1126 = vector.broadcast %max3A_1125 : f32 to vector<16xf32>
        %max3A_1127 = arith.maximumf %sub3A_1124, %max3A_1126 : vector<16xf32>
        %sub3A_1128 = arith.subf %get3A_1123, %get3A_1119 : vector<16xf32>
        %max3A_1129 = arith.constant 0.000000e+00 : f32
        %max3A_1130 = vector.broadcast %max3A_1129 : f32 to vector<16xf32>
        %max3A_1131 = arith.maximumf %sub3A_1128, %max3A_1130 : vector<16xf32>
        %mul3A_1132 = arith.mulf %max3A_1127, %max3A_1131 : vector<16xf32>
        %max3A_1133 = vector.broadcast %squeeze3A_867 : f32 to vector<16xf32>
        %max3A_1134 = arith.maximumf %get3A_1117, %max3A_1133 : vector<16xf32>
        %max3A_1135 = vector.broadcast %squeeze3A_869 : f32 to vector<16xf32>
        %max3A_1136 = arith.maximumf %get3A_1119, %max3A_1135 : vector<16xf32>
        %min3A_1137 = vector.broadcast %squeeze3A_871 : f32 to vector<16xf32>
        %min3A_1138 = arith.minimumf %get3A_1121, %min3A_1137 : vector<16xf32>
        %min3A_1139 = vector.broadcast %squeeze3A_873 : f32 to vector<16xf32>
        %min3A_1140 = arith.minimumf %get3A_1123, %min3A_1139 : vector<16xf32>
        %sub3A_1141 = arith.subf %min3A_1138, %max3A_1134 : vector<16xf32>
        %max3A_1142 = arith.constant 0.000000e+00 : f32
        %max3A_1143 = vector.broadcast %max3A_1142 : f32 to vector<16xf32>
        %max3A_1144 = arith.maximumf %sub3A_1141, %max3A_1143 : vector<16xf32>
        %sub3A_1145 = arith.subf %min3A_1140, %max3A_1136 : vector<16xf32>
        %max3A_1146 = arith.constant 0.000000e+00 : f32
        %max3A_1147 = vector.broadcast %max3A_1146 : f32 to vector<16xf32>
        %max3A_1148 = arith.maximumf %sub3A_1145, %max3A_1147 : vector<16xf32>
        %mul3A_1149 = arith.mulf %max3A_1144, %max3A_1148 : vector<16xf32>
        %add3A_1150 = vector.broadcast %mul3A_879 : f32 to vector<16xf32>
        %add3A_1151 = arith.addf %mul3A_1132, %add3A_1150 : vector<16xf32>
        %sub3A_1152 = arith.subf %add3A_1151, %mul3A_1149 : vector<16xf32>
        %max3A_1153 = arith.constant 9.99999971E-10 : f32
        %max3A_1154 = vector.broadcast %max3A_1153 : f32 to vector<16xf32>
        %max3A_1155 = arith.maximumf %sub3A_1152, %max3A_1154 : vector<16xf32>
        %add3A_1156 = arith.addf %mul3A_1149, %mul3A_1149 : vector<16xf32>
        %sub3A_1157 = arith.subf %add3A_1156, %max3A_1155 : vector<16xf32>
        %mul3A_1158 = arith.constant 5.96046448E-8 : f32
        %mul3A_1159 = vector.broadcast %mul3A_1158 : f32 to vector<16xf32>
        %mul3A_1160 = arith.mulf %max3A_1155, %mul3A_1159 : vector<16xf32>
        %gt3A_1161 = arith.cmpf ogt, %sub3A_1157, %mul3A_1160 : vector<16xf32>
        %or3A_1162 = arith.ori %or3A_1115, %gt3A_1161 : vector<16xi1>
        %get3A_1163 = arith.constant 96 : index
        %get3A_1164 = tpu.vector_load %arg8[%get3A_1163] {strides = array<i32>} : memref<448xf32, #tpu.memory_space<vmem>>, vector<16xf32>,
        %get3A_1165 = arith.constant 208 : index
        %get3A_1166 = tpu.vector_load %arg8[%get3A_1165] {strides = array<i32>} : memref<448xf32, #tpu.memory_space<vmem>>, vector<16xf32>,
        %get3A_1167 = arith.constant 320 : index
        %get3A_1168 = tpu.vector_load %arg8[%get3A_1167] {strides = array<i32>} : memref<448xf32, #tpu.memory_space<vmem>>, vector<16xf32>,
        %get3A_1169 = arith.constant 432 : index
        %get3A_1170 = tpu.vector_load %arg8[%get3A_1169] {strides = array<i32>} : memref<448xf32, #tpu.memory_space<vmem>>, vector<16xf32>,
        %sub3A_1171 = arith.subf %get3A_1168, %get3A_1164 : vector<16xf32>
        %max3A_1172 = arith.constant 0.000000e+00 : f32
        %max3A_1173 = vector.broadcast %max3A_1172 : f32 to vector<16xf32>
        %max3A_1174 = arith.maximumf %sub3A_1171, %max3A_1173 : vector<16xf32>
        %sub3A_1175 = arith.subf %get3A_1170, %get3A_1166 : vector<16xf32>
        %max3A_1176 = arith.constant 0.000000e+00 : f32
        %max3A_1177 = vector.broadcast %max3A_1176 : f32 to vector<16xf32>
        %max3A_1178 = arith.maximumf %sub3A_1175, %max3A_1177 : vector<16xf32>
        %mul3A_1179 = arith.mulf %max3A_1174, %max3A_1178 : vector<16xf32>
        %max3A_1180 = vector.broadcast %squeeze3A_867 : f32 to vector<16xf32>
        %max3A_1181 = arith.maximumf %get3A_1164, %max3A_1180 : vector<16xf32>
        %max3A_1182 = vector.broadcast %squeeze3A_869 : f32 to vector<16xf32>
        %max3A_1183 = arith.maximumf %get3A_1166, %max3A_1182 : vector<16xf32>
        %min3A_1184 = vector.broadcast %squeeze3A_871 : f32 to vector<16xf32>
        %min3A_1185 = arith.minimumf %get3A_1168, %min3A_1184 : vector<16xf32>
        %min3A_1186 = vector.broadcast %squeeze3A_873 : f32 to vector<16xf32>
        %min3A_1187 = arith.minimumf %get3A_1170, %min3A_1186 : vector<16xf32>
        %sub3A_1188 = arith.subf %min3A_1185, %max3A_1181 : vector<16xf32>
        %max3A_1189 = arith.constant 0.000000e+00 : f32
        %max3A_1190 = vector.broadcast %max3A_1189 : f32 to vector<16xf32>
        %max3A_1191 = arith.maximumf %sub3A_1188, %max3A_1190 : vector<16xf32>
        %sub3A_1192 = arith.subf %min3A_1187, %max3A_1183 : vector<16xf32>
        %max3A_1193 = arith.constant 0.000000e+00 : f32
        %max3A_1194 = vector.broadcast %max3A_1193 : f32 to vector<16xf32>
        %max3A_1195 = arith.maximumf %sub3A_1192, %max3A_1194 : vector<16xf32>
        %mul3A_1196 = arith.mulf %max3A_1191, %max3A_1195 : vector<16xf32>
        %add3A_1197 = vector.broadcast %mul3A_879 : f32 to vector<16xf32>
        %add3A_1198 = arith.addf %mul3A_1179, %add3A_1197 : vector<16xf32>
        %sub3A_1199 = arith.subf %add3A_1198, %mul3A_1196 : vector<16xf32>
        %max3A_1200 = arith.constant 9.99999971E-10 : f32
        %max3A_1201 = vector.broadcast %max3A_1200 : f32 to vector<16xf32>
        %max3A_1202 = arith.maximumf %sub3A_1199, %max3A_1201 : vector<16xf32>
        %add3A_1203 = arith.addf %mul3A_1196, %mul3A_1196 : vector<16xf32>
        %sub3A_1204 = arith.subf %add3A_1203, %max3A_1202 : vector<16xf32>
        %mul3A_1205 = arith.constant 5.96046448E-8 : f32
        %mul3A_1206 = vector.broadcast %mul3A_1205 : f32 to vector<16xf32>
        %mul3A_1207 = arith.mulf %max3A_1202, %mul3A_1206 : vector<16xf32>
        %gt3A_1208 = arith.cmpf ogt, %sub3A_1204, %mul3A_1207 : vector<16xf32>
        %or3A_1209 = arith.ori %or3A_1162, %gt3A_1208 : vector<16xi1>
        %all_reduce_population_count3A_1210 = tpu.all_reduce %or3A_1209 {dim = 0 : i64, kind = #tpu.reduction_kind<sum>} : vector<16xi1> -> vector<16xi32>
        %slice3A_1211 = vector.extract_strided_slice %all_reduce_population_count3A_1210 {offsets = [0], sizes = [1], strides = [1]} : vector<16xi32> to vector<1xi32>
        %squeeze3A_1212 = vector.extract %slice3A_1211[0] : i32 from vector<1xi32>
        %gt3A_1213 = arith.constant 0 : i32
        %gt3A_1214 = arith.cmpi sgt, %squeeze3A_1212, %gt3A_1213 : i32
        %gt3A_1215 = arith.constant 0xFF800000 : f32
        %gt3A_1216 = arith.cmpf ogt, %reduce_max3A_786, %gt3A_1215 : f32
        %and3A = arith.andi %gt3A_1214, %gt3A_1216 : i1
        %while3A:14 = scf.while (%while3A_1923 = %scan3A_775, %while3A_1924 = %scan3A_776, %while3A_1925 = %scan3A_777, %while3A_1926 = %scan3A_778, %while3A_1927 = %scan3A_779, %while3A_1928 = %reduce_max3A_786, %while3A_1929 = %add3A_862, %while3A_1930 = %add3A_835, %while3A_1931 = %add3A_848, %while3A_1932 = %min3A_845, %while3A_1933 = %min3A_859, %while3A_1934 = %get3A_838, %while3A_1935 = %get3A_852, %while3A_1936 = %and3A) : (vector<16xf32>, vector<16xf32>, vector<16xf32>, vector<16xf32>, vector<16xf32>, f32, i32, i32, i32, i32, i32, vector<16xf32>, vector<16xf32>, i1) -> (vector<16xf32>, vector<16xf32>, vector<16xf32>, vector<16xf32>, vector<16xf32>, f32, i32, i32, i32, i32, i32, vector<16xf32>, vector<16xf32>, i1) {
          scf.condition(%while3A_1936) %while3A_1923, %while3A_1924, %while3A_1925, %while3A_1926, %while3A_1927, %while3A_1928, %while3A_1929, %while3A_1930, %while3A_1931, %while3A_1932, %while3A_1933, %while3A_1934, %while3A_1935, %while3A_1936 : vector<16xf32>, vector<16xf32>, vector<16xf32>, vector<16xf32>, vector<16xf32>, f32, i32, i32, i32, i32, i32, vector<16xf32>, vector<16xf32>, i1
        } do {
        ^bb0(%while3A_1923: vector<16xf32>, %while3A_1924: vector<16xf32>, %while3A_1925: vector<16xf32>, %while3A_1926: vector<16xf32>, %while3A_1927: vector<16xf32>, %while3A_1928: f32, %while3A_1929: i32, %while3A_1930: i32, %while3A_1931: i32, %while3A_1932: i32, %while3A_1933: i32, %while3A_1934: vector<16xf32>, %while3A_1935: vector<16xf32>, %while3A_1936: i1):
          %broadcast_in_dim3A_1937 = vector.broadcast %while3A_1929 : i32 to vector<16xi32>
          tpu.vector_store_idx %arg6[%broadcast_in_dim3A_1937], %broadcast_in_dim3A_13 masked %eq3A_7 : memref<20480xf32, #tpu.memory_space<vmem>>[vector<16xi32>], vector<16xf32>, vector<16xi1>
          %eq3A_1938 = vector.broadcast %while3A_1933 : i32 to vector<16xi32>
          %eq3A_1939 = arith.cmpi eq, %iota3A, %eq3A_1938 : vector<16xi32>
          %jit3A_1940 = arith.constant 0xFF800000 : f32
          %broadcast_in_dim3A_1941 = vector.broadcast %jit3A_1940 : f32 to vector<16xf32>
          %select_n3A_1942 = arith.select %eq3A_1939, %broadcast_in_dim3A_1941, %while3A_1935 : vector<16xi1>, vector<16xf32>
          %ge3A_1943 = arith.constant 5.000000e-02 : f32
          %ge3A_1944 = vector.broadcast %ge3A_1943 : f32 to vector<16xf32>
          %ge3A_1945 = arith.cmpf oge, %select_n3A_1942, %ge3A_1944 : vector<16xf32>
          %jit3A_1946 = arith.constant 0xFF800000 : f32
          %broadcast_in_dim3A_1947 = vector.broadcast %jit3A_1946 : f32 to vector<16xf32>
          %select_n3A_1948 = arith.select %ge3A_1945, %select_n3A_1942, %broadcast_in_dim3A_1947 : vector<16xi1>, vector<16xf32>
          %reduce_max3A_1949 = arith.constant true
          %reduce_max3A_1950 = vector.broadcast %reduce_max3A_1949 : i1 to vector<16xi1>
          %reduce_max3A_1951 = tpu.scan <max>, %select_n3A_1948 masked %reduce_max3A_1950 : vector<16xf32>, vector<16xi1> -> vector<16xf32>
          %reduce_max3A_1952 = vector.extract %reduce_max3A_1951[15] : f32 from vector<16xf32>
          %broadcast_in_dim3A_1953 = vector.broadcast %while3A_1931 : i32 to vector<16xi32>
          %broadcast_in_dim3A_1954 = vector.broadcast %reduce_max3A_1952 : f32 to vector<16xf32>
          tpu.vector_store_idx %arg7[%broadcast_in_dim3A_1953], %broadcast_in_dim3A_1954 masked %eq3A_7 : memref<1280xf32, #tpu.memory_space<vmem>>[vector<16xi32>], vector<16xf32>, vector<16xi1>
          %eq3A_1955 = vector.broadcast %while3A_1932 : i32 to vector<16xi32>
          %eq3A_1956 = arith.cmpi eq, %iota3A, %eq3A_1955 : vector<16xi32>
          %broadcast_in_dim3A_1957 = vector.broadcast %reduce_max3A_1952 : f32 to vector<16xf32>
          %select_n3A_1958 = arith.select %eq3A_1956, %broadcast_in_dim3A_1957, %while3A_1934 : vector<16xi1>, vector<16xf32>
          %reduce_max3A_1959 = arith.constant true
          %reduce_max3A_1960 = vector.broadcast %reduce_max3A_1959 : i1 to vector<16xi1>
          %reduce_max3A_1961 = tpu.scan <max>, %select_n3A_1958 masked %reduce_max3A_1960 : vector<16xf32>, vector<16xi1> -> vector<16xf32>
          %reduce_max3A_1962 = vector.extract %reduce_max3A_1961[15] : f32 from vector<16xf32>
          %add3A_1963 = arith.constant 0 : i32
          %add3A_1964 = vector.broadcast %add3A_1963 : i32 to vector<16xi32>
          %add3A_1965 = arith.addi %add3A_1964, %iota3A : vector<16xi32>
          %eq3A_1966 = vector.broadcast %while3A_1930 : i32 to vector<16xi32>
          %eq3A_1967 = arith.cmpi eq, %add3A_1965, %eq3A_1966 : vector<16xi32>
          %broadcast_in_dim3A_1968 = vector.broadcast %reduce_max3A_1962 : f32 to vector<16xf32>
          %select_n3A_1969 = arith.select %eq3A_1967, %broadcast_in_dim3A_1968, %while3A_1923 : vector<16xi1>, vector<16xf32>
          %add3A_1970 = arith.constant 16 : i32
          %add3A_1971 = vector.broadcast %add3A_1970 : i32 to vector<16xi32>
          %add3A_1972 = arith.addi %add3A_1971, %iota3A : vector<16xi32>
          %eq3A_1973 = vector.broadcast %while3A_1930 : i32 to vector<16xi32>
          %eq3A_1974 = arith.cmpi eq, %add3A_1972, %eq3A_1973 : vector<16xi32>
          %broadcast_in_dim3A_1975 = vector.broadcast %reduce_max3A_1962 : f32 to vector<16xf32>
          %select_n3A_1976 = arith.select %eq3A_1974, %broadcast_in_dim3A_1975, %while3A_1924 : vector<16xi1>, vector<16xf32>
          %add3A_1977 = arith.constant 32 : i32
          %add3A_1978 = vector.broadcast %add3A_1977 : i32 to vector<16xi32>
          %add3A_1979 = arith.addi %add3A_1978, %iota3A : vector<16xi32>
          %eq3A_1980 = vector.broadcast %while3A_1930 : i32 to vector<16xi32>
          %eq3A_1981 = arith.cmpi eq, %add3A_1979, %eq3A_1980 : vector<16xi32>
          %broadcast_in_dim3A_1982 = vector.broadcast %reduce_max3A_1962 : f32 to vector<16xf32>
          %select_n3A_1983 = arith.select %eq3A_1981, %broadcast_in_dim3A_1982, %while3A_1925 : vector<16xi1>, vector<16xf32>
          %add3A_1984 = arith.constant 48 : i32
          %add3A_1985 = vector.broadcast %add3A_1984 : i32 to vector<16xi32>
          %add3A_1986 = arith.addi %add3A_1985, %iota3A : vector<16xi32>
          %eq3A_1987 = vector.broadcast %while3A_1930 : i32 to vector<16xi32>
          %eq3A_1988 = arith.cmpi eq, %add3A_1986, %eq3A_1987 : vector<16xi32>
          %broadcast_in_dim3A_1989 = vector.broadcast %reduce_max3A_1962 : f32 to vector<16xf32>
          %select_n3A_1990 = arith.select %eq3A_1988, %broadcast_in_dim3A_1989, %while3A_1926 : vector<16xi1>, vector<16xf32>
          %add3A_1991 = arith.constant 64 : i32
          %add3A_1992 = vector.broadcast %add3A_1991 : i32 to vector<16xi32>
          %add3A_1993 = arith.addi %add3A_1992, %iota3A : vector<16xi32>
          %eq3A_1994 = vector.broadcast %while3A_1930 : i32 to vector<16xi32>
          %eq3A_1995 = arith.cmpi eq, %add3A_1993, %eq3A_1994 : vector<16xi32>
          %broadcast_in_dim3A_1996 = vector.broadcast %reduce_max3A_1962 : f32 to vector<16xf32>
          %select_n3A_1997 = arith.select %eq3A_1995, %broadcast_in_dim3A_1996, %while3A_1927 : vector<16xi1>, vector<16xf32>
          %max3A_1998 = arith.maximumf %select_n3A_1969, %select_n3A_1976 : vector<16xf32>
          %max3A_1999 = arith.maximumf %select_n3A_1983, %select_n3A_1990 : vector<16xf32>
          %max3A_2000 = arith.maximumf %max3A_1998, %max3A_1999 : vector<16xf32>
          %max3A_2001 = arith.maximumf %max3A_2000, %select_n3A_1997 : vector<16xf32>
          %reduce_max3A_2002 = arith.constant true
          %reduce_max3A_2003 = vector.broadcast %reduce_max3A_2002 : i1 to vector<16xi1>
          %reduce_max3A_2004 = tpu.scan <max>, %max3A_2001 masked %reduce_max3A_2003 : vector<16xf32>, vector<16xi1> -> vector<16xf32>
          %reduce_max3A_2005 = vector.extract %reduce_max3A_2004[15] : f32 from vector<16xf32>
          %eq3A_2006 = vector.broadcast %reduce_max3A_2005 : f32 to vector<16xf32>
          %eq3A_2007 = arith.cmpf oeq, %select_n3A_1969, %eq3A_2006 : vector<16xf32>
          %eq3A_2008 = vector.broadcast %reduce_max3A_2005 : f32 to vector<16xf32>
          %eq3A_2009 = arith.cmpf oeq, %select_n3A_1976, %eq3A_2008 : vector<16xf32>
          %eq3A_2010 = vector.broadcast %reduce_max3A_2005 : f32 to vector<16xf32>
          %eq3A_2011 = arith.cmpf oeq, %select_n3A_1983, %eq3A_2010 : vector<16xf32>
          %eq3A_2012 = vector.broadcast %reduce_max3A_2005 : f32 to vector<16xf32>
          %eq3A_2013 = arith.cmpf oeq, %select_n3A_1990, %eq3A_2012 : vector<16xf32>
          %eq3A_2014 = vector.broadcast %reduce_max3A_2005 : f32 to vector<16xf32>
          %eq3A_2015 = arith.cmpf oeq, %select_n3A_1997, %eq3A_2014 : vector<16xf32>
          %all_reduce_population_count3A_2016 = tpu.all_reduce %eq3A_2007 {dim = 0 : i64, kind = #tpu.reduction_kind<sum>} : vector<16xi1> -> vector<16xi32>
          %slice3A_2017 = vector.extract_strided_slice %all_reduce_population_count3A_2016 {offsets = [0], sizes = [1], strides = [1]} : vector<16xi32> to vector<1xi32>
          %squeeze3A_2018 = vector.extract %slice3A_2017[0] : i32 from vector<1xi32>
          %gt3A_2019 = arith.constant 0 : i32
          %gt3A_2020 = arith.cmpi sgt, %squeeze3A_2018, %gt3A_2019 : i32
          %all_reduce_population_count3A_2021 = tpu.all_reduce %eq3A_2009 {dim = 0 : i64, kind = #tpu.reduction_kind<sum>} : vector<16xi1> -> vector<16xi32>
          %slice3A_2022 = vector.extract_strided_slice %all_reduce_population_count3A_2021 {offsets = [0], sizes = [1], strides = [1]} : vector<16xi32> to vector<1xi32>
          %squeeze3A_2023 = vector.extract %slice3A_2022[0] : i32 from vector<1xi32>
          %gt3A_2024 = arith.constant 0 : i32
          %gt3A_2025 = arith.cmpi sgt, %squeeze3A_2023, %gt3A_2024 : i32
          %all_reduce_population_count3A_2026 = tpu.all_reduce %eq3A_2011 {dim = 0 : i64, kind = #tpu.reduction_kind<sum>} : vector<16xi1> -> vector<16xi32>
          %slice3A_2027 = vector.extract_strided_slice %all_reduce_population_count3A_2026 {offsets = [0], sizes = [1], strides = [1]} : vector<16xi32> to vector<1xi32>
          %squeeze3A_2028 = vector.extract %slice3A_2027[0] : i32 from vector<1xi32>
          %gt3A_2029 = arith.constant 0 : i32
          %gt3A_2030 = arith.cmpi sgt, %squeeze3A_2028, %gt3A_2029 : i32
          %all_reduce_population_count3A_2031 = tpu.all_reduce %eq3A_2013 {dim = 0 : i64, kind = #tpu.reduction_kind<sum>} : vector<16xi1> -> vector<16xi32>
          %slice3A_2032 = vector.extract_strided_slice %all_reduce_population_count3A_2031 {offsets = [0], sizes = [1], strides = [1]} : vector<16xi32> to vector<1xi32>
          %squeeze3A_2033 = vector.extract %slice3A_2032[0] : i32 from vector<1xi32>
          %gt3A_2034 = arith.constant 0 : i32
          %gt3A_2035 = arith.cmpi sgt, %squeeze3A_2033, %gt3A_2034 : i32
          %all_reduce_population_count3A_2036 = tpu.all_reduce %eq3A_2015 {dim = 0 : i64, kind = #tpu.reduction_kind<sum>} : vector<16xi1> -> vector<16xi32>
          %slice3A_2037 = vector.extract_strided_slice %all_reduce_population_count3A_2036 {offsets = [0], sizes = [1], strides = [1]} : vector<16xi32> to vector<1xi32>
          %squeeze3A_2038 = vector.extract %slice3A_2037[0] : i32 from vector<1xi32>
          %gt3A_2039 = arith.constant 0 : i32
          %gt3A_2040 = arith.cmpi sgt, %squeeze3A_2038, %gt3A_2039 : i32
          %jit3A_2041 = arith.constant 3 : i32
          %jit3A_2042 = arith.constant 4 : i32
          %select_n3A_2043 = arith.select %gt3A_2035, %jit3A_2041, %jit3A_2042 : i32
          %jit3A_2044 = arith.constant 2 : i32
          %select_n3A_2045 = arith.select %gt3A_2030, %jit3A_2044, %select_n3A_2043 : i32
          %jit3A_2046 = arith.constant 1 : i32
          %select_n3A_2047 = arith.select %gt3A_2025, %jit3A_2046, %select_n3A_2045 : i32
          %jit3A_2048 = arith.constant 0 : i32
          %select_n3A_2049 = arith.select %gt3A_2020, %jit3A_2048, %select_n3A_2047 : i32
          %select_n3A_2050 = arith.select %gt3A_2035, %eq3A_2013, %eq3A_2015 : vector<16xi1>
          %select_n3A_2051 = arith.select %gt3A_2030, %eq3A_2011, %select_n3A_2050 : vector<16xi1>
          %select_n3A_2052 = arith.select %gt3A_2025, %eq3A_2009, %select_n3A_2051 : vector<16xi1>
          %select_n3A_2053 = arith.select %gt3A_2020, %eq3A_2007, %select_n3A_2052 : vector<16xi1>
          %all_reduce_ffs3A_2054 = tpu.all_reduce %select_n3A_2053 {dim = 0 : i64, kind = #tpu.reduction_kind<find_first_set>} : vector<16xi1> -> vector<16xi32>
          %slice3A_2055 = vector.extract_strided_slice %all_reduce_ffs3A_2054 {offsets = [0], sizes = [1], strides = [1]} : vector<16xi32> to vector<1xi32>
          %squeeze3A_2056 = vector.extract %slice3A_2055[0] : i32 from vector<1xi32>
          %min3A_2057 = arith.constant 15 : i32
          %min3A_2058 = arith.minsi %squeeze3A_2056, %min3A_2057 : i32
          %mul3A_2059 = arith.constant 16 : i32
          %mul3A_2060 = arith.muli %select_n3A_2049, %mul3A_2059 : i32
          %add3A_2061 = arith.addi %mul3A_2060, %min3A_2058 : i32
          %mul3A_2062 = arith.constant 16 : i32
          %mul3A_2063 = arith.muli %add3A_2061, %mul3A_2062 : i32
          %get3A_2064 = arith.index_cast %mul3A_2063 : i32 to index
          %get3A_2065 = tpu.vector_load %arg7[%get3A_2064] {strides = array<i32>} : memref<1280xf32, #tpu.memory_space<vmem>>, vector<16xf32>,
          %eq3A_2066 = vector.broadcast %reduce_max3A_2005 : f32 to vector<16xf32>
          %eq3A_2067 = arith.cmpf oeq, %get3A_2065, %eq3A_2066 : vector<16xf32>
          %all_reduce_ffs3A_2068 = tpu.all_reduce %eq3A_2067 {dim = 0 : i64, kind = #tpu.reduction_kind<find_first_set>} : vector<16xi1> -> vector<16xi32>
          %slice3A_2069 = vector.extract_strided_slice %all_reduce_ffs3A_2068 {offsets = [0], sizes = [1], strides = [1]} : vector<16xi32> to vector<1xi32>
          %squeeze3A_2070 = vector.extract %slice3A_2069[0] : i32 from vector<1xi32>
          %min3A_2071 = arith.constant 15 : i32
          %min3A_2072 = arith.minsi %squeeze3A_2070, %min3A_2071 : i32
          %mul3A_2073 = arith.constant 16 : i32
          %mul3A_2074 = arith.muli %add3A_2061, %mul3A_2073 : i32
          %add3A_2075 = arith.addi %mul3A_2074, %min3A_2072 : i32
          %mul3A_2076 = arith.constant 16 : i32
          %mul3A_2077 = arith.muli %add3A_2075, %mul3A_2076 : i32
          %get3A_2078 = arith.index_cast %mul3A_2077 : i32 to index
          %get3A_2079 = tpu.vector_load %arg6[%get3A_2078] {strides = array<i32>} : memref<20480xf32, #tpu.memory_space<vmem>>, vector<16xf32>,
          %eq3A_2080 = vector.broadcast %reduce_max3A_2005 : f32 to vector<16xf32>
          %eq3A_2081 = arith.cmpf oeq, %get3A_2079, %eq3A_2080 : vector<16xf32>
          %all_reduce_ffs3A_2082 = tpu.all_reduce %eq3A_2081 {dim = 0 : i64, kind = #tpu.reduction_kind<find_first_set>} : vector<16xi1> -> vector<16xi32>
          %slice3A_2083 = vector.extract_strided_slice %all_reduce_ffs3A_2082 {offsets = [0], sizes = [1], strides = [1]} : vector<16xi32> to vector<1xi32>
          %squeeze3A_2084 = vector.extract %slice3A_2083[0] : i32 from vector<1xi32>
          %min3A_2085 = arith.constant 15 : i32
          %min3A_2086 = arith.minsi %squeeze3A_2084, %min3A_2085 : i32
          %mul3A_2087 = arith.constant 16 : i32
          %mul3A_2088 = arith.muli %add3A_2075, %mul3A_2087 : i32
          %add3A_2089 = arith.addi %mul3A_2088, %min3A_2086 : i32
          %add3A_2090 = vector.broadcast %add3A_2089 : i32 to vector<16xi32>
          %add3A_2091 = arith.addi %mul3A_12, %add3A_2090 : vector<16xi32>
          %gather3A_2092 = tpu.vector_load_idx %arg5[%add3A_2091] : memref<81920xf32, #tpu.memory_space<vmem>>[vector<16xi32>], vector<16xf32>,
          %slice3A_2093 = vector.extract_strided_slice %gather3A_2092 {offsets = [0], sizes = [1], strides = [1]} : vector<16xf32> to vector<1xf32>
          %squeeze3A_2094 = vector.extract %slice3A_2093[0] : f32 from vector<1xf32>
          %slice3A_2095 = vector.extract_strided_slice %gather3A_2092 {offsets = [1], sizes = [1], strides = [1]} : vector<16xf32> to vector<1xf32>
          %squeeze3A_2096 = vector.extract %slice3A_2095[0] : f32 from vector<1xf32>
          %slice3A_2097 = vector.extract_strided_slice %gather3A_2092 {offsets = [2], sizes = [1], strides = [1]} : vector<16xf32> to vector<1xf32>
          %squeeze3A_2098 = vector.extract %slice3A_2097[0] : f32 from vector<1xf32>
          %slice3A_2099 = vector.extract_strided_slice %gather3A_2092 {offsets = [3], sizes = [1], strides = [1]} : vector<16xf32> to vector<1xf32>
          %squeeze3A_2100 = vector.extract %slice3A_2099[0] : f32 from vector<1xf32>
          %sub3A_2101 = arith.subf %squeeze3A_2098, %squeeze3A_2094 : f32
          %max3A_2102 = arith.constant 0.000000e+00 : f32
          %max3A_2103 = arith.maximumf %sub3A_2101, %max3A_2102 : f32
          %sub3A_2104 = arith.subf %squeeze3A_2100, %squeeze3A_2096 : f32
          %max3A_2105 = arith.constant 0.000000e+00 : f32
          %max3A_2106 = arith.maximumf %sub3A_2104, %max3A_2105 : f32
          %mul3A_2107 = arith.mulf %max3A_2103, %max3A_2106 : f32
          %lt3A_2108 = arith.constant 0 : i32
          %lt3A_2109 = vector.broadcast %lt3A_2108 : i32 to vector<16xi32>
          %lt3A_2110 = arith.cmpi slt, %iota3A, %lt3A_2109 : vector<16xi32>
          %get3A_2111 = arith.constant 0 : index
          %get3A_2112 = tpu.vector_load %arg8[%get3A_2111] {strides = array<i32>} : memref<448xf32, #tpu.memory_space<vmem>>, vector<16xf32>,
          %get3A_2113 = arith.constant 112 : index
          %get3A_2114 = tpu.vector_load %arg8[%get3A_2113] {strides = array<i32>} : memref<448xf32, #tpu.memory_space<vmem>>, vector<16xf32>,
          %get3A_2115 = arith.constant 224 : index
          %get3A_2116 = tpu.vector_load %arg8[%get3A_2115] {strides = array<i32>} : memref<448xf32, #tpu.memory_space<vmem>>, vector<16xf32>,
          %get3A_2117 = arith.constant 336 : index
          %get3A_2118 = tpu.vector_load %arg8[%get3A_2117] {strides = array<i32>} : memref<448xf32, #tpu.memory_space<vmem>>, vector<16xf32>,
          %sub3A_2119 = arith.subf %get3A_2116, %get3A_2112 : vector<16xf32>
          %max3A_2120 = arith.constant 0.000000e+00 : f32
          %max3A_2121 = vector.broadcast %max3A_2120 : f32 to vector<16xf32>
          %max3A_2122 = arith.maximumf %sub3A_2119, %max3A_2121 : vector<16xf32>
          %sub3A_2123 = arith.subf %get3A_2118, %get3A_2114 : vector<16xf32>
          %max3A_2124 = arith.constant 0.000000e+00 : f32
          %max3A_2125 = vector.broadcast %max3A_2124 : f32 to vector<16xf32>
          %max3A_2126 = arith.maximumf %sub3A_2123, %max3A_2125 : vector<16xf32>
          %mul3A_2127 = arith.mulf %max3A_2122, %max3A_2126 : vector<16xf32>
          %max3A_2128 = vector.broadcast %squeeze3A_2094 : f32 to vector<16xf32>
          %max3A_2129 = arith.maximumf %get3A_2112, %max3A_2128 : vector<16xf32>
          %max3A_2130 = vector.broadcast %squeeze3A_2096 : f32 to vector<16xf32>
          %max3A_2131 = arith.maximumf %get3A_2114, %max3A_2130 : vector<16xf32>
          %min3A_2132 = vector.broadcast %squeeze3A_2098 : f32 to vector<16xf32>
          %min3A_2133 = arith.minimumf %get3A_2116, %min3A_2132 : vector<16xf32>
          %min3A_2134 = vector.broadcast %squeeze3A_2100 : f32 to vector<16xf32>
          %min3A_2135 = arith.minimumf %get3A_2118, %min3A_2134 : vector<16xf32>
          %sub3A_2136 = arith.subf %min3A_2133, %max3A_2129 : vector<16xf32>
          %max3A_2137 = arith.constant 0.000000e+00 : f32
          %max3A_2138 = vector.broadcast %max3A_2137 : f32 to vector<16xf32>
          %max3A_2139 = arith.maximumf %sub3A_2136, %max3A_2138 : vector<16xf32>
          %sub3A_2140 = arith.subf %min3A_2135, %max3A_2131 : vector<16xf32>
          %max3A_2141 = arith.constant 0.000000e+00 : f32
          %max3A_2142 = vector.broadcast %max3A_2141 : f32 to vector<16xf32>
          %max3A_2143 = arith.maximumf %sub3A_2140, %max3A_2142 : vector<16xf32>
          %mul3A_2144 = arith.mulf %max3A_2139, %max3A_2143 : vector<16xf32>
          %add3A_2145 = vector.broadcast %mul3A_2107 : f32 to vector<16xf32>
          %add3A_2146 = arith.addf %mul3A_2127, %add3A_2145 : vector<16xf32>
          %sub3A_2147 = arith.subf %add3A_2146, %mul3A_2144 : vector<16xf32>
          %max3A_2148 = arith.constant 9.99999971E-10 : f32
          %max3A_2149 = vector.broadcast %max3A_2148 : f32 to vector<16xf32>
          %max3A_2150 = arith.maximumf %sub3A_2147, %max3A_2149 : vector<16xf32>
          %add3A_2151 = arith.addf %mul3A_2144, %mul3A_2144 : vector<16xf32>
          %sub3A_2152 = arith.subf %add3A_2151, %max3A_2150 : vector<16xf32>
          %mul3A_2153 = arith.constant 5.96046448E-8 : f32
          %mul3A_2154 = vector.broadcast %mul3A_2153 : f32 to vector<16xf32>
          %mul3A_2155 = arith.mulf %max3A_2150, %mul3A_2154 : vector<16xf32>
          %gt3A_2156 = arith.cmpf ogt, %sub3A_2152, %mul3A_2155 : vector<16xf32>
          %or3A_2157 = arith.ori %lt3A_2110, %gt3A_2156 : vector<16xi1>
          %get3A_2158 = arith.constant 16 : index
          %get3A_2159 = tpu.vector_load %arg8[%get3A_2158] {strides = array<i32>} : memref<448xf32, #tpu.memory_space<vmem>>, vector<16xf32>,
          %get3A_2160 = arith.constant 128 : index
          %get3A_2161 = tpu.vector_load %arg8[%get3A_2160] {strides = array<i32>} : memref<448xf32, #tpu.memory_space<vmem>>, vector<16xf32>,
          %get3A_2162 = arith.constant 240 : index
          %get3A_2163 = tpu.vector_load %arg8[%get3A_2162] {strides = array<i32>} : memref<448xf32, #tpu.memory_space<vmem>>, vector<16xf32>,
          %get3A_2164 = arith.constant 352 : index
          %get3A_2165 = tpu.vector_load %arg8[%get3A_2164] {strides = array<i32>} : memref<448xf32, #tpu.memory_space<vmem>>, vector<16xf32>,
          %sub3A_2166 = arith.subf %get3A_2163, %get3A_2159 : vector<16xf32>
          %max3A_2167 = arith.constant 0.000000e+00 : f32
          %max3A_2168 = vector.broadcast %max3A_2167 : f32 to vector<16xf32>
          %max3A_2169 = arith.maximumf %sub3A_2166, %max3A_2168 : vector<16xf32>
          %sub3A_2170 = arith.subf %get3A_2165, %get3A_2161 : vector<16xf32>
          %max3A_2171 = arith.constant 0.000000e+00 : f32
          %max3A_2172 = vector.broadcast %max3A_2171 : f32 to vector<16xf32>
          %max3A_2173 = arith.maximumf %sub3A_2170, %max3A_2172 : vector<16xf32>
          %mul3A_2174 = arith.mulf %max3A_2169, %max3A_2173 : vector<16xf32>
          %max3A_2175 = vector.broadcast %squeeze3A_2094 : f32 to vector<16xf32>
          %max3A_2176 = arith.maximumf %get3A_2159, %max3A_2175 : vector<16xf32>
          %max3A_2177 = vector.broadcast %squeeze3A_2096 : f32 to vector<16xf32>
          %max3A_2178 = arith.maximumf %get3A_2161, %max3A_2177 : vector<16xf32>
          %min3A_2179 = vector.broadcast %squeeze3A_2098 : f32 to vector<16xf32>
          %min3A_2180 = arith.minimumf %get3A_2163, %min3A_2179 : vector<16xf32>
          %min3A_2181 = vector.broadcast %squeeze3A_2100 : f32 to vector<16xf32>
          %min3A_2182 = arith.minimumf %get3A_2165, %min3A_2181 : vector<16xf32>
          %sub3A_2183 = arith.subf %min3A_2180, %max3A_2176 : vector<16xf32>
          %max3A_2184 = arith.constant 0.000000e+00 : f32
          %max3A_2185 = vector.broadcast %max3A_2184 : f32 to vector<16xf32>
          %max3A_2186 = arith.maximumf %sub3A_2183, %max3A_2185 : vector<16xf32>
          %sub3A_2187 = arith.subf %min3A_2182, %max3A_2178 : vector<16xf32>
          %max3A_2188 = arith.constant 0.000000e+00 : f32
          %max3A_2189 = vector.broadcast %max3A_2188 : f32 to vector<16xf32>
          %max3A_2190 = arith.maximumf %sub3A_2187, %max3A_2189 : vector<16xf32>
          %mul3A_2191 = arith.mulf %max3A_2186, %max3A_2190 : vector<16xf32>
          %add3A_2192 = vector.broadcast %mul3A_2107 : f32 to vector<16xf32>
          %add3A_2193 = arith.addf %mul3A_2174, %add3A_2192 : vector<16xf32>
          %sub3A_2194 = arith.subf %add3A_2193, %mul3A_2191 : vector<16xf32>
          %max3A_2195 = arith.constant 9.99999971E-10 : f32
          %max3A_2196 = vector.broadcast %max3A_2195 : f32 to vector<16xf32>
          %max3A_2197 = arith.maximumf %sub3A_2194, %max3A_2196 : vector<16xf32>
          %add3A_2198 = arith.addf %mul3A_2191, %mul3A_2191 : vector<16xf32>
          %sub3A_2199 = arith.subf %add3A_2198, %max3A_2197 : vector<16xf32>
          %mul3A_2200 = arith.constant 5.96046448E-8 : f32
          %mul3A_2201 = vector.broadcast %mul3A_2200 : f32 to vector<16xf32>
          %mul3A_2202 = arith.mulf %max3A_2197, %mul3A_2201 : vector<16xf32>
          %gt3A_2203 = arith.cmpf ogt, %sub3A_2199, %mul3A_2202 : vector<16xf32>
          %or3A_2204 = arith.ori %or3A_2157, %gt3A_2203 : vector<16xi1>
          %get3A_2205 = arith.constant 32 : index
          %get3A_2206 = tpu.vector_load %arg8[%get3A_2205] {strides = array<i32>} : memref<448xf32, #tpu.memory_space<vmem>>, vector<16xf32>,
          %get3A_2207 = arith.constant 144 : index
          %get3A_2208 = tpu.vector_load %arg8[%get3A_2207] {strides = array<i32>} : memref<448xf32, #tpu.memory_space<vmem>>, vector<16xf32>,
          %get3A_2209 = arith.constant 256 : index
          %get3A_2210 = tpu.vector_load %arg8[%get3A_2209] {strides = array<i32>} : memref<448xf32, #tpu.memory_space<vmem>>, vector<16xf32>,
          %get3A_2211 = arith.constant 368 : index
          %get3A_2212 = tpu.vector_load %arg8[%get3A_2211] {strides = array<i32>} : memref<448xf32, #tpu.memory_space<vmem>>, vector<16xf32>,
          %sub3A_2213 = arith.subf %get3A_2210, %get3A_2206 : vector<16xf32>
          %max3A_2214 = arith.constant 0.000000e+00 : f32
          %max3A_2215 = vector.broadcast %max3A_2214 : f32 to vector<16xf32>
          %max3A_2216 = arith.maximumf %sub3A_2213, %max3A_2215 : vector<16xf32>
          %sub3A_2217 = arith.subf %get3A_2212, %get3A_2208 : vector<16xf32>
          %max3A_2218 = arith.constant 0.000000e+00 : f32
          %max3A_2219 = vector.broadcast %max3A_2218 : f32 to vector<16xf32>
          %max3A_2220 = arith.maximumf %sub3A_2217, %max3A_2219 : vector<16xf32>
          %mul3A_2221 = arith.mulf %max3A_2216, %max3A_2220 : vector<16xf32>
          %max3A_2222 = vector.broadcast %squeeze3A_2094 : f32 to vector<16xf32>
          %max3A_2223 = arith.maximumf %get3A_2206, %max3A_2222 : vector<16xf32>
          %max3A_2224 = vector.broadcast %squeeze3A_2096 : f32 to vector<16xf32>
          %max3A_2225 = arith.maximumf %get3A_2208, %max3A_2224 : vector<16xf32>
          %min3A_2226 = vector.broadcast %squeeze3A_2098 : f32 to vector<16xf32>
          %min3A_2227 = arith.minimumf %get3A_2210, %min3A_2226 : vector<16xf32>
          %min3A_2228 = vector.broadcast %squeeze3A_2100 : f32 to vector<16xf32>
          %min3A_2229 = arith.minimumf %get3A_2212, %min3A_2228 : vector<16xf32>
          %sub3A_2230 = arith.subf %min3A_2227, %max3A_2223 : vector<16xf32>
          %max3A_2231 = arith.constant 0.000000e+00 : f32
          %max3A_2232 = vector.broadcast %max3A_2231 : f32 to vector<16xf32>
          %max3A_2233 = arith.maximumf %sub3A_2230, %max3A_2232 : vector<16xf32>
          %sub3A_2234 = arith.subf %min3A_2229, %max3A_2225 : vector<16xf32>
          %max3A_2235 = arith.constant 0.000000e+00 : f32
          %max3A_2236 = vector.broadcast %max3A_2235 : f32 to vector<16xf32>
          %max3A_2237 = arith.maximumf %sub3A_2234, %max3A_2236 : vector<16xf32>
          %mul3A_2238 = arith.mulf %max3A_2233, %max3A_2237 : vector<16xf32>
          %add3A_2239 = vector.broadcast %mul3A_2107 : f32 to vector<16xf32>
          %add3A_2240 = arith.addf %mul3A_2221, %add3A_2239 : vector<16xf32>
          %sub3A_2241 = arith.subf %add3A_2240, %mul3A_2238 : vector<16xf32>
          %max3A_2242 = arith.constant 9.99999971E-10 : f32
          %max3A_2243 = vector.broadcast %max3A_2242 : f32 to vector<16xf32>
          %max3A_2244 = arith.maximumf %sub3A_2241, %max3A_2243 : vector<16xf32>
          %add3A_2245 = arith.addf %mul3A_2238, %mul3A_2238 : vector<16xf32>
          %sub3A_2246 = arith.subf %add3A_2245, %max3A_2244 : vector<16xf32>
          %mul3A_2247 = arith.constant 5.96046448E-8 : f32
          %mul3A_2248 = vector.broadcast %mul3A_2247 : f32 to vector<16xf32>
          %mul3A_2249 = arith.mulf %max3A_2244, %mul3A_2248 : vector<16xf32>
          %gt3A_2250 = arith.cmpf ogt, %sub3A_2246, %mul3A_2249 : vector<16xf32>
          %or3A_2251 = arith.ori %or3A_2204, %gt3A_2250 : vector<16xi1>
          %get3A_2252 = arith.constant 48 : index
          %get3A_2253 = tpu.vector_load %arg8[%get3A_2252] {strides = array<i32>} : memref<448xf32, #tpu.memory_space<vmem>>, vector<16xf32>,
          %get3A_2254 = arith.constant 160 : index
          %get3A_2255 = tpu.vector_load %arg8[%get3A_2254] {strides = array<i32>} : memref<448xf32, #tpu.memory_space<vmem>>, vector<16xf32>,
          %get3A_2256 = arith.constant 272 : index
          %get3A_2257 = tpu.vector_load %arg8[%get3A_2256] {strides = array<i32>} : memref<448xf32, #tpu.memory_space<vmem>>, vector<16xf32>,
          %get3A_2258 = arith.constant 384 : index
          %get3A_2259 = tpu.vector_load %arg8[%get3A_2258] {strides = array<i32>} : memref<448xf32, #tpu.memory_space<vmem>>, vector<16xf32>,
          %sub3A_2260 = arith.subf %get3A_2257, %get3A_2253 : vector<16xf32>
          %max3A_2261 = arith.constant 0.000000e+00 : f32
          %max3A_2262 = vector.broadcast %max3A_2261 : f32 to vector<16xf32>
          %max3A_2263 = arith.maximumf %sub3A_2260, %max3A_2262 : vector<16xf32>
          %sub3A_2264 = arith.subf %get3A_2259, %get3A_2255 : vector<16xf32>
          %max3A_2265 = arith.constant 0.000000e+00 : f32
          %max3A_2266 = vector.broadcast %max3A_2265 : f32 to vector<16xf32>
          %max3A_2267 = arith.maximumf %sub3A_2264, %max3A_2266 : vector<16xf32>
          %mul3A_2268 = arith.mulf %max3A_2263, %max3A_2267 : vector<16xf32>
          %max3A_2269 = vector.broadcast %squeeze3A_2094 : f32 to vector<16xf32>
          %max3A_2270 = arith.maximumf %get3A_2253, %max3A_2269 : vector<16xf32>
          %max3A_2271 = vector.broadcast %squeeze3A_2096 : f32 to vector<16xf32>
          %max3A_2272 = arith.maximumf %get3A_2255, %max3A_2271 : vector<16xf32>
          %min3A_2273 = vector.broadcast %squeeze3A_2098 : f32 to vector<16xf32>
          %min3A_2274 = arith.minimumf %get3A_2257, %min3A_2273 : vector<16xf32>
          %min3A_2275 = vector.broadcast %squeeze3A_2100 : f32 to vector<16xf32>
          %min3A_2276 = arith.minimumf %get3A_2259, %min3A_2275 : vector<16xf32>
          %sub3A_2277 = arith.subf %min3A_2274, %max3A_2270 : vector<16xf32>
          %max3A_2278 = arith.constant 0.000000e+00 : f32
          %max3A_2279 = vector.broadcast %max3A_2278 : f32 to vector<16xf32>
          %max3A_2280 = arith.maximumf %sub3A_2277, %max3A_2279 : vector<16xf32>
          %sub3A_2281 = arith.subf %min3A_2276, %max3A_2272 : vector<16xf32>
          %max3A_2282 = arith.constant 0.000000e+00 : f32
          %max3A_2283 = vector.broadcast %max3A_2282 : f32 to vector<16xf32>
          %max3A_2284 = arith.maximumf %sub3A_2281, %max3A_2283 : vector<16xf32>
          %mul3A_2285 = arith.mulf %max3A_2280, %max3A_2284 : vector<16xf32>
          %add3A_2286 = vector.broadcast %mul3A_2107 : f32 to vector<16xf32>
          %add3A_2287 = arith.addf %mul3A_2268, %add3A_2286 : vector<16xf32>
          %sub3A_2288 = arith.subf %add3A_2287, %mul3A_2285 : vector<16xf32>
          %max3A_2289 = arith.constant 9.99999971E-10 : f32
          %max3A_2290 = vector.broadcast %max3A_2289 : f32 to vector<16xf32>
          %max3A_2291 = arith.maximumf %sub3A_2288, %max3A_2290 : vector<16xf32>
          %add3A_2292 = arith.addf %mul3A_2285, %mul3A_2285 : vector<16xf32>
          %sub3A_2293 = arith.subf %add3A_2292, %max3A_2291 : vector<16xf32>
          %mul3A_2294 = arith.constant 5.96046448E-8 : f32
          %mul3A_2295 = vector.broadcast %mul3A_2294 : f32 to vector<16xf32>
          %mul3A_2296 = arith.mulf %max3A_2291, %mul3A_2295 : vector<16xf32>
          %gt3A_2297 = arith.cmpf ogt, %sub3A_2293, %mul3A_2296 : vector<16xf32>
          %or3A_2298 = arith.ori %or3A_2251, %gt3A_2297 : vector<16xi1>
          %get3A_2299 = arith.constant 64 : index
          %get3A_2300 = tpu.vector_load %arg8[%get3A_2299] {strides = array<i32>} : memref<448xf32, #tpu.memory_space<vmem>>, vector<16xf32>,
          %get3A_2301 = arith.constant 176 : index
          %get3A_2302 = tpu.vector_load %arg8[%get3A_2301] {strides = array<i32>} : memref<448xf32, #tpu.memory_space<vmem>>, vector<16xf32>,
          %get3A_2303 = arith.constant 288 : index
          %get3A_2304 = tpu.vector_load %arg8[%get3A_2303] {strides = array<i32>} : memref<448xf32, #tpu.memory_space<vmem>>, vector<16xf32>,
          %get3A_2305 = arith.constant 400 : index
          %get3A_2306 = tpu.vector_load %arg8[%get3A_2305] {strides = array<i32>} : memref<448xf32, #tpu.memory_space<vmem>>, vector<16xf32>,
          %sub3A_2307 = arith.subf %get3A_2304, %get3A_2300 : vector<16xf32>
          %max3A_2308 = arith.constant 0.000000e+00 : f32
          %max3A_2309 = vector.broadcast %max3A_2308 : f32 to vector<16xf32>
          %max3A_2310 = arith.maximumf %sub3A_2307, %max3A_2309 : vector<16xf32>
          %sub3A_2311 = arith.subf %get3A_2306, %get3A_2302 : vector<16xf32>
          %max3A_2312 = arith.constant 0.000000e+00 : f32
          %max3A_2313 = vector.broadcast %max3A_2312 : f32 to vector<16xf32>
          %max3A_2314 = arith.maximumf %sub3A_2311, %max3A_2313 : vector<16xf32>
          %mul3A_2315 = arith.mulf %max3A_2310, %max3A_2314 : vector<16xf32>
          %max3A_2316 = vector.broadcast %squeeze3A_2094 : f32 to vector<16xf32>
          %max3A_2317 = arith.maximumf %get3A_2300, %max3A_2316 : vector<16xf32>
          %max3A_2318 = vector.broadcast %squeeze3A_2096 : f32 to vector<16xf32>
          %max3A_2319 = arith.maximumf %get3A_2302, %max3A_2318 : vector<16xf32>
          %min3A_2320 = vector.broadcast %squeeze3A_2098 : f32 to vector<16xf32>
          %min3A_2321 = arith.minimumf %get3A_2304, %min3A_2320 : vector<16xf32>
          %min3A_2322 = vector.broadcast %squeeze3A_2100 : f32 to vector<16xf32>
          %min3A_2323 = arith.minimumf %get3A_2306, %min3A_2322 : vector<16xf32>
          %sub3A_2324 = arith.subf %min3A_2321, %max3A_2317 : vector<16xf32>
          %max3A_2325 = arith.constant 0.000000e+00 : f32
          %max3A_2326 = vector.broadcast %max3A_2325 : f32 to vector<16xf32>
          %max3A_2327 = arith.maximumf %sub3A_2324, %max3A_2326 : vector<16xf32>
          %sub3A_2328 = arith.subf %min3A_2323, %max3A_2319 : vector<16xf32>
          %max3A_2329 = arith.constant 0.000000e+00 : f32
          %max3A_2330 = vector.broadcast %max3A_2329 : f32 to vector<16xf32>
          %max3A_2331 = arith.maximumf %sub3A_2328, %max3A_2330 : vector<16xf32>
          %mul3A_2332 = arith.mulf %max3A_2327, %max3A_2331 : vector<16xf32>
          %add3A_2333 = vector.broadcast %mul3A_2107 : f32 to vector<16xf32>
          %add3A_2334 = arith.addf %mul3A_2315, %add3A_2333 : vector<16xf32>
          %sub3A_2335 = arith.subf %add3A_2334, %mul3A_2332 : vector<16xf32>
          %max3A_2336 = arith.constant 9.99999971E-10 : f32
          %max3A_2337 = vector.broadcast %max3A_2336 : f32 to vector<16xf32>
          %max3A_2338 = arith.maximumf %sub3A_2335, %max3A_2337 : vector<16xf32>
          %add3A_2339 = arith.addf %mul3A_2332, %mul3A_2332 : vector<16xf32>
          %sub3A_2340 = arith.subf %add3A_2339, %max3A_2338 : vector<16xf32>
          %mul3A_2341 = arith.constant 5.96046448E-8 : f32
          %mul3A_2342 = vector.broadcast %mul3A_2341 : f32 to vector<16xf32>
          %mul3A_2343 = arith.mulf %max3A_2338, %mul3A_2342 : vector<16xf32>
          %gt3A_2344 = arith.cmpf ogt, %sub3A_2340, %mul3A_2343 : vector<16xf32>
          %or3A_2345 = arith.ori %or3A_2298, %gt3A_2344 : vector<16xi1>
          %get3A_2346 = arith.constant 80 : index
          %get3A_2347 = tpu.vector_load %arg8[%get3A_2346] {strides = array<i32>} : memref<448xf32, #tpu.memory_space<vmem>>, vector<16xf32>,
          %get3A_2348 = arith.constant 192 : index
          %get3A_2349 = tpu.vector_load %arg8[%get3A_2348] {strides = array<i32>} : memref<448xf32, #tpu.memory_space<vmem>>, vector<16xf32>,
          %get3A_2350 = arith.constant 304 : index
          %get3A_2351 = tpu.vector_load %arg8[%get3A_2350] {strides = array<i32>} : memref<448xf32, #tpu.memory_space<vmem>>, vector<16xf32>,
          %get3A_2352 = arith.constant 416 : index
          %get3A_2353 = tpu.vector_load %arg8[%get3A_2352] {strides = array<i32>} : memref<448xf32, #tpu.memory_space<vmem>>, vector<16xf32>,
          %sub3A_2354 = arith.subf %get3A_2351, %get3A_2347 : vector<16xf32>
          %max3A_2355 = arith.constant 0.000000e+00 : f32
          %max3A_2356 = vector.broadcast %max3A_2355 : f32 to vector<16xf32>
          %max3A_2357 = arith.maximumf %sub3A_2354, %max3A_2356 : vector<16xf32>
          %sub3A_2358 = arith.subf %get3A_2353, %get3A_2349 : vector<16xf32>
          %max3A_2359 = arith.constant 0.000000e+00 : f32
          %max3A_2360 = vector.broadcast %max3A_2359 : f32 to vector<16xf32>
          %max3A_2361 = arith.maximumf %sub3A_2358, %max3A_2360 : vector<16xf32>
          %mul3A_2362 = arith.mulf %max3A_2357, %max3A_2361 : vector<16xf32>
          %max3A_2363 = vector.broadcast %squeeze3A_2094 : f32 to vector<16xf32>
          %max3A_2364 = arith.maximumf %get3A_2347, %max3A_2363 : vector<16xf32>
          %max3A_2365 = vector.broadcast %squeeze3A_2096 : f32 to vector<16xf32>
          %max3A_2366 = arith.maximumf %get3A_2349, %max3A_2365 : vector<16xf32>
          %min3A_2367 = vector.broadcast %squeeze3A_2098 : f32 to vector<16xf32>
          %min3A_2368 = arith.minimumf %get3A_2351, %min3A_2367 : vector<16xf32>
          %min3A_2369 = vector.broadcast %squeeze3A_2100 : f32 to vector<16xf32>
          %min3A_2370 = arith.minimumf %get3A_2353, %min3A_2369 : vector<16xf32>
          %sub3A_2371 = arith.subf %min3A_2368, %max3A_2364 : vector<16xf32>
          %max3A_2372 = arith.constant 0.000000e+00 : f32
          %max3A_2373 = vector.broadcast %max3A_2372 : f32 to vector<16xf32>
          %max3A_2374 = arith.maximumf %sub3A_2371, %max3A_2373 : vector<16xf32>
          %sub3A_2375 = arith.subf %min3A_2370, %max3A_2366 : vector<16xf32>
          %max3A_2376 = arith.constant 0.000000e+00 : f32
          %max3A_2377 = vector.broadcast %max3A_2376 : f32 to vector<16xf32>
          %max3A_2378 = arith.maximumf %sub3A_2375, %max3A_2377 : vector<16xf32>
          %mul3A_2379 = arith.mulf %max3A_2374, %max3A_2378 : vector<16xf32>
          %add3A_2380 = vector.broadcast %mul3A_2107 : f32 to vector<16xf32>
          %add3A_2381 = arith.addf %mul3A_2362, %add3A_2380 : vector<16xf32>
          %sub3A_2382 = arith.subf %add3A_2381, %mul3A_2379 : vector<16xf32>
          %max3A_2383 = arith.constant 9.99999971E-10 : f32
          %max3A_2384 = vector.broadcast %max3A_2383 : f32 to vector<16xf32>
          %max3A_2385 = arith.maximumf %sub3A_2382, %max3A_2384 : vector<16xf32>
          %add3A_2386 = arith.addf %mul3A_2379, %mul3A_2379 : vector<16xf32>
          %sub3A_2387 = arith.subf %add3A_2386, %max3A_2385 : vector<16xf32>
          %mul3A_2388 = arith.constant 5.96046448E-8 : f32
          %mul3A_2389 = vector.broadcast %mul3A_2388 : f32 to vector<16xf32>
          %mul3A_2390 = arith.mulf %max3A_2385, %mul3A_2389 : vector<16xf32>
          %gt3A_2391 = arith.cmpf ogt, %sub3A_2387, %mul3A_2390 : vector<16xf32>
          %or3A_2392 = arith.ori %or3A_2345, %gt3A_2391 : vector<16xi1>
          %get3A_2393 = arith.constant 96 : index
          %get3A_2394 = tpu.vector_load %arg8[%get3A_2393] {strides = array<i32>} : memref<448xf32, #tpu.memory_space<vmem>>, vector<16xf32>,
          %get3A_2395 = arith.constant 208 : index
          %get3A_2396 = tpu.vector_load %arg8[%get3A_2395] {strides = array<i32>} : memref<448xf32, #tpu.memory_space<vmem>>, vector<16xf32>,
          %get3A_2397 = arith.constant 320 : index
          %get3A_2398 = tpu.vector_load %arg8[%get3A_2397] {strides = array<i32>} : memref<448xf32, #tpu.memory_space<vmem>>, vector<16xf32>,
          %get3A_2399 = arith.constant 432 : index
          %get3A_2400 = tpu.vector_load %arg8[%get3A_2399] {strides = array<i32>} : memref<448xf32, #tpu.memory_space<vmem>>, vector<16xf32>,
          %sub3A_2401 = arith.subf %get3A_2398, %get3A_2394 : vector<16xf32>
          %max3A_2402 = arith.constant 0.000000e+00 : f32
          %max3A_2403 = vector.broadcast %max3A_2402 : f32 to vector<16xf32>
          %max3A_2404 = arith.maximumf %sub3A_2401, %max3A_2403 : vector<16xf32>
          %sub3A_2405 = arith.subf %get3A_2400, %get3A_2396 : vector<16xf32>
          %max3A_2406 = arith.constant 0.000000e+00 : f32
          %max3A_2407 = vector.broadcast %max3A_2406 : f32 to vector<16xf32>
          %max3A_2408 = arith.maximumf %sub3A_2405, %max3A_2407 : vector<16xf32>
          %mul3A_2409 = arith.mulf %max3A_2404, %max3A_2408 : vector<16xf32>
          %max3A_2410 = vector.broadcast %squeeze3A_2094 : f32 to vector<16xf32>
          %max3A_2411 = arith.maximumf %get3A_2394, %max3A_2410 : vector<16xf32>
          %max3A_2412 = vector.broadcast %squeeze3A_2096 : f32 to vector<16xf32>
          %max3A_2413 = arith.maximumf %get3A_2396, %max3A_2412 : vector<16xf32>
          %min3A_2414 = vector.broadcast %squeeze3A_2098 : f32 to vector<16xf32>
          %min3A_2415 = arith.minimumf %get3A_2398, %min3A_2414 : vector<16xf32>
          %min3A_2416 = vector.broadcast %squeeze3A_2100 : f32 to vector<16xf32>
          %min3A_2417 = arith.minimumf %get3A_2400, %min3A_2416 : vector<16xf32>
          %sub3A_2418 = arith.subf %min3A_2415, %max3A_2411 : vector<16xf32>
          %max3A_2419 = arith.constant 0.000000e+00 : f32
          %max3A_2420 = vector.broadcast %max3A_2419 : f32 to vector<16xf32>
          %max3A_2421 = arith.maximumf %sub3A_2418, %max3A_2420 : vector<16xf32>
          %sub3A_2422 = arith.subf %min3A_2417, %max3A_2413 : vector<16xf32>
          %max3A_2423 = arith.constant 0.000000e+00 : f32
          %max3A_2424 = vector.broadcast %max3A_2423 : f32 to vector<16xf32>
          %max3A_2425 = arith.maximumf %sub3A_2422, %max3A_2424 : vector<16xf32>
          %mul3A_2426 = arith.mulf %max3A_2421, %max3A_2425 : vector<16xf32>
          %add3A_2427 = vector.broadcast %mul3A_2107 : f32 to vector<16xf32>
          %add3A_2428 = arith.addf %mul3A_2409, %add3A_2427 : vector<16xf32>
          %sub3A_2429 = arith.subf %add3A_2428, %mul3A_2426 : vector<16xf32>
          %max3A_2430 = arith.constant 9.99999971E-10 : f32
          %max3A_2431 = vector.broadcast %max3A_2430 : f32 to vector<16xf32>
          %max3A_2432 = arith.maximumf %sub3A_2429, %max3A_2431 : vector<16xf32>
          %add3A_2433 = arith.addf %mul3A_2426, %mul3A_2426 : vector<16xf32>
          %sub3A_2434 = arith.subf %add3A_2433, %max3A_2432 : vector<16xf32>
          %mul3A_2435 = arith.constant 5.96046448E-8 : f32
          %mul3A_2436 = vector.broadcast %mul3A_2435 : f32 to vector<16xf32>
          %mul3A_2437 = arith.mulf %max3A_2432, %mul3A_2436 : vector<16xf32>
          %gt3A_2438 = arith.cmpf ogt, %sub3A_2434, %mul3A_2437 : vector<16xf32>
          %or3A_2439 = arith.ori %or3A_2392, %gt3A_2438 : vector<16xi1>
          %all_reduce_population_count3A_2440 = tpu.all_reduce %or3A_2439 {dim = 0 : i64, kind = #tpu.reduction_kind<sum>} : vector<16xi1> -> vector<16xi32>
          %slice3A_2441 = vector.extract_strided_slice %all_reduce_population_count3A_2440 {offsets = [0], sizes = [1], strides = [1]} : vector<16xi32> to vector<1xi32>
          %squeeze3A_2442 = vector.extract %slice3A_2441[0] : i32 from vector<1xi32>
          %gt3A_2443 = arith.constant 0 : i32
          %gt3A_2444 = arith.cmpi sgt, %squeeze3A_2442, %gt3A_2443 : i32
          %gt3A_2445 = arith.constant 0xFF800000 : f32
          %gt3A_2446 = arith.cmpf ogt, %reduce_max3A_2005, %gt3A_2445 : f32
          %and3A_2447 = arith.andi %gt3A_2444, %gt3A_2446 : i1
          scf.yield %select_n3A_1969, %select_n3A_1976, %select_n3A_1983, %select_n3A_1990, %select_n3A_1997, %reduce_max3A_2005, %add3A_2089, %add3A_2061, %add3A_2075, %min3A_2072, %min3A_2086, %get3A_2065, %get3A_2079, %and3A_2447 : vector<16xf32>, vector<16xf32>, vector<16xf32>, vector<16xf32>, vector<16xf32>, f32, i32, i32, i32, i32, i32, vector<16xf32>, vector<16xf32>, i1
        }
        %broadcast_in_dim3A_1217 = vector.broadcast %while3A#6 : i32 to vector<16xi32>
        tpu.vector_store_idx %arg6[%broadcast_in_dim3A_1217], %broadcast_in_dim3A_13 masked %eq3A_7 : memref<20480xf32, #tpu.memory_space<vmem>>[vector<16xi32>], vector<16xf32>, vector<16xi1>
        %eq3A_1218 = vector.broadcast %while3A#10 : i32 to vector<16xi32>
        %eq3A_1219 = arith.cmpi eq, %iota3A, %eq3A_1218 : vector<16xi32>
        %jit3A_1220 = arith.constant 0xFF800000 : f32
        %broadcast_in_dim3A_1221 = vector.broadcast %jit3A_1220 : f32 to vector<16xf32>
        %select_n3A_1222 = arith.select %eq3A_1219, %broadcast_in_dim3A_1221, %while3A#12 : vector<16xi1>, vector<16xf32>
        %ge3A = arith.constant 5.000000e-02 : f32
        %ge3A_1223 = vector.broadcast %ge3A : f32 to vector<16xf32>
        %ge3A_1224 = arith.cmpf oge, %select_n3A_1222, %ge3A_1223 : vector<16xf32>
        %jit3A_1225 = arith.constant 0xFF800000 : f32
        %broadcast_in_dim3A_1226 = vector.broadcast %jit3A_1225 : f32 to vector<16xf32>
        %select_n3A_1227 = arith.select %ge3A_1224, %select_n3A_1222, %broadcast_in_dim3A_1226 : vector<16xi1>, vector<16xf32>
        %reduce_max3A_1228 = arith.constant true
        %reduce_max3A_1229 = vector.broadcast %reduce_max3A_1228 : i1 to vector<16xi1>
        %reduce_max3A_1230 = tpu.scan <max>, %select_n3A_1227 masked %reduce_max3A_1229 : vector<16xf32>, vector<16xi1> -> vector<16xf32>
        %reduce_max3A_1231 = vector.extract %reduce_max3A_1230[15] : f32 from vector<16xf32>
        %broadcast_in_dim3A_1232 = vector.broadcast %while3A#8 : i32 to vector<16xi32>
        %broadcast_in_dim3A_1233 = vector.broadcast %reduce_max3A_1231 : f32 to vector<16xf32>
        tpu.vector_store_idx %arg7[%broadcast_in_dim3A_1232], %broadcast_in_dim3A_1233 masked %eq3A_7 : memref<1280xf32, #tpu.memory_space<vmem>>[vector<16xi32>], vector<16xf32>, vector<16xi1>
        %eq3A_1234 = vector.broadcast %while3A#9 : i32 to vector<16xi32>
        %eq3A_1235 = arith.cmpi eq, %iota3A, %eq3A_1234 : vector<16xi32>
        %broadcast_in_dim3A_1236 = vector.broadcast %reduce_max3A_1231 : f32 to vector<16xf32>
        %select_n3A_1237 = arith.select %eq3A_1235, %broadcast_in_dim3A_1236, %while3A#11 : vector<16xi1>, vector<16xf32>
        %reduce_max3A_1238 = arith.constant true
        %reduce_max3A_1239 = vector.broadcast %reduce_max3A_1238 : i1 to vector<16xi1>
        %reduce_max3A_1240 = tpu.scan <max>, %select_n3A_1237 masked %reduce_max3A_1239 : vector<16xf32>, vector<16xi1> -> vector<16xf32>
        %reduce_max3A_1241 = vector.extract %reduce_max3A_1240[15] : f32 from vector<16xf32>
        %add3A_1242 = arith.constant 0 : i32
        %add3A_1243 = vector.broadcast %add3A_1242 : i32 to vector<16xi32>
        %add3A_1244 = arith.addi %add3A_1243, %iota3A : vector<16xi32>
        %eq3A_1245 = vector.broadcast %while3A#7 : i32 to vector<16xi32>
        %eq3A_1246 = arith.cmpi eq, %add3A_1244, %eq3A_1245 : vector<16xi32>
        %broadcast_in_dim3A_1247 = vector.broadcast %reduce_max3A_1241 : f32 to vector<16xf32>
        %select_n3A_1248 = arith.select %eq3A_1246, %broadcast_in_dim3A_1247, %while3A#0 : vector<16xi1>, vector<16xf32>
        %add3A_1249 = arith.constant 16 : i32
        %add3A_1250 = vector.broadcast %add3A_1249 : i32 to vector<16xi32>
        %add3A_1251 = arith.addi %add3A_1250, %iota3A : vector<16xi32>
        %eq3A_1252 = vector.broadcast %while3A#7 : i32 to vector<16xi32>
        %eq3A_1253 = arith.cmpi eq, %add3A_1251, %eq3A_1252 : vector<16xi32>
        %broadcast_in_dim3A_1254 = vector.broadcast %reduce_max3A_1241 : f32 to vector<16xf32>
        %select_n3A_1255 = arith.select %eq3A_1253, %broadcast_in_dim3A_1254, %while3A#1 : vector<16xi1>, vector<16xf32>
        %add3A_1256 = arith.constant 32 : i32
        %add3A_1257 = vector.broadcast %add3A_1256 : i32 to vector<16xi32>
        %add3A_1258 = arith.addi %add3A_1257, %iota3A : vector<16xi32>
        %eq3A_1259 = vector.broadcast %while3A#7 : i32 to vector<16xi32>
        %eq3A_1260 = arith.cmpi eq, %add3A_1258, %eq3A_1259 : vector<16xi32>
        %broadcast_in_dim3A_1261 = vector.broadcast %reduce_max3A_1241 : f32 to vector<16xf32>
        %select_n3A_1262 = arith.select %eq3A_1260, %broadcast_in_dim3A_1261, %while3A#2 : vector<16xi1>, vector<16xf32>
        %add3A_1263 = arith.constant 48 : i32
        %add3A_1264 = vector.broadcast %add3A_1263 : i32 to vector<16xi32>
        %add3A_1265 = arith.addi %add3A_1264, %iota3A : vector<16xi32>
        %eq3A_1266 = vector.broadcast %while3A#7 : i32 to vector<16xi32>
        %eq3A_1267 = arith.cmpi eq, %add3A_1265, %eq3A_1266 : vector<16xi32>
        %broadcast_in_dim3A_1268 = vector.broadcast %reduce_max3A_1241 : f32 to vector<16xf32>
        %select_n3A_1269 = arith.select %eq3A_1267, %broadcast_in_dim3A_1268, %while3A#3 : vector<16xi1>, vector<16xf32>
        %add3A_1270 = arith.constant 64 : i32
        %add3A_1271 = vector.broadcast %add3A_1270 : i32 to vector<16xi32>
        %add3A_1272 = arith.addi %add3A_1271, %iota3A : vector<16xi32>
        %eq3A_1273 = vector.broadcast %while3A#7 : i32 to vector<16xi32>
        %eq3A_1274 = arith.cmpi eq, %add3A_1272, %eq3A_1273 : vector<16xi32>
        %broadcast_in_dim3A_1275 = vector.broadcast %reduce_max3A_1241 : f32 to vector<16xf32>
        %select_n3A_1276 = arith.select %eq3A_1274, %broadcast_in_dim3A_1275, %while3A#4 : vector<16xi1>, vector<16xf32>
        %gt3A_1277 = arith.constant 0xFF800000 : f32
        %gt3A_1278 = arith.cmpf ogt, %while3A#5, %gt3A_1277 : f32
        %add3A_1279 = vector.broadcast %while3A#6 : i32 to vector<16xi32>
        %add3A_1280 = arith.addi %mul3A_12, %add3A_1279 : vector<16xi32>
        %gather3A_1281 = tpu.vector_load_idx %arg5[%add3A_1280] : memref<81920xf32, #tpu.memory_space<vmem>>[vector<16xi32>], vector<16xf32>,
        %lt3A_1282 = arith.constant 2 : i32
        %lt3A_1283 = vector.broadcast %lt3A_1282 : i32 to vector<16xi32>
        %lt3A_1284 = arith.cmpi slt, %iota3A, %lt3A_1283 : vector<16xi32>
        %lt3A_1285 = arith.constant 4 : i32
        %lt3A_1286 = vector.broadcast %lt3A_1285 : i32 to vector<16xi32>
        %lt3A_1287 = arith.cmpi slt, %iota3A, %lt3A_1286 : vector<16xi32>
        %jit3A_1288 = arith.constant -2.000000e+00 : f32
        %jit3A_1289 = arith.constant 0.000000e+00 : f32
        %broadcast_in_dim3A_1290 = vector.broadcast %jit3A_1288 : f32 to vector<16xf32>
        %broadcast_in_dim3A_1291 = vector.broadcast %jit3A_1289 : f32 to vector<16xf32>
        %select_n3A_1292 = arith.select %lt3A_1287, %broadcast_in_dim3A_1290, %broadcast_in_dim3A_1291 : vector<16xi1>, vector<16xf32>
        %jit3A_1293 = arith.constant 2.000000e+00 : f32
        %broadcast_in_dim3A_1294 = vector.broadcast %jit3A_1293 : f32 to vector<16xf32>
        %select_n3A_1295 = arith.select %lt3A_1284, %broadcast_in_dim3A_1294, %select_n3A_1292 : vector<16xi1>, vector<16xf32>
        %select_n3A_1296 = arith.select %gt3A_1278, %gather3A_1281, %select_n3A_1295 : vector<16xf32>
        %slice3A_1297 = vector.extract_strided_slice %select_n3A_1296 {offsets = [0], sizes = [1], strides = [1]} : vector<16xf32> to vector<1xf32>
        %squeeze3A_1298 = vector.extract %slice3A_1297[0] : f32 from vector<1xf32>
        %slice3A_1299 = vector.extract_strided_slice %select_n3A_1296 {offsets = [1], sizes = [1], strides = [1]} : vector<16xf32> to vector<1xf32>
        %squeeze3A_1300 = vector.extract %slice3A_1299[0] : f32 from vector<1xf32>
        %slice3A_1301 = vector.extract_strided_slice %select_n3A_1296 {offsets = [2], sizes = [1], strides = [1]} : vector<16xf32> to vector<1xf32>
        %squeeze3A_1302 = vector.extract %slice3A_1301[0] : f32 from vector<1xf32>
        %slice3A_1303 = vector.extract_strided_slice %select_n3A_1296 {offsets = [3], sizes = [1], strides = [1]} : vector<16xf32> to vector<1xf32>
        %squeeze3A_1304 = vector.extract %slice3A_1303[0] : f32 from vector<1xf32>
        %broadcast_in_dim3A_1305 = arith.constant 0 : i32
        %broadcast_in_dim3A_1306 = vector.broadcast %broadcast_in_dim3A_1305 : i32 to vector<16xi32>
        %add3A_1307 = vector.broadcast %scan3A_774 : i32 to vector<16xi32>
        %add3A_1308 = arith.addi %broadcast_in_dim3A_1306, %add3A_1307 : vector<16xi32>
        %broadcast_in_dim3A_1309 = vector.broadcast %squeeze3A_1298 : f32 to vector<16xf32>
        tpu.vector_store_idx %arg8[%add3A_1308], %broadcast_in_dim3A_1309 masked %eq3A_7 : memref<448xf32, #tpu.memory_space<vmem>>[vector<16xi32>], vector<16xf32>, vector<16xi1>
        %broadcast_in_dim3A_1310 = arith.constant 112 : i32
        %broadcast_in_dim3A_1311 = vector.broadcast %broadcast_in_dim3A_1310 : i32 to vector<16xi32>
        %add3A_1312 = vector.broadcast %scan3A_774 : i32 to vector<16xi32>
        %add3A_1313 = arith.addi %broadcast_in_dim3A_1311, %add3A_1312 : vector<16xi32>
        %broadcast_in_dim3A_1314 = vector.broadcast %squeeze3A_1300 : f32 to vector<16xf32>
        tpu.vector_store_idx %arg8[%add3A_1313], %broadcast_in_dim3A_1314 masked %eq3A_7 : memref<448xf32, #tpu.memory_space<vmem>>[vector<16xi32>], vector<16xf32>, vector<16xi1>
        %broadcast_in_dim3A_1315 = arith.constant 224 : i32
        %broadcast_in_dim3A_1316 = vector.broadcast %broadcast_in_dim3A_1315 : i32 to vector<16xi32>
        %add3A_1317 = vector.broadcast %scan3A_774 : i32 to vector<16xi32>
        %add3A_1318 = arith.addi %broadcast_in_dim3A_1316, %add3A_1317 : vector<16xi32>
        %broadcast_in_dim3A_1319 = vector.broadcast %squeeze3A_1302 : f32 to vector<16xf32>
        tpu.vector_store_idx %arg8[%add3A_1318], %broadcast_in_dim3A_1319 masked %eq3A_7 : memref<448xf32, #tpu.memory_space<vmem>>[vector<16xi32>], vector<16xf32>, vector<16xi1>
        %broadcast_in_dim3A_1320 = arith.constant 336 : i32
        %broadcast_in_dim3A_1321 = vector.broadcast %broadcast_in_dim3A_1320 : i32 to vector<16xi32>
        %add3A_1322 = vector.broadcast %scan3A_774 : i32 to vector<16xi32>
        %add3A_1323 = arith.addi %broadcast_in_dim3A_1321, %add3A_1322 : vector<16xi32>
        %broadcast_in_dim3A_1324 = vector.broadcast %squeeze3A_1304 : f32 to vector<16xf32>
        tpu.vector_store_idx %arg8[%add3A_1323], %broadcast_in_dim3A_1324 masked %eq3A_7 : memref<448xf32, #tpu.memory_space<vmem>>[vector<16xi32>], vector<16xf32>, vector<16xi1>
        %lt3A_1325 = arith.constant 4 : i32
        %lt3A_1326 = vector.broadcast %lt3A_1325 : i32 to vector<16xi32>
        %lt3A_1327 = arith.cmpi slt, %iota3A, %lt3A_1326 : vector<16xi32>
        %eq3A_1328 = arith.constant 4 : i32
        %eq3A_1329 = vector.broadcast %eq3A_1328 : i32 to vector<16xi32>
        %eq3A_1330 = arith.cmpi eq, %iota3A, %eq3A_1329 : vector<16xi32>
        %jit3A_1331 = arith.constant 0.000000e+00 : f32
        %broadcast_in_dim3A_1332 = vector.broadcast %while3A#5 : f32 to vector<16xf32>
        %broadcast_in_dim3A_1333 = vector.broadcast %jit3A_1331 : f32 to vector<16xf32>
        %select_n3A_1334 = arith.select %eq3A_1330, %broadcast_in_dim3A_1332, %broadcast_in_dim3A_1333 : vector<16xi1>, vector<16xf32>
        %select_n3A_1335 = arith.select %lt3A_1327, %gather3A_1281, %select_n3A_1334 : vector<16xi1>, vector<16xf32>
        %broadcast_in_dim3A_1336 = arith.constant 0.000000e+00 : f32
        %broadcast_in_dim3A_1337 = vector.broadcast %broadcast_in_dim3A_1336 : f32 to vector<16xf32>
        %select_n3A_1338 = arith.select %gt3A_1278, %select_n3A_1335, %broadcast_in_dim3A_1337 : vector<16xf32>
        %mul3A_1339 = arith.constant 16 : i32
        %mul3A_1340 = arith.muli %scan3A_774, %mul3A_1339 : i32
        %swap3A_1341 = arith.index_cast %mul3A_1340 : i32 to index
        %swap3A_1342 = tpu.vector_load %arg9[%swap3A_1341] {strides = array<i32>} : memref<1600xf32, #tpu.memory_space<vmem>>, vector<16xf32>,
        tpu.vector_store %arg9[%swap3A_1341], %select_n3A_1338 {strides = array<i32>} : memref<1600xf32, #tpu.memory_space<vmem>>, vector<16xf32>,
        %scan3A_1343 = arith.constant 1 : i32
        %scan3A_1344 = arith.addi %scan3A_774, %scan3A_1343 : i32
        %max3A_1345 = arith.maximumf %select_n3A_1248, %select_n3A_1255 : vector<16xf32>
        %max3A_1346 = arith.maximumf %select_n3A_1262, %select_n3A_1269 : vector<16xf32>
        %max3A_1347 = arith.maximumf %max3A_1345, %max3A_1346 : vector<16xf32>
        %max3A_1348 = arith.maximumf %max3A_1347, %select_n3A_1276 : vector<16xf32>
        %reduce_max3A_1349 = arith.constant true
        %reduce_max3A_1350 = vector.broadcast %reduce_max3A_1349 : i1 to vector<16xi1>
        %reduce_max3A_1351 = tpu.scan <max>, %max3A_1348 masked %reduce_max3A_1350 : vector<16xf32>, vector<16xi1> -> vector<16xf32>
        %reduce_max3A_1352 = vector.extract %reduce_max3A_1351[15] : f32 from vector<16xf32>
        %eq3A_1353 = vector.broadcast %reduce_max3A_1352 : f32 to vector<16xf32>
        %eq3A_1354 = arith.cmpf oeq, %select_n3A_1248, %eq3A_1353 : vector<16xf32>
        %eq3A_1355 = vector.broadcast %reduce_max3A_1352 : f32 to vector<16xf32>
        %eq3A_1356 = arith.cmpf oeq, %select_n3A_1255, %eq3A_1355 : vector<16xf32>
        %eq3A_1357 = vector.broadcast %reduce_max3A_1352 : f32 to vector<16xf32>
        %eq3A_1358 = arith.cmpf oeq, %select_n3A_1262, %eq3A_1357 : vector<16xf32>
        %eq3A_1359 = vector.broadcast %reduce_max3A_1352 : f32 to vector<16xf32>
        %eq3A_1360 = arith.cmpf oeq, %select_n3A_1269, %eq3A_1359 : vector<16xf32>
        %eq3A_1361 = vector.broadcast %reduce_max3A_1352 : f32 to vector<16xf32>
        %eq3A_1362 = arith.cmpf oeq, %select_n3A_1276, %eq3A_1361 : vector<16xf32>
        %all_reduce_population_count3A_1363 = tpu.all_reduce %eq3A_1354 {dim = 0 : i64, kind = #tpu.reduction_kind<sum>} : vector<16xi1> -> vector<16xi32>
        %slice3A_1364 = vector.extract_strided_slice %all_reduce_population_count3A_1363 {offsets = [0], sizes = [1], strides = [1]} : vector<16xi32> to vector<1xi32>
        %squeeze3A_1365 = vector.extract %slice3A_1364[0] : i32 from vector<1xi32>
        %gt3A_1366 = arith.constant 0 : i32
        %gt3A_1367 = arith.cmpi sgt, %squeeze3A_1365, %gt3A_1366 : i32
        %all_reduce_population_count3A_1368 = tpu.all_reduce %eq3A_1356 {dim = 0 : i64, kind = #tpu.reduction_kind<sum>} : vector<16xi1> -> vector<16xi32>
        %slice3A_1369 = vector.extract_strided_slice %all_reduce_population_count3A_1368 {offsets = [0], sizes = [1], strides = [1]} : vector<16xi32> to vector<1xi32>
        %squeeze3A_1370 = vector.extract %slice3A_1369[0] : i32 from vector<1xi32>
        %gt3A_1371 = arith.constant 0 : i32
        %gt3A_1372 = arith.cmpi sgt, %squeeze3A_1370, %gt3A_1371 : i32
        %all_reduce_population_count3A_1373 = tpu.all_reduce %eq3A_1358 {dim = 0 : i64, kind = #tpu.reduction_kind<sum>} : vector<16xi1> -> vector<16xi32>
        %slice3A_1374 = vector.extract_strided_slice %all_reduce_population_count3A_1373 {offsets = [0], sizes = [1], strides = [1]} : vector<16xi32> to vector<1xi32>
        %squeeze3A_1375 = vector.extract %slice3A_1374[0] : i32 from vector<1xi32>
        %gt3A_1376 = arith.constant 0 : i32
        %gt3A_1377 = arith.cmpi sgt, %squeeze3A_1375, %gt3A_1376 : i32
        %all_reduce_population_count3A_1378 = tpu.all_reduce %eq3A_1360 {dim = 0 : i64, kind = #tpu.reduction_kind<sum>} : vector<16xi1> -> vector<16xi32>
        %slice3A_1379 = vector.extract_strided_slice %all_reduce_population_count3A_1378 {offsets = [0], sizes = [1], strides = [1]} : vector<16xi32> to vector<1xi32>
        %squeeze3A_1380 = vector.extract %slice3A_1379[0] : i32 from vector<1xi32>
        %gt3A_1381 = arith.constant 0 : i32
        %gt3A_1382 = arith.cmpi sgt, %squeeze3A_1380, %gt3A_1381 : i32
        %all_reduce_population_count3A_1383 = tpu.all_reduce %eq3A_1362 {dim = 0 : i64, kind = #tpu.reduction_kind<sum>} : vector<16xi1> -> vector<16xi32>
        %slice3A_1384 = vector.extract_strided_slice %all_reduce_population_count3A_1383 {offsets = [0], sizes = [1], strides = [1]} : vector<16xi32> to vector<1xi32>
        %squeeze3A_1385 = vector.extract %slice3A_1384[0] : i32 from vector<1xi32>
        %gt3A_1386 = arith.constant 0 : i32
        %gt3A_1387 = arith.cmpi sgt, %squeeze3A_1385, %gt3A_1386 : i32
        %jit3A_1388 = arith.constant 3 : i32
        %jit3A_1389 = arith.constant 4 : i32
        %select_n3A_1390 = arith.select %gt3A_1382, %jit3A_1388, %jit3A_1389 : i32
        %jit3A_1391 = arith.constant 2 : i32
        %select_n3A_1392 = arith.select %gt3A_1377, %jit3A_1391, %select_n3A_1390 : i32
        %jit3A_1393 = arith.constant 1 : i32
        %select_n3A_1394 = arith.select %gt3A_1372, %jit3A_1393, %select_n3A_1392 : i32
        %jit3A_1395 = arith.constant 0 : i32
        %select_n3A_1396 = arith.select %gt3A_1367, %jit3A_1395, %select_n3A_1394 : i32
        %select_n3A_1397 = arith.select %gt3A_1382, %eq3A_1360, %eq3A_1362 : vector<16xi1>
        %select_n3A_1398 = arith.select %gt3A_1377, %eq3A_1358, %select_n3A_1397 : vector<16xi1>
        %select_n3A_1399 = arith.select %gt3A_1372, %eq3A_1356, %select_n3A_1398 : vector<16xi1>
        %select_n3A_1400 = arith.select %gt3A_1367, %eq3A_1354, %select_n3A_1399 : vector<16xi1>
        %all_reduce_ffs3A_1401 = tpu.all_reduce %select_n3A_1400 {dim = 0 : i64, kind = #tpu.reduction_kind<find_first_set>} : vector<16xi1> -> vector<16xi32>
        %slice3A_1402 = vector.extract_strided_slice %all_reduce_ffs3A_1401 {offsets = [0], sizes = [1], strides = [1]} : vector<16xi32> to vector<1xi32>
        %squeeze3A_1403 = vector.extract %slice3A_1402[0] : i32 from vector<1xi32>
        %min3A_1404 = arith.constant 15 : i32
        %min3A_1405 = arith.minsi %squeeze3A_1403, %min3A_1404 : i32
        %mul3A_1406 = arith.constant 16 : i32
        %mul3A_1407 = arith.muli %select_n3A_1396, %mul3A_1406 : i32
        %add3A_1408 = arith.addi %mul3A_1407, %min3A_1405 : i32
        %mul3A_1409 = arith.constant 16 : i32
        %mul3A_1410 = arith.muli %add3A_1408, %mul3A_1409 : i32
        %get3A_1411 = arith.index_cast %mul3A_1410 : i32 to index
        %get3A_1412 = tpu.vector_load %arg7[%get3A_1411] {strides = array<i32>} : memref<1280xf32, #tpu.memory_space<vmem>>, vector<16xf32>,
        %eq3A_1413 = vector.broadcast %reduce_max3A_1352 : f32 to vector<16xf32>
        %eq3A_1414 = arith.cmpf oeq, %get3A_1412, %eq3A_1413 : vector<16xf32>
        %all_reduce_ffs3A_1415 = tpu.all_reduce %eq3A_1414 {dim = 0 : i64, kind = #tpu.reduction_kind<find_first_set>} : vector<16xi1> -> vector<16xi32>
        %slice3A_1416 = vector.extract_strided_slice %all_reduce_ffs3A_1415 {offsets = [0], sizes = [1], strides = [1]} : vector<16xi32> to vector<1xi32>
        %squeeze3A_1417 = vector.extract %slice3A_1416[0] : i32 from vector<1xi32>
        %min3A_1418 = arith.constant 15 : i32
        %min3A_1419 = arith.minsi %squeeze3A_1417, %min3A_1418 : i32
        %mul3A_1420 = arith.constant 16 : i32
        %mul3A_1421 = arith.muli %add3A_1408, %mul3A_1420 : i32
        %add3A_1422 = arith.addi %mul3A_1421, %min3A_1419 : i32
        %mul3A_1423 = arith.constant 16 : i32
        %mul3A_1424 = arith.muli %add3A_1422, %mul3A_1423 : i32
        %get3A_1425 = arith.index_cast %mul3A_1424 : i32 to index
        %get3A_1426 = tpu.vector_load %arg6[%get3A_1425] {strides = array<i32>} : memref<20480xf32, #tpu.memory_space<vmem>>, vector<16xf32>,
        %eq3A_1427 = vector.broadcast %reduce_max3A_1352 : f32 to vector<16xf32>
        %eq3A_1428 = arith.cmpf oeq, %get3A_1426, %eq3A_1427 : vector<16xf32>
        %all_reduce_ffs3A_1429 = tpu.all_reduce %eq3A_1428 {dim = 0 : i64, kind = #tpu.reduction_kind<find_first_set>} : vector<16xi1> -> vector<16xi32>
        %slice3A_1430 = vector.extract_strided_slice %all_reduce_ffs3A_1429 {offsets = [0], sizes = [1], strides = [1]} : vector<16xi32> to vector<1xi32>
        %squeeze3A_1431 = vector.extract %slice3A_1430[0] : i32 from vector<1xi32>
        %min3A_1432 = arith.constant 15 : i32
        %min3A_1433 = arith.minsi %squeeze3A_1431, %min3A_1432 : i32
        %mul3A_1434 = arith.constant 16 : i32
        %mul3A_1435 = arith.muli %add3A_1422, %mul3A_1434 : i32
        %add3A_1436 = arith.addi %mul3A_1435, %min3A_1433 : i32
        %add3A_1437 = vector.broadcast %add3A_1436 : i32 to vector<16xi32>
        %add3A_1438 = arith.addi %mul3A_12, %add3A_1437 : vector<16xi32>
        %gather3A_1439 = tpu.vector_load_idx %arg5[%add3A_1438] : memref<81920xf32, #tpu.memory_space<vmem>>[vector<16xi32>], vector<16xf32>,
        %slice3A_1440 = vector.extract_strided_slice %gather3A_1439 {offsets = [0], sizes = [1], strides = [1]} : vector<16xf32> to vector<1xf32>
        %squeeze3A_1441 = vector.extract %slice3A_1440[0] : f32 from vector<1xf32>
        %slice3A_1442 = vector.extract_strided_slice %gather3A_1439 {offsets = [1], sizes = [1], strides = [1]} : vector<16xf32> to vector<1xf32>
        %squeeze3A_1443 = vector.extract %slice3A_1442[0] : f32 from vector<1xf32>
        %slice3A_1444 = vector.extract_strided_slice %gather3A_1439 {offsets = [2], sizes = [1], strides = [1]} : vector<16xf32> to vector<1xf32>
        %squeeze3A_1445 = vector.extract %slice3A_1444[0] : f32 from vector<1xf32>
        %slice3A_1446 = vector.extract_strided_slice %gather3A_1439 {offsets = [3], sizes = [1], strides = [1]} : vector<16xf32> to vector<1xf32>
        %squeeze3A_1447 = vector.extract %slice3A_1446[0] : f32 from vector<1xf32>
        %sub3A_1448 = arith.subf %squeeze3A_1445, %squeeze3A_1441 : f32
        %max3A_1449 = arith.constant 0.000000e+00 : f32
        %max3A_1450 = arith.maximumf %sub3A_1448, %max3A_1449 : f32
        %sub3A_1451 = arith.subf %squeeze3A_1447, %squeeze3A_1443 : f32
        %max3A_1452 = arith.constant 0.000000e+00 : f32
        %max3A_1453 = arith.maximumf %sub3A_1451, %max3A_1452 : f32
        %mul3A_1454 = arith.mulf %max3A_1450, %max3A_1453 : f32
        %lt3A_1455 = arith.constant 0 : i32
        %lt3A_1456 = vector.broadcast %lt3A_1455 : i32 to vector<16xi32>
        %lt3A_1457 = arith.cmpi slt, %iota3A, %lt3A_1456 : vector<16xi32>
        %get3A_1458 = arith.constant 0 : index
        %get3A_1459 = tpu.vector_load %arg8[%get3A_1458] {strides = array<i32>} : memref<448xf32, #tpu.memory_space<vmem>>, vector<16xf32>,
        %get3A_1460 = arith.constant 112 : index
        %get3A_1461 = tpu.vector_load %arg8[%get3A_1460] {strides = array<i32>} : memref<448xf32, #tpu.memory_space<vmem>>, vector<16xf32>,
        %get3A_1462 = arith.constant 224 : index
        %get3A_1463 = tpu.vector_load %arg8[%get3A_1462] {strides = array<i32>} : memref<448xf32, #tpu.memory_space<vmem>>, vector<16xf32>,
        %get3A_1464 = arith.constant 336 : index
        %get3A_1465 = tpu.vector_load %arg8[%get3A_1464] {strides = array<i32>} : memref<448xf32, #tpu.memory_space<vmem>>, vector<16xf32>,
        %sub3A_1466 = arith.subf %get3A_1463, %get3A_1459 : vector<16xf32>
        %max3A_1467 = arith.constant 0.000000e+00 : f32
        %max3A_1468 = vector.broadcast %max3A_1467 : f32 to vector<16xf32>
        %max3A_1469 = arith.maximumf %sub3A_1466, %max3A_1468 : vector<16xf32>
        %sub3A_1470 = arith.subf %get3A_1465, %get3A_1461 : vector<16xf32>
        %max3A_1471 = arith.constant 0.000000e+00 : f32
        %max3A_1472 = vector.broadcast %max3A_1471 : f32 to vector<16xf32>
        %max3A_1473 = arith.maximumf %sub3A_1470, %max3A_1472 : vector<16xf32>
        %mul3A_1474 = arith.mulf %max3A_1469, %max3A_1473 : vector<16xf32>
        %max3A_1475 = vector.broadcast %squeeze3A_1441 : f32 to vector<16xf32>
        %max3A_1476 = arith.maximumf %get3A_1459, %max3A_1475 : vector<16xf32>
        %max3A_1477 = vector.broadcast %squeeze3A_1443 : f32 to vector<16xf32>
        %max3A_1478 = arith.maximumf %get3A_1461, %max3A_1477 : vector<16xf32>
        %min3A_1479 = vector.broadcast %squeeze3A_1445 : f32 to vector<16xf32>
        %min3A_1480 = arith.minimumf %get3A_1463, %min3A_1479 : vector<16xf32>
        %min3A_1481 = vector.broadcast %squeeze3A_1447 : f32 to vector<16xf32>
        %min3A_1482 = arith.minimumf %get3A_1465, %min3A_1481 : vector<16xf32>
        %sub3A_1483 = arith.subf %min3A_1480, %max3A_1476 : vector<16xf32>
        %max3A_1484 = arith.constant 0.000000e+00 : f32
        %max3A_1485 = vector.broadcast %max3A_1484 : f32 to vector<16xf32>
        %max3A_1486 = arith.maximumf %sub3A_1483, %max3A_1485 : vector<16xf32>
        %sub3A_1487 = arith.subf %min3A_1482, %max3A_1478 : vector<16xf32>
        %max3A_1488 = arith.constant 0.000000e+00 : f32
        %max3A_1489 = vector.broadcast %max3A_1488 : f32 to vector<16xf32>
        %max3A_1490 = arith.maximumf %sub3A_1487, %max3A_1489 : vector<16xf32>
        %mul3A_1491 = arith.mulf %max3A_1486, %max3A_1490 : vector<16xf32>
        %add3A_1492 = vector.broadcast %mul3A_1454 : f32 to vector<16xf32>
        %add3A_1493 = arith.addf %mul3A_1474, %add3A_1492 : vector<16xf32>
        %sub3A_1494 = arith.subf %add3A_1493, %mul3A_1491 : vector<16xf32>
        %max3A_1495 = arith.constant 9.99999971E-10 : f32
        %max3A_1496 = vector.broadcast %max3A_1495 : f32 to vector<16xf32>
        %max3A_1497 = arith.maximumf %sub3A_1494, %max3A_1496 : vector<16xf32>
        %add3A_1498 = arith.addf %mul3A_1491, %mul3A_1491 : vector<16xf32>
        %sub3A_1499 = arith.subf %add3A_1498, %max3A_1497 : vector<16xf32>
        %mul3A_1500 = arith.constant 5.96046448E-8 : f32
        %mul3A_1501 = vector.broadcast %mul3A_1500 : f32 to vector<16xf32>
        %mul3A_1502 = arith.mulf %max3A_1497, %mul3A_1501 : vector<16xf32>
        %gt3A_1503 = arith.cmpf ogt, %sub3A_1499, %mul3A_1502 : vector<16xf32>
        %or3A_1504 = arith.ori %lt3A_1457, %gt3A_1503 : vector<16xi1>
        %get3A_1505 = arith.constant 16 : index
        %get3A_1506 = tpu.vector_load %arg8[%get3A_1505] {strides = array<i32>} : memref<448xf32, #tpu.memory_space<vmem>>, vector<16xf32>,
        %get3A_1507 = arith.constant 128 : index
        %get3A_1508 = tpu.vector_load %arg8[%get3A_1507] {strides = array<i32>} : memref<448xf32, #tpu.memory_space<vmem>>, vector<16xf32>,
        %get3A_1509 = arith.constant 240 : index
        %get3A_1510 = tpu.vector_load %arg8[%get3A_1509] {strides = array<i32>} : memref<448xf32, #tpu.memory_space<vmem>>, vector<16xf32>,
        %get3A_1511 = arith.constant 352 : index
        %get3A_1512 = tpu.vector_load %arg8[%get3A_1511] {strides = array<i32>} : memref<448xf32, #tpu.memory_space<vmem>>, vector<16xf32>,
        %sub3A_1513 = arith.subf %get3A_1510, %get3A_1506 : vector<16xf32>
        %max3A_1514 = arith.constant 0.000000e+00 : f32
        %max3A_1515 = vector.broadcast %max3A_1514 : f32 to vector<16xf32>
        %max3A_1516 = arith.maximumf %sub3A_1513, %max3A_1515 : vector<16xf32>
        %sub3A_1517 = arith.subf %get3A_1512, %get3A_1508 : vector<16xf32>
        %max3A_1518 = arith.constant 0.000000e+00 : f32
        %max3A_1519 = vector.broadcast %max3A_1518 : f32 to vector<16xf32>
        %max3A_1520 = arith.maximumf %sub3A_1517, %max3A_1519 : vector<16xf32>
        %mul3A_1521 = arith.mulf %max3A_1516, %max3A_1520 : vector<16xf32>
        %max3A_1522 = vector.broadcast %squeeze3A_1441 : f32 to vector<16xf32>
        %max3A_1523 = arith.maximumf %get3A_1506, %max3A_1522 : vector<16xf32>
        %max3A_1524 = vector.broadcast %squeeze3A_1443 : f32 to vector<16xf32>
        %max3A_1525 = arith.maximumf %get3A_1508, %max3A_1524 : vector<16xf32>
        %min3A_1526 = vector.broadcast %squeeze3A_1445 : f32 to vector<16xf32>
        %min3A_1527 = arith.minimumf %get3A_1510, %min3A_1526 : vector<16xf32>
        %min3A_1528 = vector.broadcast %squeeze3A_1447 : f32 to vector<16xf32>
        %min3A_1529 = arith.minimumf %get3A_1512, %min3A_1528 : vector<16xf32>
        %sub3A_1530 = arith.subf %min3A_1527, %max3A_1523 : vector<16xf32>
        %max3A_1531 = arith.constant 0.000000e+00 : f32
        %max3A_1532 = vector.broadcast %max3A_1531 : f32 to vector<16xf32>
        %max3A_1533 = arith.maximumf %sub3A_1530, %max3A_1532 : vector<16xf32>
        %sub3A_1534 = arith.subf %min3A_1529, %max3A_1525 : vector<16xf32>
        %max3A_1535 = arith.constant 0.000000e+00 : f32
        %max3A_1536 = vector.broadcast %max3A_1535 : f32 to vector<16xf32>
        %max3A_1537 = arith.maximumf %sub3A_1534, %max3A_1536 : vector<16xf32>
        %mul3A_1538 = arith.mulf %max3A_1533, %max3A_1537 : vector<16xf32>
        %add3A_1539 = vector.broadcast %mul3A_1454 : f32 to vector<16xf32>
        %add3A_1540 = arith.addf %mul3A_1521, %add3A_1539 : vector<16xf32>
        %sub3A_1541 = arith.subf %add3A_1540, %mul3A_1538 : vector<16xf32>
        %max3A_1542 = arith.constant 9.99999971E-10 : f32
        %max3A_1543 = vector.broadcast %max3A_1542 : f32 to vector<16xf32>
        %max3A_1544 = arith.maximumf %sub3A_1541, %max3A_1543 : vector<16xf32>
        %add3A_1545 = arith.addf %mul3A_1538, %mul3A_1538 : vector<16xf32>
        %sub3A_1546 = arith.subf %add3A_1545, %max3A_1544 : vector<16xf32>
        %mul3A_1547 = arith.constant 5.96046448E-8 : f32
        %mul3A_1548 = vector.broadcast %mul3A_1547 : f32 to vector<16xf32>
        %mul3A_1549 = arith.mulf %max3A_1544, %mul3A_1548 : vector<16xf32>
        %gt3A_1550 = arith.cmpf ogt, %sub3A_1546, %mul3A_1549 : vector<16xf32>
        %or3A_1551 = arith.ori %or3A_1504, %gt3A_1550 : vector<16xi1>
        %get3A_1552 = arith.constant 32 : index
        %get3A_1553 = tpu.vector_load %arg8[%get3A_1552] {strides = array<i32>} : memref<448xf32, #tpu.memory_space<vmem>>, vector<16xf32>,
        %get3A_1554 = arith.constant 144 : index
        %get3A_1555 = tpu.vector_load %arg8[%get3A_1554] {strides = array<i32>} : memref<448xf32, #tpu.memory_space<vmem>>, vector<16xf32>,
        %get3A_1556 = arith.constant 256 : index
        %get3A_1557 = tpu.vector_load %arg8[%get3A_1556] {strides = array<i32>} : memref<448xf32, #tpu.memory_space<vmem>>, vector<16xf32>,
        %get3A_1558 = arith.constant 368 : index
        %get3A_1559 = tpu.vector_load %arg8[%get3A_1558] {strides = array<i32>} : memref<448xf32, #tpu.memory_space<vmem>>, vector<16xf32>,
        %sub3A_1560 = arith.subf %get3A_1557, %get3A_1553 : vector<16xf32>
        %max3A_1561 = arith.constant 0.000000e+00 : f32
        %max3A_1562 = vector.broadcast %max3A_1561 : f32 to vector<16xf32>
        %max3A_1563 = arith.maximumf %sub3A_1560, %max3A_1562 : vector<16xf32>
        %sub3A_1564 = arith.subf %get3A_1559, %get3A_1555 : vector<16xf32>
        %max3A_1565 = arith.constant 0.000000e+00 : f32
        %max3A_1566 = vector.broadcast %max3A_1565 : f32 to vector<16xf32>
        %max3A_1567 = arith.maximumf %sub3A_1564, %max3A_1566 : vector<16xf32>
        %mul3A_1568 = arith.mulf %max3A_1563, %max3A_1567 : vector<16xf32>
        %max3A_1569 = vector.broadcast %squeeze3A_1441 : f32 to vector<16xf32>
        %max3A_1570 = arith.maximumf %get3A_1553, %max3A_1569 : vector<16xf32>
        %max3A_1571 = vector.broadcast %squeeze3A_1443 : f32 to vector<16xf32>
        %max3A_1572 = arith.maximumf %get3A_1555, %max3A_1571 : vector<16xf32>
        %min3A_1573 = vector.broadcast %squeeze3A_1445 : f32 to vector<16xf32>
        %min3A_1574 = arith.minimumf %get3A_1557, %min3A_1573 : vector<16xf32>
        %min3A_1575 = vector.broadcast %squeeze3A_1447 : f32 to vector<16xf32>
        %min3A_1576 = arith.minimumf %get3A_1559, %min3A_1575 : vector<16xf32>
        %sub3A_1577 = arith.subf %min3A_1574, %max3A_1570 : vector<16xf32>
        %max3A_1578 = arith.constant 0.000000e+00 : f32
        %max3A_1579 = vector.broadcast %max3A_1578 : f32 to vector<16xf32>
        %max3A_1580 = arith.maximumf %sub3A_1577, %max3A_1579 : vector<16xf32>
        %sub3A_1581 = arith.subf %min3A_1576, %max3A_1572 : vector<16xf32>
        %max3A_1582 = arith.constant 0.000000e+00 : f32
        %max3A_1583 = vector.broadcast %max3A_1582 : f32 to vector<16xf32>
        %max3A_1584 = arith.maximumf %sub3A_1581, %max3A_1583 : vector<16xf32>
        %mul3A_1585 = arith.mulf %max3A_1580, %max3A_1584 : vector<16xf32>
        %add3A_1586 = vector.broadcast %mul3A_1454 : f32 to vector<16xf32>
        %add3A_1587 = arith.addf %mul3A_1568, %add3A_1586 : vector<16xf32>
        %sub3A_1588 = arith.subf %add3A_1587, %mul3A_1585 : vector<16xf32>
        %max3A_1589 = arith.constant 9.99999971E-10 : f32
        %max3A_1590 = vector.broadcast %max3A_1589 : f32 to vector<16xf32>
        %max3A_1591 = arith.maximumf %sub3A_1588, %max3A_1590 : vector<16xf32>
        %add3A_1592 = arith.addf %mul3A_1585, %mul3A_1585 : vector<16xf32>
        %sub3A_1593 = arith.subf %add3A_1592, %max3A_1591 : vector<16xf32>
        %mul3A_1594 = arith.constant 5.96046448E-8 : f32
        %mul3A_1595 = vector.broadcast %mul3A_1594 : f32 to vector<16xf32>
        %mul3A_1596 = arith.mulf %max3A_1591, %mul3A_1595 : vector<16xf32>
        %gt3A_1597 = arith.cmpf ogt, %sub3A_1593, %mul3A_1596 : vector<16xf32>
        %or3A_1598 = arith.ori %or3A_1551, %gt3A_1597 : vector<16xi1>
        %get3A_1599 = arith.constant 48 : index
        %get3A_1600 = tpu.vector_load %arg8[%get3A_1599] {strides = array<i32>} : memref<448xf32, #tpu.memory_space<vmem>>, vector<16xf32>,
        %get3A_1601 = arith.constant 160 : index
        %get3A_1602 = tpu.vector_load %arg8[%get3A_1601] {strides = array<i32>} : memref<448xf32, #tpu.memory_space<vmem>>, vector<16xf32>,
        %get3A_1603 = arith.constant 272 : index
        %get3A_1604 = tpu.vector_load %arg8[%get3A_1603] {strides = array<i32>} : memref<448xf32, #tpu.memory_space<vmem>>, vector<16xf32>,
        %get3A_1605 = arith.constant 384 : index
        %get3A_1606 = tpu.vector_load %arg8[%get3A_1605] {strides = array<i32>} : memref<448xf32, #tpu.memory_space<vmem>>, vector<16xf32>,
        %sub3A_1607 = arith.subf %get3A_1604, %get3A_1600 : vector<16xf32>
        %max3A_1608 = arith.constant 0.000000e+00 : f32
        %max3A_1609 = vector.broadcast %max3A_1608 : f32 to vector<16xf32>
        %max3A_1610 = arith.maximumf %sub3A_1607, %max3A_1609 : vector<16xf32>
        %sub3A_1611 = arith.subf %get3A_1606, %get3A_1602 : vector<16xf32>
        %max3A_1612 = arith.constant 0.000000e+00 : f32
        %max3A_1613 = vector.broadcast %max3A_1612 : f32 to vector<16xf32>
        %max3A_1614 = arith.maximumf %sub3A_1611, %max3A_1613 : vector<16xf32>
        %mul3A_1615 = arith.mulf %max3A_1610, %max3A_1614 : vector<16xf32>
        %max3A_1616 = vector.broadcast %squeeze3A_1441 : f32 to vector<16xf32>
        %max3A_1617 = arith.maximumf %get3A_1600, %max3A_1616 : vector<16xf32>
        %max3A_1618 = vector.broadcast %squeeze3A_1443 : f32 to vector<16xf32>
        %max3A_1619 = arith.maximumf %get3A_1602, %max3A_1618 : vector<16xf32>
        %min3A_1620 = vector.broadcast %squeeze3A_1445 : f32 to vector<16xf32>
        %min3A_1621 = arith.minimumf %get3A_1604, %min3A_1620 : vector<16xf32>
        %min3A_1622 = vector.broadcast %squeeze3A_1447 : f32 to vector<16xf32>
        %min3A_1623 = arith.minimumf %get3A_1606, %min3A_1622 : vector<16xf32>
        %sub3A_1624 = arith.subf %min3A_1621, %max3A_1617 : vector<16xf32>
        %max3A_1625 = arith.constant 0.000000e+00 : f32
        %max3A_1626 = vector.broadcast %max3A_1625 : f32 to vector<16xf32>
        %max3A_1627 = arith.maximumf %sub3A_1624, %max3A_1626 : vector<16xf32>
        %sub3A_1628 = arith.subf %min3A_1623, %max3A_1619 : vector<16xf32>
        %max3A_1629 = arith.constant 0.000000e+00 : f32
        %max3A_1630 = vector.broadcast %max3A_1629 : f32 to vector<16xf32>
        %max3A_1631 = arith.maximumf %sub3A_1628, %max3A_1630 : vector<16xf32>
        %mul3A_1632 = arith.mulf %max3A_1627, %max3A_1631 : vector<16xf32>
        %add3A_1633 = vector.broadcast %mul3A_1454 : f32 to vector<16xf32>
        %add3A_1634 = arith.addf %mul3A_1615, %add3A_1633 : vector<16xf32>
        %sub3A_1635 = arith.subf %add3A_1634, %mul3A_1632 : vector<16xf32>
        %max3A_1636 = arith.constant 9.99999971E-10 : f32
        %max3A_1637 = vector.broadcast %max3A_1636 : f32 to vector<16xf32>
        %max3A_1638 = arith.maximumf %sub3A_1635, %max3A_1637 : vector<16xf32>
        %add3A_1639 = arith.addf %mul3A_1632, %mul3A_1632 : vector<16xf32>
        %sub3A_1640 = arith.subf %add3A_1639, %max3A_1638 : vector<16xf32>
        %mul3A_1641 = arith.constant 5.96046448E-8 : f32
        %mul3A_1642 = vector.broadcast %mul3A_1641 : f32 to vector<16xf32>
        %mul3A_1643 = arith.mulf %max3A_1638, %mul3A_1642 : vector<16xf32>
        %gt3A_1644 = arith.cmpf ogt, %sub3A_1640, %mul3A_1643 : vector<16xf32>
        %or3A_1645 = arith.ori %or3A_1598, %gt3A_1644 : vector<16xi1>
        %get3A_1646 = arith.constant 64 : index
        %get3A_1647 = tpu.vector_load %arg8[%get3A_1646] {strides = array<i32>} : memref<448xf32, #tpu.memory_space<vmem>>, vector<16xf32>,
        %get3A_1648 = arith.constant 176 : index
        %get3A_1649 = tpu.vector_load %arg8[%get3A_1648] {strides = array<i32>} : memref<448xf32, #tpu.memory_space<vmem>>, vector<16xf32>,
        %get3A_1650 = arith.constant 288 : index
        %get3A_1651 = tpu.vector_load %arg8[%get3A_1650] {strides = array<i32>} : memref<448xf32, #tpu.memory_space<vmem>>, vector<16xf32>,
        %get3A_1652 = arith.constant 400 : index
        %get3A_1653 = tpu.vector_load %arg8[%get3A_1652] {strides = array<i32>} : memref<448xf32, #tpu.memory_space<vmem>>, vector<16xf32>,
        %sub3A_1654 = arith.subf %get3A_1651, %get3A_1647 : vector<16xf32>
        %max3A_1655 = arith.constant 0.000000e+00 : f32
        %max3A_1656 = vector.broadcast %max3A_1655 : f32 to vector<16xf32>
        %max3A_1657 = arith.maximumf %sub3A_1654, %max3A_1656 : vector<16xf32>
        %sub3A_1658 = arith.subf %get3A_1653, %get3A_1649 : vector<16xf32>
        %max3A_1659 = arith.constant 0.000000e+00 : f32
        %max3A_1660 = vector.broadcast %max3A_1659 : f32 to vector<16xf32>
        %max3A_1661 = arith.maximumf %sub3A_1658, %max3A_1660 : vector<16xf32>
        %mul3A_1662 = arith.mulf %max3A_1657, %max3A_1661 : vector<16xf32>
        %max3A_1663 = vector.broadcast %squeeze3A_1441 : f32 to vector<16xf32>
        %max3A_1664 = arith.maximumf %get3A_1647, %max3A_1663 : vector<16xf32>
        %max3A_1665 = vector.broadcast %squeeze3A_1443 : f32 to vector<16xf32>
        %max3A_1666 = arith.maximumf %get3A_1649, %max3A_1665 : vector<16xf32>
        %min3A_1667 = vector.broadcast %squeeze3A_1445 : f32 to vector<16xf32>
        %min3A_1668 = arith.minimumf %get3A_1651, %min3A_1667 : vector<16xf32>
        %min3A_1669 = vector.broadcast %squeeze3A_1447 : f32 to vector<16xf32>
        %min3A_1670 = arith.minimumf %get3A_1653, %min3A_1669 : vector<16xf32>
        %sub3A_1671 = arith.subf %min3A_1668, %max3A_1664 : vector<16xf32>
        %max3A_1672 = arith.constant 0.000000e+00 : f32
        %max3A_1673 = vector.broadcast %max3A_1672 : f32 to vector<16xf32>
        %max3A_1674 = arith.maximumf %sub3A_1671, %max3A_1673 : vector<16xf32>
        %sub3A_1675 = arith.subf %min3A_1670, %max3A_1666 : vector<16xf32>
        %max3A_1676 = arith.constant 0.000000e+00 : f32
        %max3A_1677 = vector.broadcast %max3A_1676 : f32 to vector<16xf32>
        %max3A_1678 = arith.maximumf %sub3A_1675, %max3A_1677 : vector<16xf32>
        %mul3A_1679 = arith.mulf %max3A_1674, %max3A_1678 : vector<16xf32>
        %add3A_1680 = vector.broadcast %mul3A_1454 : f32 to vector<16xf32>
        %add3A_1681 = arith.addf %mul3A_1662, %add3A_1680 : vector<16xf32>
        %sub3A_1682 = arith.subf %add3A_1681, %mul3A_1679 : vector<16xf32>
        %max3A_1683 = arith.constant 9.99999971E-10 : f32
        %max3A_1684 = vector.broadcast %max3A_1683 : f32 to vector<16xf32>
        %max3A_1685 = arith.maximumf %sub3A_1682, %max3A_1684 : vector<16xf32>
        %add3A_1686 = arith.addf %mul3A_1679, %mul3A_1679 : vector<16xf32>
        %sub3A_1687 = arith.subf %add3A_1686, %max3A_1685 : vector<16xf32>
        %mul3A_1688 = arith.constant 5.96046448E-8 : f32
        %mul3A_1689 = vector.broadcast %mul3A_1688 : f32 to vector<16xf32>
        %mul3A_1690 = arith.mulf %max3A_1685, %mul3A_1689 : vector<16xf32>
        %gt3A_1691 = arith.cmpf ogt, %sub3A_1687, %mul3A_1690 : vector<16xf32>
        %or3A_1692 = arith.ori %or3A_1645, %gt3A_1691 : vector<16xi1>
        %get3A_1693 = arith.constant 80 : index
        %get3A_1694 = tpu.vector_load %arg8[%get3A_1693] {strides = array<i32>} : memref<448xf32, #tpu.memory_space<vmem>>, vector<16xf32>,
        %get3A_1695 = arith.constant 192 : index
        %get3A_1696 = tpu.vector_load %arg8[%get3A_1695] {strides = array<i32>} : memref<448xf32, #tpu.memory_space<vmem>>, vector<16xf32>,
        %get3A_1697 = arith.constant 304 : index
        %get3A_1698 = tpu.vector_load %arg8[%get3A_1697] {strides = array<i32>} : memref<448xf32, #tpu.memory_space<vmem>>, vector<16xf32>,
        %get3A_1699 = arith.constant 416 : index
        %get3A_1700 = tpu.vector_load %arg8[%get3A_1699] {strides = array<i32>} : memref<448xf32, #tpu.memory_space<vmem>>, vector<16xf32>,
        %sub3A_1701 = arith.subf %get3A_1698, %get3A_1694 : vector<16xf32>
        %max3A_1702 = arith.constant 0.000000e+00 : f32
        %max3A_1703 = vector.broadcast %max3A_1702 : f32 to vector<16xf32>
        %max3A_1704 = arith.maximumf %sub3A_1701, %max3A_1703 : vector<16xf32>
        %sub3A_1705 = arith.subf %get3A_1700, %get3A_1696 : vector<16xf32>
        %max3A_1706 = arith.constant 0.000000e+00 : f32
        %max3A_1707 = vector.broadcast %max3A_1706 : f32 to vector<16xf32>
        %max3A_1708 = arith.maximumf %sub3A_1705, %max3A_1707 : vector<16xf32>
        %mul3A_1709 = arith.mulf %max3A_1704, %max3A_1708 : vector<16xf32>
        %max3A_1710 = vector.broadcast %squeeze3A_1441 : f32 to vector<16xf32>
        %max3A_1711 = arith.maximumf %get3A_1694, %max3A_1710 : vector<16xf32>
        %max3A_1712 = vector.broadcast %squeeze3A_1443 : f32 to vector<16xf32>
        %max3A_1713 = arith.maximumf %get3A_1696, %max3A_1712 : vector<16xf32>
        %min3A_1714 = vector.broadcast %squeeze3A_1445 : f32 to vector<16xf32>
        %min3A_1715 = arith.minimumf %get3A_1698, %min3A_1714 : vector<16xf32>
        %min3A_1716 = vector.broadcast %squeeze3A_1447 : f32 to vector<16xf32>
        %min3A_1717 = arith.minimumf %get3A_1700, %min3A_1716 : vector<16xf32>
        %sub3A_1718 = arith.subf %min3A_1715, %max3A_1711 : vector<16xf32>
        %max3A_1719 = arith.constant 0.000000e+00 : f32
        %max3A_1720 = vector.broadcast %max3A_1719 : f32 to vector<16xf32>
        %max3A_1721 = arith.maximumf %sub3A_1718, %max3A_1720 : vector<16xf32>
        %sub3A_1722 = arith.subf %min3A_1717, %max3A_1713 : vector<16xf32>
        %max3A_1723 = arith.constant 0.000000e+00 : f32
        %max3A_1724 = vector.broadcast %max3A_1723 : f32 to vector<16xf32>
        %max3A_1725 = arith.maximumf %sub3A_1722, %max3A_1724 : vector<16xf32>
        %mul3A_1726 = arith.mulf %max3A_1721, %max3A_1725 : vector<16xf32>
        %add3A_1727 = vector.broadcast %mul3A_1454 : f32 to vector<16xf32>
        %add3A_1728 = arith.addf %mul3A_1709, %add3A_1727 : vector<16xf32>
        %sub3A_1729 = arith.subf %add3A_1728, %mul3A_1726 : vector<16xf32>
        %max3A_1730 = arith.constant 9.99999971E-10 : f32
        %max3A_1731 = vector.broadcast %max3A_1730 : f32 to vector<16xf32>
        %max3A_1732 = arith.maximumf %sub3A_1729, %max3A_1731 : vector<16xf32>
        %add3A_1733 = arith.addf %mul3A_1726, %mul3A_1726 : vector<16xf32>
        %sub3A_1734 = arith.subf %add3A_1733, %max3A_1732 : vector<16xf32>
        %mul3A_1735 = arith.constant 5.96046448E-8 : f32
        %mul3A_1736 = vector.broadcast %mul3A_1735 : f32 to vector<16xf32>
        %mul3A_1737 = arith.mulf %max3A_1732, %mul3A_1736 : vector<16xf32>
        %gt3A_1738 = arith.cmpf ogt, %sub3A_1734, %mul3A_1737 : vector<16xf32>
        %or3A_1739 = arith.ori %or3A_1692, %gt3A_1738 : vector<16xi1>
        %get3A_1740 = arith.constant 96 : index
        %get3A_1741 = tpu.vector_load %arg8[%get3A_1740] {strides = array<i32>} : memref<448xf32, #tpu.memory_space<vmem>>, vector<16xf32>,
        %get3A_1742 = arith.constant 208 : index
        %get3A_1743 = tpu.vector_load %arg8[%get3A_1742] {strides = array<i32>} : memref<448xf32, #tpu.memory_space<vmem>>, vector<16xf32>,
        %get3A_1744 = arith.constant 320 : index
        %get3A_1745 = tpu.vector_load %arg8[%get3A_1744] {strides = array<i32>} : memref<448xf32, #tpu.memory_space<vmem>>, vector<16xf32>,
        %get3A_1746 = arith.constant 432 : index
        %get3A_1747 = tpu.vector_load %arg8[%get3A_1746] {strides = array<i32>} : memref<448xf32, #tpu.memory_space<vmem>>, vector<16xf32>,
        %sub3A_1748 = arith.subf %get3A_1745, %get3A_1741 : vector<16xf32>
        %max3A_1749 = arith.constant 0.000000e+00 : f32
        %max3A_1750 = vector.broadcast %max3A_1749 : f32 to vector<16xf32>
        %max3A_1751 = arith.maximumf %sub3A_1748, %max3A_1750 : vector<16xf32>
        %sub3A_1752 = arith.subf %get3A_1747, %get3A_1743 : vector<16xf32>
        %max3A_1753 = arith.constant 0.000000e+00 : f32
        %max3A_1754 = vector.broadcast %max3A_1753 : f32 to vector<16xf32>
        %max3A_1755 = arith.maximumf %sub3A_1752, %max3A_1754 : vector<16xf32>
        %mul3A_1756 = arith.mulf %max3A_1751, %max3A_1755 : vector<16xf32>
        %max3A_1757 = vector.broadcast %squeeze3A_1441 : f32 to vector<16xf32>
        %max3A_1758 = arith.maximumf %get3A_1741, %max3A_1757 : vector<16xf32>
        %max3A_1759 = vector.broadcast %squeeze3A_1443 : f32 to vector<16xf32>
        %max3A_1760 = arith.maximumf %get3A_1743, %max3A_1759 : vector<16xf32>
        %min3A_1761 = vector.broadcast %squeeze3A_1445 : f32 to vector<16xf32>
        %min3A_1762 = arith.minimumf %get3A_1745, %min3A_1761 : vector<16xf32>
        %min3A_1763 = vector.broadcast %squeeze3A_1447 : f32 to vector<16xf32>
        %min3A_1764 = arith.minimumf %get3A_1747, %min3A_1763 : vector<16xf32>
        %sub3A_1765 = arith.subf %min3A_1762, %max3A_1758 : vector<16xf32>
        %max3A_1766 = arith.constant 0.000000e+00 : f32
        %max3A_1767 = vector.broadcast %max3A_1766 : f32 to vector<16xf32>
        %max3A_1768 = arith.maximumf %sub3A_1765, %max3A_1767 : vector<16xf32>
        %sub3A_1769 = arith.subf %min3A_1764, %max3A_1760 : vector<16xf32>
        %max3A_1770 = arith.constant 0.000000e+00 : f32
        %max3A_1771 = vector.broadcast %max3A_1770 : f32 to vector<16xf32>
        %max3A_1772 = arith.maximumf %sub3A_1769, %max3A_1771 : vector<16xf32>
        %mul3A_1773 = arith.mulf %max3A_1768, %max3A_1772 : vector<16xf32>
        %add3A_1774 = vector.broadcast %mul3A_1454 : f32 to vector<16xf32>
        %add3A_1775 = arith.addf %mul3A_1756, %add3A_1774 : vector<16xf32>
        %sub3A_1776 = arith.subf %add3A_1775, %mul3A_1773 : vector<16xf32>
        %max3A_1777 = arith.constant 9.99999971E-10 : f32
        %max3A_1778 = vector.broadcast %max3A_1777 : f32 to vector<16xf32>
        %max3A_1779 = arith.maximumf %sub3A_1776, %max3A_1778 : vector<16xf32>
        %add3A_1780 = arith.addf %mul3A_1773, %mul3A_1773 : vector<16xf32>
        %sub3A_1781 = arith.subf %add3A_1780, %max3A_1779 : vector<16xf32>
        %mul3A_1782 = arith.constant 5.96046448E-8 : f32
        %mul3A_1783 = vector.broadcast %mul3A_1782 : f32 to vector<16xf32>
        %mul3A_1784 = arith.mulf %max3A_1779, %mul3A_1783 : vector<16xf32>
        %gt3A_1785 = arith.cmpf ogt, %sub3A_1781, %mul3A_1784 : vector<16xf32>
        %or3A_1786 = arith.ori %or3A_1739, %gt3A_1785 : vector<16xi1>
        %all_reduce_population_count3A_1787 = tpu.all_reduce %or3A_1786 {dim = 0 : i64, kind = #tpu.reduction_kind<sum>} : vector<16xi1> -> vector<16xi32>
        %slice3A_1788 = vector.extract_strided_slice %all_reduce_population_count3A_1787 {offsets = [0], sizes = [1], strides = [1]} : vector<16xi32> to vector<1xi32>
        %squeeze3A_1789 = vector.extract %slice3A_1788[0] : i32 from vector<1xi32>
        %gt3A_1790 = arith.constant 0 : i32
        %gt3A_1791 = arith.cmpi sgt, %squeeze3A_1789, %gt3A_1790 : i32
        %gt3A_1792 = arith.constant 0xFF800000 : f32
        %gt3A_1793 = arith.cmpf ogt, %reduce_max3A_1352, %gt3A_1792 : f32
        %and3A_1794 = arith.andi %gt3A_1791, %gt3A_1793 : i1
        %while3A_1795:14 = scf.while (%while3A_1923 = %select_n3A_1248, %while3A_1924 = %select_n3A_1255, %while3A_1925 = %select_n3A_1262, %while3A_1926 = %select_n3A_1269, %while3A_1927 = %select_n3A_1276, %while3A_1928 = %reduce_max3A_1352, %while3A_1929 = %add3A_1436, %while3A_1930 = %add3A_1408, %while3A_1931 = %add3A_1422, %while3A_1932 = %min3A_1419, %while3A_1933 = %min3A_1433, %while3A_1934 = %get3A_1412, %while3A_1935 = %get3A_1426, %while3A_1936 = %and3A_1794) : (vector<16xf32>, vector<16xf32>, vector<16xf32>, vector<16xf32>, vector<16xf32>, f32, i32, i32, i32, i32, i32, vector<16xf32>, vector<16xf32>, i1) -> (vector<16xf32>, vector<16xf32>, vector<16xf32>, vector<16xf32>, vector<16xf32>, f32, i32, i32, i32, i32, i32, vector<16xf32>, vector<16xf32>, i1) {
          scf.condition(%while3A_1936) %while3A_1923, %while3A_1924, %while3A_1925, %while3A_1926, %while3A_1927, %while3A_1928, %while3A_1929, %while3A_1930, %while3A_1931, %while3A_1932, %while3A_1933, %while3A_1934, %while3A_1935, %while3A_1936 : vector<16xf32>, vector<16xf32>, vector<16xf32>, vector<16xf32>, vector<16xf32>, f32, i32, i32, i32, i32, i32, vector<16xf32>, vector<16xf32>, i1
        } do {
        ^bb0(%while3A_1923: vector<16xf32>, %while3A_1924: vector<16xf32>, %while3A_1925: vector<16xf32>, %while3A_1926: vector<16xf32>, %while3A_1927: vector<16xf32>, %while3A_1928: f32, %while3A_1929: i32, %while3A_1930: i32, %while3A_1931: i32, %while3A_1932: i32, %while3A_1933: i32, %while3A_1934: vector<16xf32>, %while3A_1935: vector<16xf32>, %while3A_1936: i1):
          %broadcast_in_dim3A_1937 = vector.broadcast %while3A_1929 : i32 to vector<16xi32>
          tpu.vector_store_idx %arg6[%broadcast_in_dim3A_1937], %broadcast_in_dim3A_13 masked %eq3A_7 : memref<20480xf32, #tpu.memory_space<vmem>>[vector<16xi32>], vector<16xf32>, vector<16xi1>
          %eq3A_1938 = vector.broadcast %while3A_1933 : i32 to vector<16xi32>
          %eq3A_1939 = arith.cmpi eq, %iota3A, %eq3A_1938 : vector<16xi32>
          %jit3A_1940 = arith.constant 0xFF800000 : f32
          %broadcast_in_dim3A_1941 = vector.broadcast %jit3A_1940 : f32 to vector<16xf32>
          %select_n3A_1942 = arith.select %eq3A_1939, %broadcast_in_dim3A_1941, %while3A_1935 : vector<16xi1>, vector<16xf32>
          %ge3A_1943 = arith.constant 5.000000e-02 : f32
          %ge3A_1944 = vector.broadcast %ge3A_1943 : f32 to vector<16xf32>
          %ge3A_1945 = arith.cmpf oge, %select_n3A_1942, %ge3A_1944 : vector<16xf32>
          %jit3A_1946 = arith.constant 0xFF800000 : f32
          %broadcast_in_dim3A_1947 = vector.broadcast %jit3A_1946 : f32 to vector<16xf32>
          %select_n3A_1948 = arith.select %ge3A_1945, %select_n3A_1942, %broadcast_in_dim3A_1947 : vector<16xi1>, vector<16xf32>
          %reduce_max3A_1949 = arith.constant true
          %reduce_max3A_1950 = vector.broadcast %reduce_max3A_1949 : i1 to vector<16xi1>
          %reduce_max3A_1951 = tpu.scan <max>, %select_n3A_1948 masked %reduce_max3A_1950 : vector<16xf32>, vector<16xi1> -> vector<16xf32>
          %reduce_max3A_1952 = vector.extract %reduce_max3A_1951[15] : f32 from vector<16xf32>
          %broadcast_in_dim3A_1953 = vector.broadcast %while3A_1931 : i32 to vector<16xi32>
          %broadcast_in_dim3A_1954 = vector.broadcast %reduce_max3A_1952 : f32 to vector<16xf32>
          tpu.vector_store_idx %arg7[%broadcast_in_dim3A_1953], %broadcast_in_dim3A_1954 masked %eq3A_7 : memref<1280xf32, #tpu.memory_space<vmem>>[vector<16xi32>], vector<16xf32>, vector<16xi1>
          %eq3A_1955 = vector.broadcast %while3A_1932 : i32 to vector<16xi32>
          %eq3A_1956 = arith.cmpi eq, %iota3A, %eq3A_1955 : vector<16xi32>
          %broadcast_in_dim3A_1957 = vector.broadcast %reduce_max3A_1952 : f32 to vector<16xf32>
          %select_n3A_1958 = arith.select %eq3A_1956, %broadcast_in_dim3A_1957, %while3A_1934 : vector<16xi1>, vector<16xf32>
          %reduce_max3A_1959 = arith.constant true
          %reduce_max3A_1960 = vector.broadcast %reduce_max3A_1959 : i1 to vector<16xi1>
          %reduce_max3A_1961 = tpu.scan <max>, %select_n3A_1958 masked %reduce_max3A_1960 : vector<16xf32>, vector<16xi1> -> vector<16xf32>
          %reduce_max3A_1962 = vector.extract %reduce_max3A_1961[15] : f32 from vector<16xf32>
          %add3A_1963 = arith.constant 0 : i32
          %add3A_1964 = vector.broadcast %add3A_1963 : i32 to vector<16xi32>
          %add3A_1965 = arith.addi %add3A_1964, %iota3A : vector<16xi32>
          %eq3A_1966 = vector.broadcast %while3A_1930 : i32 to vector<16xi32>
          %eq3A_1967 = arith.cmpi eq, %add3A_1965, %eq3A_1966 : vector<16xi32>
          %broadcast_in_dim3A_1968 = vector.broadcast %reduce_max3A_1962 : f32 to vector<16xf32>
          %select_n3A_1969 = arith.select %eq3A_1967, %broadcast_in_dim3A_1968, %while3A_1923 : vector<16xi1>, vector<16xf32>
          %add3A_1970 = arith.constant 16 : i32
          %add3A_1971 = vector.broadcast %add3A_1970 : i32 to vector<16xi32>
          %add3A_1972 = arith.addi %add3A_1971, %iota3A : vector<16xi32>
          %eq3A_1973 = vector.broadcast %while3A_1930 : i32 to vector<16xi32>
          %eq3A_1974 = arith.cmpi eq, %add3A_1972, %eq3A_1973 : vector<16xi32>
          %broadcast_in_dim3A_1975 = vector.broadcast %reduce_max3A_1962 : f32 to vector<16xf32>
          %select_n3A_1976 = arith.select %eq3A_1974, %broadcast_in_dim3A_1975, %while3A_1924 : vector<16xi1>, vector<16xf32>
          %add3A_1977 = arith.constant 32 : i32
          %add3A_1978 = vector.broadcast %add3A_1977 : i32 to vector<16xi32>
          %add3A_1979 = arith.addi %add3A_1978, %iota3A : vector<16xi32>
          %eq3A_1980 = vector.broadcast %while3A_1930 : i32 to vector<16xi32>
          %eq3A_1981 = arith.cmpi eq, %add3A_1979, %eq3A_1980 : vector<16xi32>
          %broadcast_in_dim3A_1982 = vector.broadcast %reduce_max3A_1962 : f32 to vector<16xf32>
          %select_n3A_1983 = arith.select %eq3A_1981, %broadcast_in_dim3A_1982, %while3A_1925 : vector<16xi1>, vector<16xf32>
          %add3A_1984 = arith.constant 48 : i32
          %add3A_1985 = vector.broadcast %add3A_1984 : i32 to vector<16xi32>
          %add3A_1986 = arith.addi %add3A_1985, %iota3A : vector<16xi32>
          %eq3A_1987 = vector.broadcast %while3A_1930 : i32 to vector<16xi32>
          %eq3A_1988 = arith.cmpi eq, %add3A_1986, %eq3A_1987 : vector<16xi32>
          %broadcast_in_dim3A_1989 = vector.broadcast %reduce_max3A_1962 : f32 to vector<16xf32>
          %select_n3A_1990 = arith.select %eq3A_1988, %broadcast_in_dim3A_1989, %while3A_1926 : vector<16xi1>, vector<16xf32>
          %add3A_1991 = arith.constant 64 : i32
          %add3A_1992 = vector.broadcast %add3A_1991 : i32 to vector<16xi32>
          %add3A_1993 = arith.addi %add3A_1992, %iota3A : vector<16xi32>
          %eq3A_1994 = vector.broadcast %while3A_1930 : i32 to vector<16xi32>
          %eq3A_1995 = arith.cmpi eq, %add3A_1993, %eq3A_1994 : vector<16xi32>
          %broadcast_in_dim3A_1996 = vector.broadcast %reduce_max3A_1962 : f32 to vector<16xf32>
          %select_n3A_1997 = arith.select %eq3A_1995, %broadcast_in_dim3A_1996, %while3A_1927 : vector<16xi1>, vector<16xf32>
          %max3A_1998 = arith.maximumf %select_n3A_1969, %select_n3A_1976 : vector<16xf32>
          %max3A_1999 = arith.maximumf %select_n3A_1983, %select_n3A_1990 : vector<16xf32>
          %max3A_2000 = arith.maximumf %max3A_1998, %max3A_1999 : vector<16xf32>
          %max3A_2001 = arith.maximumf %max3A_2000, %select_n3A_1997 : vector<16xf32>
          %reduce_max3A_2002 = arith.constant true
          %reduce_max3A_2003 = vector.broadcast %reduce_max3A_2002 : i1 to vector<16xi1>
          %reduce_max3A_2004 = tpu.scan <max>, %max3A_2001 masked %reduce_max3A_2003 : vector<16xf32>, vector<16xi1> -> vector<16xf32>
          %reduce_max3A_2005 = vector.extract %reduce_max3A_2004[15] : f32 from vector<16xf32>
          %eq3A_2006 = vector.broadcast %reduce_max3A_2005 : f32 to vector<16xf32>
          %eq3A_2007 = arith.cmpf oeq, %select_n3A_1969, %eq3A_2006 : vector<16xf32>
          %eq3A_2008 = vector.broadcast %reduce_max3A_2005 : f32 to vector<16xf32>
          %eq3A_2009 = arith.cmpf oeq, %select_n3A_1976, %eq3A_2008 : vector<16xf32>
          %eq3A_2010 = vector.broadcast %reduce_max3A_2005 : f32 to vector<16xf32>
          %eq3A_2011 = arith.cmpf oeq, %select_n3A_1983, %eq3A_2010 : vector<16xf32>
          %eq3A_2012 = vector.broadcast %reduce_max3A_2005 : f32 to vector<16xf32>
          %eq3A_2013 = arith.cmpf oeq, %select_n3A_1990, %eq3A_2012 : vector<16xf32>
          %eq3A_2014 = vector.broadcast %reduce_max3A_2005 : f32 to vector<16xf32>
          %eq3A_2015 = arith.cmpf oeq, %select_n3A_1997, %eq3A_2014 : vector<16xf32>
          %all_reduce_population_count3A_2016 = tpu.all_reduce %eq3A_2007 {dim = 0 : i64, kind = #tpu.reduction_kind<sum>} : vector<16xi1> -> vector<16xi32>
          %slice3A_2017 = vector.extract_strided_slice %all_reduce_population_count3A_2016 {offsets = [0], sizes = [1], strides = [1]} : vector<16xi32> to vector<1xi32>
          %squeeze3A_2018 = vector.extract %slice3A_2017[0] : i32 from vector<1xi32>
          %gt3A_2019 = arith.constant 0 : i32
          %gt3A_2020 = arith.cmpi sgt, %squeeze3A_2018, %gt3A_2019 : i32
          %all_reduce_population_count3A_2021 = tpu.all_reduce %eq3A_2009 {dim = 0 : i64, kind = #tpu.reduction_kind<sum>} : vector<16xi1> -> vector<16xi32>
          %slice3A_2022 = vector.extract_strided_slice %all_reduce_population_count3A_2021 {offsets = [0], sizes = [1], strides = [1]} : vector<16xi32> to vector<1xi32>
          %squeeze3A_2023 = vector.extract %slice3A_2022[0] : i32 from vector<1xi32>
          %gt3A_2024 = arith.constant 0 : i32
          %gt3A_2025 = arith.cmpi sgt, %squeeze3A_2023, %gt3A_2024 : i32
          %all_reduce_population_count3A_2026 = tpu.all_reduce %eq3A_2011 {dim = 0 : i64, kind = #tpu.reduction_kind<sum>} : vector<16xi1> -> vector<16xi32>
          %slice3A_2027 = vector.extract_strided_slice %all_reduce_population_count3A_2026 {offsets = [0], sizes = [1], strides = [1]} : vector<16xi32> to vector<1xi32>
          %squeeze3A_2028 = vector.extract %slice3A_2027[0] : i32 from vector<1xi32>
          %gt3A_2029 = arith.constant 0 : i32
          %gt3A_2030 = arith.cmpi sgt, %squeeze3A_2028, %gt3A_2029 : i32
          %all_reduce_population_count3A_2031 = tpu.all_reduce %eq3A_2013 {dim = 0 : i64, kind = #tpu.reduction_kind<sum>} : vector<16xi1> -> vector<16xi32>
          %slice3A_2032 = vector.extract_strided_slice %all_reduce_population_count3A_2031 {offsets = [0], sizes = [1], strides = [1]} : vector<16xi32> to vector<1xi32>
          %squeeze3A_2033 = vector.extract %slice3A_2032[0] : i32 from vector<1xi32>
          %gt3A_2034 = arith.constant 0 : i32
          %gt3A_2035 = arith.cmpi sgt, %squeeze3A_2033, %gt3A_2034 : i32
          %all_reduce_population_count3A_2036 = tpu.all_reduce %eq3A_2015 {dim = 0 : i64, kind = #tpu.reduction_kind<sum>} : vector<16xi1> -> vector<16xi32>
          %slice3A_2037 = vector.extract_strided_slice %all_reduce_population_count3A_2036 {offsets = [0], sizes = [1], strides = [1]} : vector<16xi32> to vector<1xi32>
          %squeeze3A_2038 = vector.extract %slice3A_2037[0] : i32 from vector<1xi32>
          %gt3A_2039 = arith.constant 0 : i32
          %gt3A_2040 = arith.cmpi sgt, %squeeze3A_2038, %gt3A_2039 : i32
          %jit3A_2041 = arith.constant 3 : i32
          %jit3A_2042 = arith.constant 4 : i32
          %select_n3A_2043 = arith.select %gt3A_2035, %jit3A_2041, %jit3A_2042 : i32
          %jit3A_2044 = arith.constant 2 : i32
          %select_n3A_2045 = arith.select %gt3A_2030, %jit3A_2044, %select_n3A_2043 : i32
          %jit3A_2046 = arith.constant 1 : i32
          %select_n3A_2047 = arith.select %gt3A_2025, %jit3A_2046, %select_n3A_2045 : i32
          %jit3A_2048 = arith.constant 0 : i32
          %select_n3A_2049 = arith.select %gt3A_2020, %jit3A_2048, %select_n3A_2047 : i32
          %select_n3A_2050 = arith.select %gt3A_2035, %eq3A_2013, %eq3A_2015 : vector<16xi1>
          %select_n3A_2051 = arith.select %gt3A_2030, %eq3A_2011, %select_n3A_2050 : vector<16xi1>
          %select_n3A_2052 = arith.select %gt3A_2025, %eq3A_2009, %select_n3A_2051 : vector<16xi1>
          %select_n3A_2053 = arith.select %gt3A_2020, %eq3A_2007, %select_n3A_2052 : vector<16xi1>
          %all_reduce_ffs3A_2054 = tpu.all_reduce %select_n3A_2053 {dim = 0 : i64, kind = #tpu.reduction_kind<find_first_set>} : vector<16xi1> -> vector<16xi32>
          %slice3A_2055 = vector.extract_strided_slice %all_reduce_ffs3A_2054 {offsets = [0], sizes = [1], strides = [1]} : vector<16xi32> to vector<1xi32>
          %squeeze3A_2056 = vector.extract %slice3A_2055[0] : i32 from vector<1xi32>
          %min3A_2057 = arith.constant 15 : i32
          %min3A_2058 = arith.minsi %squeeze3A_2056, %min3A_2057 : i32
          %mul3A_2059 = arith.constant 16 : i32
          %mul3A_2060 = arith.muli %select_n3A_2049, %mul3A_2059 : i32
          %add3A_2061 = arith.addi %mul3A_2060, %min3A_2058 : i32
          %mul3A_2062 = arith.constant 16 : i32
          %mul3A_2063 = arith.muli %add3A_2061, %mul3A_2062 : i32
          %get3A_2064 = arith.index_cast %mul3A_2063 : i32 to index
          %get3A_2065 = tpu.vector_load %arg7[%get3A_2064] {strides = array<i32>} : memref<1280xf32, #tpu.memory_space<vmem>>, vector<16xf32>,
          %eq3A_2066 = vector.broadcast %reduce_max3A_2005 : f32 to vector<16xf32>
          %eq3A_2067 = arith.cmpf oeq, %get3A_2065, %eq3A_2066 : vector<16xf32>
          %all_reduce_ffs3A_2068 = tpu.all_reduce %eq3A_2067 {dim = 0 : i64, kind = #tpu.reduction_kind<find_first_set>} : vector<16xi1> -> vector<16xi32>
          %slice3A_2069 = vector.extract_strided_slice %all_reduce_ffs3A_2068 {offsets = [0], sizes = [1], strides = [1]} : vector<16xi32> to vector<1xi32>
          %squeeze3A_2070 = vector.extract %slice3A_2069[0] : i32 from vector<1xi32>
          %min3A_2071 = arith.constant 15 : i32
          %min3A_2072 = arith.minsi %squeeze3A_2070, %min3A_2071 : i32
          %mul3A_2073 = arith.constant 16 : i32
          %mul3A_2074 = arith.muli %add3A_2061, %mul3A_2073 : i32
          %add3A_2075 = arith.addi %mul3A_2074, %min3A_2072 : i32
          %mul3A_2076 = arith.constant 16 : i32
          %mul3A_2077 = arith.muli %add3A_2075, %mul3A_2076 : i32
          %get3A_2078 = arith.index_cast %mul3A_2077 : i32 to index
          %get3A_2079 = tpu.vector_load %arg6[%get3A_2078] {strides = array<i32>} : memref<20480xf32, #tpu.memory_space<vmem>>, vector<16xf32>,
          %eq3A_2080 = vector.broadcast %reduce_max3A_2005 : f32 to vector<16xf32>
          %eq3A_2081 = arith.cmpf oeq, %get3A_2079, %eq3A_2080 : vector<16xf32>
          %all_reduce_ffs3A_2082 = tpu.all_reduce %eq3A_2081 {dim = 0 : i64, kind = #tpu.reduction_kind<find_first_set>} : vector<16xi1> -> vector<16xi32>
          %slice3A_2083 = vector.extract_strided_slice %all_reduce_ffs3A_2082 {offsets = [0], sizes = [1], strides = [1]} : vector<16xi32> to vector<1xi32>
          %squeeze3A_2084 = vector.extract %slice3A_2083[0] : i32 from vector<1xi32>
          %min3A_2085 = arith.constant 15 : i32
          %min3A_2086 = arith.minsi %squeeze3A_2084, %min3A_2085 : i32
          %mul3A_2087 = arith.constant 16 : i32
          %mul3A_2088 = arith.muli %add3A_2075, %mul3A_2087 : i32
          %add3A_2089 = arith.addi %mul3A_2088, %min3A_2086 : i32
          %add3A_2090 = vector.broadcast %add3A_2089 : i32 to vector<16xi32>
          %add3A_2091 = arith.addi %mul3A_12, %add3A_2090 : vector<16xi32>
          %gather3A_2092 = tpu.vector_load_idx %arg5[%add3A_2091] : memref<81920xf32, #tpu.memory_space<vmem>>[vector<16xi32>], vector<16xf32>,
          %slice3A_2093 = vector.extract_strided_slice %gather3A_2092 {offsets = [0], sizes = [1], strides = [1]} : vector<16xf32> to vector<1xf32>
          %squeeze3A_2094 = vector.extract %slice3A_2093[0] : f32 from vector<1xf32>
          %slice3A_2095 = vector.extract_strided_slice %gather3A_2092 {offsets = [1], sizes = [1], strides = [1]} : vector<16xf32> to vector<1xf32>
          %squeeze3A_2096 = vector.extract %slice3A_2095[0] : f32 from vector<1xf32>
          %slice3A_2097 = vector.extract_strided_slice %gather3A_2092 {offsets = [2], sizes = [1], strides = [1]} : vector<16xf32> to vector<1xf32>
          %squeeze3A_2098 = vector.extract %slice3A_2097[0] : f32 from vector<1xf32>
          %slice3A_2099 = vector.extract_strided_slice %gather3A_2092 {offsets = [3], sizes = [1], strides = [1]} : vector<16xf32> to vector<1xf32>
          %squeeze3A_2100 = vector.extract %slice3A_2099[0] : f32 from vector<1xf32>
          %sub3A_2101 = arith.subf %squeeze3A_2098, %squeeze3A_2094 : f32
          %max3A_2102 = arith.constant 0.000000e+00 : f32
          %max3A_2103 = arith.maximumf %sub3A_2101, %max3A_2102 : f32
          %sub3A_2104 = arith.subf %squeeze3A_2100, %squeeze3A_2096 : f32
          %max3A_2105 = arith.constant 0.000000e+00 : f32
          %max3A_2106 = arith.maximumf %sub3A_2104, %max3A_2105 : f32
          %mul3A_2107 = arith.mulf %max3A_2103, %max3A_2106 : f32
          %lt3A_2108 = arith.constant 0 : i32
          %lt3A_2109 = vector.broadcast %lt3A_2108 : i32 to vector<16xi32>
          %lt3A_2110 = arith.cmpi slt, %iota3A, %lt3A_2109 : vector<16xi32>
          %get3A_2111 = arith.constant 0 : index
          %get3A_2112 = tpu.vector_load %arg8[%get3A_2111] {strides = array<i32>} : memref<448xf32, #tpu.memory_space<vmem>>, vector<16xf32>,
          %get3A_2113 = arith.constant 112 : index
          %get3A_2114 = tpu.vector_load %arg8[%get3A_2113] {strides = array<i32>} : memref<448xf32, #tpu.memory_space<vmem>>, vector<16xf32>,
          %get3A_2115 = arith.constant 224 : index
          %get3A_2116 = tpu.vector_load %arg8[%get3A_2115] {strides = array<i32>} : memref<448xf32, #tpu.memory_space<vmem>>, vector<16xf32>,
          %get3A_2117 = arith.constant 336 : index
          %get3A_2118 = tpu.vector_load %arg8[%get3A_2117] {strides = array<i32>} : memref<448xf32, #tpu.memory_space<vmem>>, vector<16xf32>,
          %sub3A_2119 = arith.subf %get3A_2116, %get3A_2112 : vector<16xf32>
          %max3A_2120 = arith.constant 0.000000e+00 : f32
          %max3A_2121 = vector.broadcast %max3A_2120 : f32 to vector<16xf32>
          %max3A_2122 = arith.maximumf %sub3A_2119, %max3A_2121 : vector<16xf32>
          %sub3A_2123 = arith.subf %get3A_2118, %get3A_2114 : vector<16xf32>
          %max3A_2124 = arith.constant 0.000000e+00 : f32
          %max3A_2125 = vector.broadcast %max3A_2124 : f32 to vector<16xf32>
          %max3A_2126 = arith.maximumf %sub3A_2123, %max3A_2125 : vector<16xf32>
          %mul3A_2127 = arith.mulf %max3A_2122, %max3A_2126 : vector<16xf32>
          %max3A_2128 = vector.broadcast %squeeze3A_2094 : f32 to vector<16xf32>
          %max3A_2129 = arith.maximumf %get3A_2112, %max3A_2128 : vector<16xf32>
          %max3A_2130 = vector.broadcast %squeeze3A_2096 : f32 to vector<16xf32>
          %max3A_2131 = arith.maximumf %get3A_2114, %max3A_2130 : vector<16xf32>
          %min3A_2132 = vector.broadcast %squeeze3A_2098 : f32 to vector<16xf32>
          %min3A_2133 = arith.minimumf %get3A_2116, %min3A_2132 : vector<16xf32>
          %min3A_2134 = vector.broadcast %squeeze3A_2100 : f32 to vector<16xf32>
          %min3A_2135 = arith.minimumf %get3A_2118, %min3A_2134 : vector<16xf32>
          %sub3A_2136 = arith.subf %min3A_2133, %max3A_2129 : vector<16xf32>
          %max3A_2137 = arith.constant 0.000000e+00 : f32
          %max3A_2138 = vector.broadcast %max3A_2137 : f32 to vector<16xf32>
          %max3A_2139 = arith.maximumf %sub3A_2136, %max3A_2138 : vector<16xf32>
          %sub3A_2140 = arith.subf %min3A_2135, %max3A_2131 : vector<16xf32>
          %max3A_2141 = arith.constant 0.000000e+00 : f32
          %max3A_2142 = vector.broadcast %max3A_2141 : f32 to vector<16xf32>
          %max3A_2143 = arith.maximumf %sub3A_2140, %max3A_2142 : vector<16xf32>
          %mul3A_2144 = arith.mulf %max3A_2139, %max3A_2143 : vector<16xf32>
          %add3A_2145 = vector.broadcast %mul3A_2107 : f32 to vector<16xf32>
          %add3A_2146 = arith.addf %mul3A_2127, %add3A_2145 : vector<16xf32>
          %sub3A_2147 = arith.subf %add3A_2146, %mul3A_2144 : vector<16xf32>
          %max3A_2148 = arith.constant 9.99999971E-10 : f32
          %max3A_2149 = vector.broadcast %max3A_2148 : f32 to vector<16xf32>
          %max3A_2150 = arith.maximumf %sub3A_2147, %max3A_2149 : vector<16xf32>
          %add3A_2151 = arith.addf %mul3A_2144, %mul3A_2144 : vector<16xf32>
          %sub3A_2152 = arith.subf %add3A_2151, %max3A_2150 : vector<16xf32>
          %mul3A_2153 = arith.constant 5.96046448E-8 : f32
          %mul3A_2154 = vector.broadcast %mul3A_2153 : f32 to vector<16xf32>
          %mul3A_2155 = arith.mulf %max3A_2150, %mul3A_2154 : vector<16xf32>
          %gt3A_2156 = arith.cmpf ogt, %sub3A_2152, %mul3A_2155 : vector<16xf32>
          %or3A_2157 = arith.ori %lt3A_2110, %gt3A_2156 : vector<16xi1>
          %get3A_2158 = arith.constant 16 : index
          %get3A_2159 = tpu.vector_load %arg8[%get3A_2158] {strides = array<i32>} : memref<448xf32, #tpu.memory_space<vmem>>, vector<16xf32>,
          %get3A_2160 = arith.constant 128 : index
          %get3A_2161 = tpu.vector_load %arg8[%get3A_2160] {strides = array<i32>} : memref<448xf32, #tpu.memory_space<vmem>>, vector<16xf32>,
          %get3A_2162 = arith.constant 240 : index
          %get3A_2163 = tpu.vector_load %arg8[%get3A_2162] {strides = array<i32>} : memref<448xf32, #tpu.memory_space<vmem>>, vector<16xf32>,
          %get3A_2164 = arith.constant 352 : index
          %get3A_2165 = tpu.vector_load %arg8[%get3A_2164] {strides = array<i32>} : memref<448xf32, #tpu.memory_space<vmem>>, vector<16xf32>,
          %sub3A_2166 = arith.subf %get3A_2163, %get3A_2159 : vector<16xf32>
          %max3A_2167 = arith.constant 0.000000e+00 : f32
          %max3A_2168 = vector.broadcast %max3A_2167 : f32 to vector<16xf32>
          %max3A_2169 = arith.maximumf %sub3A_2166, %max3A_2168 : vector<16xf32>
          %sub3A_2170 = arith.subf %get3A_2165, %get3A_2161 : vector<16xf32>
          %max3A_2171 = arith.constant 0.000000e+00 : f32
          %max3A_2172 = vector.broadcast %max3A_2171 : f32 to vector<16xf32>
          %max3A_2173 = arith.maximumf %sub3A_2170, %max3A_2172 : vector<16xf32>
          %mul3A_2174 = arith.mulf %max3A_2169, %max3A_2173 : vector<16xf32>
          %max3A_2175 = vector.broadcast %squeeze3A_2094 : f32 to vector<16xf32>
          %max3A_2176 = arith.maximumf %get3A_2159, %max3A_2175 : vector<16xf32>
          %max3A_2177 = vector.broadcast %squeeze3A_2096 : f32 to vector<16xf32>
          %max3A_2178 = arith.maximumf %get3A_2161, %max3A_2177 : vector<16xf32>
          %min3A_2179 = vector.broadcast %squeeze3A_2098 : f32 to vector<16xf32>
          %min3A_2180 = arith.minimumf %get3A_2163, %min3A_2179 : vector<16xf32>
          %min3A_2181 = vector.broadcast %squeeze3A_2100 : f32 to vector<16xf32>
          %min3A_2182 = arith.minimumf %get3A_2165, %min3A_2181 : vector<16xf32>
          %sub3A_2183 = arith.subf %min3A_2180, %max3A_2176 : vector<16xf32>
          %max3A_2184 = arith.constant 0.000000e+00 : f32
          %max3A_2185 = vector.broadcast %max3A_2184 : f32 to vector<16xf32>
          %max3A_2186 = arith.maximumf %sub3A_2183, %max3A_2185 : vector<16xf32>
          %sub3A_2187 = arith.subf %min3A_2182, %max3A_2178 : vector<16xf32>
          %max3A_2188 = arith.constant 0.000000e+00 : f32
          %max3A_2189 = vector.broadcast %max3A_2188 : f32 to vector<16xf32>
          %max3A_2190 = arith.maximumf %sub3A_2187, %max3A_2189 : vector<16xf32>
          %mul3A_2191 = arith.mulf %max3A_2186, %max3A_2190 : vector<16xf32>
          %add3A_2192 = vector.broadcast %mul3A_2107 : f32 to vector<16xf32>
          %add3A_2193 = arith.addf %mul3A_2174, %add3A_2192 : vector<16xf32>
          %sub3A_2194 = arith.subf %add3A_2193, %mul3A_2191 : vector<16xf32>
          %max3A_2195 = arith.constant 9.99999971E-10 : f32
          %max3A_2196 = vector.broadcast %max3A_2195 : f32 to vector<16xf32>
          %max3A_2197 = arith.maximumf %sub3A_2194, %max3A_2196 : vector<16xf32>
          %add3A_2198 = arith.addf %mul3A_2191, %mul3A_2191 : vector<16xf32>
          %sub3A_2199 = arith.subf %add3A_2198, %max3A_2197 : vector<16xf32>
          %mul3A_2200 = arith.constant 5.96046448E-8 : f32
          %mul3A_2201 = vector.broadcast %mul3A_2200 : f32 to vector<16xf32>
          %mul3A_2202 = arith.mulf %max3A_2197, %mul3A_2201 : vector<16xf32>
          %gt3A_2203 = arith.cmpf ogt, %sub3A_2199, %mul3A_2202 : vector<16xf32>
          %or3A_2204 = arith.ori %or3A_2157, %gt3A_2203 : vector<16xi1>
          %get3A_2205 = arith.constant 32 : index
          %get3A_2206 = tpu.vector_load %arg8[%get3A_2205] {strides = array<i32>} : memref<448xf32, #tpu.memory_space<vmem>>, vector<16xf32>,
          %get3A_2207 = arith.constant 144 : index
          %get3A_2208 = tpu.vector_load %arg8[%get3A_2207] {strides = array<i32>} : memref<448xf32, #tpu.memory_space<vmem>>, vector<16xf32>,
          %get3A_2209 = arith.constant 256 : index
          %get3A_2210 = tpu.vector_load %arg8[%get3A_2209] {strides = array<i32>} : memref<448xf32, #tpu.memory_space<vmem>>, vector<16xf32>,
          %get3A_2211 = arith.constant 368 : index
          %get3A_2212 = tpu.vector_load %arg8[%get3A_2211] {strides = array<i32>} : memref<448xf32, #tpu.memory_space<vmem>>, vector<16xf32>,
          %sub3A_2213 = arith.subf %get3A_2210, %get3A_2206 : vector<16xf32>
          %max3A_2214 = arith.constant 0.000000e+00 : f32
          %max3A_2215 = vector.broadcast %max3A_2214 : f32 to vector<16xf32>
          %max3A_2216 = arith.maximumf %sub3A_2213, %max3A_2215 : vector<16xf32>
          %sub3A_2217 = arith.subf %get3A_2212, %get3A_2208 : vector<16xf32>
          %max3A_2218 = arith.constant 0.000000e+00 : f32
          %max3A_2219 = vector.broadcast %max3A_2218 : f32 to vector<16xf32>
          %max3A_2220 = arith.maximumf %sub3A_2217, %max3A_2219 : vector<16xf32>
          %mul3A_2221 = arith.mulf %max3A_2216, %max3A_2220 : vector<16xf32>
          %max3A_2222 = vector.broadcast %squeeze3A_2094 : f32 to vector<16xf32>
          %max3A_2223 = arith.maximumf %get3A_2206, %max3A_2222 : vector<16xf32>
          %max3A_2224 = vector.broadcast %squeeze3A_2096 : f32 to vector<16xf32>
          %max3A_2225 = arith.maximumf %get3A_2208, %max3A_2224 : vector<16xf32>
          %min3A_2226 = vector.broadcast %squeeze3A_2098 : f32 to vector<16xf32>
          %min3A_2227 = arith.minimumf %get3A_2210, %min3A_2226 : vector<16xf32>
          %min3A_2228 = vector.broadcast %squeeze3A_2100 : f32 to vector<16xf32>
          %min3A_2229 = arith.minimumf %get3A_2212, %min3A_2228 : vector<16xf32>
          %sub3A_2230 = arith.subf %min3A_2227, %max3A_2223 : vector<16xf32>
          %max3A_2231 = arith.constant 0.000000e+00 : f32
          %max3A_2232 = vector.broadcast %max3A_2231 : f32 to vector<16xf32>
          %max3A_2233 = arith.maximumf %sub3A_2230, %max3A_2232 : vector<16xf32>
          %sub3A_2234 = arith.subf %min3A_2229, %max3A_2225 : vector<16xf32>
          %max3A_2235 = arith.constant 0.000000e+00 : f32
          %max3A_2236 = vector.broadcast %max3A_2235 : f32 to vector<16xf32>
          %max3A_2237 = arith.maximumf %sub3A_2234, %max3A_2236 : vector<16xf32>
          %mul3A_2238 = arith.mulf %max3A_2233, %max3A_2237 : vector<16xf32>
          %add3A_2239 = vector.broadcast %mul3A_2107 : f32 to vector<16xf32>
          %add3A_2240 = arith.addf %mul3A_2221, %add3A_2239 : vector<16xf32>
          %sub3A_2241 = arith.subf %add3A_2240, %mul3A_2238 : vector<16xf32>
          %max3A_2242 = arith.constant 9.99999971E-10 : f32
          %max3A_2243 = vector.broadcast %max3A_2242 : f32 to vector<16xf32>
          %max3A_2244 = arith.maximumf %sub3A_2241, %max3A_2243 : vector<16xf32>
          %add3A_2245 = arith.addf %mul3A_2238, %mul3A_2238 : vector<16xf32>
          %sub3A_2246 = arith.subf %add3A_2245, %max3A_2244 : vector<16xf32>
          %mul3A_2247 = arith.constant 5.96046448E-8 : f32
          %mul3A_2248 = vector.broadcast %mul3A_2247 : f32 to vector<16xf32>
          %mul3A_2249 = arith.mulf %max3A_2244, %mul3A_2248 : vector<16xf32>
          %gt3A_2250 = arith.cmpf ogt, %sub3A_2246, %mul3A_2249 : vector<16xf32>
          %or3A_2251 = arith.ori %or3A_2204, %gt3A_2250 : vector<16xi1>
          %get3A_2252 = arith.constant 48 : index
          %get3A_2253 = tpu.vector_load %arg8[%get3A_2252] {strides = array<i32>} : memref<448xf32, #tpu.memory_space<vmem>>, vector<16xf32>,
          %get3A_2254 = arith.constant 160 : index
          %get3A_2255 = tpu.vector_load %arg8[%get3A_2254] {strides = array<i32>} : memref<448xf32, #tpu.memory_space<vmem>>, vector<16xf32>,
          %get3A_2256 = arith.constant 272 : index
          %get3A_2257 = tpu.vector_load %arg8[%get3A_2256] {strides = array<i32>} : memref<448xf32, #tpu.memory_space<vmem>>, vector<16xf32>,
          %get3A_2258 = arith.constant 384 : index
          %get3A_2259 = tpu.vector_load %arg8[%get3A_2258] {strides = array<i32>} : memref<448xf32, #tpu.memory_space<vmem>>, vector<16xf32>,
          %sub3A_2260 = arith.subf %get3A_2257, %get3A_2253 : vector<16xf32>
          %max3A_2261 = arith.constant 0.000000e+00 : f32
          %max3A_2262 = vector.broadcast %max3A_2261 : f32 to vector<16xf32>
          %max3A_2263 = arith.maximumf %sub3A_2260, %max3A_2262 : vector<16xf32>
          %sub3A_2264 = arith.subf %get3A_2259, %get3A_2255 : vector<16xf32>
          %max3A_2265 = arith.constant 0.000000e+00 : f32
          %max3A_2266 = vector.broadcast %max3A_2265 : f32 to vector<16xf32>
          %max3A_2267 = arith.maximumf %sub3A_2264, %max3A_2266 : vector<16xf32>
          %mul3A_2268 = arith.mulf %max3A_2263, %max3A_2267 : vector<16xf32>
          %max3A_2269 = vector.broadcast %squeeze3A_2094 : f32 to vector<16xf32>
          %max3A_2270 = arith.maximumf %get3A_2253, %max3A_2269 : vector<16xf32>
          %max3A_2271 = vector.broadcast %squeeze3A_2096 : f32 to vector<16xf32>
          %max3A_2272 = arith.maximumf %get3A_2255, %max3A_2271 : vector<16xf32>
          %min3A_2273 = vector.broadcast %squeeze3A_2098 : f32 to vector<16xf32>
          %min3A_2274 = arith.minimumf %get3A_2257, %min3A_2273 : vector<16xf32>
          %min3A_2275 = vector.broadcast %squeeze3A_2100 : f32 to vector<16xf32>
          %min3A_2276 = arith.minimumf %get3A_2259, %min3A_2275 : vector<16xf32>
          %sub3A_2277 = arith.subf %min3A_2274, %max3A_2270 : vector<16xf32>
          %max3A_2278 = arith.constant 0.000000e+00 : f32
          %max3A_2279 = vector.broadcast %max3A_2278 : f32 to vector<16xf32>
          %max3A_2280 = arith.maximumf %sub3A_2277, %max3A_2279 : vector<16xf32>
          %sub3A_2281 = arith.subf %min3A_2276, %max3A_2272 : vector<16xf32>
          %max3A_2282 = arith.constant 0.000000e+00 : f32
          %max3A_2283 = vector.broadcast %max3A_2282 : f32 to vector<16xf32>
          %max3A_2284 = arith.maximumf %sub3A_2281, %max3A_2283 : vector<16xf32>
          %mul3A_2285 = arith.mulf %max3A_2280, %max3A_2284 : vector<16xf32>
          %add3A_2286 = vector.broadcast %mul3A_2107 : f32 to vector<16xf32>
          %add3A_2287 = arith.addf %mul3A_2268, %add3A_2286 : vector<16xf32>
          %sub3A_2288 = arith.subf %add3A_2287, %mul3A_2285 : vector<16xf32>
          %max3A_2289 = arith.constant 9.99999971E-10 : f32
          %max3A_2290 = vector.broadcast %max3A_2289 : f32 to vector<16xf32>
          %max3A_2291 = arith.maximumf %sub3A_2288, %max3A_2290 : vector<16xf32>
          %add3A_2292 = arith.addf %mul3A_2285, %mul3A_2285 : vector<16xf32>
          %sub3A_2293 = arith.subf %add3A_2292, %max3A_2291 : vector<16xf32>
          %mul3A_2294 = arith.constant 5.96046448E-8 : f32
          %mul3A_2295 = vector.broadcast %mul3A_2294 : f32 to vector<16xf32>
          %mul3A_2296 = arith.mulf %max3A_2291, %mul3A_2295 : vector<16xf32>
          %gt3A_2297 = arith.cmpf ogt, %sub3A_2293, %mul3A_2296 : vector<16xf32>
          %or3A_2298 = arith.ori %or3A_2251, %gt3A_2297 : vector<16xi1>
          %get3A_2299 = arith.constant 64 : index
          %get3A_2300 = tpu.vector_load %arg8[%get3A_2299] {strides = array<i32>} : memref<448xf32, #tpu.memory_space<vmem>>, vector<16xf32>,
          %get3A_2301 = arith.constant 176 : index
          %get3A_2302 = tpu.vector_load %arg8[%get3A_2301] {strides = array<i32>} : memref<448xf32, #tpu.memory_space<vmem>>, vector<16xf32>,
          %get3A_2303 = arith.constant 288 : index
          %get3A_2304 = tpu.vector_load %arg8[%get3A_2303] {strides = array<i32>} : memref<448xf32, #tpu.memory_space<vmem>>, vector<16xf32>,
          %get3A_2305 = arith.constant 400 : index
          %get3A_2306 = tpu.vector_load %arg8[%get3A_2305] {strides = array<i32>} : memref<448xf32, #tpu.memory_space<vmem>>, vector<16xf32>,
          %sub3A_2307 = arith.subf %get3A_2304, %get3A_2300 : vector<16xf32>
          %max3A_2308 = arith.constant 0.000000e+00 : f32
          %max3A_2309 = vector.broadcast %max3A_2308 : f32 to vector<16xf32>
          %max3A_2310 = arith.maximumf %sub3A_2307, %max3A_2309 : vector<16xf32>
          %sub3A_2311 = arith.subf %get3A_2306, %get3A_2302 : vector<16xf32>
          %max3A_2312 = arith.constant 0.000000e+00 : f32
          %max3A_2313 = vector.broadcast %max3A_2312 : f32 to vector<16xf32>
          %max3A_2314 = arith.maximumf %sub3A_2311, %max3A_2313 : vector<16xf32>
          %mul3A_2315 = arith.mulf %max3A_2310, %max3A_2314 : vector<16xf32>
          %max3A_2316 = vector.broadcast %squeeze3A_2094 : f32 to vector<16xf32>
          %max3A_2317 = arith.maximumf %get3A_2300, %max3A_2316 : vector<16xf32>
          %max3A_2318 = vector.broadcast %squeeze3A_2096 : f32 to vector<16xf32>
          %max3A_2319 = arith.maximumf %get3A_2302, %max3A_2318 : vector<16xf32>
          %min3A_2320 = vector.broadcast %squeeze3A_2098 : f32 to vector<16xf32>
          %min3A_2321 = arith.minimumf %get3A_2304, %min3A_2320 : vector<16xf32>
          %min3A_2322 = vector.broadcast %squeeze3A_2100 : f32 to vector<16xf32>
          %min3A_2323 = arith.minimumf %get3A_2306, %min3A_2322 : vector<16xf32>
          %sub3A_2324 = arith.subf %min3A_2321, %max3A_2317 : vector<16xf32>
          %max3A_2325 = arith.constant 0.000000e+00 : f32
          %max3A_2326 = vector.broadcast %max3A_2325 : f32 to vector<16xf32>
          %max3A_2327 = arith.maximumf %sub3A_2324, %max3A_2326 : vector<16xf32>
          %sub3A_2328 = arith.subf %min3A_2323, %max3A_2319 : vector<16xf32>
          %max3A_2329 = arith.constant 0.000000e+00 : f32
          %max3A_2330 = vector.broadcast %max3A_2329 : f32 to vector<16xf32>
          %max3A_2331 = arith.maximumf %sub3A_2328, %max3A_2330 : vector<16xf32>
          %mul3A_2332 = arith.mulf %max3A_2327, %max3A_2331 : vector<16xf32>
          %add3A_2333 = vector.broadcast %mul3A_2107 : f32 to vector<16xf32>
          %add3A_2334 = arith.addf %mul3A_2315, %add3A_2333 : vector<16xf32>
          %sub3A_2335 = arith.subf %add3A_2334, %mul3A_2332 : vector<16xf32>
          %max3A_2336 = arith.constant 9.99999971E-10 : f32
          %max3A_2337 = vector.broadcast %max3A_2336 : f32 to vector<16xf32>
          %max3A_2338 = arith.maximumf %sub3A_2335, %max3A_2337 : vector<16xf32>
          %add3A_2339 = arith.addf %mul3A_2332, %mul3A_2332 : vector<16xf32>
          %sub3A_2340 = arith.subf %add3A_2339, %max3A_2338 : vector<16xf32>
          %mul3A_2341 = arith.constant 5.96046448E-8 : f32
          %mul3A_2342 = vector.broadcast %mul3A_2341 : f32 to vector<16xf32>
          %mul3A_2343 = arith.mulf %max3A_2338, %mul3A_2342 : vector<16xf32>
          %gt3A_2344 = arith.cmpf ogt, %sub3A_2340, %mul3A_2343 : vector<16xf32>
          %or3A_2345 = arith.ori %or3A_2298, %gt3A_2344 : vector<16xi1>
          %get3A_2346 = arith.constant 80 : index
          %get3A_2347 = tpu.vector_load %arg8[%get3A_2346] {strides = array<i32>} : memref<448xf32, #tpu.memory_space<vmem>>, vector<16xf32>,
          %get3A_2348 = arith.constant 192 : index
          %get3A_2349 = tpu.vector_load %arg8[%get3A_2348] {strides = array<i32>} : memref<448xf32, #tpu.memory_space<vmem>>, vector<16xf32>,
          %get3A_2350 = arith.constant 304 : index
          %get3A_2351 = tpu.vector_load %arg8[%get3A_2350] {strides = array<i32>} : memref<448xf32, #tpu.memory_space<vmem>>, vector<16xf32>,
          %get3A_2352 = arith.constant 416 : index
          %get3A_2353 = tpu.vector_load %arg8[%get3A_2352] {strides = array<i32>} : memref<448xf32, #tpu.memory_space<vmem>>, vector<16xf32>,
          %sub3A_2354 = arith.subf %get3A_2351, %get3A_2347 : vector<16xf32>
          %max3A_2355 = arith.constant 0.000000e+00 : f32
          %max3A_2356 = vector.broadcast %max3A_2355 : f32 to vector<16xf32>
          %max3A_2357 = arith.maximumf %sub3A_2354, %max3A_2356 : vector<16xf32>
          %sub3A_2358 = arith.subf %get3A_2353, %get3A_2349 : vector<16xf32>
          %max3A_2359 = arith.constant 0.000000e+00 : f32
          %max3A_2360 = vector.broadcast %max3A_2359 : f32 to vector<16xf32>
          %max3A_2361 = arith.maximumf %sub3A_2358, %max3A_2360 : vector<16xf32>
          %mul3A_2362 = arith.mulf %max3A_2357, %max3A_2361 : vector<16xf32>
          %max3A_2363 = vector.broadcast %squeeze3A_2094 : f32 to vector<16xf32>
          %max3A_2364 = arith.maximumf %get3A_2347, %max3A_2363 : vector<16xf32>
          %max3A_2365 = vector.broadcast %squeeze3A_2096 : f32 to vector<16xf32>
          %max3A_2366 = arith.maximumf %get3A_2349, %max3A_2365 : vector<16xf32>
          %min3A_2367 = vector.broadcast %squeeze3A_2098 : f32 to vector<16xf32>
          %min3A_2368 = arith.minimumf %get3A_2351, %min3A_2367 : vector<16xf32>
          %min3A_2369 = vector.broadcast %squeeze3A_2100 : f32 to vector<16xf32>
          %min3A_2370 = arith.minimumf %get3A_2353, %min3A_2369 : vector<16xf32>
          %sub3A_2371 = arith.subf %min3A_2368, %max3A_2364 : vector<16xf32>
          %max3A_2372 = arith.constant 0.000000e+00 : f32
          %max3A_2373 = vector.broadcast %max3A_2372 : f32 to vector<16xf32>
          %max3A_2374 = arith.maximumf %sub3A_2371, %max3A_2373 : vector<16xf32>
          %sub3A_2375 = arith.subf %min3A_2370, %max3A_2366 : vector<16xf32>
          %max3A_2376 = arith.constant 0.000000e+00 : f32
          %max3A_2377 = vector.broadcast %max3A_2376 : f32 to vector<16xf32>
          %max3A_2378 = arith.maximumf %sub3A_2375, %max3A_2377 : vector<16xf32>
          %mul3A_2379 = arith.mulf %max3A_2374, %max3A_2378 : vector<16xf32>
          %add3A_2380 = vector.broadcast %mul3A_2107 : f32 to vector<16xf32>
          %add3A_2381 = arith.addf %mul3A_2362, %add3A_2380 : vector<16xf32>
          %sub3A_2382 = arith.subf %add3A_2381, %mul3A_2379 : vector<16xf32>
          %max3A_2383 = arith.constant 9.99999971E-10 : f32
          %max3A_2384 = vector.broadcast %max3A_2383 : f32 to vector<16xf32>
          %max3A_2385 = arith.maximumf %sub3A_2382, %max3A_2384 : vector<16xf32>
          %add3A_2386 = arith.addf %mul3A_2379, %mul3A_2379 : vector<16xf32>
          %sub3A_2387 = arith.subf %add3A_2386, %max3A_2385 : vector<16xf32>
          %mul3A_2388 = arith.constant 5.96046448E-8 : f32
          %mul3A_2389 = vector.broadcast %mul3A_2388 : f32 to vector<16xf32>
          %mul3A_2390 = arith.mulf %max3A_2385, %mul3A_2389 : vector<16xf32>
          %gt3A_2391 = arith.cmpf ogt, %sub3A_2387, %mul3A_2390 : vector<16xf32>
          %or3A_2392 = arith.ori %or3A_2345, %gt3A_2391 : vector<16xi1>
          %get3A_2393 = arith.constant 96 : index
          %get3A_2394 = tpu.vector_load %arg8[%get3A_2393] {strides = array<i32>} : memref<448xf32, #tpu.memory_space<vmem>>, vector<16xf32>,
          %get3A_2395 = arith.constant 208 : index
          %get3A_2396 = tpu.vector_load %arg8[%get3A_2395] {strides = array<i32>} : memref<448xf32, #tpu.memory_space<vmem>>, vector<16xf32>,
          %get3A_2397 = arith.constant 320 : index
          %get3A_2398 = tpu.vector_load %arg8[%get3A_2397] {strides = array<i32>} : memref<448xf32, #tpu.memory_space<vmem>>, vector<16xf32>,
          %get3A_2399 = arith.constant 432 : index
          %get3A_2400 = tpu.vector_load %arg8[%get3A_2399] {strides = array<i32>} : memref<448xf32, #tpu.memory_space<vmem>>, vector<16xf32>,
          %sub3A_2401 = arith.subf %get3A_2398, %get3A_2394 : vector<16xf32>
          %max3A_2402 = arith.constant 0.000000e+00 : f32
          %max3A_2403 = vector.broadcast %max3A_2402 : f32 to vector<16xf32>
          %max3A_2404 = arith.maximumf %sub3A_2401, %max3A_2403 : vector<16xf32>
          %sub3A_2405 = arith.subf %get3A_2400, %get3A_2396 : vector<16xf32>
          %max3A_2406 = arith.constant 0.000000e+00 : f32
          %max3A_2407 = vector.broadcast %max3A_2406 : f32 to vector<16xf32>
          %max3A_2408 = arith.maximumf %sub3A_2405, %max3A_2407 : vector<16xf32>
          %mul3A_2409 = arith.mulf %max3A_2404, %max3A_2408 : vector<16xf32>
          %max3A_2410 = vector.broadcast %squeeze3A_2094 : f32 to vector<16xf32>
          %max3A_2411 = arith.maximumf %get3A_2394, %max3A_2410 : vector<16xf32>
          %max3A_2412 = vector.broadcast %squeeze3A_2096 : f32 to vector<16xf32>
          %max3A_2413 = arith.maximumf %get3A_2396, %max3A_2412 : vector<16xf32>
          %min3A_2414 = vector.broadcast %squeeze3A_2098 : f32 to vector<16xf32>
          %min3A_2415 = arith.minimumf %get3A_2398, %min3A_2414 : vector<16xf32>
          %min3A_2416 = vector.broadcast %squeeze3A_2100 : f32 to vector<16xf32>
          %min3A_2417 = arith.minimumf %get3A_2400, %min3A_2416 : vector<16xf32>
          %sub3A_2418 = arith.subf %min3A_2415, %max3A_2411 : vector<16xf32>
          %max3A_2419 = arith.constant 0.000000e+00 : f32
          %max3A_2420 = vector.broadcast %max3A_2419 : f32 to vector<16xf32>
          %max3A_2421 = arith.maximumf %sub3A_2418, %max3A_2420 : vector<16xf32>
          %sub3A_2422 = arith.subf %min3A_2417, %max3A_2413 : vector<16xf32>
          %max3A_2423 = arith.constant 0.000000e+00 : f32
          %max3A_2424 = vector.broadcast %max3A_2423 : f32 to vector<16xf32>
          %max3A_2425 = arith.maximumf %sub3A_2422, %max3A_2424 : vector<16xf32>
          %mul3A_2426 = arith.mulf %max3A_2421, %max3A_2425 : vector<16xf32>
          %add3A_2427 = vector.broadcast %mul3A_2107 : f32 to vector<16xf32>
          %add3A_2428 = arith.addf %mul3A_2409, %add3A_2427 : vector<16xf32>
          %sub3A_2429 = arith.subf %add3A_2428, %mul3A_2426 : vector<16xf32>
          %max3A_2430 = arith.constant 9.99999971E-10 : f32
          %max3A_2431 = vector.broadcast %max3A_2430 : f32 to vector<16xf32>
          %max3A_2432 = arith.maximumf %sub3A_2429, %max3A_2431 : vector<16xf32>
          %add3A_2433 = arith.addf %mul3A_2426, %mul3A_2426 : vector<16xf32>
          %sub3A_2434 = arith.subf %add3A_2433, %max3A_2432 : vector<16xf32>
          %mul3A_2435 = arith.constant 5.96046448E-8 : f32
          %mul3A_2436 = vector.broadcast %mul3A_2435 : f32 to vector<16xf32>
          %mul3A_2437 = arith.mulf %max3A_2432, %mul3A_2436 : vector<16xf32>
          %gt3A_2438 = arith.cmpf ogt, %sub3A_2434, %mul3A_2437 : vector<16xf32>
          %or3A_2439 = arith.ori %or3A_2392, %gt3A_2438 : vector<16xi1>
          %all_reduce_population_count3A_2440 = tpu.all_reduce %or3A_2439 {dim = 0 : i64, kind = #tpu.reduction_kind<sum>} : vector<16xi1> -> vector<16xi32>
          %slice3A_2441 = vector.extract_strided_slice %all_reduce_population_count3A_2440 {offsets = [0], sizes = [1], strides = [1]} : vector<16xi32> to vector<1xi32>
          %squeeze3A_2442 = vector.extract %slice3A_2441[0] : i32 from vector<1xi32>
          %gt3A_2443 = arith.constant 0 : i32
          %gt3A_2444 = arith.cmpi sgt, %squeeze3A_2442, %gt3A_2443 : i32
          %gt3A_2445 = arith.constant 0xFF800000 : f32
          %gt3A_2446 = arith.cmpf ogt, %reduce_max3A_2005, %gt3A_2445 : f32
          %and3A_2447 = arith.andi %gt3A_2444, %gt3A_2446 : i1
          scf.yield %select_n3A_1969, %select_n3A_1976, %select_n3A_1983, %select_n3A_1990, %select_n3A_1997, %reduce_max3A_2005, %add3A_2089, %add3A_2061, %add3A_2075, %min3A_2072, %min3A_2086, %get3A_2065, %get3A_2079, %and3A_2447 : vector<16xf32>, vector<16xf32>, vector<16xf32>, vector<16xf32>, vector<16xf32>, f32, i32, i32, i32, i32, i32, vector<16xf32>, vector<16xf32>, i1
        }
        %broadcast_in_dim3A_1796 = vector.broadcast %while3A_1795#6 : i32 to vector<16xi32>
        tpu.vector_store_idx %arg6[%broadcast_in_dim3A_1796], %broadcast_in_dim3A_13 masked %eq3A_7 : memref<20480xf32, #tpu.memory_space<vmem>>[vector<16xi32>], vector<16xf32>, vector<16xi1>
        %eq3A_1797 = vector.broadcast %while3A_1795#10 : i32 to vector<16xi32>
        %eq3A_1798 = arith.cmpi eq, %iota3A, %eq3A_1797 : vector<16xi32>
        %jit3A_1799 = arith.constant 0xFF800000 : f32
        %broadcast_in_dim3A_1800 = vector.broadcast %jit3A_1799 : f32 to vector<16xf32>
        %select_n3A_1801 = arith.select %eq3A_1798, %broadcast_in_dim3A_1800, %while3A_1795#12 : vector<16xi1>, vector<16xf32>
        %ge3A_1802 = arith.constant 5.000000e-02 : f32
        %ge3A_1803 = vector.broadcast %ge3A_1802 : f32 to vector<16xf32>
        %ge3A_1804 = arith.cmpf oge, %select_n3A_1801, %ge3A_1803 : vector<16xf32>
        %jit3A_1805 = arith.constant 0xFF800000 : f32
        %broadcast_in_dim3A_1806 = vector.broadcast %jit3A_1805 : f32 to vector<16xf32>
        %select_n3A_1807 = arith.select %ge3A_1804, %select_n3A_1801, %broadcast_in_dim3A_1806 : vector<16xi1>, vector<16xf32>
        %reduce_max3A_1808 = arith.constant true
        %reduce_max3A_1809 = vector.broadcast %reduce_max3A_1808 : i1 to vector<16xi1>
        %reduce_max3A_1810 = tpu.scan <max>, %select_n3A_1807 masked %reduce_max3A_1809 : vector<16xf32>, vector<16xi1> -> vector<16xf32>
        %reduce_max3A_1811 = vector.extract %reduce_max3A_1810[15] : f32 from vector<16xf32>
        %broadcast_in_dim3A_1812 = vector.broadcast %while3A_1795#8 : i32 to vector<16xi32>
        %broadcast_in_dim3A_1813 = vector.broadcast %reduce_max3A_1811 : f32 to vector<16xf32>
        tpu.vector_store_idx %arg7[%broadcast_in_dim3A_1812], %broadcast_in_dim3A_1813 masked %eq3A_7 : memref<1280xf32, #tpu.memory_space<vmem>>[vector<16xi32>], vector<16xf32>, vector<16xi1>
        %eq3A_1814 = vector.broadcast %while3A_1795#9 : i32 to vector<16xi32>
        %eq3A_1815 = arith.cmpi eq, %iota3A, %eq3A_1814 : vector<16xi32>
        %broadcast_in_dim3A_1816 = vector.broadcast %reduce_max3A_1811 : f32 to vector<16xf32>
        %select_n3A_1817 = arith.select %eq3A_1815, %broadcast_in_dim3A_1816, %while3A_1795#11 : vector<16xi1>, vector<16xf32>
        %reduce_max3A_1818 = arith.constant true
        %reduce_max3A_1819 = vector.broadcast %reduce_max3A_1818 : i1 to vector<16xi1>
        %reduce_max3A_1820 = tpu.scan <max>, %select_n3A_1817 masked %reduce_max3A_1819 : vector<16xf32>, vector<16xi1> -> vector<16xf32>
        %reduce_max3A_1821 = vector.extract %reduce_max3A_1820[15] : f32 from vector<16xf32>
        %add3A_1822 = arith.constant 0 : i32
        %add3A_1823 = vector.broadcast %add3A_1822 : i32 to vector<16xi32>
        %add3A_1824 = arith.addi %add3A_1823, %iota3A : vector<16xi32>
        %eq3A_1825 = vector.broadcast %while3A_1795#7 : i32 to vector<16xi32>
        %eq3A_1826 = arith.cmpi eq, %add3A_1824, %eq3A_1825 : vector<16xi32>
        %broadcast_in_dim3A_1827 = vector.broadcast %reduce_max3A_1821 : f32 to vector<16xf32>
        %select_n3A_1828 = arith.select %eq3A_1826, %broadcast_in_dim3A_1827, %while3A_1795#0 : vector<16xi1>, vector<16xf32>
        %add3A_1829 = arith.constant 16 : i32
        %add3A_1830 = vector.broadcast %add3A_1829 : i32 to vector<16xi32>
        %add3A_1831 = arith.addi %add3A_1830, %iota3A : vector<16xi32>
        %eq3A_1832 = vector.broadcast %while3A_1795#7 : i32 to vector<16xi32>
        %eq3A_1833 = arith.cmpi eq, %add3A_1831, %eq3A_1832 : vector<16xi32>
        %broadcast_in_dim3A_1834 = vector.broadcast %reduce_max3A_1821 : f32 to vector<16xf32>
        %select_n3A_1835 = arith.select %eq3A_1833, %broadcast_in_dim3A_1834, %while3A_1795#1 : vector<16xi1>, vector<16xf32>
        %add3A_1836 = arith.constant 32 : i32
        %add3A_1837 = vector.broadcast %add3A_1836 : i32 to vector<16xi32>
        %add3A_1838 = arith.addi %add3A_1837, %iota3A : vector<16xi32>
        %eq3A_1839 = vector.broadcast %while3A_1795#7 : i32 to vector<16xi32>
        %eq3A_1840 = arith.cmpi eq, %add3A_1838, %eq3A_1839 : vector<16xi32>
        %broadcast_in_dim3A_1841 = vector.broadcast %reduce_max3A_1821 : f32 to vector<16xf32>
        %select_n3A_1842 = arith.select %eq3A_1840, %broadcast_in_dim3A_1841, %while3A_1795#2 : vector<16xi1>, vector<16xf32>
        %add3A_1843 = arith.constant 48 : i32
        %add3A_1844 = vector.broadcast %add3A_1843 : i32 to vector<16xi32>
        %add3A_1845 = arith.addi %add3A_1844, %iota3A : vector<16xi32>
        %eq3A_1846 = vector.broadcast %while3A_1795#7 : i32 to vector<16xi32>
        %eq3A_1847 = arith.cmpi eq, %add3A_1845, %eq3A_1846 : vector<16xi32>
        %broadcast_in_dim3A_1848 = vector.broadcast %reduce_max3A_1821 : f32 to vector<16xf32>
        %select_n3A_1849 = arith.select %eq3A_1847, %broadcast_in_dim3A_1848, %while3A_1795#3 : vector<16xi1>, vector<16xf32>
        %add3A_1850 = arith.constant 64 : i32
        %add3A_1851 = vector.broadcast %add3A_1850 : i32 to vector<16xi32>
        %add3A_1852 = arith.addi %add3A_1851, %iota3A : vector<16xi32>
        %eq3A_1853 = vector.broadcast %while3A_1795#7 : i32 to vector<16xi32>
        %eq3A_1854 = arith.cmpi eq, %add3A_1852, %eq3A_1853 : vector<16xi32>
        %broadcast_in_dim3A_1855 = vector.broadcast %reduce_max3A_1821 : f32 to vector<16xf32>
        %select_n3A_1856 = arith.select %eq3A_1854, %broadcast_in_dim3A_1855, %while3A_1795#4 : vector<16xi1>, vector<16xf32>
        %gt3A_1857 = arith.constant 0xFF800000 : f32
        %gt3A_1858 = arith.cmpf ogt, %while3A_1795#5, %gt3A_1857 : f32
        %add3A_1859 = vector.broadcast %while3A_1795#6 : i32 to vector<16xi32>
        %add3A_1860 = arith.addi %mul3A_12, %add3A_1859 : vector<16xi32>
        %gather3A_1861 = tpu.vector_load_idx %arg5[%add3A_1860] : memref<81920xf32, #tpu.memory_space<vmem>>[vector<16xi32>], vector<16xf32>,
        %lt3A_1862 = arith.constant 2 : i32
        %lt3A_1863 = vector.broadcast %lt3A_1862 : i32 to vector<16xi32>
        %lt3A_1864 = arith.cmpi slt, %iota3A, %lt3A_1863 : vector<16xi32>
        %lt3A_1865 = arith.constant 4 : i32
        %lt3A_1866 = vector.broadcast %lt3A_1865 : i32 to vector<16xi32>
        %lt3A_1867 = arith.cmpi slt, %iota3A, %lt3A_1866 : vector<16xi32>
        %jit3A_1868 = arith.constant -2.000000e+00 : f32
        %jit3A_1869 = arith.constant 0.000000e+00 : f32
        %broadcast_in_dim3A_1870 = vector.broadcast %jit3A_1868 : f32 to vector<16xf32>
        %broadcast_in_dim3A_1871 = vector.broadcast %jit3A_1869 : f32 to vector<16xf32>
        %select_n3A_1872 = arith.select %lt3A_1867, %broadcast_in_dim3A_1870, %broadcast_in_dim3A_1871 : vector<16xi1>, vector<16xf32>
        %jit3A_1873 = arith.constant 2.000000e+00 : f32
        %broadcast_in_dim3A_1874 = vector.broadcast %jit3A_1873 : f32 to vector<16xf32>
        %select_n3A_1875 = arith.select %lt3A_1864, %broadcast_in_dim3A_1874, %select_n3A_1872 : vector<16xi1>, vector<16xf32>
        %select_n3A_1876 = arith.select %gt3A_1858, %gather3A_1861, %select_n3A_1875 : vector<16xf32>
        %slice3A_1877 = vector.extract_strided_slice %select_n3A_1876 {offsets = [0], sizes = [1], strides = [1]} : vector<16xf32> to vector<1xf32>
        %squeeze3A_1878 = vector.extract %slice3A_1877[0] : f32 from vector<1xf32>
        %slice3A_1879 = vector.extract_strided_slice %select_n3A_1876 {offsets = [1], sizes = [1], strides = [1]} : vector<16xf32> to vector<1xf32>
        %squeeze3A_1880 = vector.extract %slice3A_1879[0] : f32 from vector<1xf32>
        %slice3A_1881 = vector.extract_strided_slice %select_n3A_1876 {offsets = [2], sizes = [1], strides = [1]} : vector<16xf32> to vector<1xf32>
        %squeeze3A_1882 = vector.extract %slice3A_1881[0] : f32 from vector<1xf32>
        %slice3A_1883 = vector.extract_strided_slice %select_n3A_1876 {offsets = [3], sizes = [1], strides = [1]} : vector<16xf32> to vector<1xf32>
        %squeeze3A_1884 = vector.extract %slice3A_1883[0] : f32 from vector<1xf32>
        %broadcast_in_dim3A_1885 = arith.constant 0 : i32
        %broadcast_in_dim3A_1886 = vector.broadcast %broadcast_in_dim3A_1885 : i32 to vector<16xi32>
        %add3A_1887 = vector.broadcast %scan3A_1344 : i32 to vector<16xi32>
        %add3A_1888 = arith.addi %broadcast_in_dim3A_1886, %add3A_1887 : vector<16xi32>
        %broadcast_in_dim3A_1889 = vector.broadcast %squeeze3A_1878 : f32 to vector<16xf32>
        tpu.vector_store_idx %arg8[%add3A_1888], %broadcast_in_dim3A_1889 masked %eq3A_7 : memref<448xf32, #tpu.memory_space<vmem>>[vector<16xi32>], vector<16xf32>, vector<16xi1>
        %broadcast_in_dim3A_1890 = arith.constant 112 : i32
        %broadcast_in_dim3A_1891 = vector.broadcast %broadcast_in_dim3A_1890 : i32 to vector<16xi32>
        %add3A_1892 = vector.broadcast %scan3A_1344 : i32 to vector<16xi32>
        %add3A_1893 = arith.addi %broadcast_in_dim3A_1891, %add3A_1892 : vector<16xi32>
        %broadcast_in_dim3A_1894 = vector.broadcast %squeeze3A_1880 : f32 to vector<16xf32>
        tpu.vector_store_idx %arg8[%add3A_1893], %broadcast_in_dim3A_1894 masked %eq3A_7 : memref<448xf32, #tpu.memory_space<vmem>>[vector<16xi32>], vector<16xf32>, vector<16xi1>
        %broadcast_in_dim3A_1895 = arith.constant 224 : i32
        %broadcast_in_dim3A_1896 = vector.broadcast %broadcast_in_dim3A_1895 : i32 to vector<16xi32>
        %add3A_1897 = vector.broadcast %scan3A_1344 : i32 to vector<16xi32>
        %add3A_1898 = arith.addi %broadcast_in_dim3A_1896, %add3A_1897 : vector<16xi32>
        %broadcast_in_dim3A_1899 = vector.broadcast %squeeze3A_1882 : f32 to vector<16xf32>
        tpu.vector_store_idx %arg8[%add3A_1898], %broadcast_in_dim3A_1899 masked %eq3A_7 : memref<448xf32, #tpu.memory_space<vmem>>[vector<16xi32>], vector<16xf32>, vector<16xi1>
        %broadcast_in_dim3A_1900 = arith.constant 336 : i32
        %broadcast_in_dim3A_1901 = vector.broadcast %broadcast_in_dim3A_1900 : i32 to vector<16xi32>
        %add3A_1902 = vector.broadcast %scan3A_1344 : i32 to vector<16xi32>
        %add3A_1903 = arith.addi %broadcast_in_dim3A_1901, %add3A_1902 : vector<16xi32>
        %broadcast_in_dim3A_1904 = vector.broadcast %squeeze3A_1884 : f32 to vector<16xf32>
        tpu.vector_store_idx %arg8[%add3A_1903], %broadcast_in_dim3A_1904 masked %eq3A_7 : memref<448xf32, #tpu.memory_space<vmem>>[vector<16xi32>], vector<16xf32>, vector<16xi1>
        %lt3A_1905 = arith.constant 4 : i32
        %lt3A_1906 = vector.broadcast %lt3A_1905 : i32 to vector<16xi32>
        %lt3A_1907 = arith.cmpi slt, %iota3A, %lt3A_1906 : vector<16xi32>
        %eq3A_1908 = arith.constant 4 : i32
        %eq3A_1909 = vector.broadcast %eq3A_1908 : i32 to vector<16xi32>
        %eq3A_1910 = arith.cmpi eq, %iota3A, %eq3A_1909 : vector<16xi32>
        %jit3A_1911 = arith.constant 0.000000e+00 : f32
        %broadcast_in_dim3A_1912 = vector.broadcast %while3A_1795#5 : f32 to vector<16xf32>
        %broadcast_in_dim3A_1913 = vector.broadcast %jit3A_1911 : f32 to vector<16xf32>
        %select_n3A_1914 = arith.select %eq3A_1910, %broadcast_in_dim3A_1912, %broadcast_in_dim3A_1913 : vector<16xi1>, vector<16xf32>
        %select_n3A_1915 = arith.select %lt3A_1907, %gather3A_1861, %select_n3A_1914 : vector<16xi1>, vector<16xf32>
        %broadcast_in_dim3A_1916 = arith.constant 0.000000e+00 : f32
        %broadcast_in_dim3A_1917 = vector.broadcast %broadcast_in_dim3A_1916 : f32 to vector<16xf32>
        %select_n3A_1918 = arith.select %gt3A_1858, %select_n3A_1915, %broadcast_in_dim3A_1917 : vector<16xf32>
        %mul3A_1919 = arith.constant 16 : i32
        %mul3A_1920 = arith.muli %scan3A_1344, %mul3A_1919 : i32
        %swap3A_1921 = arith.index_cast %mul3A_1920 : i32 to index
        %swap3A_1922 = tpu.vector_load %arg9[%swap3A_1921] {strides = array<i32>} : memref<1600xf32, #tpu.memory_space<vmem>>, vector<16xf32>,
        tpu.vector_store %arg9[%swap3A_1921], %select_n3A_1918 {strides = array<i32>} : memref<1600xf32, #tpu.memory_space<vmem>>, vector<16xf32>,
        scf.yield %select_n3A_1828, %select_n3A_1835, %select_n3A_1842, %select_n3A_1849, %select_n3A_1856 : vector<16xf32>, vector<16xf32>, vector<16xf32>, vector<16xf32>, vector<16xf32>
      }
      %scan3A_773 = arith.constant 100 : i32
      "tpu.region"() ({
        %run_scoped3A = tpu.sem_alloc : memref<!tpu.dma_semaphore, #tpu.memory_space<semaphore_mem>>
        tpu.enqueue_dma source(%arg9 : memref<1600xf32, #tpu.memory_space<vmem>>) target(%arg4 : memref<1600xf32, #tpu.memory_space<hbm>>) target_semaphore(%run_scoped3A : memref<!tpu.dma_semaphore, #tpu.memory_space<semaphore_mem>>)
        tpu.wait_dma2 semaphore(%run_scoped3A : memref<!tpu.dma_semaphore, #tpu.memory_space<semaphore_mem>>) src(%arg9 : memref<1600xf32, #tpu.memory_space<vmem>>) dst(%arg4 : memref<1600xf32, #tpu.memory_space<hbm>>)
        tpu.yield
      }) : () -> ()
    } else {
    }
    return
  }
}

</mosaic_0001>

<sc_bundles>
// kernel: _nms.3.cloned.1.call-start
scs
__scs_entry_jumppad:
0x0: {  	(pc) =	sbr.rel $0x88, $3  }
0x1: {  	(tag) =	ssettag $0x0;
	lr =	simm.s32 $0x1  }
0x2: {  	[smem:$0x3F9F] =	sst lr;
	_ =	strace $0xD0000000  }
0x3: {  	_ = 	snop  }
0x4: {  	_ = 	snop  }
0x5: {  	_ = 	snop  }
0x6: {  	_ = 	snop  }
0x7: {  	_ = 	snop  }
__scs_overlays_trampoline_lowered:
0x8: {  	[smem:$0x3FAE] =	sst s0  }
0x9: {  	[smem:$0x3FAF] =	sst s1  }
0xa: {  	[smem:$0x3FB0] =	sst s2  }
0xb: {  	[smem:$0x3FB1] =	sst s3  }
0xc: {  	[smem:$0x3FB2] =	sst s4  }
0xd: {  	[smem:$0x3FB3] =	sst s5  }
0xe: {  	[smem:$0x3FB4] =	sst s6  }
0xf: {  	[smem:$0x3FB5] =	sst s7  }
0x10: {  	[smem:$0x3FB6] =	sst s8  }
0x11: {  	[smem:$0x3FB7] =	sst s9;
	s0 =	simm.s32 @!p0 $0x0  }
0x12: {  	s1 =	sld [smem:$0x3F9D];
	s0 =	simm.s32 @p0 $0x1  }
0x13: {  	[smem:$0x3FB8] =	sst s0;
	s0 =	simm.s32 @!p1 $0x0  }
0x14: {  	s2 =	sld [smem:$0x3F9C];
	s0 =	simm.s32 @p1 $0x1  }
0x15: {  	[smem:$0x3FB9] =	sst s0;
	s0 =	simm.s32 @!p2 $0x0  }
0x16: {  	s3 =	sld [smem:$0x3FDB];
	s0 =	simm.s32 @p2 $0x1  }
0x17: {  	s4 =	simm.s32 $0x1BF5;
	[smem:$0x3FBB] =	sst s0  }
0x18: {  	s0 =	sld [smem:$0x3F9E];
	_ =	swait.ge [sflag:s4], $0x0  }
0x19: {  	s7 =	sld [smem:$0x3F9F]  }
0x1a: {  	s8 =	sadd.s32 $0xFFFFE003, lr  }
0x1b: {  	s9 =	sadd.s32 $0xFFFFFEF7, lr;
	s5 =	simm.s32 $0xFFFFFFFF;
	p2 =	slt.u32 s8, $0xFFFFF086  }
0x1c: {  	p1 =	slt.u32 s9, $0xF7A;
	s5 =	simm.s32 @!p2 $0x0  }
0x1d: {  	s5 =	simm.s32 @p1 $0x1;
	p0 =	seq.s32 s7, s2  }
0x1e: {  	s7 =	smul.u32 @!p0 $0xF7A, s2;
	p2 =	seq.s32 @!p0 s5, $0x0  }
0x1f: {  	s9 =	smul.u32 $0xF7A, s1;
	s8 =	simm.s32 @!p0 $0x1BF5;
	p2 =	por !p2, p0  }
0x20: {  	[sflag:s8] =	ssyncset.s32 @!p0 $0xFFFFF086;
	s6 =	sadd.s32 @!p0 s3, s7;
	s7 =	simm.s32 @!p0 $0x108  }
0x21: {  	s3 =	sadd.s32 s3, s9;
	s6 =	sadd.s32 @!p0 $0x88, s6;
	s7 =	simm.s32 @p2 $0x1082  }
0x22: {  	[simem:s7], [sflag:s8] =	dma.local @!p0 [hbm:s6], $0xF7A  }
0x23: {  	s9 =	sor.u32 $0xD0000000, s2;
	s6 =	simm.s32 $0x108;
	_ =	swait.ge @!p0 [sflag:s8], $0x0  }
0x24: {  	s3 =	sadd.s32 $0x88, s3;
	s6 =	simm.s32 @!p1 $0x1082;
	[sflag:s4] =	ssyncset.s32 $0xFFFFF086  }
0x25: {  	[simem:s6], [sflag:s4] =	dma.local [hbm:s3], $0xF7A  }
0x26: {  	[smem:$0x3F9F] =	sst s1;
	(tag) =	ssettag s2;
	_ =	strace s9  }
0x27: {  	s1 =	sld [smem:$0x3FAF]  }
0x28: {  	s2 =	sld [smem:$0x3FB0]  }
0x29: {  	s4 =	sld [smem:$0x3FB2]  }
0x2a: {  	p0 =	seq.s32 s5, $0x0;
	s5 =	sld [smem:$0x3FB3]  }
0x2b: {  	s6 =	sld [smem:$0x3FB4]  }
0x2c: {  	s7 =	sld [smem:$0x3FB5]  }
0x2d: {  	s3 =	simm.s32 $0x108;
	s8 =	sld [smem:$0x3FB6]  }
0x2e: {  	s3 =	simm.s32 @!p0 $0x1082;
	s9 =	sld [smem:$0x3FB7]  }
0x2f: {  	lr =	sadd.s32 s0, s3;
	s0 =	sld [smem:$0x3FAE]  }
0x30: {  	s3 =	sld [smem:$0x3FB1]  }
0x31: {  	[smem:$0x3FBA] =	sst s10  }
0x32: {  	s10 =	sld [smem:$0x3FB8];
	_ =	sdelay $0x3  }
0x33: {  	p0 =	seq.s32 s10, $0x1;
	s10 =	sld [smem:$0x3FBA];
	_ =	sdelay $0x3  }
0x34: {  	[smem:$0x3FBA] =	sst s10  }
0x35: {  	s10 =	sld [smem:$0x3FB9];
	_ =	sdelay $0x3  }
0x36: {  	p1 =	seq.s32 s10, $0x1;
	s10 =	sld [smem:$0x3FBA];
	_ =	sdelay $0x3  }
0x37: {  	[smem:$0x3FBA] =	sst s10  }
0x38: {  	s10 =	sld [smem:$0x3FBB]  }
0x39: {  	_ = 	snop;
	(pc) =	sbr.ind lr, $3  }
0x3a: {  	_ = 	snop  }
0x3b: {  	_ = 	snop  }
0x3c: {  	p2 =	seq.s32 s10, $0x1;
	s10 =	sld [smem:$0x3FBA]  }
0x3d: {  	_ =	shalt  }
0x3e: {  	_ =	shalt  }
0x3f: {  	_ =	shalt  }
0x40: {  	_ =	shalt  }
0x41: {  	_ =	shalt  }
0x42: {  	_ =	shalt  }
0x43: {  	_ =	shalt  }
0x44: {  	_ =	shalt  }
0x45: {  	_ =	shalt  }
0x46: {  	_ =	shalt  }
0x47: {  	_ =	shalt  }
0x48: {  	_ =	shalt  }
0x49: {  	_ =	shalt  }
0x4a: {  	_ =	shalt  }
0x4b: {  	_ =	shalt  }
0x4c: {  	_ =	shalt  }
0x4d: {  	_ =	shalt  }
0x4e: {  	_ =	shalt  }
0x4f: {  	_ =	shalt  }
0x50: {  	_ =	shalt  }
0x51: {  	_ =	shalt  }
0x52: {  	_ =	shalt  }
0x53: {  	_ =	shalt  }
0x54: {  	_ =	shalt  }
0x55: {  	_ =	shalt  }
0x56: {  	_ =	shalt  }
0x57: {  	_ =	shalt  }
0x58: {  	_ =	shalt  }
0x59: {  	_ =	shalt  }
0x5a: {  	_ =	shalt  }
0x5b: {  	_ =	shalt  }
0x5c: {  	_ =	shalt  }
0x5d: {  	_ =	shalt  }
0x5e: {  	_ =	shalt  }
0x5f: {  	_ =	shalt  }
0x60: {  	_ =	shalt  }
0x61: {  	_ =	shalt  }
0x62: {  	_ =	shalt  }
0x63: {  	_ =	shalt  }
0x64: {  	_ =	shalt  }
0x65: {  	_ =	shalt  }
0x66: {  	_ =	shalt  }
0x67: {  	_ =	shalt  }
0x68: {  	_ =	shalt  }
0x69: {  	_ =	shalt  }
0x6a: {  	_ =	shalt  }
0x6b: {  	_ =	shalt  }
0x6c: {  	_ =	shalt  }
0x6d: {  	_ =	shalt  }
0x6e: {  	_ =	shalt  }
0x6f: {  	_ =	shalt  }
0x70: {  	_ =	shalt  }
0x71: {  	_ =	shalt  }
0x72: {  	_ =	shalt  }
0x73: {  	_ =	shalt  }
0x74: {  	_ =	shalt  }
0x75: {  	_ =	shalt  }
0x76: {  	_ =	shalt  }
0x77: {  	_ =	shalt  }
0x78: {  	_ =	shalt  }
0x79: {  	_ =	shalt  }
0x7a: {  	_ =	shalt  }
0x7b: {  	_ =	shalt  }
0x7c: {  	_ =	shalt  }
0x7d: {  	_ =	shalt  }
0x7e: {  	_ =	shalt  }
0x7f: {  	_ =	shalt  }
0x80: {  	_ =	shalt  }
0x81: {  	_ =	shalt  }
0x82: {  	_ =	shalt  }
0x83: {  	_ =	shalt  }
0x84: {  	_ =	shalt  }
0x85: {  	_ =	shalt  }
0x86: {  	_ =	shalt  }
0x87: {  	_ =	shalt  }
.Lfunc_end0:
.L_simem_size_0:
called_computation_lowered:
.L_overlay_start_0:
0x88: {  	s0 =	sld [smem:$0x3FD9]  }
0x89: {  	s1 =	sld [smem:$0x3FFE];
	_ =	sdelay $0x3  }
0x8a: {  	s0 =	sadd.s32 s1, s0  }
0x8b: {  	[smem:$0x3FC6] =	sst s0  }
0x8c: {  	_ = 	snop  }
0x8d: {  	s0 =	sld [smem:$0x3FC9]  }
0x8e: {  	s17 =	sld [smem:$0x3FC8]  }
0x8f: {  	s2 =	sld [smem:$0x3FD0];
	(tm) =	ssettm $0x1  }
0x90: {  	s3 =	sld [smem:$0x3FFB];
	_ =	sdelay $0x3  }
0x91: {  	_ =	strace s3  }
0x92: {  	s3 =	sld [smem:$0x3FFC];
	_ =	sdelay $0x3  }
0x93: {  	_ =	strace s3  }
0x94: {  	s3 =	sld [smem:$0x3FFD];
	_ =	sdelay $0x3  }
0x95: {  	_ =	strace s3  }
0x96: {  	_ =	strace $0x8FFFFFFF  }
0x97: {  	s18 =	sld [smem:$0x3FDB];
	_ =	sdelay $0x1  }
0x98: {  	s4 =	simm.s32 $_scs_section_size  }
0x99: {  	s5 =	simm.s32 $_size__tile_overlayer_lowered;
	s6 =	simm.s32 $_tile_overlayer_lowered  }
0x9a: {  	s21 =	simm.s32 $0x1BFF;
	s20 =	sshll.u32 s6, $0x1;
	s3 =	sadd.s32 s4, s18  }
0x9b: {  	s7 =	simm.s32 $0x0;
	s19 =	sshll.u32 s5, $0x1;
	s5 =	sadd.s32 s20, s3  }
0x9c: {  	[timem:s7], [sflag:s21] =	dma.local [hbm:s5], s19  }
0x9d: {  	_ =	swait.ge [sflag:s21], s19  }
0x9e: {  	s4 =	ssub.s32 $0x0, s19;
	[sflag:s21] =	ssyncset.done $0x0  }
0x9f: {  	[sflag:s21] =	ssyncadd.s32 s4;
	_ =	sdelay $0x1  }
0xa0: {  	s22 =	simm.s32 $0x1B8B  }
0xa1: {  	_ =	swait.ge [sflag:s22], $0x1  }
0xa2: {  	[sflag:s22] =	ssyncset.done $0x0  }
0xa3: {  	s23 =	simm.s32 $0x1B8E;
	[sflag:s22] =	ssyncadd.s32 $0xFFFFFFFF  }
0xa4: {  	s24 =	simm.s32 $execute0_lowered;
	[smem:$0x3FD2] =	sst s23  }
0xa5: {  	s4 =	sshll.u32 s24, $0x1;
	_ =	strace $0x80000046;
	[dreg:$0x1] =	wrdreg $0xFFFFFFFF  }
0xa6: {  	s25 =	simm.s32 $_size_execute0_lowered;
	s3 =	sadd.s32 s3, s4;
	[dreg:$0x0] =	wrdreg $0x0  }
0xa7: {  	s4 =	sshll.u32 s25, $0x1;
	[dreg:$0x2] =	wrdreg s3  }
0xa8: {  	[dreg:$0x3] =	wrdreg s4  }
0xa9: {  	[dreg:$0x4] =	wrdreg $0xC0  }
0xaa: {  	_ =	task [dreg:s7], $0x5FFFF  }
0xab: {  	[dreg:$0x1] =	wrdreg $0xFFFFFFFF  }
0xac: {  	[dreg:$0x0] =	wrdreg $0x60  }
0xad: {  	[dreg:$0x2] =	wrdreg s0  }
0xae: {  	[dreg:$0x3] =	wrdreg s17  }
0xaf: {  	[dreg:$0x4] =	wrdreg s2  }
0xb0: {  	[dreg:$0x5] =	wrdreg $0x9  }
0xb1: {  	_ =	task.clear_ibuf [dreg:s7], $0x6FFFF;
	_ =	strace $0x90000046  }
0xb2: {  	s26 =	simm.s32 $0x9;
	_ =	strace $0x80000048  }
0xb3: {  	_ =	swait.ge [sflag:s26], $0x1  }
0xb4: {  	[sflag:s26] =	ssyncadd.s32 $0xFFFFFFFF  }
0xb5: {  	_ =	strace $0x90000048  }
0xb6: {  	_ =	sfence  }
0xb7: {  	s28 =	sld [smem:$0x0];
	_ =	sdelay $0x1  }
0xb8: {  	s29 =	srdreg.scid  }
0xb9: {  	s30 =	sshll.u32 s29, $0xD;
	s31 =	sshrl.u32 s29, $0x2  }
0xba: {  	s1 =	sand.u32 $0x1, s29;
	s2 =	sand.u32 $0x4000, s30;
	s0 =	sadd.s32 s31, s28  }
0xbb: {  	s1 =	sor.u32 s2, s1;
	s0 =	sshll.u32 s0, $0x11  }
0xbc: {  	s0 =	sor.u32 s0, s1  }
0xbd: {  	s0 =	sadd.s32 $0x8F2B, s0  }
0xbe: {  	[sflag:s0] =	ssyncadd.remote.s32 $0x1  }
0xbf: {  	_ =	sfence.sel $0xFFFF  }
0xc0: {  	[dreg:$0x0] =	wrdreg $0xFFFFFFFF;
	(pc) =	sbr.abs _section_cstart, $3  }
0xc1: {  	[dreg:$0x1] =	wrdreg $0xFFFFFFFF  }
0xc2: {  	_ =	task.clear_ibuf [dreg:s7], $0x2FFFF;
	_ =	strace $0x9FFFFFFF  }
0xc3: {  	(tm) =	ssettm $0x7FFFFFFF  }
tec
execute0_lowered:
.L_overlay_start_1:
0x0: {  	(tag) =	ssettag $0x1  }
0x1: {  	s4 =	rddreg [dreg:$0x0]  }
0x2: {  	s5 =	rddreg [dreg:$0x1]  }
0x3: {  	s1 =	rddreg [dreg:$0x2];
	s2 =	stileid.u32  }
0x4: {  	s0 =	rddreg [dreg:$0x3];
	_ =	strace $0x80000047;
	p0 =	sne.s32 s2, $0x0  }
0x5: {  	_ =	sfence.sel @p0 $0x180000  }
0x6: {  	[bflag:$0x0] =	sbarrier.arrive @p0 $0xFFFF  }
0x7: {  	_ =	strace @p0 $0x90000047  }
0x8: {  	[bflag:$0x2] =	sbarrier.arrive @p0 $0xFFFF  }
0x9: {  	_ =	shalt @p0  }
.LBB2_1:
0xa: {  	v1 =	vlaneseq.u32  }
0xb: {  	v0 =	vmul.u32 $0x10, v1  }
0xc: {  	v1 =	vand.u32 $0x7, v1  }
0xd: {  	s3 =	simm.s32 $0x0;
	s2 =	simm.s32 $0x14000;
	s28 =	simm.s32 $0x2;
	v19 =	vmul.u32 $0x10, v1;
	v1 =	vor.u32 $0x1, v0  }
0xe: {  	[tilespmem:s2], [sflag:$0x2] =	stream.linear.gather [hbm4b:s5+s3], $0x5000, $0x38;
	v4 =	vor.u32 s3, v1;
	[tilespmem:$0x19D80] =	vst v63  }
0xf: {  	_ =	swait.ge [sflag:s28], $0x5000;
	v2 =	vor.u32 s3, v0;
	v16 =	vor.u32 $0xFFFFFC80, v19  }
0x10: {  	[sflag:s28] =	ssyncset.done $0x0;
	v5 =	vand.u32 v16, v2  }
0x11: {  	[sflag:s28] =	ssyncadd.s32 $0xFFFFB000;
	v2 =	vor.u32 $0x2, v0  }
0x12: {  	[tilespmem:s3], [sflag:$0x1] =	stream.linear.gather [hbm4b:s4+s3], $0x14000, $0x38;
	v6 =	vor.u32 s3, v2;
	[tilespmem:$0x19D80] =	vst v63  }
0x13: {  	v3 =	vor.u32 $0x3, v0;
	v7 =	vld.idx.msk [tilespmem:v4+s2+$0x0], $0xffff  }
0x14: {  	v8 =	vor.u32 s3, v3  }
0x15: {  	v4 =	vor.u32 $0x4, v0;
	v9 =	vld.idx.msk [tilespmem:v5+s2+$0x0], $0xffff  }
0x16: {  	v10 =	vor.u32 s3, v4  }
0x17: {  	v5 =	vor.u32 $0x5, v0;
	v11 =	vld.idx.msk [tilespmem:v6+s2+$0x0], $0xffff  }
0x18: {  	v12 =	vor.u32 s3, v5;
	vm0 =	vge.f32 v7, $5.000000070e-02  }
0x19: {  	v13 =	vld.idx.msk [tilespmem:v8+s2+$0x0], $0xffff;
	v6 =	vor.u32 $0x6, v0;
	v8 =	vnsel vm0, $0xFF800000, v7  }
0x1a: {  	v14 =	vor.u32 s3, v6;
	vm0 =	vge.f32 v9, $5.000000070e-02;
	v9 =	vmax.f32 v9, v8  }
0x1b: {  	v7 =	vor.u32 $0x7, v0;
	v10 =	vld.idx.msk [tilespmem:v10+s2+$0x0], $0xffff;
	v9 =	vsel vm0, v9, v8  }
0x1c: {  	v15 =	vor.u32 s3, v7;
	vm0 =	vge.f32 v11, $5.000000070e-02;
	v11 =	vmax.f32 v9, v11  }
0x1d: {  	v12 =	vld.idx.msk [tilespmem:v12+s2+$0x0], $0xffff;
	v8 =	vor.u32 $0x8, v0;
	v11 =	vsel vm0, v11, v9  }
0x1e: {  	v17 =	vor.u32 s3, v8;
	vm0 =	vge.f32 v13, $5.000000070e-02;
	v13 =	vmax.f32 v11, v13  }
0x1f: {  	v14 =	vld.idx.msk [tilespmem:v14+s2+$0x0], $0xffff;
	v9 =	vor.u32 $0x9, v0;
	v11 =	vsel vm0, v13, v11  }
0x20: {  	v13 =	vor.u32 s3, v9;
	vm0 =	vge.f32 v10, $5.000000070e-02;
	v18 =	vmax.f32 v11, v10  }
0x21: {  	v15 =	vld.idx.msk [tilespmem:v15+s2+$0x0], $0xffff;
	v10 =	vor.u32 $0xA, v0;
	v18 =	vsel vm0, v18, v11  }
0x22: {  	v20 =	vor.u32 s3, v10;
	vm0 =	vge.f32 v12, $5.000000070e-02;
	v12 =	vmax.f32 v18, v12  }
0x23: {  	v11 =	vor.u32 $0xB, v0;
	v17 =	vld.idx.msk [tilespmem:v17+s2+$0x0], $0xffff;
	v18 =	vsel vm0, v12, v18  }
0x24: {  	v21 =	vor.u32 s3, v11;
	vm0 =	vge.f32 v14, $5.000000070e-02;
	v14 =	vmax.f32 v18, v14  }
0x25: {  	v12 =	vor.u32 $0xC, v0;
	v22 =	vld.idx.msk [tilespmem:v13+s2+$0x0], $0xffff;
	v14 =	vsel vm0, v14, v18  }
0x26: {  	v18 =	vor.u32 s3, v12;
	vm0 =	vge.f32 v15, $5.000000070e-02;
	v15 =	vmax.f32 v14, v15  }
0x27: {  	v13 =	vor.u32 $0xD, v0;
	v20 =	vld.idx.msk [tilespmem:v20+s2+$0x0], $0xffff;
	v15 =	vsel vm0, v15, v14  }
0x28: {  	v23 =	vor.u32 s3, v13;
	vm0 =	vge.f32 v17, $5.000000070e-02;
	v17 =	vmax.f32 v15, v17  }
0x29: {  	v14 =	vor.u32 $0xE, v0;
	v21 =	vld.idx.msk [tilespmem:v21+s2+$0x0], $0xffff;
	v17 =	vsel vm0, v17, v15  }
0x2a: {  	v24 =	vor.u32 s3, v14;
	vm0 =	vge.f32 v22, $5.000000070e-02;
	v22 =	vmax.f32 v17, v22  }
0x2b: {  	v15 =	vor.u32 $0xF, v0;
	v18 =	vld.idx.msk [tilespmem:v18+s2+$0x0], $0xffff;
	v17 =	vsel vm0, v22, v17  }
0x2c: {  	v22 =	vor.u32 s3, v15;
	vm0 =	vge.f32 v20, $5.000000070e-02;
	v20 =	vmax.f32 v17, v20  }
0x2d: {  	v23 =	vld.idx.msk [tilespmem:v23+s2+$0x0], $0xffff;
	v17 =	vsel vm0, v20, v17  }
0x2e: {  	vm0 =	vge.f32 v21, $5.000000070e-02;
	v20 =	vmax.f32 v17, v21  }
0x2f: {  	v21 =	vld.idx.msk [tilespmem:v24+s2+$0x0], $0xffff;
	v17 =	vsel vm0, v20, v17  }
0x30: {  	vm0 =	vge.f32 v18, $5.000000070e-02;
	v18 =	vmax.f32 v17, v18  }
0x31: {  	v20 =	vld.idx.msk [tilespmem:v22+s2+$0x0], $0xffff;
	v17 =	vsel vm0, v18, v17  }
0x32: {  	vm0 =	vge.f32 v23, $5.000000070e-02;
	v18 =	vmax.f32 v17, v23  }
0x33: {  	s29 =	simm.s32 $0x100;
	v18 =	vsel vm0, v18, v17  }
0x34: {  	v22 =	vor.u32 s29, v1;
	vm0 =	vge.f32 v21, $5.000000070e-02;
	v21 =	vmax.f32 v18, v21  }
0x35: {  	v23 =	vor.u32 s29, v0;
	v17 =	vor.u32 $0xFFFFFD80, v19;
	v18 =	vsel vm0, v21, v18  }
0x36: {  	vm0 =	vge.f32 v20, $5.000000070e-02;
	v21 =	vand.u32 v17, v23;
	v20 =	vmax.f32 v18, v20  }
0x37: {  	s3 =	simm.s32 $0x19020;
	v18 =	vsel vm0, v20, v18  }
0x38: {  	v20 =	vor.u32 s29, v2;
	[tilespmem:s3+$0xFFFFFFE0] =	vst v18  }
0x39: {  	v18 =	vld.idx.msk [tilespmem:v22+s2+$0x0], $0xffff  }
0x3a: {  	v22 =	vor.u32 s29, v3  }
0x3b: {  	v21 =	vld.idx.msk [tilespmem:v21+s2+$0x0], $0xffff  }
0x3c: {  	v23 =	vor.u32 s29, v4  }
0x3d: {  	v20 =	vld.idx.msk [tilespmem:v20+s2+$0x0], $0xffff  }
0x3e: {  	v24 =	vor.u32 s29, v5;
	vm0 =	vge.f32 v18, $5.000000070e-02  }
0x3f: {  	v22 =	vld.idx.msk [tilespmem:v22+s2+$0x0], $0xffff;
	v18 =	vnsel vm0, $0xFF800000, v18  }
0x40: {  	v25 =	vor.u32 s29, v6;
	vm0 =	vge.f32 v21, $5.000000070e-02;
	v21 =	vmax.f32 v21, v18  }
0x41: {  	v23 =	vld.idx.msk [tilespmem:v23+s2+$0x0], $0xffff;
	v18 =	vsel vm0, v21, v18  }
0x42: {  	v21 =	vor.u32 s29, v7;
	vm0 =	vge.f32 v20, $5.000000070e-02;
	v20 =	vmax.f32 v18, v20  }
0x43: {  	v24 =	vld.idx.msk [tilespmem:v24+s2+$0x0], $0xffff;
	v18 =	vsel vm0, v20, v18  }
0x44: {  	v20 =	vor.u32 s29, v8;
	vm0 =	vge.f32 v22, $5.000000070e-02;
	v22 =	vmax.f32 v18, v22  }
0x45: {  	v25 =	vld.idx.msk [tilespmem:v25+s2+$0x0], $0xffff;
	v18 =	vsel vm0, v22, v18  }
0x46: {  	v22 =	vor.u32 s29, v9;
	vm0 =	vge.f32 v23, $5.000000070e-02;
	v23 =	vmax.f32 v18, v23  }
0x47: {  	v21 =	vld.idx.msk [tilespmem:v21+s2+$0x0], $0xffff;
	v18 =	vsel vm0, v23, v18  }
0x48: {  	v23 =	vor.u32 s29, v10;
	vm0 =	vge.f32 v24, $5.000000070e-02;
	v24 =	vmax.f32 v18, v24  }
0x49: {  	v20 =	vld.idx.msk [tilespmem:v20+s2+$0x0], $0xffff;
	v18 =	vsel vm0, v24, v18  }
0x4a: {  	v24 =	vor.u32 s29, v11;
	vm0 =	vge.f32 v25, $5.000000070e-02;
	v25 =	vmax.f32 v18, v25  }
0x4b: {  	v22 =	vld.idx.msk [tilespmem:v22+s2+$0x0], $0xffff;
	v18 =	vsel vm0, v25, v18  }
0x4c: {  	v25 =	vor.u32 s29, v12;
	vm0 =	vge.f32 v21, $5.000000070e-02;
	v21 =	vmax.f32 v18, v21  }
0x4d: {  	v23 =	vld.idx.msk [tilespmem:v23+s2+$0x0], $0xffff;
	v18 =	vsel vm0, v21, v18  }
0x4e: {  	v21 =	vor.u32 s29, v13;
	vm0 =	vge.f32 v20, $5.000000070e-02;
	v20 =	vmax.f32 v18, v20  }
0x4f: {  	v24 =	vld.idx.msk [tilespmem:v24+s2+$0x0], $0xffff;
	v18 =	vsel vm0, v20, v18  }
0x50: {  	v20 =	vor.u32 s29, v14;
	vm0 =	vge.f32 v22, $5.000000070e-02;
	v22 =	vmax.f32 v18, v22  }
0x51: {  	v25 =	vld.idx.msk [tilespmem:v25+s2+$0x0], $0xffff;
	v18 =	vsel vm0, v22, v18  }
0x52: {  	v22 =	vor.u32 s29, v15;
	vm0 =	vge.f32 v23, $5.000000070e-02;
	v23 =	vmax.f32 v18, v23  }
0x53: {  	v21 =	vld.idx.msk [tilespmem:v21+s2+$0x0], $0xffff;
	v18 =	vsel vm0, v23, v18  }
0x54: {  	vm0 =	vge.f32 v24, $5.000000070e-02;
	v23 =	vmax.f32 v18, v24  }
0x55: {  	v20 =	vld.idx.msk [tilespmem:v20+s2+$0x0], $0xffff;
	v18 =	vsel vm0, v23, v18  }
0x56: {  	vm0 =	vge.f32 v25, $5.000000070e-02;
	v23 =	vmax.f32 v18, v25  }
0x57: {  	v22 =	vld.idx.msk [tilespmem:v22+s2+$0x0], $0xffff;
	v18 =	vsel vm0, v23, v18  }
0x58: {  	vm0 =	vge.f32 v21, $5.000000070e-02;
	v21 =	vmax.f32 v18, v21  }
0x59: {  	s30 =	simm.s32 $0x200;
	v21 =	vsel vm0, v21, v18  }
0x5a: {  	v23 =	vor.u32 s30, v1;
	vm0 =	vge.f32 v20, $5.000000070e-02;
	v20 =	vmax.f32 v21, v20  }
0x5b: {  	v24 =	vor.u32 s30, v0;
	v18 =	vor.u32 $0xFFFFFE80, v19;
	v20 =	vsel vm0, v20, v21  }
0x5c: {  	vm0 =	vge.f32 v22, $5.000000070e-02;
	v21 =	vand.u32 v18, v24;
	v22 =	vmax.f32 v20, v22  }
0x5d: {  	v20 =	vsel vm0, v22, v20  }
0x5e: {  	v22 =	vor.u32 s30, v2;
	[tilespmem:s3+$0xFFFFFFF0] =	vst v20  }
0x5f: {  	v20 =	vld.idx.msk [tilespmem:v23+s2+$0x0], $0xffff  }
0x60: {  	v23 =	vor.u32 s30, v3  }
0x61: {  	v21 =	vld.idx.msk [tilespmem:v21+s2+$0x0], $0xffff  }
0x62: {  	v24 =	vor.u32 s30, v4  }
0x63: {  	v22 =	vld.idx.msk [tilespmem:v22+s2+$0x0], $0xffff  }
0x64: {  	v25 =	vor.u32 s30, v5;
	vm0 =	vge.f32 v20, $5.000000070e-02  }
0x65: {  	v23 =	vld.idx.msk [tilespmem:v23+s2+$0x0], $0xffff;
	v20 =	vnsel vm0, $0xFF800000, v20  }
0x66: {  	v26 =	vor.u32 s30, v6;
	vm0 =	vge.f32 v21, $5.000000070e-02;
	v21 =	vmax.f32 v21, v20  }
0x67: {  	v24 =	vld.idx.msk [tilespmem:v24+s2+$0x0], $0xffff;
	v20 =	vsel vm0, v21, v20  }
0x68: {  	v21 =	vor.u32 s30, v7;
	vm0 =	vge.f32 v22, $5.000000070e-02;
	v22 =	vmax.f32 v20, v22  }
0x69: {  	v25 =	vld.idx.msk [tilespmem:v25+s2+$0x0], $0xffff;
	v20 =	vsel vm0, v22, v20  }
0x6a: {  	v22 =	vor.u32 s30, v8;
	vm0 =	vge.f32 v23, $5.000000070e-02;
	v23 =	vmax.f32 v20, v23  }
0x6b: {  	v26 =	vld.idx.msk [tilespmem:v26+s2+$0x0], $0xffff;
	v20 =	vsel vm0, v23, v20  }
0x6c: {  	v23 =	vor.u32 s30, v9;
	vm0 =	vge.f32 v24, $5.000000070e-02;
	v24 =	vmax.f32 v20, v24  }
0x6d: {  	v21 =	vld.idx.msk [tilespmem:v21+s2+$0x0], $0xffff;
	v20 =	vsel vm0, v24, v20  }
0x6e: {  	v24 =	vor.u32 s30, v10;
	vm0 =	vge.f32 v25, $5.000000070e-02;
	v25 =	vmax.f32 v20, v25  }
0x6f: {  	v22 =	vld.idx.msk [tilespmem:v22+s2+$0x0], $0xffff;
	v20 =	vsel vm0, v25, v20  }
0x70: {  	v25 =	vor.u32 s30, v11;
	vm0 =	vge.f32 v26, $5.000000070e-02;
	v26 =	vmax.f32 v20, v26  }
0x71: {  	v23 =	vld.idx.msk [tilespmem:v23+s2+$0x0], $0xffff;
	v20 =	vsel vm0, v26, v20  }
0x72: {  	v26 =	vor.u32 s30, v12;
	vm0 =	vge.f32 v21, $5.000000070e-02;
	v21 =	vmax.f32 v20, v21  }
0x73: {  	v24 =	vld.idx.msk [tilespmem:v24+s2+$0x0], $0xffff;
	v20 =	vsel vm0, v21, v20  }
0x74: {  	v21 =	vor.u32 s30, v13;
	vm0 =	vge.f32 v22, $5.000000070e-02;
	v22 =	vmax.f32 v20, v22  }
0x75: {  	v25 =	vld.idx.msk [tilespmem:v25+s2+$0x0], $0xffff;
	v20 =	vsel vm0, v22, v20  }
0x76: {  	v22 =	vor.u32 s30, v14;
	vm0 =	vge.f32 v23, $5.000000070e-02;
	v23 =	vmax.f32 v20, v23  }
0x77: {  	v26 =	vld.idx.msk [tilespmem:v26+s2+$0x0], $0xffff;
	v20 =	vsel vm0, v23, v20  }
0x78: {  	v23 =	vor.u32 s30, v15;
	vm0 =	vge.f32 v24, $5.000000070e-02;
	v24 =	vmax.f32 v20, v24  }
0x79: {  	v21 =	vld.idx.msk [tilespmem:v21+s2+$0x0], $0xffff;
	v20 =	vsel vm0, v24, v20  }
0x7a: {  	vm0 =	vge.f32 v25, $5.000000070e-02;
	v24 =	vmax.f32 v20, v25  }
0x7b: {  	v22 =	vld.idx.msk [tilespmem:v22+s2+$0x0], $0xffff;
	v20 =	vsel vm0, v24, v20  }
0x7c: {  	vm0 =	vge.f32 v26, $5.000000070e-02;
	v24 =	vmax.f32 v20, v26  }
0x7d: {  	v23 =	vld.idx.msk [tilespmem:v23+s2+$0x0], $0xffff;
	v20 =	vsel vm0, v24, v20  }
0x7e: {  	vm0 =	vge.f32 v21, $5.000000070e-02;
	v21 =	vmax.f32 v20, v21  }
0x7f: {  	s31 =	simm.s32 $0x300;
	v20 =	vsel vm0, v21, v20  }
0x80: {  	vm0 =	vge.f32 v22, $5.000000070e-02;
	v21 =	vmax.f32 v20, v22;
	v22 =	vor.u32 s31, v1  }
0x81: {  	v19 =	vor.u32 $0xFFFFFF80, v19;
	v24 =	vor.u32 s31, v0;
	v20 =	vsel vm0, v21, v20  }
0x82: {  	v21 =	vand.u32 v19, v24;
	vm0 =	vge.f32 v23, $5.000000070e-02;
	v23 =	vmax.f32 v20, v23  }
0x83: {  	v20 =	vsel vm0, v23, v20  }
0x84: {  	v23 =	vor.u32 s31, v2;
	[tilespmem:s3+$0x0] =	vst v20  }
0x85: {  	v20 =	vld.idx.msk [tilespmem:v22+s2+$0x0], $0xffff  }
0x86: {  	v22 =	vor.u32 s31, v3  }
0x87: {  	v21 =	vld.idx.msk [tilespmem:v21+s2+$0x0], $0xffff  }
0x88: {  	v24 =	vor.u32 s31, v4  }
0x89: {  	v23 =	vld.idx.msk [tilespmem:v23+s2+$0x0], $0xffff  }
0x8a: {  	v25 =	vor.u32 s31, v5;
	vm0 =	vge.f32 v20, $5.000000070e-02  }
0x8b: {  	v22 =	vld.idx.msk [tilespmem:v22+s2+$0x0], $0xffff;
	v20 =	vnsel vm0, $0xFF800000, v20  }
0x8c: {  	v26 =	vor.u32 s31, v6;
	vm0 =	vge.f32 v21, $5.000000070e-02;
	v21 =	vmax.f32 v21, v20  }
0x8d: {  	v24 =	vld.idx.msk [tilespmem:v24+s2+$0x0], $0xffff;
	v20 =	vsel vm0, v21, v20  }
0x8e: {  	v21 =	vor.u32 s31, v7;
	vm0 =	vge.f32 v23, $5.000000070e-02;
	v23 =	vmax.f32 v20, v23  }
0x8f: {  	v25 =	vld.idx.msk [tilespmem:v25+s2+$0x0], $0xffff;
	v20 =	vsel vm0, v23, v20  }
0x90: {  	v23 =	vor.u32 s31, v8;
	vm0 =	vge.f32 v22, $5.000000070e-02;
	v22 =	vmax.f32 v20, v22  }
0x91: {  	v26 =	vld.idx.msk [tilespmem:v26+s2+$0x0], $0xffff;
	v20 =	vsel vm0, v22, v20  }
0x92: {  	v22 =	vor.u32 s31, v9;
	vm0 =	vge.f32 v24, $5.000000070e-02;
	v24 =	vmax.f32 v20, v24  }
0x93: {  	v21 =	vld.idx.msk [tilespmem:v21+s2+$0x0], $0xffff;
	v20 =	vsel vm0, v24, v20  }
0x94: {  	v24 =	vor.u32 s31, v10;
	vm0 =	vge.f32 v25, $5.000000070e-02;
	v25 =	vmax.f32 v20, v25  }
0x95: {  	v23 =	vld.idx.msk [tilespmem:v23+s2+$0x0], $0xffff;
	v20 =	vsel vm0, v25, v20  }
0x96: {  	v25 =	vor.u32 s31, v11;
	vm0 =	vge.f32 v26, $5.000000070e-02;
	v26 =	vmax.f32 v20, v26  }
0x97: {  	v22 =	vld.idx.msk [tilespmem:v22+s2+$0x0], $0xffff;
	v20 =	vsel vm0, v26, v20  }
0x98: {  	v26 =	vor.u32 s31, v12;
	vm0 =	vge.f32 v21, $5.000000070e-02;
	v21 =	vmax.f32 v20, v21  }
0x99: {  	v24 =	vld.idx.msk [tilespmem:v24+s2+$0x0], $0xffff;
	v20 =	vsel vm0, v21, v20  }
0x9a: {  	v21 =	vor.u32 s31, v13;
	vm0 =	vge.f32 v23, $5.000000070e-02;
	v23 =	vmax.f32 v20, v23  }
0x9b: {  	v25 =	vld.idx.msk [tilespmem:v25+s2+$0x0], $0xffff;
	v20 =	vsel vm0, v23, v20  }
0x9c: {  	v23 =	vor.u32 s31, v14;
	vm0 =	vge.f32 v22, $5.000000070e-02;
	v22 =	vmax.f32 v20, v22  }
0x9d: {  	v26 =	vld.idx.msk [tilespmem:v26+s2+$0x0], $0xffff;
	v20 =	vsel vm0, v22, v20  }
0x9e: {  	v22 =	vor.u32 s31, v15;
	vm0 =	vge.f32 v24, $5.000000070e-02;
	v24 =	vmax.f32 v20, v24  }
0x9f: {  	v21 =	vld.idx.msk [tilespmem:v21+s2+$0x0], $0xffff;
	v20 =	vsel vm0, v24, v20  }
0xa0: {  	vm0 =	vge.f32 v25, $5.000000070e-02;
	v24 =	vmax.f32 v20, v25  }
0xa1: {  	v23 =	vld.idx.msk [tilespmem:v23+s2+$0x0], $0xffff;
	v20 =	vsel vm0, v24, v20  }
0xa2: {  	vm0 =	vge.f32 v26, $5.000000070e-02;
	v24 =	vmax.f32 v20, v26  }
0xa3: {  	v25 =	vld.idx.msk [tilespmem:v22+s2+$0x0], $0xffff;
	v20 =	vsel vm0, v24, v20  }
0xa4: {  	s4 =	simm.s32 $0x400;
	vm0 =	vge.f32 v21, $5.000000070e-02;
	v21 =	vmax.f32 v20, v21  }
0xa5: {  	v24 =	vor.u32 s4, v0;
	v22 =	vsel vm0, v21, v20  }
0xa6: {  	vm0 =	vge.f32 v23, $5.000000070e-02;
	v21 =	vor.u32 s4, v1;
	v23 =	vmax.f32 v22, v23  }
0xa7: {  	v23 =	vsel vm0, v23, v22;
	v22 =	vand.u32 v16, v24  }
0xa8: {  	s6 =	simm.s32 $0x800;
	s7 =	simm.s32 $0x19020;
	s5 =	simm.s32 $0x4;
	v20 =	vor.u32 s4, v2;
	vm0 =	vge.f32 v25, $5.000000070e-02;
	v24 =	vmax.f32 v23, v25  }
.LBB2_2:
0xa9: {  	v25 =	vor.u32 s6, v2;
	s5 =	sadd.s32 $0x4, s5;
	v23 =	vsel vm0, v24, v23;
	s3 =	sadd.s32 $0x40, s3  }
0xaa: {  	p0 =	slt.u32 s5, $0x4C;
	[tilespmem:s7+$0x10] =	vst v23;
	s7 =	smov.u32 s3  }
0xab: {  	v23 =	vor.u32 s4, v3;
	v21 =	vld.idx.msk [tilespmem:v21+s2+$0x0], $0xffff  }
0xac: {  	v22 =	vld.idx.msk [tilespmem:v22+s2+$0x0], $0xffff  }
0xad: {  	v24 =	vor.u32 s4, v4  }
0xae: {  	v26 =	vld.idx.msk [tilespmem:v20+s2+$0x0], $0xffff;
	v20 =	vmov v25  }
0xaf: {  	v25 =	vor.u32 s4, v5  }
0xb0: {  	v23 =	vld.idx.msk [tilespmem:v23+s2+$0x0], $0xffff  }
0xb1: {  	v27 =	vor.u32 s4, v6;
	vm0 =	vge.f32 v21, $5.000000070e-02  }
0xb2: {  	vm1 =	vge.f32 v22, $5.000000070e-02;
	v21 =	vnsel vm0, $0xFF800000, v21;
	v24 =	vld.idx.msk [tilespmem:v24+s2+$0x0], $0xffff  }
0xb3: {  	v28 =	vor.u32 s4, v7;
	v22 =	vmax.f32 v22, v21  }
0xb4: {  	v21 =	vsel vm1, v22, v21;
	vm0 =	vge.f32 v26, $5.000000070e-02;
	v22 =	vld.idx.msk [tilespmem:v25+s2+$0x0], $0xffff  }
0xb5: {  	v25 =	vmax.f32 v21, v26;
	v26 =	vor.u32 s4, v8  }
0xb6: {  	v21 =	vsel vm0, v25, v21;
	vm0 =	vge.f32 v23, $5.000000070e-02;
	v25 =	vld.idx.msk [tilespmem:v27+s2+$0x0], $0xffff  }
0xb7: {  	v23 =	vmax.f32 v21, v23;
	v27 =	vor.u32 s4, v9  }
0xb8: {  	v21 =	vsel vm0, v23, v21;
	vm0 =	vge.f32 v24, $5.000000070e-02;
	v23 =	vld.idx.msk [tilespmem:v28+s2+$0x0], $0xffff  }
0xb9: {  	v24 =	vmax.f32 v21, v24;
	v28 =	vor.u32 s4, v10  }
0xba: {  	v21 =	vsel vm0, v24, v21;
	vm0 =	vge.f32 v22, $5.000000070e-02;
	v24 =	vld.idx.msk [tilespmem:v26+s2+$0x0], $0xffff  }
0xbb: {  	v22 =	vmax.f32 v21, v22;
	v26 =	vor.u32 s4, v11  }
0xbc: {  	v21 =	vsel vm0, v22, v21;
	vm0 =	vge.f32 v25, $5.000000070e-02;
	v22 =	vld.idx.msk [tilespmem:v27+s2+$0x0], $0xffff  }
0xbd: {  	v25 =	vmax.f32 v21, v25;
	v27 =	vor.u32 s4, v12  }
0xbe: {  	v21 =	vsel vm0, v25, v21;
	vm0 =	vge.f32 v23, $5.000000070e-02;
	v25 =	vld.idx.msk [tilespmem:v28+s2+$0x0], $0xffff  }
0xbf: {  	v23 =	vmax.f32 v21, v23;
	v28 =	vor.u32 s4, v13  }
0xc0: {  	v21 =	vsel vm0, v23, v21;
	vm0 =	vge.f32 v24, $5.000000070e-02;
	v23 =	vld.idx.msk [tilespmem:v26+s2+$0x0], $0xffff  }
0xc1: {  	v24 =	vmax.f32 v21, v24;
	v26 =	vor.u32 s4, v14  }
0xc2: {  	v21 =	vsel vm0, v24, v21;
	vm0 =	vge.f32 v22, $5.000000070e-02;
	v24 =	vld.idx.msk [tilespmem:v27+s2+$0x0], $0xffff  }
0xc3: {  	v22 =	vmax.f32 v21, v22;
	v27 =	vor.u32 s4, v15  }
0xc4: {  	v21 =	vsel vm0, v22, v21;
	vm0 =	vge.f32 v25, $5.000000070e-02;
	v22 =	vld.idx.msk [tilespmem:v28+s2+$0x0], $0xffff  }
0xc5: {  	v25 =	vmax.f32 v21, v25  }
0xc6: {  	v21 =	vsel vm0, v25, v21;
	vm0 =	vge.f32 v23, $5.000000070e-02;
	v25 =	vld.idx.msk [tilespmem:v26+s2+$0x0], $0xffff  }
0xc7: {  	v23 =	vmax.f32 v21, v23  }
0xc8: {  	v21 =	vsel vm0, v23, v21;
	vm0 =	vge.f32 v24, $5.000000070e-02;
	v23 =	vld.idx.msk [tilespmem:v27+s2+$0x0], $0xffff  }
0xc9: {  	v24 =	vmax.f32 v21, v24  }
0xca: {  	v21 =	vsel vm0, v24, v21;
	vm0 =	vge.f32 v22, $5.000000070e-02  }
0xcb: {  	s8 =	sadd.s32 $0x100, s4;
	v22 =	vmax.f32 v21, v22  }
0xcc: {  	v21 =	vsel vm0, v22, v21;
	vm0 =	vge.f32 v25, $5.000000070e-02;
	v22 =	vor.u32 s8, v1  }
0xcd: {  	v24 =	vmax.f32 v21, v25;
	v25 =	vor.u32 s8, v0  }
0xce: {  	v21 =	vsel vm0, v24, v21;
	vm0 =	vge.f32 v23, $5.000000070e-02;
	v24 =	vand.u32 v17, v25  }
0xcf: {  	v23 =	vmax.f32 v21, v23  }
0xd0: {  	v21 =	vsel vm0, v23, v21;
	v23 =	vor.u32 s8, v2  }
0xd1: {  	[tilespmem:s3+$0xFFFFFFE0] =	vst v21  }
0xd2: {  	v21 =	vld.idx.msk [tilespmem:v22+s2+$0x0], $0xffff;
	v22 =	vor.u32 s8, v3  }
0xd3: {  	v24 =	vld.idx.msk [tilespmem:v24+s2+$0x0], $0xffff  }
0xd4: {  	v25 =	vor.u32 s8, v4  }
0xd5: {  	v23 =	vld.idx.msk [tilespmem:v23+s2+$0x0], $0xffff  }
0xd6: {  	v26 =	vor.u32 s8, v5  }
0xd7: {  	v22 =	vld.idx.msk [tilespmem:v22+s2+$0x0], $0xffff  }
0xd8: {  	v27 =	vor.u32 s8, v6;
	vm0 =	vge.f32 v21, $5.000000070e-02  }
0xd9: {  	vm1 =	vge.f32 v24, $5.000000070e-02;
	v21 =	vnsel vm0, $0xFF800000, v21;
	v25 =	vld.idx.msk [tilespmem:v25+s2+$0x0], $0xffff  }
0xda: {  	v28 =	vor.u32 s8, v7;
	v24 =	vmax.f32 v24, v21  }
0xdb: {  	v21 =	vsel vm1, v24, v21;
	vm0 =	vge.f32 v23, $5.000000070e-02;
	v24 =	vld.idx.msk [tilespmem:v26+s2+$0x0], $0xffff  }
0xdc: {  	v23 =	vmax.f32 v21, v23;
	v26 =	vor.u32 s8, v8  }
0xdd: {  	v21 =	vsel vm0, v23, v21;
	vm0 =	vge.f32 v22, $5.000000070e-02;
	v23 =	vld.idx.msk [tilespmem:v27+s2+$0x0], $0xffff  }
0xde: {  	v22 =	vmax.f32 v21, v22;
	v27 =	vor.u32 s8, v9  }
0xdf: {  	v21 =	vsel vm0, v22, v21;
	vm0 =	vge.f32 v25, $5.000000070e-02;
	v22 =	vld.idx.msk [tilespmem:v28+s2+$0x0], $0xffff  }
0xe0: {  	v25 =	vmax.f32 v21, v25;
	v28 =	vor.u32 s8, v10  }
0xe1: {  	v21 =	vsel vm0, v25, v21;
	vm0 =	vge.f32 v24, $5.000000070e-02;
	v25 =	vld.idx.msk [tilespmem:v26+s2+$0x0], $0xffff  }
0xe2: {  	v24 =	vmax.f32 v21, v24;
	v26 =	vor.u32 s8, v11  }
0xe3: {  	v21 =	vsel vm0, v24, v21;
	vm0 =	vge.f32 v23, $5.000000070e-02;
	v24 =	vld.idx.msk [tilespmem:v27+s2+$0x0], $0xffff  }
0xe4: {  	v23 =	vmax.f32 v21, v23;
	v27 =	vor.u32 s8, v12  }
0xe5: {  	v21 =	vsel vm0, v23, v21;
	vm0 =	vge.f32 v22, $5.000000070e-02;
	v23 =	vld.idx.msk [tilespmem:v28+s2+$0x0], $0xffff  }
0xe6: {  	v22 =	vmax.f32 v21, v22;
	v28 =	vor.u32 s8, v13  }
0xe7: {  	v21 =	vsel vm0, v22, v21;
	vm0 =	vge.f32 v25, $5.000000070e-02;
	v22 =	vld.idx.msk [tilespmem:v26+s2+$0x0], $0xffff  }
0xe8: {  	v25 =	vmax.f32 v21, v25;
	v26 =	vor.u32 s8, v14  }
0xe9: {  	v21 =	vsel vm0, v25, v21;
	vm0 =	vge.f32 v24, $5.000000070e-02;
	v25 =	vld.idx.msk [tilespmem:v27+s2+$0x0], $0xffff  }
0xea: {  	v24 =	vmax.f32 v21, v24;
	v27 =	vor.u32 s8, v15  }
0xeb: {  	v21 =	vsel vm0, v24, v21;
	vm0 =	vge.f32 v23, $5.000000070e-02;
	v24 =	vld.idx.msk [tilespmem:v28+s2+$0x0], $0xffff  }
0xec: {  	v23 =	vmax.f32 v21, v23  }
0xed: {  	v21 =	vsel vm0, v23, v21;
	vm0 =	vge.f32 v22, $5.000000070e-02;
	v23 =	vld.idx.msk [tilespmem:v26+s2+$0x0], $0xffff  }
0xee: {  	v22 =	vmax.f32 v21, v22  }
0xef: {  	v21 =	vsel vm0, v22, v21;
	vm0 =	vge.f32 v25, $5.000000070e-02;
	v22 =	vld.idx.msk [tilespmem:v27+s2+$0x0], $0xffff  }
0xf0: {  	v25 =	vmax.f32 v21, v25  }
0xf1: {  	v21 =	vsel vm0, v25, v21;
	vm0 =	vge.f32 v24, $5.000000070e-02  }
0xf2: {  	s8 =	sadd.s32 $0x200, s4;
	v24 =	vmax.f32 v21, v24  }
0xf3: {  	v21 =	vsel vm0, v24, v21;
	vm0 =	vge.f32 v23, $5.000000070e-02;
	v24 =	vor.u32 s8, v1  }
0xf4: {  	v25 =	vor.u32 s8, v0;
	v23 =	vmax.f32 v21, v23  }
0xf5: {  	v21 =	vsel vm0, v23, v21;
	vm0 =	vge.f32 v22, $5.000000070e-02;
	v23 =	vand.u32 v18, v25  }
0xf6: {  	v22 =	vmax.f32 v21, v22  }
0xf7: {  	v21 =	vsel vm0, v22, v21;
	v22 =	vor.u32 s8, v2  }
0xf8: {  	[tilespmem:s3+$0xFFFFFFF0] =	vst v21  }
0xf9: {  	v21 =	vld.idx.msk [tilespmem:v24+s2+$0x0], $0xffff;
	v24 =	vor.u32 s8, v3  }
0xfa: {  	v23 =	vld.idx.msk [tilespmem:v23+s2+$0x0], $0xffff  }
0xfb: {  	v25 =	vor.u32 s8, v4  }
0xfc: {  	v22 =	vld.idx.msk [tilespmem:v22+s2+$0x0], $0xffff  }
0xfd: {  	v26 =	vor.u32 s8, v5  }
0xfe: {  	v24 =	vld.idx.msk [tilespmem:v24+s2+$0x0], $0xffff  }
0xff: {  	v27 =	vor.u32 s8, v6;
	vm0 =	vge.f32 v21, $5.000000070e-02  }
0x100: {  	vm1 =	vge.f32 v23, $5.000000070e-02;
	v21 =	vnsel vm0, $0xFF800000, v21;
	v25 =	vld.idx.msk [tilespmem:v25+s2+$0x0], $0xffff  }
0x101: {  	v28 =	vor.u32 s8, v7;
	v23 =	vmax.f32 v23, v21  }
0x102: {  	v21 =	vsel vm1, v23, v21;
	vm0 =	vge.f32 v22, $5.000000070e-02;
	v23 =	vld.idx.msk [tilespmem:v26+s2+$0x0], $0xffff  }
0x103: {  	v22 =	vmax.f32 v21, v22;
	v26 =	vor.u32 s8, v8  }
0x104: {  	v21 =	vsel vm0, v22, v21;
	vm0 =	vge.f32 v24, $5.000000070e-02;
	v22 =	vld.idx.msk [tilespmem:v27+s2+$0x0], $0xffff  }
0x105: {  	v24 =	vmax.f32 v21, v24;
	v27 =	vor.u32 s8, v9  }
0x106: {  	v21 =	vsel vm0, v24, v21;
	vm0 =	vge.f32 v25, $5.000000070e-02;
	v24 =	vld.idx.msk [tilespmem:v28+s2+$0x0], $0xffff  }
0x107: {  	v25 =	vmax.f32 v21, v25;
	v28 =	vor.u32 s8, v10  }
0x108: {  	v21 =	vsel vm0, v25, v21;
	vm0 =	vge.f32 v23, $5.000000070e-02;
	v25 =	vld.idx.msk [tilespmem:v26+s2+$0x0], $0xffff  }
0x109: {  	v23 =	vmax.f32 v21, v23;
	v26 =	vor.u32 s8, v11  }
0x10a: {  	v21 =	vsel vm0, v23, v21;
	vm0 =	vge.f32 v22, $5.000000070e-02;
	v23 =	vld.idx.msk [tilespmem:v27+s2+$0x0], $0xffff  }
0x10b: {  	v22 =	vmax.f32 v21, v22;
	v27 =	vor.u32 s8, v12  }
0x10c: {  	v21 =	vsel vm0, v22, v21;
	vm0 =	vge.f32 v24, $5.000000070e-02;
	v22 =	vld.idx.msk [tilespmem:v28+s2+$0x0], $0xffff  }
0x10d: {  	v24 =	vmax.f32 v21, v24;
	v28 =	vor.u32 s8, v13  }
0x10e: {  	v21 =	vsel vm0, v24, v21;
	vm0 =	vge.f32 v25, $5.000000070e-02;
	v24 =	vld.idx.msk [tilespmem:v26+s2+$0x0], $0xffff  }
0x10f: {  	v25 =	vmax.f32 v21, v25;
	v26 =	vor.u32 s8, v14  }
0x110: {  	v21 =	vsel vm0, v25, v21;
	vm0 =	vge.f32 v23, $5.000000070e-02;
	v25 =	vld.idx.msk [tilespmem:v27+s2+$0x0], $0xffff  }
0x111: {  	v23 =	vmax.f32 v21, v23;
	v27 =	vor.u32 s8, v15  }
0x112: {  	v21 =	vsel vm0, v23, v21;
	vm0 =	vge.f32 v22, $5.000000070e-02;
	v23 =	vld.idx.msk [tilespmem:v28+s2+$0x0], $0xffff  }
0x113: {  	v22 =	vmax.f32 v21, v22  }
0x114: {  	v21 =	vsel vm0, v22, v21;
	vm0 =	vge.f32 v24, $5.000000070e-02;
	v22 =	vld.idx.msk [tilespmem:v26+s2+$0x0], $0xffff  }
0x115: {  	v24 =	vmax.f32 v21, v24  }
0x116: {  	v21 =	vsel vm0, v24, v21;
	vm0 =	vge.f32 v25, $5.000000070e-02;
	v24 =	vld.idx.msk [tilespmem:v27+s2+$0x0], $0xffff  }
0x117: {  	v25 =	vmax.f32 v21, v25  }
0x118: {  	v21 =	vsel vm0, v25, v21;
	vm0 =	vge.f32 v23, $5.000000070e-02  }
0x119: {  	s8 =	sadd.s32 $0x300, s4;
	s4 =	smov.u32 s6;
	v23 =	vmax.f32 v21, v23  }
0x11a: {  	v21 =	vsel vm0, v23, v21;
	vm0 =	vge.f32 v22, $5.000000070e-02;
	v23 =	vor.u32 s8, v0  }
0x11b: {  	v25 =	vor.u32 s8, v1;
	v22 =	vmax.f32 v21, v22;
	v23 =	vand.u32 v19, v23  }
0x11c: {  	v21 =	vsel vm0, v22, v21;
	vm0 =	vge.f32 v24, $5.000000070e-02  }
0x11d: {  	v22 =	vmax.f32 v21, v24;
	v24 =	vor.u32 s8, v2  }
0x11e: {  	v21 =	vsel vm0, v22, v21;
	v22 =	vor.u32 s8, v3  }
0x11f: {  	[tilespmem:s3+$0x0] =	vst v21;
	v21 =	vor.u32 s8, v4  }
0x120: {  	v26 =	vor.u32 s8, v5;
	v25 =	vld.idx.msk [tilespmem:v25+s2+$0x0], $0xffff  }
0x121: {  	v27 =	vor.u32 s8, v6;
	v23 =	vld.idx.msk [tilespmem:v23+s2+$0x0], $0xffff  }
0x122: {  	v28 =	vor.u32 s8, v7;
	v24 =	vld.idx.msk [tilespmem:v24+s2+$0x0], $0xffff  }
0x123: {  	v29 =	vor.u32 s8, v8;
	v22 =	vld.idx.msk [tilespmem:v22+s2+$0x0], $0xffff  }
0x124: {  	v30 =	vor.u32 s8, v9;
	v21 =	vld.idx.msk [tilespmem:v21+s2+$0x0], $0xffff  }
0x125: {  	v31 =	vor.u32 s8, v10;
	v26 =	vld.idx.msk [tilespmem:v26+s2+$0x0], $0xffff  }
0x126: {  	v32 =	vor.u32 s8, v11;
	vm0 =	vge.f32 v25, $5.000000070e-02;
	v27 =	vld.idx.msk [tilespmem:v27+s2+$0x0], $0xffff  }
0x127: {  	v33 =	vor.u32 s8, v12;
	vm1 =	vge.f32 v23, $5.000000070e-02;
	v25 =	vnsel vm0, $0xFF800000, v25;
	v28 =	vld.idx.msk [tilespmem:v28+s2+$0x0], $0xffff  }
0x128: {  	v34 =	vor.u32 s8, v13;
	v23 =	vmax.f32 v23, v25;
	v29 =	vld.idx.msk [tilespmem:v29+s2+$0x0], $0xffff  }
0x129: {  	vm0 =	vge.f32 v24, $5.000000070e-02;
	v23 =	vsel vm1, v23, v25;
	v25 =	vld.idx.msk [tilespmem:v30+s2+$0x0], $0xffff;
	v30 =	vor.u32 s8, v14  }
0x12a: {  	v35 =	vor.u32 s8, v15;
	v24 =	vmax.f32 v23, v24;
	v31 =	vld.idx.msk [tilespmem:v31+s2+$0x0], $0xffff  }
0x12b: {  	v23 =	vsel vm0, v24, v23;
	vm0 =	vge.f32 v22, $5.000000070e-02;
	v24 =	vld.idx.msk [tilespmem:v32+s2+$0x0], $0xffff  }
0x12c: {  	v22 =	vmax.f32 v23, v22;
	v32 =	vld.idx.msk [tilespmem:v33+s2+$0x0], $0xffff  }
0x12d: {  	v22 =	vsel vm0, v22, v23;
	vm0 =	vge.f32 v21, $5.000000070e-02;
	v23 =	vld.idx.msk [tilespmem:v34+s2+$0x0], $0xffff  }
0x12e: {  	v21 =	vmax.f32 v22, v21;
	v30 =	vld.idx.msk [tilespmem:v30+s2+$0x0], $0xffff  }
0x12f: {  	v21 =	vsel vm0, v21, v22;
	vm0 =	vge.f32 v26, $5.000000070e-02;
	v33 =	vld.idx.msk [tilespmem:v35+s2+$0x0], $0xffff  }
0x130: {  	v22 =	vmax.f32 v21, v26  }
0x131: {  	v21 =	vsel vm0, v22, v21;
	vm0 =	vge.f32 v27, $5.000000070e-02  }
0x132: {  	v22 =	vmax.f32 v21, v27  }
0x133: {  	v21 =	vsel vm0, v22, v21;
	vm0 =	vge.f32 v28, $5.000000070e-02  }
0x134: {  	v22 =	vmax.f32 v21, v28  }
0x135: {  	v21 =	vsel vm0, v22, v21;
	vm0 =	vge.f32 v29, $5.000000070e-02  }
0x136: {  	v22 =	vmax.f32 v21, v29  }
0x137: {  	v21 =	vsel vm0, v22, v21;
	vm0 =	vge.f32 v25, $5.000000070e-02  }
0x138: {  	v22 =	vmax.f32 v21, v25  }
0x139: {  	v21 =	vsel vm0, v22, v21;
	vm0 =	vge.f32 v31, $5.000000070e-02  }
0x13a: {  	v22 =	vmax.f32 v21, v31  }
0x13b: {  	v21 =	vsel vm0, v22, v21;
	vm0 =	vge.f32 v24, $5.000000070e-02  }
0x13c: {  	v22 =	vmax.f32 v21, v24  }
0x13d: {  	v21 =	vsel vm0, v22, v21;
	vm0 =	vge.f32 v32, $5.000000070e-02  }
0x13e: {  	v22 =	vmax.f32 v21, v32  }
0x13f: {  	v22 =	vsel vm0, v22, v21;
	vm0 =	vge.f32 v23, $5.000000070e-02  }
.Ltmp0:
0x140: {  	v23 =	vmax.f32 v22, v23;
	(pc) =	sbr.rel @p0 .LBB2_2-.Ltmp0, $4  }
0x141: {  	v21 =	vor.u32 s6, v1;
	v23 =	vsel vm0, v23, v22;
	vm0 =	vge.f32 v30, $5.000000070e-02  }
0x142: {  	v22 =	vor.u32 s6, v0;
	v24 =	vmax.f32 v23, v30  }
0x143: {  	v22 =	vand.u32 v16, v22;
	v23 =	vsel vm0, v24, v23;
	vm0 =	vge.f32 v33, $5.000000070e-02  }
0x144: {  	s6 =	sadd.s32 $0x400, s6;
	v24 =	vmax.f32 v23, v33  }
0x145: {  	_ =	sdelay $0x1  }
0x146: {  	v16 =	vsel vm0, v24, v23  }
0x147: {  	[tilespmem:s7+$0x10] =	vst v16  }
0x148: {  	v16 =	vld.idx.msk [tilespmem:v21+s2+$0x0], $0xffff  }
0x149: {  	v54 =	vor.u32 s4, v3  }
0x14a: {  	v22 =	vld.idx.msk [tilespmem:v22+s2+$0x0], $0xffff  }
0x14b: {  	v55 =	vor.u32 s4, v4  }
0x14c: {  	v20 =	vld.idx.msk [tilespmem:v20+s2+$0x0], $0xffff  }
0x14d: {  	v56 =	vor.u32 s4, v5;
	vm0 =	vge.f32 v16, $5.000000070e-02  }
0x14e: {  	v21 =	vld.idx.msk [tilespmem:v54+s2+$0x0], $0xffff;
	v16 =	vnsel vm0, $0xFF800000, v16  }
0x14f: {  	v25 =	vor.u32 s4, v6;
	vm0 =	vge.f32 v22, $5.000000070e-02;
	v22 =	vmax.f32 v22, v16  }
0x150: {  	v23 =	vld.idx.msk [tilespmem:v55+s2+$0x0], $0xffff;
	v16 =	vsel vm0, v22, v16  }
0x151: {  	v57 =	vor.u32 s4, v7;
	vm0 =	vge.f32 v20, $5.000000070e-02;
	v20 =	vmax.f32 v16, v20  }
0x152: {  	v24 =	vld.idx.msk [tilespmem:v56+s2+$0x0], $0xffff;
	v16 =	vsel vm0, v20, v16  }
0x153: {  	v58 =	vor.u32 s4, v8;
	vm0 =	vge.f32 v21, $5.000000070e-02;
	v21 =	vmax.f32 v16, v21  }
0x154: {  	v25 =	vld.idx.msk [tilespmem:v25+s2+$0x0], $0xffff;
	v16 =	vsel vm0, v21, v16  }
0x155: {  	v59 =	vor.u32 s4, v9;
	vm0 =	vge.f32 v23, $5.000000070e-02;
	v23 =	vmax.f32 v16, v23  }
0x156: {  	v22 =	vld.idx.msk [tilespmem:v57+s2+$0x0], $0xffff;
	v16 =	vsel vm0, v23, v16  }
0x157: {  	v60 =	vor.u32 s4, v10;
	vm0 =	vge.f32 v24, $5.000000070e-02;
	v24 =	vmax.f32 v16, v24  }
0x158: {  	v20 =	vld.idx.msk [tilespmem:v58+s2+$0x0], $0xffff;
	v16 =	vsel vm0, v24, v16  }
0x159: {  	v61 =	vor.u32 s4, v11;
	vm0 =	vge.f32 v25, $5.000000070e-02;
	v25 =	vmax.f32 v16, v25  }
0x15a: {  	v21 =	vld.idx.msk [tilespmem:v59+s2+$0x0], $0xffff;
	v16 =	vsel vm0, v25, v16  }
0x15b: {  	v62 =	vor.u32 s4, v12;
	vm0 =	vge.f32 v22, $5.000000070e-02;
	v22 =	vmax.f32 v16, v22  }
0x15c: {  	v23 =	vld.idx.msk [tilespmem:v60+s2+$0x0], $0xffff;
	v16 =	vsel vm0, v22, v16  }
0x15d: {  	v63 =	vor.u32 s4, v13;
	vm0 =	vge.f32 v20, $5.000000070e-02;
	v20 =	vmax.f32 v16, v20  }
0x15e: {  	v24 =	vld.idx.msk [tilespmem:v61+s2+$0x0], $0xffff;
	v16 =	vsel vm0, v20, v16  }
0x15f: {  	v28 =	vor.u32 s4, v14;
	vm0 =	vge.f32 v21, $5.000000070e-02;
	v21 =	vmax.f32 v16, v21  }
0x160: {  	v25 =	vld.idx.msk [tilespmem:v62+s2+$0x0], $0xffff;
	v16 =	vsel vm0, v21, v16  }
0x161: {  	v29 =	vor.u32 s4, v15;
	vm0 =	vge.f32 v23, $5.000000070e-02;
	v23 =	vmax.f32 v16, v23  }
0x162: {  	v22 =	vld.idx.msk [tilespmem:v63+s2+$0x0], $0xffff;
	v16 =	vsel vm0, v23, v16  }
0x163: {  	vm0 =	vge.f32 v24, $5.000000070e-02;
	v23 =	vmax.f32 v16, v24  }
0x164: {  	v20 =	vld.idx.msk [tilespmem:v28+s2+$0x0], $0xffff;
	v16 =	vsel vm0, v23, v16  }
0x165: {  	vm0 =	vge.f32 v25, $5.000000070e-02;
	v23 =	vmax.f32 v16, v25  }
0x166: {  	v21 =	vld.idx.msk [tilespmem:v29+s2+$0x0], $0xffff;
	v16 =	vsel vm0, v23, v16  }
0x167: {  	vm0 =	vge.f32 v22, $5.000000070e-02;
	v22 =	vmax.f32 v16, v22  }
0x168: {  	s5 =	sadd.s32 $0x100, s4;
	v16 =	vsel vm0, v22, v16  }
0x169: {  	v30 =	vor.u32 s5, v1;
	vm0 =	vge.f32 v20, $5.000000070e-02;
	v20 =	vmax.f32 v16, v20  }
0x16a: {  	v31 =	vor.u32 s5, v0;
	v16 =	vsel vm0, v20, v16  }
0x16b: {  	v17 =	vand.u32 v17, v31;
	vm0 =	vge.f32 v21, $5.000000070e-02;
	v20 =	vmax.f32 v16, v21  }
0x16c: {  	s3 =	sadd.s32 $0x40, s3;
	v16 =	vsel vm0, v20, v16  }
0x16d: {  	v32 =	vor.u32 s5, v2;
	[tilespmem:s3+$0xFFFFFFE0] =	vst v16  }
0x16e: {  	v16 =	vld.idx.msk [tilespmem:v30+s2+$0x0], $0xffff  }
0x16f: {  	v33 =	vor.u32 s5, v3  }
0x170: {  	v17 =	vld.idx.msk [tilespmem:v17+s2+$0x0], $0xffff  }
0x171: {  	v34 =	vor.u32 s5, v4  }
0x172: {  	v20 =	vld.idx.msk [tilespmem:v32+s2+$0x0], $0xffff  }
0x173: {  	v35 =	vor.u32 s5, v5;
	vm0 =	vge.f32 v16, $5.000000070e-02  }
0x174: {  	v21 =	vld.idx.msk [tilespmem:v33+s2+$0x0], $0xffff;
	v16 =	vnsel vm0, $0xFF800000, v16  }
0x175: {  	v36 =	vor.u32 s5, v6;
	vm0 =	vge.f32 v17, $5.000000070e-02;
	v17 =	vmax.f32 v17, v16  }
0x176: {  	v22 =	vld.idx.msk [tilespmem:v34+s2+$0x0], $0xffff;
	v16 =	vsel vm0, v17, v16  }
0x177: {  	v37 =	vor.u32 s5, v7;
	vm0 =	vge.f32 v20, $5.000000070e-02;
	v20 =	vmax.f32 v16, v20  }
0x178: {  	v23 =	vld.idx.msk [tilespmem:v35+s2+$0x0], $0xffff;
	v16 =	vsel vm0, v20, v16  }
0x179: {  	v38 =	vor.u32 s5, v8;
	vm0 =	vge.f32 v21, $5.000000070e-02;
	v21 =	vmax.f32 v16, v21  }
0x17a: {  	v24 =	vld.idx.msk [tilespmem:v36+s2+$0x0], $0xffff;
	v16 =	vsel vm0, v21, v16  }
0x17b: {  	v39 =	vor.u32 s5, v9;
	vm0 =	vge.f32 v22, $5.000000070e-02;
	v22 =	vmax.f32 v16, v22  }
0x17c: {  	v17 =	vld.idx.msk [tilespmem:v37+s2+$0x0], $0xffff;
	v16 =	vsel vm0, v22, v16  }
0x17d: {  	v40 =	vor.u32 s5, v10;
	vm0 =	vge.f32 v23, $5.000000070e-02;
	v23 =	vmax.f32 v16, v23  }
0x17e: {  	v20 =	vld.idx.msk [tilespmem:v38+s2+$0x0], $0xffff;
	v16 =	vsel vm0, v23, v16  }
0x17f: {  	v41 =	vor.u32 s5, v11;
	vm0 =	vge.f32 v24, $5.000000070e-02;
	v24 =	vmax.f32 v16, v24  }
0x180: {  	v21 =	vld.idx.msk [tilespmem:v39+s2+$0x0], $0xffff;
	v16 =	vsel vm0, v24, v16  }
0x181: {  	v42 =	vor.u32 s5, v12;
	vm0 =	vge.f32 v17, $5.000000070e-02;
	v17 =	vmax.f32 v16, v17  }
0x182: {  	v22 =	vld.idx.msk [tilespmem:v40+s2+$0x0], $0xffff;
	v16 =	vsel vm0, v17, v16  }
0x183: {  	v43 =	vor.u32 s5, v13;
	vm0 =	vge.f32 v20, $5.000000070e-02;
	v20 =	vmax.f32 v16, v20  }
0x184: {  	v23 =	vld.idx.msk [tilespmem:v41+s2+$0x0], $0xffff;
	v16 =	vsel vm0, v20, v16  }
0x185: {  	v44 =	vor.u32 s5, v14;
	vm0 =	vge.f32 v21, $5.000000070e-02;
	v21 =	vmax.f32 v16, v21  }
0x186: {  	v24 =	vld.idx.msk [tilespmem:v42+s2+$0x0], $0xffff;
	v16 =	vsel vm0, v21, v16  }
0x187: {  	v45 =	vor.u32 s5, v15;
	vm0 =	vge.f32 v22, $5.000000070e-02;
	v22 =	vmax.f32 v16, v22  }
0x188: {  	v17 =	vld.idx.msk [tilespmem:v43+s2+$0x0], $0xffff;
	v16 =	vsel vm0, v22, v16  }
0x189: {  	vm0 =	vge.f32 v23, $5.000000070e-02;
	v22 =	vmax.f32 v16, v23  }
0x18a: {  	v20 =	vld.idx.msk [tilespmem:v44+s2+$0x0], $0xffff;
	v16 =	vsel vm0, v22, v16  }
0x18b: {  	vm0 =	vge.f32 v24, $5.000000070e-02;
	v22 =	vmax.f32 v16, v24  }
0x18c: {  	v21 =	vld.idx.msk [tilespmem:v45+s2+$0x0], $0xffff;
	v16 =	vsel vm0, v22, v16  }
0x18d: {  	vm0 =	vge.f32 v17, $5.000000070e-02;
	v17 =	vmax.f32 v16, v17  }
0x18e: {  	s29 =	sadd.s32 $0x200, s4;
	v16 =	vsel vm0, v17, v16  }
0x18f: {  	v46 =	vor.u32 s29, v1;
	vm0 =	vge.f32 v20, $5.000000070e-02;
	v20 =	vmax.f32 v16, v20  }
0x190: {  	v47 =	vor.u32 s29, v0;
	v16 =	vsel vm0, v20, v16  }
0x191: {  	v18 =	vand.u32 v18, v47;
	vm0 =	vge.f32 v21, $5.000000070e-02;
	v20 =	vmax.f32 v16, v21  }
0x192: {  	v16 =	vsel vm0, v20, v16  }
0x193: {  	v48 =	vor.u32 s29, v2;
	[tilespmem:s3+$0xFFFFFFF0] =	vst v16  }
0x194: {  	v16 =	vld.idx.msk [tilespmem:v46+s2+$0x0], $0xffff  }
0x195: {  	v49 =	vor.u32 s29, v3  }
0x196: {  	v18 =	vld.idx.msk [tilespmem:v18+s2+$0x0], $0xffff  }
0x197: {  	v50 =	vor.u32 s29, v4  }
0x198: {  	v20 =	vld.idx.msk [tilespmem:v48+s2+$0x0], $0xffff  }
0x199: {  	v51 =	vor.u32 s29, v5;
	vm0 =	vge.f32 v16, $5.000000070e-02  }
0x19a: {  	v17 =	vld.idx.msk [tilespmem:v49+s2+$0x0], $0xffff;
	v16 =	vnsel vm0, $0xFF800000, v16  }
0x19b: {  	v52 =	vor.u32 s29, v6;
	vm0 =	vge.f32 v18, $5.000000070e-02;
	v18 =	vmax.f32 v18, v16  }
0x19c: {  	v21 =	vld.idx.msk [tilespmem:v50+s2+$0x0], $0xffff;
	v16 =	vsel vm0, v18, v16  }
0x19d: {  	v53 =	vor.u32 s29, v7;
	vm0 =	vge.f32 v20, $5.000000070e-02;
	v20 =	vmax.f32 v16, v20  }
0x19e: {  	v22 =	vld.idx.msk [tilespmem:v51+s2+$0x0], $0xffff;
	v16 =	vsel vm0, v20, v16  }
0x19f: {  	v54 =	vor.u32 s29, v8;
	vm0 =	vge.f32 v17, $5.000000070e-02;
	v17 =	vmax.f32 v16, v17  }
0x1a0: {  	v23 =	vld.idx.msk [tilespmem:v52+s2+$0x0], $0xffff;
	v16 =	vsel vm0, v17, v16  }
0x1a1: {  	v55 =	vor.u32 s29, v9;
	vm0 =	vge.f32 v21, $5.000000070e-02;
	v21 =	vmax.f32 v16, v21  }
0x1a2: {  	v18 =	vld.idx.msk [tilespmem:v53+s2+$0x0], $0xffff;
	v16 =	vsel vm0, v21, v16  }
0x1a3: {  	v56 =	vor.u32 s29, v10;
	vm0 =	vge.f32 v22, $5.000000070e-02;
	v22 =	vmax.f32 v16, v22  }
0x1a4: {  	v20 =	vld.idx.msk [tilespmem:v54+s2+$0x0], $0xffff;
	v16 =	vsel vm0, v22, v16  }
0x1a5: {  	v57 =	vor.u32 s29, v11;
	vm0 =	vge.f32 v23, $5.000000070e-02;
	v23 =	vmax.f32 v16, v23  }
0x1a6: {  	v17 =	vld.idx.msk [tilespmem:v55+s2+$0x0], $0xffff;
	v16 =	vsel vm0, v23, v16  }
0x1a7: {  	v58 =	vor.u32 s29, v12;
	vm0 =	vge.f32 v18, $5.000000070e-02;
	v18 =	vmax.f32 v16, v18  }
0x1a8: {  	v21 =	vld.idx.msk [tilespmem:v56+s2+$0x0], $0xffff;
	v16 =	vsel vm0, v18, v16  }
0x1a9: {  	v59 =	vor.u32 s29, v13;
	vm0 =	vge.f32 v20, $5.000000070e-02;
	v20 =	vmax.f32 v16, v20  }
0x1aa: {  	v22 =	vld.idx.msk [tilespmem:v57+s2+$0x0], $0xffff;
	v16 =	vsel vm0, v20, v16  }
0x1ab: {  	v60 =	vor.u32 s29, v14;
	vm0 =	vge.f32 v17, $5.000000070e-02;
	v17 =	vmax.f32 v16, v17  }
0x1ac: {  	v23 =	vld.idx.msk [tilespmem:v58+s2+$0x0], $0xffff;
	v16 =	vsel vm0, v17, v16  }
0x1ad: {  	v61 =	vor.u32 s29, v15;
	vm0 =	vge.f32 v21, $5.000000070e-02;
	v21 =	vmax.f32 v16, v21  }
0x1ae: {  	v18 =	vld.idx.msk [tilespmem:v59+s2+$0x0], $0xffff;
	v16 =	vsel vm0, v21, v16  }
0x1af: {  	vm0 =	vge.f32 v22, $5.000000070e-02;
	v21 =	vmax.f32 v16, v22  }
0x1b0: {  	v20 =	vld.idx.msk [tilespmem:v60+s2+$0x0], $0xffff;
	v16 =	vsel vm0, v21, v16  }
0x1b1: {  	vm0 =	vge.f32 v23, $5.000000070e-02;
	v21 =	vmax.f32 v16, v23  }
0x1b2: {  	v17 =	vld.idx.msk [tilespmem:v61+s2+$0x0], $0xffff;
	v16 =	vsel vm0, v21, v16  }
0x1b3: {  	vm0 =	vge.f32 v18, $5.000000070e-02;
	v18 =	vmax.f32 v16, v18  }
0x1b4: {  	s30 =	sadd.s32 $0x300, s4;
	v16 =	vsel vm0, v18, v16  }
0x1b5: {  	v1 =	vor.u32 s30, v1;
	vm0 =	vge.f32 v20, $5.000000070e-02;
	v18 =	vmax.f32 v16, v20  }
0x1b6: {  	v0 =	vor.u32 s30, v0;
	v16 =	vsel vm0, v18, v16  }
0x1b7: {  	v0 =	vand.u32 v19, v0;
	vm0 =	vge.f32 v17, $5.000000070e-02;
	v17 =	vmax.f32 v16, v17  }
0x1b8: {  	v16 =	vsel vm0, v17, v16  }
0x1b9: {  	v2 =	vor.u32 s30, v2;
	[tilespmem:s3+$0x0] =	vst v16  }
0x1ba: {  	v1 =	vld.idx.msk [tilespmem:v1+s2+$0x0], $0xffff  }
0x1bb: {  	v3 =	vor.u32 s30, v3  }
0x1bc: {  	v0 =	vld.idx.msk [tilespmem:v0+s2+$0x0], $0xffff  }
0x1bd: {  	v4 =	vor.u32 s30, v4  }
0x1be: {  	v2 =	vld.idx.msk [tilespmem:v2+s2+$0x0], $0xffff  }
0x1bf: {  	v5 =	vor.u32 s30, v5;
	vm0 =	vge.f32 v1, $5.000000070e-02  }
0x1c0: {  	v3 =	vld.idx.msk [tilespmem:v3+s2+$0x0], $0xffff;
	v1 =	vnsel vm0, $0xFF800000, v1  }
0x1c1: {  	v6 =	vor.u32 s30, v6;
	vm0 =	vge.f32 v0, $5.000000070e-02;
	v0 =	vmax.f32 v0, v1  }
0x1c2: {  	v4 =	vld.idx.msk [tilespmem:v4+s2+$0x0], $0xffff;
	v0 =	vsel vm0, v0, v1  }
0x1c3: {  	v1 =	vor.u32 s30, v7;
	vm0 =	vge.f32 v2, $5.000000070e-02;
	v2 =	vmax.f32 v0, v2  }
0x1c4: {  	v5 =	vld.idx.msk [tilespmem:v5+s2+$0x0], $0xffff;
	v0 =	vsel vm0, v2, v0  }
0x1c5: {  	v2 =	vor.u32 s30, v8;
	vm0 =	vge.f32 v3, $5.000000070e-02;
	v3 =	vmax.f32 v0, v3  }
0x1c6: {  	v6 =	vld.idx.msk [tilespmem:v6+s2+$0x0], $0xffff;
	v0 =	vsel vm0, v3, v0  }
0x1c7: {  	v3 =	vor.u32 s30, v9;
	vm0 =	vge.f32 v4, $5.000000070e-02;
	v4 =	vmax.f32 v0, v4  }
0x1c8: {  	v1 =	vld.idx.msk [tilespmem:v1+s2+$0x0], $0xffff;
	v0 =	vsel vm0, v4, v0  }
0x1c9: {  	v4 =	vor.u32 s30, v10;
	vm0 =	vge.f32 v5, $5.000000070e-02;
	v5 =	vmax.f32 v0, v5  }
0x1ca: {  	v2 =	vld.idx.msk [tilespmem:v2+s2+$0x0], $0xffff;
	v0 =	vsel vm0, v5, v0  }
0x1cb: {  	v5 =	vor.u32 s30, v11;
	vm0 =	vge.f32 v6, $5.000000070e-02;
	v6 =	vmax.f32 v0, v6  }
0x1cc: {  	v3 =	vld.idx.msk [tilespmem:v3+s2+$0x0], $0xffff;
	v0 =	vsel vm0, v6, v0  }
0x1cd: {  	v6 =	vor.u32 s30, v12;
	vm0 =	vge.f32 v1, $5.000000070e-02;
	v1 =	vmax.f32 v0, v1  }
0x1ce: {  	v4 =	vld.idx.msk [tilespmem:v4+s2+$0x0], $0xffff;
	v0 =	vsel vm0, v1, v0  }
0x1cf: {  	v1 =	vor.u32 s30, v13;
	vm0 =	vge.f32 v2, $5.000000070e-02;
	v2 =	vmax.f32 v0, v2  }
0x1d0: {  	v5 =	vld.idx.msk [tilespmem:v5+s2+$0x0], $0xffff;
	v0 =	vsel vm0, v2, v0  }
0x1d1: {  	v2 =	vor.u32 s30, v14;
	vm0 =	vge.f32 v3, $5.000000070e-02;
	v3 =	vmax.f32 v0, v3  }
0x1d2: {  	v6 =	vld.idx.msk [tilespmem:v6+s2+$0x0], $0xffff;
	v0 =	vsel vm0, v3, v0  }
0x1d3: {  	vm0 =	vge.f32 v4, $5.000000070e-02;
	v4 =	vmax.f32 v0, v4  }
0x1d4: {  	v3 =	vor.u32 s30, v15;
	v1 =	vld.idx.msk [tilespmem:v1+s2+$0x0], $0xffff;
	v0 =	vsel vm0, v4, v0  }
0x1d5: {  	vm0 =	vge.f32 v5, $5.000000070e-02;
	v4 =	vmax.f32 v0, v5  }
0x1d6: {  	v2 =	vld.idx.msk [tilespmem:v2+s2+$0x0], $0xffff;
	v0 =	vsel vm0, v4, v0  }
0x1d7: {  	vm0 =	vge.f32 v6, $5.000000070e-02;
	v4 =	vmax.f32 v0, v6  }
0x1d8: {  	v4 =	vsel vm0, v4, v0  }
0x1d9: {  	v3 =	vld.idx.msk [tilespmem:v3+s2+$0x0], $0xffff;
	v0 =	vlaneseq.u32;
	vm0 =	vge.f32 v1, $5.000000070e-02;
	v5 =	vmax.f32 v4, v1  }
0x1da: {  	v1 =	vmul.u32 $0x10, v0;
	v4 =	vsel vm0, v5, v4  }
0x1db: {  	vm0 =	vge.f32 v2, $5.000000070e-02;
	v2 =	vmax.f32 v4, v2  }
0x1dc: {  	v2 =	vsel vm0, v2, v4;
	v4 =	vor.u32 $0x2, v1;
	_ =	sdelay $0x1  }
0x1dd: {  	vm0 =	vge.f32 v3, $5.000000070e-02;
	v3 =	vmax.f32 v2, v3  }
0x1de: {  	v2 =	vsel vm0, v3, v2  }
0x1df: {  	s2 =	simm.s32 $0x19000;
	[tilespmem:s3+$0x10] =	vst v2  }
0x1e0: {  	v19 =	vld.idx.msk [tilespmem:v4+s2+$0x0], $0xffff;
	v4 =	vor.u32 $0x7, v1;
	_ =	sdelay $0x4  }
0x1e1: {  	v4 =	vld.idx.msk [tilespmem:v4+s2+$0x0], $0xffff;
	_ =	sdelay $0x4  }
0x1e2: {  	[tilespmem:$0x1FF20] =	vst v4;
	v4 =	vor.u32 $0xC, v1;
	_ =	sdelay $0x4  }
0x1e3: {  	v11 =	vor.u32 $0xD, v1;
	v4 =	vld.idx.msk [tilespmem:v4+s2+$0x0], $0xffff;
	_ =	sdelay $0x3  }
0x1e4: {  	v2 =	vor.u32 $0x5, v1  }
0x1e5: {  	[tilespmem:$0x1FF70] =	vst v4;
	v4 =	vld.idx.msk [tilespmem:v11+s2+$0x0], $0xffff;
	v11 =	vor.u32 $0x102, v1;
	_ =	sdelay $0x3  }
0x1e6: {  	v2 =	vld.idx.msk [tilespmem:v2+s2+$0x0], $0xffff  }
0x1e7: {  	v48 =	vld.idx.msk [tilespmem:v11+s2+$0x0], $0xffff;
	v11 =	vor.u32 $0x107, v1;
	_ =	sdelay $0x1  }
0x1e8: {  	v31 =	vor.u32 $0x10B, v1  }
0x1e9: {  	v3 =	vor.u32 $0x4, v1  }
0x1ea: {  	[tilespmem:$0x1FF00] =	vst v2;
	v2 =	vor.u32 $0xA, v1  }
0x1eb: {  	v40 =	vld.idx.msk [tilespmem:v11+s2+$0x0], $0xffff;
	v11 =	vor.u32 $0x10C, v1;
	_ =	sdelay $0x1  }
0x1ec: {  	v33 =	vld.idx.msk [tilespmem:v31+s2+$0x0], $0xffff  }
0x1ed: {  	v3 =	vld.idx.msk [tilespmem:v3+s2+$0x0], $0xffff  }
0x1ee: {  	v2 =	vld.idx.msk [tilespmem:v2+s2+$0x0], $0xffff  }
0x1ef: {  	v31 =	vld.idx.msk [tilespmem:v11+s2+$0x0], $0xffff;
	v11 =	vor.u32 $0x201, v1;
	_ =	sdelay $0x1  }
0x1f0: {  	v29 =	vor.u32 $0x109, v1  }
0x1f1: {  	[tilespmem:$0x1FEF0] =	vst v3;
	v3 =	vor.u32 $0x9, v1  }
0x1f2: {  	[tilespmem:$0x1FF50] =	vst v2;
	v2 =	vor.u32 $0xF, v1  }
0x1f3: {  	v42 =	vld.idx.msk [tilespmem:v11+s2+$0x0], $0xffff;
	v11 =	vor.u32 $0x206, v1;
	_ =	sdelay $0x1  }
0x1f4: {  	v36 =	vld.idx.msk [tilespmem:v29+s2+$0x0], $0xffff  }
0x1f5: {  	v3 =	vld.idx.msk [tilespmem:v3+s2+$0x0], $0xffff  }
0x1f6: {  	v62 =	vor.u32 $0x100, v1;
	v2 =	vld.idx.msk [tilespmem:v2+s2+$0x0], $0xffff  }
0x1f7: {  	v29 =	vld.idx.msk [tilespmem:v11+s2+$0x0], $0xffff;
	v11 =	vor.u32 $0x20B, v1;
	_ =	sdelay $0x2  }
0x1f8: {  	[tilespmem:$0x1FF40] =	vst v3;
	v3 =	vor.u32 $0xE, v1  }
0x1f9: {  	v27 =	vor.u32 $0x106, v1;
	v46 =	vld.idx.msk [tilespmem:v62+s2+$0x0], $0xffff  }
0x1fa: {  	v62 =	vor.u32 $0x20C, v1;
	[tilespmem:$0x1FFA0] =	vst v2;
	v2 =	vld.idx.msk [tilespmem:v11+s2+$0x0], $0xffff;
	_ =	sdelay $0x2  }
0x1fb: {  	v5 =	vor.u32 $0x1, v1;
	v3 =	vld.idx.msk [tilespmem:v3+s2+$0x0], $0xffff  }
0x1fc: {  	v63 =	vor.u32 $0x101, v1;
	v41 =	vld.idx.msk [tilespmem:v27+s2+$0x0], $0xffff  }
0x1fd: {  	v27 =	vor.u32 $0x20D, v1;
	[tilespmem:$0x1FFB0] =	vst v2;
	v2 =	vld.idx.msk [tilespmem:v62+s2+$0x0], $0xffff  }
0x1fe: {  	v6 =	vor.u32 $0x3, v1  }
0x1ff: {  	v30 =	vor.u32 $0x10A, v1  }
0x200: {  	v18 =	vld.idx.msk [tilespmem:v5+s2+$0x0], $0xffff;
	[tilespmem:$0x1FF90] =	vst v3;
	v3 =	vor.u32 $0x400, v1  }
0x201: {  	v50 =	vor.u32 $0x10D, v1;
	v47 =	vld.idx.msk [tilespmem:v63+s2+$0x0], $0xffff  }
0x202: {  	v63 =	vor.u32 $0x20E, v1;
	[tilespmem:$0x1FFC0] =	vst v2;
	v2 =	vld.idx.msk [tilespmem:v27+s2+$0x0], $0xffff  }
0x203: {  	v16 =	vor.u32 $0x30C, v1;
	v6 =	vld.idx.msk [tilespmem:v6+s2+$0x0], $0xffff  }
0x204: {  	v35 =	vld.idx.msk [tilespmem:v30+s2+$0x0], $0xffff;
	[tilespmem:$0x1FF80] =	vst v4;
	v4 =	vor.u32 $0x401, v1  }
0x205: {  	v10 =	vld.idx.msk [tilespmem:v3+s2+$0x0], $0xffff;
	v3 =	vor.u32 $0x408, v1  }
0x206: {  	v30 =	vld.idx.msk [tilespmem:v50+s2+$0x0], $0xffff  }
0x207: {  	v50 =	vor.u32 $0x20F, v1;
	[tilespmem:$0x1FFD0] =	vst v2;
	v2 =	vld.idx.msk [tilespmem:v63+s2+$0x0], $0xffff  }
0x208: {  	v14 =	vor.u32 $0x304, v1;
	v20 =	vld.idx.msk [tilespmem:v16+s2+$0x0], $0xffff  }
0x209: {  	v9 =	vld.idx.msk [tilespmem:v4+s2+$0x0], $0xffff;
	v4 =	vor.u32 $0x406, v1  }
0x20a: {  	v16 =	vld.idx.msk [tilespmem:v3+s2+$0x0], $0xffff  }
0x20b: {  	v3 =	vld.idx.msk [tilespmem:v1+s2+$0x0], $0xffff  }
0x20c: {  	v17 =	vor.u32 $0x402, v1;
	[tilespmem:$0x1FFE0] =	vst v2;
	v2 =	vld.idx.msk [tilespmem:v50+s2+$0x0], $0xffff  }
0x20d: {  	v8 =	vor.u32 $0x40B, v1;
	v50 =	vld.idx.msk [tilespmem:v14+s2+$0x0], $0xffff  }
0x20e: {  	v14 =	vld.idx.msk [tilespmem:v4+s2+$0x0], $0xffff;
	v4 =	vor.u32 $0x40E, v1;
	_ =	sdelay $0x2  }
0x20f: {  	v27 =	vld.idx.msk [tilespmem:v17+s2+$0x0], $0xffff  }
0x210: {  	v17 =	vld.idx.msk [tilespmem:v8+s2+$0x0], $0xffff  }
0x211: {  	[tilespmem:$0x1FEE0] =	vst v6;
	v3 =	vmax.f32 v3, v18;
	v18 =	vld.idx.msk [tilespmem:v4+s2+$0x0], $0xffff  }
0x212: {  	v5 =	vor.u32 $0x6, v1;
	v4 =	vld [tilespmem:$0x1FEE0]  }
0x213: {  	v8 =	vld [tilespmem:$0x1FEF0]  }
0x214: {  	v24 =	vor.u32 $0x103, v1  }
0x215: {  	v25 =	vor.u32 $0x104, v1  }
0x216: {  	v26 =	vor.u32 $0x105, v1;
	v3 =	vmax.f32 v3, v19  }
0x217: {  	v28 =	vor.u32 $0x108, v1;
	v5 =	vld.idx.msk [tilespmem:v5+s2+$0x0], $0xffff;
	v3 =	vmax.f32 v3, v4  }
0x218: {  	v3 =	vmax.f32 v3, v8;
	v8 =	vld [tilespmem:$0x1FF00]  }
0x219: {  	v51 =	vor.u32 $0x10E, v1;
	v49 =	vld.idx.msk [tilespmem:v24+s2+$0x0], $0xffff  }
0x21a: {  	v52 =	vor.u32 $0x10F, v1;
	v45 =	vld.idx.msk [tilespmem:v25+s2+$0x0], $0xffff  }
0x21b: {  	v53 =	vor.u32 $0x200, v1;
	v44 =	vld.idx.msk [tilespmem:v26+s2+$0x0], $0xffff  }
0x21c: {  	v38 =	vld.idx.msk [tilespmem:v28+s2+$0x0], $0xffff;
	v6 =	vor.u32 $0x8, v1;
	[tilespmem:$0x1FF10] =	vst v5  }
0x21d: {  	v3 =	vmax.f32 v3, v8;
	v8 =	vld [tilespmem:$0x1FF10]  }
0x21e: {  	v54 =	vor.u32 $0x202, v1;
	v25 =	vld.idx.msk [tilespmem:v51+s2+$0x0], $0xffff  }
0x21f: {  	v55 =	vor.u32 $0x203, v1;
	v23 =	vld.idx.msk [tilespmem:v52+s2+$0x0], $0xffff  }
0x220: {  	v56 =	vor.u32 $0x204, v1;
	v39 =	vld.idx.msk [tilespmem:v53+s2+$0x0], $0xffff  }
0x221: {  	v57 =	vor.u32 $0x205, v1;
	v6 =	vld.idx.msk [tilespmem:v6+s2+$0x0], $0xffff  }
0x222: {  	v3 =	vmax.f32 v3, v8;
	v8 =	vld [tilespmem:$0x1FF20]  }
0x223: {  	v58 =	vor.u32 $0x207, v1;
	v43 =	vld.idx.msk [tilespmem:v54+s2+$0x0], $0xffff  }
0x224: {  	v59 =	vor.u32 $0x208, v1;
	v37 =	vld.idx.msk [tilespmem:v55+s2+$0x0], $0xffff  }
0x225: {  	v60 =	vor.u32 $0x209, v1;
	v34 =	vld.idx.msk [tilespmem:v56+s2+$0x0], $0xffff  }
0x226: {  	v61 =	vor.u32 $0x20A, v1;
	v32 =	vld.idx.msk [tilespmem:v57+s2+$0x0], $0xffff;
	[tilespmem:$0x1FF30] =	vst v6  }
0x227: {  	v3 =	vmax.f32 v3, v8;
	v8 =	vld [tilespmem:$0x1FF30]  }
0x228: {  	v13 =	vor.u32 $0x302, v1;
	v28 =	vld.idx.msk [tilespmem:v58+s2+$0x0], $0xffff  }
0x229: {  	v15 =	vor.u32 $0x307, v1;
	v26 =	vld.idx.msk [tilespmem:v59+s2+$0x0], $0xffff  }
0x22a: {  	v7 =	vor.u32 $0x405, v1;
	v24 =	vld.idx.msk [tilespmem:v60+s2+$0x0], $0xffff  }
0x22b: {  	v22 =	vld.idx.msk [tilespmem:v61+s2+$0x0], $0xffff;
	v5 =	vor.u32 $0xB, v1  }
0x22c: {  	v3 =	vmax.f32 v3, v8;
	v8 =	vld [tilespmem:$0x1FF40]  }
0x22d: {  	v51 =	vor.u32 $0x300, v1;
	v56 =	vld.idx.msk [tilespmem:v13+s2+$0x0], $0xffff  }
0x22e: {  	v52 =	vor.u32 $0x301, v1;
	v61 =	vld.idx.msk [tilespmem:v15+s2+$0x0], $0xffff  }
0x22f: {  	v53 =	vor.u32 $0x303, v1;
	v13 =	vld.idx.msk [tilespmem:v7+s2+$0x0], $0xffff  }
0x230: {  	v54 =	vor.u32 $0x305, v1;
	v5 =	vld.idx.msk [tilespmem:v5+s2+$0x0], $0xffff  }
0x231: {  	v3 =	vmax.f32 v3, v8;
	v8 =	vld [tilespmem:$0x1FF50]  }
0x232: {  	v55 =	vor.u32 $0x306, v1;
	v51 =	vld.idx.msk [tilespmem:v51+s2+$0x0], $0xffff  }
0x233: {  	v57 =	vor.u32 $0x308, v1;
	v52 =	vld.idx.msk [tilespmem:v52+s2+$0x0], $0xffff  }
0x234: {  	v58 =	vor.u32 $0x309, v1;
	v53 =	vld.idx.msk [tilespmem:v53+s2+$0x0], $0xffff  }
0x235: {  	v59 =	vor.u32 $0x30A, v1;
	v54 =	vld.idx.msk [tilespmem:v54+s2+$0x0], $0xffff;
	[tilespmem:$0x1FF60] =	vst v5  }
0x236: {  	v3 =	vmax.f32 v3, v8;
	v8 =	vld [tilespmem:$0x1FF60]  }
0x237: {  	v60 =	vor.u32 $0x30B, v1;
	v55 =	vld.idx.msk [tilespmem:v55+s2+$0x0], $0xffff  }
0x238: {  	v57 =	vld.idx.msk [tilespmem:v57+s2+$0x0], $0xffff;
	v6 =	vor.u32 $0x404, v1  }
0x239: {  	v58 =	vld.idx.msk [tilespmem:v58+s2+$0x0], $0xffff;
	[tilespmem:$0x1FFF0] =	vst v2;
	v2 =	vor.u32 $0x30F, v1  }
0x23a: {  	v59 =	vld.idx.msk [tilespmem:v59+s2+$0x0], $0xffff;
	v5 =	vor.u32 $0x403, v1  }
0x23b: {  	v3 =	vmax.f32 v3, v8;
	v8 =	vld [tilespmem:$0x1FF70]  }
0x23c: {  	v7 =	vor.u32 $0x40A, v1;
	v60 =	vld.idx.msk [tilespmem:v60+s2+$0x0], $0xffff  }
0x23d: {  	v12 =	vld.idx.msk [tilespmem:v6+s2+$0x0], $0xffff;
	v6 =	vor.u32 $0x40C, v1  }
0x23e: {  	v21 =	vld.idx.msk [tilespmem:v2+s2+$0x0], $0xffff;
	v2 =	vor.u32 $0x407, v1  }
0x23f: {  	v11 =	vld.idx.msk [tilespmem:v5+s2+$0x0], $0xffff;
	v5 =	vor.u32 $0x409, v1;
	v4 =	vmax.f32 v46, v47  }
0x240: {  	v4 =	vmax.f32 v4, v48;
	v3 =	vmax.f32 v3, v8;
	v8 =	vld [tilespmem:$0x1FF80]  }
0x241: {  	v7 =	vld.idx.msk [tilespmem:v7+s2+$0x0], $0xffff;
	v62 =	vor.u32 $0x30D, v1;
	v4 =	vmax.f32 v4, v49  }
0x242: {  	v6 =	vld.idx.msk [tilespmem:v6+s2+$0x0], $0xffff;
	v63 =	vor.u32 $0x30E, v1;
	v4 =	vmax.f32 v4, v45  }
0x243: {  	v4 =	vmax.f32 v4, v44;
	v15 =	vld.idx.msk [tilespmem:v2+s2+$0x0], $0xffff;
	v2 =	vor.u32 $0x40D, v1  }
0x244: {  	v5 =	vld.idx.msk [tilespmem:v5+s2+$0x0], $0xffff;
	v1 =	vor.u32 $0x40F, v1;
	v4 =	vmax.f32 v4, v41  }
0x245: {  	v4 =	vmax.f32 v4, v40;
	v3 =	vmax.f32 v3, v8;
	v8 =	vld [tilespmem:$0x1FF90]  }
0x246: {  	v62 =	vld.idx.msk [tilespmem:v62+s2+$0x0], $0xffff;
	v4 =	vmax.f32 v4, v38  }
0x247: {  	v63 =	vld.idx.msk [tilespmem:v63+s2+$0x0], $0xffff;
	v4 =	vmax.f32 v4, v36  }
0x248: {  	v49 =	vmax.f32 v51, v52;
	v51 =	vimm.f32 $-2.000000000e+00;
	v4 =	vmax.f32 v4, v35;
	v2 =	vld.idx.msk [tilespmem:v2+s2+$0x0], $0xffff  }
0x249: {  	v19 =	vld.idx.msk [tilespmem:v1+s2+$0x0], $0xffff;
	v4 =	vmax.f32 v4, v33;
	[tilespmem:$0x195E0] =	vst v51  }
0x24a: {  	[tilespmem:$0x195F0] =	vst v51;
	v3 =	vmax.f32 v3, v8;
	v8 =	vmax.f32 v4, v31;
	v4 =	vld [tilespmem:$0x1FFA0]  }
0x24b: {  	[tilespmem:$0x19600] =	vst v51  }
0x24c: {  	[tilespmem:$0x19610] =	vst v51  }
0x24d: {  	[tilespmem:$0x19620] =	vst v51  }
0x24e: {  	[tilespmem:$0x19630] =	vst v51  }
0x24f: {  	[tilespmem:$0x19640] =	vst v51;
	v4 =	vmax.f32 v3, v4;
	v3 =	vmax.f32 v8, v30;
	v8 =	vmax.f32 v39, v42  }
0x250: {  	[tilespmem:$0x19650] =	vst v51;
	v8 =	vmax.f32 v8, v43  }
0x251: {  	[tilespmem:$0x19660] =	vst v51;
	v3 =	vmax.f32 v3, v25;
	v52 =	vmax.f32 v8, v37  }
0x252: {  	v9 =	vmax.f32 v10, v9;
	[tilespmem:$0x19670] =	vst v51;
	v8 =	vmax.f32 v3, v23;
	v3 =	vmax.f32 v52, v34  }
0x253: {  	v9 =	vmax.f32 v9, v27;
	[tilespmem:$0x19680] =	vst v51;
	v3 =	vmax.f32 v3, v32  }
0x254: {  	v9 =	vmax.f32 v9, v11;
	v11 =	vld [tilespmem:$0x1FFB0];
	[tilespmem:$0x19690] =	vst v51;
	v3 =	vmax.f32 v3, v29  }
0x255: {  	[tilespmem:$0x196A0] =	vst v51;
	v3 =	vmax.f32 v3, v28  }
0x256: {  	v1 =	vimm.f32 $2.000000000e+00;
	[tilespmem:$0x196B0] =	vst v51;
	v3 =	vmax.f32 v3, v26  }
0x257: {  	[tilespmem:$0x19500] =	vst v1;
	v3 =	vmax.f32 v3, v24  }
0x258: {  	[tilespmem:$0x19510] =	vst v1;
	v3 =	vmax.f32 v3, v22  }
0x259: {  	v9 =	vmax.f32 v9, v12;
	[tilespmem:$0x19520] =	vst v1;
	v30 =	vmax.f32 v49, v56;
	v3 =	vmax.f32 v3, v11;
	v11 =	vld [tilespmem:$0x1FFC0]  }
0x25a: {  	v9 =	vmax.f32 v9, v13;
	[tilespmem:$0x19530] =	vst v1;
	v56 =	vmax.f32 v30, v53  }
0x25b: {  	v9 =	vmax.f32 v9, v14;
	[tilespmem:$0x19540] =	vst v1;
	v23 =	vmax.f32 v56, v50  }
0x25c: {  	v9 =	vmax.f32 v9, v15;
	[tilespmem:$0x19550] =	vst v1;
	v10 =	vmax.f32 v23, v54  }
0x25d: {  	[tilespmem:$0x19560] =	vst v1;
	v9 =	vmax.f32 v9, v16;
	v10 =	vmax.f32 v10, v55  }
0x25e: {  	[tilespmem:$0x19570] =	vst v1;
	v5 =	vmax.f32 v9, v5;
	v10 =	vmax.f32 v10, v61;
	v3 =	vmax.f32 v3, v11;
	v11 =	vld [tilespmem:$0x1FFD0]  }
0x25f: {  	vm1 =	vcmask $0x1310;
	[tilespmem:$0x19580] =	vst v1;
	v9 =	vld [tilespmem:$0x1FFE0];
	v7 =	vmax.f32 v5, v7;
	v10 =	vmax.f32 v10, v57  }
0x260: {  	vm0 =	vcmask $0x300;
	[tilespmem:$0x19590] =	vst v1;
	v5 =	vld [tilespmem:$0x1FFF0];
	v7 =	vmax.f32 v7, v17;
	v10 =	vmax.f32 v10, v58  }
0x261: {  	[tilespmem:$0x195A0] =	vst v1;
	v6 =	vmax.f32 v7, v6;
	v7 =	vimm.s32 $0xF000;
	v10 =	vmax.f32 v10, v59  }
0x262: {  	[tilespmem:$0x195B0] =	vst v1;
	v2 =	vmax.f32 v6, v2;
	v6 =	vsel vm0, $0x0, v7;
	v10 =	vmax.f32 v10, v60  }
.Ltmp1:
0x263: {  	[tilespmem:$0x195C0] =	vst v1;
	vm0 =	vcmask $0x704;
	v10 =	vmax.f32 v10, v20;
	v3 =	vmax.f32 v3, v11;
	(pc) =	sbr.rel .LBB2_4-.Ltmp1, $4  }
0x264: {  	s31 =	simm.s32 $0x1;
	[tilespmem:$0x195D0] =	vst v1;
	v2 =	vmax.f32 v2, v18;
	v3 =	vmax.f32 v3, v9;
	v9 =	vmax.f32 v10, v62  }
0x265: {  	_ =	swait.ge [sflag:s31], $0x14000;
	v5 =	vmax.f32 v3, v5;
	v3 =	vmax.f32 v9, v63;
	v9 =	vsel vm0, $0x5000, v6  }
0x266: {  	s4 =	simm.s32 $0x14000;
	s6 =	simm.s32 $0x0;
	[sflag:s31] =	ssyncset.done $0x0;
	vm0 =	vcmask $0xB08;
	v6 =	vmax.f32 v2, v19;
	v7 =	vmax.f32 v3, v21  }
0x267: {  	s5 =	simm.s32 $0x19500;
	s3 =	simm.s32 $0x0;
	[sflag:s31] =	ssyncadd.s32 $0xFFFEC000;
	v2 =	vsel vm0, $0xA000, v9;
	v3 =	vimm.f32 $-Inf;
	vm0 =	vcmask $0x3F08  }
.LBB2_9:
0x268: {  	v17 =	vmov s11  }
0x269: {  	v18 =	vpsel p0, v16, v16;
	v16 =	vpsel p0, v9, v9;
	v9 =	vpsel p0, v12, v12  }
0x26a: {  	s9 =	smov.u32 @p0 s9;
	v10 =	vpsel p0, v10, v10;
	s8 =	smov.u32 @p0 s8;
	v12 =	vpsel p0, v15, v15;
	v19 =	vpsel p0, v17, v17  }
0x26b: {  	s7 =	smov.u32 @p0 s7;
	s10 =	smov.u32 @p0 s10;
	s12 =	smov.u32 @p0 s12;
	v17 =	vpsel p0, v11, v11;
	v11 =	vpsel p0, v8, v8;
	v8 =	vpsel p0, v14, v14  }
.LBB2_12:
0x26c: {  	v14 =	vmov s12  }
0x26d: {  	vm3 =	veq.s32 v14, v0  }
0x26e: {  	v12 =	vsel vm3, $0xFF800000, v12  }
0x26f: {  	vm3 =	vge.f32 v12, $5.000000070e-02  }
0x270: {  	v12 =	vnsel vm3, $0xFF800000, v12  }
0x271: {  	(xrf0) =	vmax.scan.msk.f32 $0xffff, v12;
	_ =	sdelay $0x3  }
0x272: {  	v56 =	vmov s7;
	_ =	sdelay $0x1  }
0x273: {  	v57, _, _ =	vpop (xrf0)  }
0x274: {  	v15 =	vmov s10;
	v14 =	vbroadcast v57, $0xF  }
0x275: {  	[tilespmem:v19+s4+$0x0] =	vst.idx.msk $0x1, v3;
	vm3 =	veq.s32 v15, v0  }
0x276: {  	[tilespmem:v56+s2+$0x0] =	vst.idx.msk $0x1, v14;
	v8 =	vsel vm3, v14, v8  }
0x277: {  	v12 =	vld.idx.msk [tilespmem:v18+s3+$0x0], $0xffff;
	(xrf0) =	vmax.scan.msk.f32 $0xffff, v8;
	_ =	sdelay $0x1  }
0x278: {  	s30 =	sor.u32 $0x1, s6  }
0x279: {  	p0 =	sgt.f32 s9, $-Inf;
	v8 =	vmov s30  }
0x27a: {  	v58 =	vadd.s32 $0x70, v8  }
0x27b: {  	v59 =	vadd.s32 $0xE0, v8;
	v13 =	vpsel p0, v12, v13  }
0x27c: {  	v62 =	vmov s8;
	v21 =	vadd.s32 $0x150, v8;
	v60 =	vbroadcast v13, $0x0;
	v61, _, _ =	vpop (xrf0)  }
0x27d: {  	v63 =	vmov s9;
	v20 =	vbroadcast v13, $0x1;
	v19 =	vbroadcast v61, $0xF  }
0x27e: {  	vm4 =	veq.s32 v62, v4;
	vm3 =	veq.s32 v62, v0;
	[tilespmem:v8+s5+$0x0] =	vst.idx.msk $0x1, v60;
	v8 =	vbroadcast v13, $0x2  }
0x27f: {  	v14 =	vnsel vm1, $0x0, v63;
	v13 =	vbroadcast v13, $0x3;
	[tilespmem:v58+s5+$0x0] =	vst.idx.msk $0x1, v20;
	v4 =	vsel vm3, v19, v16  }
0x280: {  	s7 =	sshll.u32 s30, $0x4;
	vm3 =	veq.s32 v62, v6;
	v6 =	vsel vm2, v12, v14;
	[tilespmem:v59+s5+$0x0] =	vst.idx.msk $0x1, v8  }
0x281: {  	s7 =	sand.u32 $0x3FFFFFF0, s7;
	v12 =	vpsel !p0, $0x0, v6;
	p0 =	slt.u32 s6, $0x62;
	[tilespmem:v21+s5+$0x0] =	vst.idx.msk $0x1, v13  }
0x282: {  	s2 =	simm.s32 @!p0 $0x0;
	s3 =	simm.s32 @!p0 $0x19700;
	[tilespmem:s7+$0x19700] =	vst v12  }
0x283: {  	[hbm4b:s1+s2] =	stream.linear.scatter @!p0 [tilespmem:s3], [sflag:$0x2], $0x680, $0x38;
	[tilespmem:$0x19D80] =	vst v63  }
0x284: {  	s1 =	simm.s32 @!p0 $0x2  }
0x285: {  	_ =	swait.ge @!p0 [sflag:s1], $0x680  }
0x286: {  	[sflag:s1] =	ssyncset.done @!p0 $0x0  }
0x287: {  	[sflag:s1] =	ssyncadd.s32 @!p0 $0xFFFFF980  }
0x288: {  	_ =	sfence.sel @!p0 $0x180000  }
0x289: {  	[bflag:$0x0] =	sbarrier.arrive @!p0 $0xFFFF  }
0x28a: {  	_ =	strace @!p0 $0x90000047  }
0x28b: {  	s31 =	sadd.s32 $0x2, s6;
	vm15 =	veq.s32 v62, v7;
	vm2 =	veq.s32 v62, v5;
	v8 =	vsel vm4, v19, v17;
	s0 =	sadd.s32 @!p0 $0x100000, s0;
	[bflag:$0x2] =	sbarrier.arrive @!p0 $0xFFFF  }
0x28c: {  	v5 =	vsel vm3, v19, v9;
	v7 =	vsel vm2, v19, v10;
	v6 =	vsel vm15, v19, v11;
	s6 =	smov.u32 s31;
	[sflag:s0] =	ssyncadd.tile.s32 @!p0 $0x1;
	_ =	shalt @!p0  }
.Ltmp2:
0x28d: {  	_ = 	snop;
	(pc) =	sbr.rel .LBB2_4-.Ltmp2, $4  }
0x28e: {  	_ = 	snop  }
0x28f: {  	_ = 	snop  }
0x290: {  	_ = 	snop  }
0x291: {  	_ = 	snop  }
.LBB2_4:
0x292: {  	v9 =	vmax.f32 v4, v8;
	v10 =	vmax.f32 v5, v7  }
0x293: {  	v9 =	vmax.f32 v9, v10  }
0x294: {  	v9 =	vmax.f32 v9, v6  }
0x295: {  	(xrf0) =	vmax.scan.msk.f32 $0xffff, v9;
	_ =	sdelay $0x5  }
0x296: {  	v9, _, _ =	vpop (xrf0)  }
0x297: {  	v11 =	vbroadcast v9, $0xF;
	_ =	sdelay $0x1  }
0x298: {  	vm2 =	veq.f32 v4, v11  }
0x299: {  	vm3 =	veq.f32 v8, v11;
	v10 =	vmpcnt.ones.xlane vm2  }
0x29a: {  	(v2sf) =	vpush v9, $0xF;
	vm4 =	veq.f32 v5, v11;
	v9 =	vmpcnt.ones.xlane vm3  }
0x29b: {  	vm5 =	veq.f32 v7, v11;
	(v2sf) =	vpush v10, $0x0;
	v10 =	vmpcnt.ones.xlane vm4  }
0x29c: {  	(v2sf) =	vpush v9, $0x0;
	v9 =	vmpcnt.ones.xlane vm5  }
0x29d: {  	(v2sf) =	vpush v10, $0x0  }
0x29e: {  	(v2sf) =	vpush v9, $0x0;
	_ =	sdelay $0xa  }
0x29f: {  	s7 =	spop (v2sf)  }
0x2a0: {  	s8 =	spop (v2sf)  }
0x2a1: {  	s9 =	spop (v2sf)  }
0x2a2: {  	s10 =	spop (v2sf)  }
0x2a3: {  	s11 =	spop (v2sf)  }
0x2a4: {  	vm6 =	veq.f32 v6, v11;
	p0 =	sgt.s32 s11, $0x0  }
0x2a5: {  	p1 =	sgt.s32 s10, $0x0;
	vm6 =	vmmov @p0 vm5  }
0x2a6: {  	p2 =	sgt.s32 s9, $0x0;
	vm6 =	vmmov @p1 vm4  }
0x2a7: {  	p3 =	sgt.s32 s8, $0x0;
	vm6 =	vmmov @p2 vm3  }
0x2a8: {  	vm6 =	vmmov @p3 vm2  }
0x2a9: {  	v9 =	vmctz.xlane vm6;
	_ =	sdelay $0x1  }
0x2aa: {  	(v2sf) =	vpush v9, $0x0;
	_ =	sdelay $0xc  }
0x2ab: {  	s8 =	simm.s32 $0x30  }
0x2ac: {  	s8 =	simm.s32 @!p0 $0x40  }
0x2ad: {  	s8 =	simm.s32 @p1 $0x20;
	s9 =	spop (v2sf)  }
0x2ae: {  	s8 =	simm.s32 @p2 $0x10;
	p0 =	slt.s32 s9, $0xF  }
0x2af: {  	s8 =	simm.s32 @p3 $0x0;
	s9 =	simm.s32 @!p0 $0xF  }
0x2b0: {  	s9 =	sadd.s32 s9, s8  }
0x2b1: {  	s8 =	sshll.u32 s9, $0x4  }
0x2b2: {  	v9 =	vld [tilespmem:s8+$0x19000];
	_ =	sdelay $0x4  }
0x2b3: {  	vm2 =	veq.f32 v9, v11  }
0x2b4: {  	v10 =	vmctz.xlane vm2;
	_ =	sdelay $0x1  }
0x2b5: {  	(v2sf) =	vpush v10, $0x0;
	_ =	sdelay $0xe  }
0x2b6: {  	s10 =	spop (v2sf)  }
0x2b7: {  	p0 =	slt.s32 s10, $0xF  }
0x2b8: {  	s10 =	simm.s32 @!p0 $0xF  }
0x2b9: {  	s8 =	sadd.s32 s10, s8  }
0x2ba: {  	s31 =	sshll.u32 s8, $0x4  }
0x2bb: {  	v10 =	vld [tilespmem:s31+$0x14000];
	_ =	sdelay $0x4  }
0x2bc: {  	vm2 =	veq.f32 v10, v11  }
0x2bd: {  	v11 =	vmctz.xlane vm2;
	_ =	sdelay $0x1  }
0x2be: {  	(v2sf) =	vpush v11, $0x0;
	_ =	sdelay $0x9  }
0x2bf: {  	v16 =	vld [tilespmem:$0x19500]  }
0x2c0: {  	v17 =	vld [tilespmem:$0x195E0]  }
0x2c1: {  	v18 =	vld [tilespmem:$0x19570]  }
0x2c2: {  	v19 =	vld [tilespmem:$0x19650]  }
0x2c3: {  	v22 =	vld [tilespmem:$0x19510]  }
0x2c4: {  	v23 =	vld [tilespmem:$0x19580];
	s12 =	spop (v2sf)  }
0x2c5: {  	v38 =	vld [tilespmem:$0x195F0];
	p0 =	slt.s32 s12, $0xF  }
0x2c6: {  	v40 =	vld [tilespmem:$0x19660];
	s12 =	simm.s32 @!p0 $0xF  }
0x2c7: {  	v42 =	vld [tilespmem:$0x19520];
	s11 =	sadd.s32 s12, s31  }
0x2c8: {  	v43 =	vld [tilespmem:$0x19600];
	v11 =	vadd.s32 s11, v2  }
0x2c9: {  	v24 =	vld [tilespmem:$0x19590]  }
0x2ca: {  	v27 =	vld [tilespmem:$0x19670]  }
0x2cb: {  	v52 =	vld [tilespmem:$0x19530]  }
0x2cc: {  	v53 =	vld [tilespmem:$0x195A0]  }
0x2cd: {  	v13 =	vld.idx.msk [tilespmem:v11+s3+$0x0], $0xffff  }
0x2ce: {  	v54 =	vld [tilespmem:$0x19610]  }
0x2cf: {  	v55 =	vld [tilespmem:$0x19680]  }
0x2d0: {  	v56 =	vld [tilespmem:$0x19540];
	v20 =	vsub.f32 v17, v16;
	v21 =	vsub.f32 v19, v18  }
0x2d1: {  	v59 =	vld [tilespmem:$0x19620];
	v25 =	vsub.f32 v38, v22;
	v26 =	vsub.f32 v40, v23  }
0x2d2: {  	v46 =	vsub.f32 v43, v42;
	(v2sf) =	vpush v13, $0x0  }
0x2d3: {  	v48 =	vsub.f32 v27, v24;
	(v2sf) =	vpush v13, $0x1  }
0x2d4: {  	v62 =	vsub.f32 v54, v52;
	(v2sf) =	vpush v13, $0x2  }
0x2d5: {  	v28 =	vsub.f32 v55, v53;
	(v2sf) =	vpush v13, $0x3  }
0x2d6: {  	v34 =	vsub.f32 v59, v56;
	v20 =	vmax.f32 v20, $0.0e+00;
	v21 =	vmax.f32 v21, $0.0e+00  }
0x2d7: {  	v44 =	vmax.f32 v25, $0.0e+00;
	v45 =	vmax.f32 v26, $0.0e+00;
	v47 =	vmax.f32 v46, $0.0e+00  }
0x2d8: {  	v25 =	vmax.f32 v48, $0.0e+00;
	v33 =	vmax.f32 v62, $0.0e+00;
	v14 =	vbroadcast v13, $0x0  }
0x2d9: {  	v36 =	vmax.f32 v28, $0.0e+00;
	v12 =	vbroadcast v13, $0x1;
	v15 =	vbroadcast v13, $0x2  }
0x2da: {  	v29 =	vld [tilespmem:$0x19690];
	v39 =	vmul.f32 v21, v20;
	v51 =	vmul.f32 v25, v47;
	v16 =	vmax.f32 v16, v14  }
0x2db: {  	v18 =	vmax.f32 v18, v12;
	v17 =	vmin.f32 v17, v15;
	v13 =	vbroadcast v13, $0x3  }
0x2dc: {  	v22 =	vmax.f32 v22, v14;
	v23 =	vmax.f32 v23, v12;
	v16 =	vsub.f32 v17, v16  }
0x2dd: {  	v61 =	vld [tilespmem:$0x195B0];
	v24 =	vmax.f32 v24, v12;
	v21 =	vmin.f32 v43, v15;
	v19 =	vmin.f32 v19, v13  }
0x2de: {  	v30 =	vld [tilespmem:$0x19550];
	v16 =	vmax.f32 v16, $0.0e+00;
	v20 =	vmin.f32 v40, v13;
	v49 =	vmin.f32 v27, v13  }
0x2df: {  	v32 =	vld [tilespmem:$0x195C0];
	v25 =	vmin.f32 v55, v13;
	v40 =	vmin.f32 v29, v13;
	v37 =	vsub.f32 v19, v18  }
0x2e0: {  	v35 =	vld [tilespmem:$0x19630];
	v18 =	vmin.f32 v38, v15;
	v20 =	vsub.f32 v20, v23;
	v19 =	vmax.f32 v42, v14  }
0x2e1: {  	v46 =	vld [tilespmem:$0x19640];
	v50 =	vsub.f32 v49, v24;
	v23 =	vmax.f32 v52, v14;
	v24 =	vmax.f32 v53, v12;
	s13 =	spop (v2sf)  }
0x2e2: {  	v38 =	vsub.f32 v29, v61;
	v42 =	vld [tilespmem:$0x19560];
	v18 =	vsub.f32 v18, v22;
	v22 =	vmul.f32 v45, v44;
	s14 =	spop (v2sf)  }
0x2e3: {  	v19 =	vsub.f32 v21, v19;
	v31 =	vsub.f32 v25, v24;
	v17 =	vmax.f32 v37, $0.0e+00;
	v37 =	vld [tilespmem:$0x196A0];
	s15 =	spop (v2sf)  }
0x2e4: {  	v47 =	vld [tilespmem:$0x196B0];
	v44 =	vmax.f32 v30, v14;
	v20 =	vmax.f32 v20, $0.0e+00;
	v21 =	vmax.f32 v50, $0.0e+00;
	s16 =	spop (v2sf);
	s13 =	ssub.f32 s15, s13  }
0x2e5: {  	v16 =	vmul.f32 v17, v16;
	v18 =	vmax.f32 v18, $0.0e+00;
	v19 =	vmax.f32 v19, $0.0e+00;
	s14 =	ssub.f32 s16, s14  }
0x2e6: {  	v18 =	vmul.f32 v20, v18;
	v19 =	vmul.f32 v21, v19;
	v21 =	vmin.f32 v54, v15  }
0x2e7: {  	v45 =	vld [tilespmem:$0x195D0];
	v63 =	vsub.f32 v21, v23;
	v23 =	vmin.f32 v35, v15;
	v50 =	vsub.f32 v46, v42;
	s13 =	smax.f32 s13, $0.0e+00;
	s14 =	smax.f32 s14, $0.0e+00  }
0x2e8: {  	v21 =	vmax.f32 v32, v12;
	v23 =	vsub.f32 v23, v44;
	v43 =	vsub.f32 v37, v32;
	s13 =	smul.f32 s14, s13  }
0x2e9: {  	v25 =	vmin.f32 v37, v13;
	v13 =	vmin.f32 v47, v13;
	v55 =	vmax.f32 v50, $0.0e+00  }
0x2ea: {  	v21 =	vsub.f32 v25, v21;
	v23 =	vmax.f32 v23, $0.0e+00;
	v41 =	vadd.f32 s13, v39  }
0x2eb: {  	v49 =	vmax.f32 v43, $0.0e+00;
	v22 =	vadd.f32 s13, v22;
	v20 =	vadd.f32 s13, v51  }
0x2ec: {  	v21 =	vmax.f32 v21, $0.0e+00;
	v51 =	vsub.f32 v47, v45;
	v17 =	vsub.f32 v41, v16  }
0x2ed: {  	v21 =	vmul.f32 v21, v23;
	v16 =	vadd.f32 v16, v16;
	v22 =	vsub.f32 v22, v18  }
0x2ee: {  	v39 =	vmax.f32 v56, v14;
	v18 =	vadd.f32 v18, v18;
	v20 =	vsub.f32 v20, v19  }
0x2ef: {  	v14 =	vmax.f32 v42, v14;
	v19 =	vadd.f32 v19, v19;
	v41 =	vsub.f32 v35, v30  }
0x2f0: {  	v56 =	vmax.f32 v51, $0.0e+00;
	v17 =	vmax.f32 v17, $9.999999710e-10;
	v22 =	vmax.f32 v22, $9.999999710e-10  }
0x2f1: {  	v58 =	vmax.f32 v20, $9.999999710e-10;
	v20 =	vmax.f32 v31, $0.0e+00;
	v48 =	vmax.f32 v41, $0.0e+00  }
0x2f2: {  	v16 =	vsub.f32 v16, v17;
	v17 =	vmul.f32 $5.960464480e-08, v17;
	v57 =	vsub.f32 v18, v22  }
0x2f3: {  	v60 =	vmul.f32 $5.960464480e-08, v22;
	v19 =	vsub.f32 v19, v58;
	v18 =	vmin.f32 v59, v15  }
0x2f4: {  	v22 =	vmax.f32 v61, v12;
	v15 =	vmin.f32 v46, v15;
	v61 =	vadd.f32 v21, v21  }
0x2f5: {  	v12 =	vmax.f32 v45, v12;
	v18 =	vsub.f32 v18, v39;
	v22 =	vsub.f32 v40, v22  }
0x2f6: {  	v14 =	vsub.f32 v15, v14;
	vm2 =	vgt.f32 v16, v17;
	v17 =	vmul.f32 $5.960464480e-08, v58  }
0x2f7: {  	v12 =	vsub.f32 v13, v12;
	vm3 =	vgt.f32 v57, v60;
	v16 =	vmax.f32 v63, $0.0e+00  }
0x2f8: {  	v16 =	vmul.f32 v20, v16;
	vm15 =	vgt.f32 v19, v17;
	v17 =	vmul.f32 v36, v33  }
0x2f9: {  	v20 =	vmax.f32 v38, $0.0e+00;
	v18 =	vmax.f32 v18, $0.0e+00;
	v19 =	vmax.f32 v34, $0.0e+00  }
0x2fa: {  	v22 =	vmax.f32 v22, $0.0e+00;
	v19 =	vmul.f32 v20, v19;
	v17 =	vadd.f32 s13, v17  }
0x2fb: {  	vm2 =	vmor vm2, vm3;
	v14 =	vmax.f32 v14, $0.0e+00;
	v20 =	vmul.f32 v49, v48  }
0x2fc: {  	v18 =	vmul.f32 v22, v18;
	v54 =	vadd.f32 s13, v19;
	v17 =	vsub.f32 v17, v16  }
0x2fd: {  	v12 =	vmax.f32 v12, $0.0e+00;
	v52 =	vadd.f32 v16, v16;
	v57 =	vadd.f32 s13, v20  }
0x2fe: {  	v16 =	vsub.f32 v54, v18;
	v53 =	vmax.f32 v17, $9.999999710e-10;
	v17 =	vmul.f32 v56, v55  }
0x2ff: {  	v12 =	vmul.f32 v12, v14;
	v18 =	vadd.f32 v18, v18;
	v15 =	vsub.f32 v52, v53  }
0x300: {  	v13 =	vmul.f32 $5.960464480e-08, v53;
	v16 =	vmax.f32 v16, $9.999999710e-10;
	v58 =	vadd.f32 s13, v17  }
0x301: {  	vm2 =	vmor vm2, vm15;
	v60 =	vsub.f32 v57, v21;
	v59 =	vsub.f32 v18, v16  }
0x302: {  	v16 =	vmul.f32 $5.960464480e-08, v16;
	vm3 =	vgt.f32 v15, v13;
	v14 =	vsub.f32 v58, v12  }
0x303: {  	v15 =	vmax.f32 v60, $9.999999710e-10;
	vm2 =	vmor vm2, vm3;
	v12 =	vadd.f32 v12, v12  }
0x304: {  	v17 =	vsub.f32 v61, v15;
	v15 =	vmul.f32 $5.960464480e-08, v15;
	v14 =	vmax.f32 v14, $9.999999710e-10  }
0x305: {  	vm3 =	vgt.f32 v59, v16;
	v12 =	vsub.f32 v12, v14;
	v62 =	vmul.f32 $5.960464480e-08, v14  }
0x306: {  	vm2 =	vmor vm2, vm3;
	vm3 =	vgt.f32 v17, v15  }
0x307: {  	vm2 =	vmor vm2, vm3;
	vm3 =	vgt.f32 v12, v62  }
0x308: {  	vm2 =	vmor vm2, vm3  }
0x309: {  	v63 =	vmpcnt.ones.xlane vm2;
	_ =	sdelay $0x1  }
0x30a: {  	(v2sf) =	vpush v63, $0x0;
	_ =	sdelay $0xb  }
0x30b: {  	p5 =	slt.f32 s7, $-Inf;
	p6 =	sgt.f32 s7, $-Inf  }
0x30c: {  	_ = 	snop  }
0x30d: {  	p0 =	por p6, p5  }
0x30e: {  	p0 =	por !p0, !p0;
	s13 =	spop (v2sf)  }
0x30f: {  	p1 =	slt.s32 @!p0 s13, $0x1  }
0x310: {  	p1 =	por p0, p1  }
.Ltmp3:
0x311: {  	_ = 	snop;
	(pc) =	sbr.rel @p1 .LBB2_5-.Ltmp3, $1  }
0x312: {  	_ =	sdelay $0x3  }
.LBB2_6:
0x313: {  	v11 =	vmov s12  }
0x314: {  	vm2 =	veq.s32 v11, v0  }
0x315: {  	v10 =	vsel vm2, $0xFF800000, v10  }
0x316: {  	vm2 =	vge.f32 v10, $5.000000070e-02  }
0x317: {  	v10 =	vnsel vm2, $0xFF800000, v10  }
0x318: {  	(xrf0) =	vmax.scan.msk.f32 $0xffff, v10;
	_ =	sdelay $0x5  }
0x319: {  	v10, _, _ =	vpop (xrf0)  }
0x31a: {  	v11 =	vmov s10;
	v10 =	vbroadcast v10, $0xF  }
0x31b: {  	vm2 =	veq.s32 v11, v0  }
0x31c: {  	v9 =	vsel vm2, v10, v9  }
0x31d: {  	(xrf0) =	vmax.scan.msk.f32 $0xffff, v9;
	_ =	sdelay $0x5  }
0x31e: {  	v9, _, _ =	vpop (xrf0)  }
0x31f: {  	v11 =	vmov s9;
	v9 =	vbroadcast v9, $0xF  }
0x320: {  	v12 =	vor.u32 $0x10, v0;
	v30 =	vor.u32 $0x20, v0;
	vm2 =	veq.s32 v11, v0  }
0x321: {  	v13 =	vor.u32 $0x30, v0;
	v4 =	vsel vm2, v9, v4;
	vm2 =	veq.s32 v11, v12  }
0x322: {  	vm3 =	veq.s32 v11, v13;
	v8 =	vsel vm2, v9, v8;
	vm2 =	veq.s32 v11, v30  }
0x323: {  	v31 =	vor.u32 $0x40, v0;
	v7 =	vsel vm3, v9, v7;
	v5 =	vsel vm2, v9, v5  }
0x324: {  	vm2 =	veq.s32 v11, v31;
	v11 =	vmax.f32 v4, v8;
	v32 =	vmax.f32 v5, v7  }
0x325: {  	v6 =	vsel vm2, v9, v6;
	v9 =	vmax.f32 v11, v32  }
0x326: {  	v9 =	vmax.f32 v9, v6  }
0x327: {  	(xrf0) =	vmax.scan.msk.f32 $0xffff, v9;
	_ =	sdelay $0x5  }
0x328: {  	v9, _, _ =	vpop (xrf0)  }
0x329: {  	v11 =	vbroadcast v9, $0xF;
	_ =	sdelay $0x1  }
0x32a: {  	vm2 =	veq.f32 v4, v11  }
0x32b: {  	vm3 =	veq.f32 v8, v11;
	v33 =	vmpcnt.ones.xlane vm2  }
0x32c: {  	(v2sf) =	vpush v9, $0xF;
	vm4 =	veq.f32 v5, v11;
	v9 =	vmpcnt.ones.xlane vm3  }
0x32d: {  	vm5 =	veq.f32 v7, v11;
	v34 =	vmpcnt.ones.xlane vm4;
	(v2sf) =	vpush v33, $0x0  }
0x32e: {  	(v2sf) =	vpush v9, $0x0;
	v9 =	vmpcnt.ones.xlane vm5  }
0x32f: {  	(v2sf) =	vpush v34, $0x0  }
0x330: {  	(v2sf) =	vpush v9, $0x0;
	_ =	sdelay $0xa  }
0x331: {  	s7 =	spop (v2sf)  }
0x332: {  	s26 =	spop (v2sf)  }
0x333: {  	s28 =	spop (v2sf)  }
0x334: {  	s29 =	spop (v2sf)  }
0x335: {  	s13 =	spop (v2sf)  }
0x336: {  	vm6 =	veq.f32 v6, v11;
	p0 =	sgt.s32 s13, $0x0  }
0x337: {  	p1 =	sgt.s32 s29, $0x0;
	vm6 =	vmmov @p0 vm5  }
0x338: {  	p2 =	sgt.s32 s28, $0x0;
	vm6 =	vmmov @p1 vm4  }
0x339: {  	p3 =	sgt.s32 s26, $0x0;
	vm6 =	vmmov @p2 vm3  }
0x33a: {  	vm6 =	vmmov @p3 vm2  }
0x33b: {  	v9 =	vmctz.xlane vm6;
	_ =	sdelay $0x1  }
0x33c: {  	(v2sf) =	vpush v9, $0x0;
	_ =	sdelay $0xc  }
0x33d: {  	s9 =	simm.s32 $0x30;
	v9 =	vmov s11  }
0x33e: {  	v35 =	vmov s8;
	s9 =	simm.s32 @!p0 $0x40  }
0x33f: {  	s9 =	simm.s32 @p1 $0x20;
	s8 =	spop (v2sf)  }
0x340: {  	s9 =	simm.s32 @p2 $0x10;
	p0 =	slt.s32 s8, $0xF  }
0x341: {  	s9 =	simm.s32 @p3 $0x0;
	s8 =	simm.s32 @!p0 $0xF  }
0x342: {  	[tilespmem:v9+s4+$0x0] =	vst.idx.msk $0x1, v3;
	s9 =	sadd.s32 s8, s9  }
0x343: {  	[tilespmem:v35+s2+$0x0] =	vst.idx.msk $0x1, v10;
	s8 =	sshll.u32 s9, $0x4  }
0x344: {  	v9 =	vld [tilespmem:s8+$0x19000];
	_ =	sdelay $0x4  }
0x345: {  	vm2 =	veq.f32 v9, v11  }
0x346: {  	v10 =	vmctz.xlane vm2;
	_ =	sdelay $0x1  }
0x347: {  	(v2sf) =	vpush v10, $0x0;
	_ =	sdelay $0xe  }
0x348: {  	s10 =	spop (v2sf)  }
0x349: {  	p0 =	slt.s32 s10, $0xF  }
0x34a: {  	s10 =	simm.s32 @!p0 $0xF  }
0x34b: {  	s8 =	sadd.s32 s10, s8  }
0x34c: {  	s30 =	sshll.u32 s8, $0x4  }
0x34d: {  	v10 =	vld [tilespmem:s30+$0x14000];
	_ =	sdelay $0x4  }
0x34e: {  	vm2 =	veq.f32 v10, v11  }
0x34f: {  	v11 =	vmctz.xlane vm2;
	_ =	sdelay $0x1  }
0x350: {  	(v2sf) =	vpush v11, $0x0;
	_ =	sdelay $0x9  }
0x351: {  	v16 =	vld [tilespmem:$0x19500]  }
0x352: {  	v17 =	vld [tilespmem:$0x195E0]  }
0x353: {  	v18 =	vld [tilespmem:$0x19570]  }
0x354: {  	v19 =	vld [tilespmem:$0x19650]  }
0x355: {  	v22 =	vld [tilespmem:$0x19510]  }
0x356: {  	v23 =	vld [tilespmem:$0x19580];
	s12 =	spop (v2sf)  }
0x357: {  	v38 =	vld [tilespmem:$0x195F0];
	p0 =	slt.s32 s12, $0xF  }
0x358: {  	v40 =	vld [tilespmem:$0x19660];
	s12 =	simm.s32 @!p0 $0xF  }
0x359: {  	v42 =	vld [tilespmem:$0x19520];
	s11 =	sadd.s32 s12, s30  }
0x35a: {  	v43 =	vld [tilespmem:$0x19600];
	v11 =	vadd.s32 s11, v2  }
0x35b: {  	v24 =	vld [tilespmem:$0x19590]  }
0x35c: {  	v27 =	vld [tilespmem:$0x19670]  }
0x35d: {  	v52 =	vld [tilespmem:$0x19530]  }
0x35e: {  	v53 =	vld [tilespmem:$0x195A0]  }
0x35f: {  	v36 =	vld.idx.msk [tilespmem:v11+s3+$0x0], $0xffff  }
0x360: {  	v54 =	vld [tilespmem:$0x19610]  }
0x361: {  	v55 =	vld [tilespmem:$0x19680]  }
0x362: {  	v56 =	vld [tilespmem:$0x19540];
	v20 =	vsub.f32 v17, v16;
	v21 =	vsub.f32 v19, v18  }
0x363: {  	v59 =	vld [tilespmem:$0x19620];
	v25 =	vsub.f32 v38, v22;
	v26 =	vsub.f32 v40, v23  }
0x364: {  	v46 =	vsub.f32 v43, v42;
	(v2sf) =	vpush v36, $0x0  }
0x365: {  	v48 =	vsub.f32 v27, v24;
	(v2sf) =	vpush v36, $0x1  }
0x366: {  	v62 =	vsub.f32 v54, v52;
	(v2sf) =	vpush v36, $0x2  }
0x367: {  	v28 =	vsub.f32 v55, v53;
	(v2sf) =	vpush v36, $0x3  }
0x368: {  	v34 =	vsub.f32 v59, v56;
	v20 =	vmax.f32 v20, $0.0e+00;
	v21 =	vmax.f32 v21, $0.0e+00  }
0x369: {  	v44 =	vmax.f32 v25, $0.0e+00;
	v45 =	vmax.f32 v26, $0.0e+00;
	v47 =	vmax.f32 v46, $0.0e+00  }
0x36a: {  	v25 =	vmax.f32 v48, $0.0e+00;
	v14 =	vbroadcast v36, $0x0;
	v12 =	vbroadcast v36, $0x1  }
0x36b: {  	v29 =	vld [tilespmem:$0x19690];
	v33 =	vmax.f32 v62, $0.0e+00;
	v15 =	vbroadcast v36, $0x2;
	v13 =	vbroadcast v36, $0x3  }
0x36c: {  	v39 =	vmul.f32 v21, v20;
	v51 =	vmul.f32 v25, v47;
	v16 =	vmax.f32 v16, v14  }
0x36d: {  	v18 =	vmax.f32 v18, v12;
	v17 =	vmin.f32 v17, v15;
	v19 =	vmin.f32 v19, v13  }
0x36e: {  	v61 =	vld [tilespmem:$0x195B0];
	v22 =	vmax.f32 v22, v14;
	v23 =	vmax.f32 v23, v12;
	v20 =	vmin.f32 v40, v13  }
0x36f: {  	v24 =	vmax.f32 v24, v12;
	v21 =	vmin.f32 v43, v15;
	v49 =	vmin.f32 v27, v13  }
0x370: {  	v30 =	vld [tilespmem:$0x19550];
	v25 =	vmin.f32 v55, v13;
	v40 =	vmin.f32 v29, v13;
	v16 =	vsub.f32 v17, v16  }
0x371: {  	v32 =	vld [tilespmem:$0x195C0];
	v37 =	vsub.f32 v19, v18;
	v18 =	vmin.f32 v38, v15;
	v20 =	vsub.f32 v20, v23  }
0x372: {  	v35 =	vld [tilespmem:$0x19630];
	v19 =	vmax.f32 v42, v14;
	v50 =	vsub.f32 v49, v24;
	v23 =	vmax.f32 v52, v14  }
0x373: {  	v46 =	vld [tilespmem:$0x19640];
	v24 =	vmax.f32 v53, v12;
	v36 =	vmax.f32 v28, $0.0e+00;
	v38 =	vsub.f32 v29, v61;
	s31 =	spop (v2sf)  }
0x374: {  	v42 =	vld [tilespmem:$0x19560];
	v18 =	vsub.f32 v18, v22;
	v22 =	vmul.f32 v45, v44;
	v19 =	vsub.f32 v21, v19;
	s14 =	spop (v2sf)  }
0x375: {  	v31 =	vsub.f32 v25, v24;
	v44 =	vmax.f32 v30, v14;
	v17 =	vmax.f32 v37, $0.0e+00;
	v37 =	vld [tilespmem:$0x196A0];
	s15 =	spop (v2sf)  }
0x376: {  	v47 =	vld [tilespmem:$0x196B0];
	v16 =	vmax.f32 v16, $0.0e+00;
	v20 =	vmax.f32 v20, $0.0e+00;
	v21 =	vmax.f32 v50, $0.0e+00;
	s16 =	spop (v2sf);
	s13 =	ssub.f32 s15, s31  }
0x377: {  	v16 =	vmul.f32 v17, v16;
	v18 =	vmax.f32 v18, $0.0e+00;
	v19 =	vmax.f32 v19, $0.0e+00;
	s14 =	ssub.f32 s16, s14  }
0x378: {  	v18 =	vmul.f32 v20, v18;
	v19 =	vmul.f32 v21, v19;
	v21 =	vmin.f32 v54, v15  }
0x379: {  	v45 =	vld [tilespmem:$0x195D0];
	v63 =	vsub.f32 v21, v23;
	v23 =	vmin.f32 v35, v15;
	v50 =	vsub.f32 v46, v42;
	s13 =	smax.f32 s13, $0.0e+00;
	s14 =	smax.f32 s14, $0.0e+00  }
0x37a: {  	v21 =	vmax.f32 v32, v12;
	v23 =	vsub.f32 v23, v44;
	v43 =	vsub.f32 v37, v32;
	s13 =	smul.f32 s14, s13  }
0x37b: {  	v25 =	vmin.f32 v37, v13;
	v13 =	vmin.f32 v47, v13;
	v55 =	vmax.f32 v50, $0.0e+00  }
0x37c: {  	v21 =	vsub.f32 v25, v21;
	v23 =	vmax.f32 v23, $0.0e+00;
	v41 =	vadd.f32 s13, v39  }
0x37d: {  	v49 =	vmax.f32 v43, $0.0e+00;
	v22 =	vadd.f32 s13, v22;
	v20 =	vadd.f32 s13, v51  }
0x37e: {  	v21 =	vmax.f32 v21, $0.0e+00;
	v51 =	vsub.f32 v47, v45;
	v17 =	vsub.f32 v41, v16  }
0x37f: {  	v21 =	vmul.f32 v21, v23;
	v16 =	vadd.f32 v16, v16;
	v22 =	vsub.f32 v22, v18  }
0x380: {  	v39 =	vmax.f32 v56, v14;
	v18 =	vadd.f32 v18, v18;
	v20 =	vsub.f32 v20, v19  }
0x381: {  	v14 =	vmax.f32 v42, v14;
	v19 =	vadd.f32 v19, v19;
	v41 =	vsub.f32 v35, v30  }
0x382: {  	v56 =	vmax.f32 v51, $0.0e+00;
	v17 =	vmax.f32 v17, $9.999999710e-10;
	v22 =	vmax.f32 v22, $9.999999710e-10  }
0x383: {  	v58 =	vmax.f32 v20, $9.999999710e-10;
	v20 =	vmax.f32 v31, $0.0e+00;
	v48 =	vmax.f32 v41, $0.0e+00  }
0x384: {  	v16 =	vsub.f32 v16, v17;
	v17 =	vmul.f32 $5.960464480e-08, v17;
	v57 =	vsub.f32 v18, v22  }
0x385: {  	v60 =	vmul.f32 $5.960464480e-08, v22;
	v19 =	vsub.f32 v19, v58;
	v18 =	vmin.f32 v59, v15  }
0x386: {  	v22 =	vmax.f32 v61, v12;
	v15 =	vmin.f32 v46, v15;
	v61 =	vadd.f32 v21, v21  }
0x387: {  	v12 =	vmax.f32 v45, v12;
	v18 =	vsub.f32 v18, v39;
	v22 =	vsub.f32 v40, v22  }
0x388: {  	v14 =	vsub.f32 v15, v14;
	vm2 =	vgt.f32 v16, v17;
	v17 =	vmul.f32 $5.960464480e-08, v58  }
0x389: {  	v12 =	vsub.f32 v13, v12;
	vm3 =	vgt.f32 v57, v60;
	v16 =	vmax.f32 v63, $0.0e+00  }
0x38a: {  	v16 =	vmul.f32 v20, v16;
	vm15 =	vgt.f32 v19, v17;
	v17 =	vmul.f32 v36, v33  }
0x38b: {  	v20 =	vmax.f32 v38, $0.0e+00;
	v18 =	vmax.f32 v18, $0.0e+00;
	v19 =	vmax.f32 v34, $0.0e+00  }
0x38c: {  	v22 =	vmax.f32 v22, $0.0e+00;
	v19 =	vmul.f32 v20, v19;
	v17 =	vadd.f32 s13, v17  }
0x38d: {  	vm2 =	vmor vm2, vm3;
	v14 =	vmax.f32 v14, $0.0e+00;
	v20 =	vmul.f32 v49, v48  }
0x38e: {  	v18 =	vmul.f32 v22, v18;
	v54 =	vadd.f32 s13, v19;
	v17 =	vsub.f32 v17, v16  }
0x38f: {  	v12 =	vmax.f32 v12, $0.0e+00;
	v52 =	vadd.f32 v16, v16;
	v57 =	vadd.f32 s13, v20  }
0x390: {  	v16 =	vsub.f32 v54, v18;
	v53 =	vmax.f32 v17, $9.999999710e-10;
	v17 =	vmul.f32 v56, v55  }
0x391: {  	v12 =	vmul.f32 v12, v14;
	v18 =	vadd.f32 v18, v18;
	v15 =	vsub.f32 v52, v53  }
0x392: {  	v13 =	vmul.f32 $5.960464480e-08, v53;
	v16 =	vmax.f32 v16, $9.999999710e-10;
	v58 =	vadd.f32 s13, v17  }
0x393: {  	vm2 =	vmor vm2, vm15;
	v60 =	vsub.f32 v57, v21;
	v59 =	vsub.f32 v18, v16  }
0x394: {  	v16 =	vmul.f32 $5.960464480e-08, v16;
	vm3 =	vgt.f32 v15, v13;
	v14 =	vsub.f32 v58, v12  }
0x395: {  	v15 =	vmax.f32 v60, $9.999999710e-10;
	vm2 =	vmor vm2, vm3;
	v12 =	vadd.f32 v12, v12  }
0x396: {  	v17 =	vsub.f32 v61, v15;
	v15 =	vmul.f32 $5.960464480e-08, v15;
	v14 =	vmax.f32 v14, $9.999999710e-10  }
0x397: {  	vm3 =	vgt.f32 v59, v16;
	v12 =	vsub.f32 v12, v14;
	v62 =	vmul.f32 $5.960464480e-08, v14  }
0x398: {  	vm2 =	vmor vm2, vm3;
	vm3 =	vgt.f32 v17, v15  }
0x399: {  	vm2 =	vmor vm2, vm3;
	vm3 =	vgt.f32 v12, v62  }
0x39a: {  	vm2 =	vmor vm2, vm3  }
0x39b: {  	v63 =	vmpcnt.ones.xlane vm2;
	_ =	sdelay $0x1  }
0x39c: {  	(v2sf) =	vpush v63, $0x0;
	_ =	sdelay $0xb  }
0x39d: {  	p5 =	slt.f32 s7, $-Inf;
	p6 =	sgt.f32 s7, $-Inf  }
0x39e: {  	_ = 	snop  }
0x39f: {  	p0 =	por p6, p5  }
0x3a0: {  	p0 =	por !p0, !p0;
	s13 =	spop (v2sf)  }
0x3a1: {  	p1 =	sgt.s32 @!p0 s13, $0x0  }
0x3a2: {  	p1 =	por p0, !p1  }
.Ltmp4:
0x3a3: {  	_ = 	snop;
	(pc) =	sbr.rel @!p1 .LBB2_6-.Ltmp4, $1  }
0x3a4: {  	_ =	sdelay $0x3  }
.Ltmp5:
0x3a5: {  	(pc) =	sbr.rel .LBB2_8-.Ltmp5, $4  }
0x3a6: {  	v12 =	vmov s11  }
0x3a7: {  	v13 =	vpsel p0, v11, v11;
	v4 =	vpsel p0, v4, v4;
	v11 =	vpsel p0, v8, v8  }
0x3a8: {  	s7 =	smov.u32 @p0 s7;
	v8 =	vpsel p0, v5, v5;
	v7 =	vpsel p0, v7, v7;
	s9 =	smov.u32 @p0 s9;
	v15 =	vpsel p0, v6, v6  }
0x3a9: {  	s8 =	smov.u32 @p0 s8;
	s10 =	smov.u32 @p0 s10;
	s12 =	smov.u32 @p0 s12;
	v5 =	vpsel p0, v9, v9;
	v6 =	vpsel p0, v10, v10;
	v14 =	vpsel p0, v12, v12  }
.LBB2_5:
0x3aa: {  	v12 =	vmov s11  }
0x3ab: {  	v13 =	vpsel p0, v11, v11;
	v4 =	vpsel p0, v4, v4;
	v11 =	vpsel p0, v8, v8  }
0x3ac: {  	s7 =	smov.u32 @p0 s7;
	v8 =	vpsel p0, v5, v5;
	v7 =	vpsel p0, v7, v7;
	s9 =	smov.u32 @p0 s9;
	v15 =	vpsel p0, v6, v6  }
0x3ad: {  	s8 =	smov.u32 @p0 s8;
	s10 =	smov.u32 @p0 s10;
	s12 =	smov.u32 @p0 s12;
	v5 =	vpsel p0, v9, v9;
	v6 =	vpsel p0, v10, v10;
	v14 =	vpsel p0, v12, v12  }
.LBB2_8:
0x3ae: {  	v9 =	vmov s12  }
0x3af: {  	vm2 =	veq.s32 v9, v0  }
0x3b0: {  	v6 =	vsel vm2, $0xFF800000, v6  }
0x3b1: {  	vm2 =	vge.f32 v6, $5.000000070e-02  }
0x3b2: {  	v6 =	vnsel vm2, $0xFF800000, v6  }
0x3b3: {  	(xrf0) =	vmax.scan.msk.f32 $0xffff, v6;
	_ =	sdelay $0x5  }
0x3b4: {  	v6, _, _ =	vpop (xrf0)  }
0x3b5: {  	v16 =	vbroadcast v6, $0xF;
	v6 =	vmov s10  }
0x3b6: {  	vm2 =	veq.s32 v6, v0  }
0x3b7: {  	v5 =	vsel vm2, v16, v5  }
0x3b8: {  	(xrf0) =	vmax.scan.msk.f32 $0xffff, v5;
	_ =	sdelay $0x5  }
0x3b9: {  	v5, _, _ =	vpop (xrf0)  }
0x3ba: {  	v17 =	vmov s9;
	v18 =	vbroadcast v5, $0xF  }
0x3bb: {  	vm2 =	veq.s32 v17, v0  }
0x3bc: {  	v9 =	vsel vm2, v18, v4;
	v4 =	vor.u32 $0x10, v0  }
0x3bd: {  	v6 =	vor.u32 $0x20, v0;
	v5 =	vor.u32 $0x30, v0;
	vm2 =	veq.s32 v17, v4  }
0x3be: {  	vm3 =	veq.s32 v17, v5;
	v11 =	vsel vm2, v18, v11;
	vm2 =	veq.s32 v17, v6  }
0x3bf: {  	v10 =	vsel vm3, v18, v7;
	v7 =	vor.u32 $0x40, v0;
	v12 =	vsel vm2, v18, v8  }
0x3c0: {  	vm2 =	veq.s32 v17, v7;
	v17 =	vmax.f32 v9, v11;
	v19 =	vmax.f32 v12, v10  }
0x3c1: {  	v8 =	vsel vm2, v18, v15;
	v15 =	vmax.f32 v17, v19  }
0x3c2: {  	v15 =	vmax.f32 v15, v8  }
0x3c3: {  	(xrf0) =	vmax.scan.msk.f32 $0xffff, v15;
	_ =	sdelay $0x5  }
0x3c4: {  	v15, _, _ =	vpop (xrf0)  }
0x3c5: {  	v17 =	vbroadcast v15, $0xF;
	_ =	sdelay $0x1  }
0x3c6: {  	vm2 =	veq.f32 v9, v17  }
0x3c7: {  	vm3 =	veq.f32 v11, v17;
	v18 =	vmpcnt.ones.xlane vm2  }
0x3c8: {  	(v2sf) =	vpush v15, $0xF;
	vm4 =	veq.f32 v12, v17;
	v15 =	vmpcnt.ones.xlane vm3  }
0x3c9: {  	vm5 =	veq.f32 v10, v17;
	(v2sf) =	vpush v18, $0x0;
	v18 =	vmpcnt.ones.xlane vm4  }
0x3ca: {  	(v2sf) =	vpush v15, $0x0;
	v15 =	vmpcnt.ones.xlane vm5  }
0x3cb: {  	(v2sf) =	vpush v18, $0x0  }
0x3cc: {  	(v2sf) =	vpush v15, $0x0;
	_ =	sdelay $0xa  }
0x3cd: {  	s9 =	spop (v2sf)  }
0x3ce: {  	s26 =	spop (v2sf)  }
0x3cf: {  	s11 =	spop (v2sf)  }
0x3d0: {  	s28 =	spop (v2sf)  }
0x3d1: {  	s13 =	spop (v2sf)  }
0x3d2: {  	vm6 =	veq.f32 v8, v17;
	p4 =	sgt.s32 s13, $0x0  }
0x3d3: {  	p3 =	sgt.s32 s28, $0x0;
	vm6 =	vmmov @p4 vm5  }
0x3d4: {  	p1 =	sgt.s32 s11, $0x0;
	vm6 =	vmmov @p3 vm4  }
0x3d5: {  	p0 =	sgt.s32 s26, $0x0;
	vm6 =	vmmov @p1 vm3  }
0x3d6: {  	vm6 =	vmmov @p0 vm2  }
0x3d7: {  	v15 =	vmctz.xlane vm6;
	_ =	sdelay $0x1  }
0x3d8: {  	(v2sf) =	vpush v15, $0x0  }
0x3d9: {  	v15 =	vmov s8;
	_ =	sdelay $0x3  }
0x3da: {  	[tilespmem:v14+s4+$0x0] =	vst.idx.msk $0x1, v3  }
0x3db: {  	[tilespmem:v15+s2+$0x0] =	vst.idx.msk $0x1, v16  }
0x3dc: {  	v14 =	vld.idx.msk [tilespmem:v13+s3+$0x0], $0xffff;
	_ =	sdelay $0x2  }
0x3dd: {  	p2 =	sgt.f32 s7, $-Inf;
	v15 =	vmov s6  }
0x3de: {  	v13 =	vsel vm0, $0xC0000000, v1;
	v16 =	vadd.s32 $0x70, v15  }
0x3df: {  	v19 =	vadd.s32 $0xE0, v15;
	v18 =	vpsel p2, v14, v13  }
0x3e0: {  	s8 =	simm.s32 $0x30;
	v21 =	vadd.s32 $0x150, v15;
	v20 =	vbroadcast v18, $0x0  }
0x3e1: {  	s8 =	simm.s32 @!p4 $0x40;
	v22 =	vbroadcast v18, $0x1  }
0x3e2: {  	v36 =	vmov s7;
	s8 =	simm.s32 @p3 $0x20;
	[tilespmem:v15+s5+$0x0] =	vst.idx.msk $0x1, v20;
	v15 =	vbroadcast v18, $0x2;
	s7 =	spop (v2sf)  }
0x3e3: {  	vm2 =	vmmov $0xf;
	s8 =	simm.s32 @p1 $0x10;
	[tilespmem:v16+s5+$0x0] =	vst.idx.msk $0x1, v22;
	v16 =	vbroadcast v18, $0x3;
	v18 =	vnsel vm1, $0x0, v36;
	p1 =	slt.s32 s7, $0xF  }
0x3e4: {  	s29 =	sshll.u32 s6, $0x4;
	s8 =	simm.s32 @p0 $0x0;
	[tilespmem:v19+s5+$0x0] =	vst.idx.msk $0x1, v15;
	v14 =	vsel vm2, v14, v18;
	s7 =	simm.s32 @!p1 $0xF  }
0x3e5: {  	s10 =	sand.u32 $0x3FFFFFF0, s29;
	[tilespmem:v21+s5+$0x0] =	vst.idx.msk $0x1, v16;
	v14 =	vpsel !p2, $0x0, v14;
	s8 =	sadd.s32 s7, s8  }
0x3e6: {  	[tilespmem:s10+$0x19700] =	vst v14;
	s7 =	sshll.u32 s8, $0x4  }
0x3e7: {  	v14 =	vld [tilespmem:s7+$0x19000];
	_ =	sdelay $0x4  }
0x3e8: {  	vm3 =	veq.f32 v14, v17  }
0x3e9: {  	v15 =	vmctz.xlane vm3;
	_ =	sdelay $0x1  }
0x3ea: {  	(v2sf) =	vpush v15, $0x0;
	_ =	sdelay $0xe  }
0x3eb: {  	s10 =	spop (v2sf)  }
0x3ec: {  	p0 =	slt.s32 s10, $0xF  }
0x3ed: {  	s10 =	simm.s32 @!p0 $0xF  }
0x3ee: {  	s7 =	sadd.s32 s10, s7  }
0x3ef: {  	s30 =	sshll.u32 s7, $0x4  }
0x3f0: {  	v15 =	vld [tilespmem:s30+$0x14000];
	_ =	sdelay $0x4  }
0x3f1: {  	vm3 =	veq.f32 v15, v17  }
0x3f2: {  	v16 =	vmctz.xlane vm3;
	_ =	sdelay $0x1  }
0x3f3: {  	(v2sf) =	vpush v16, $0x0;
	_ =	sdelay $0xa  }
0x3f4: {  	v21 =	vld [tilespmem:$0x19500]  }
0x3f5: {  	v22 =	vld [tilespmem:$0x195E0]  }
0x3f6: {  	v23 =	vld [tilespmem:$0x19570]  }
0x3f7: {  	v24 =	vld [tilespmem:$0x19650]  }
0x3f8: {  	v27 =	vld [tilespmem:$0x19510];
	s12 =	spop (v2sf)  }
0x3f9: {  	v28 =	vld [tilespmem:$0x19580];
	p0 =	slt.s32 s12, $0xF  }
0x3fa: {  	v38 =	vld [tilespmem:$0x195F0];
	s12 =	simm.s32 @!p0 $0xF  }
0x3fb: {  	v40 =	vld [tilespmem:$0x19660];
	s11 =	sadd.s32 s12, s30  }
0x3fc: {  	v42 =	vld [tilespmem:$0x19520];
	v16 =	vadd.s32 s11, v2  }
0x3fd: {  	v43 =	vld [tilespmem:$0x19600]  }
0x3fe: {  	v29 =	vld [tilespmem:$0x19590]  }
0x3ff: {  	v32 =	vld [tilespmem:$0x19670]  }
0x400: {  	v52 =	vld [tilespmem:$0x19530]  }
0x401: {  	v18 =	vld.idx.msk [tilespmem:v16+s3+$0x0], $0xffff  }
0x402: {  	v53 =	vld [tilespmem:$0x195A0]  }
0x403: {  	v54 =	vld [tilespmem:$0x19610]  }
0x404: {  	v55 =	vld [tilespmem:$0x19680];
	v25 =	vsub.f32 v22, v21;
	v26 =	vsub.f32 v24, v23  }
0x405: {  	v30 =	vsub.f32 v38, v27;
	v31 =	vsub.f32 v40, v28  }
0x406: {  	v46 =	vsub.f32 v43, v42;
	(v2sf) =	vpush v18, $0x0  }
0x407: {  	v48 =	vsub.f32 v32, v29;
	(v2sf) =	vpush v18, $0x1  }
0x408: {  	v62 =	vsub.f32 v54, v52;
	(v2sf) =	vpush v18, $0x2  }
0x409: {  	v33 =	vsub.f32 v55, v53;
	(v2sf) =	vpush v18, $0x3  }
0x40a: {  	v61 =	vld [tilespmem:$0x195B0];
	v25 =	vmax.f32 v25, $0.0e+00;
	v26 =	vmax.f32 v26, $0.0e+00;
	v44 =	vmax.f32 v30, $0.0e+00  }
0x40b: {  	v34 =	vld [tilespmem:$0x19690];
	v45 =	vmax.f32 v31, $0.0e+00;
	v47 =	vmax.f32 v46, $0.0e+00;
	v19 =	vbroadcast v18, $0x0  }
0x40c: {  	v30 =	vmax.f32 v48, $0.0e+00;
	v17 =	vbroadcast v18, $0x1;
	v20 =	vbroadcast v18, $0x2  }
0x40d: {  	v39 =	vmul.f32 v26, v25;
	v51 =	vmul.f32 v30, v47;
	v21 =	vmax.f32 v21, v19  }
0x40e: {  	v23 =	vmax.f32 v23, v17;
	v22 =	vmin.f32 v22, v20;
	v27 =	vmax.f32 v27, v19  }
0x40f: {  	v28 =	vmax.f32 v28, v17;
	v18 =	vbroadcast v18, $0x3;
	v21 =	vsub.f32 v22, v21  }
0x410: {  	v35 =	vld [tilespmem:$0x19550];
	v29 =	vmax.f32 v29, v17;
	v26 =	vmin.f32 v43, v20;
	v43 =	vsub.f32 v34, v61  }
0x411: {  	v24 =	vmin.f32 v24, v18;
	v21 =	vmax.f32 v21, $0.0e+00;
	v25 =	vmin.f32 v40, v18  }
0x412: {  	v56 =	vld [tilespmem:$0x19540];
	v49 =	vmin.f32 v32, v18;
	v30 =	vmin.f32 v55, v18;
	v37 =	vsub.f32 v24, v23  }
0x413: {  	v47 =	vld [tilespmem:$0x19560];
	v23 =	vmin.f32 v38, v20;
	v25 =	vsub.f32 v25, v28;
	v24 =	vmax.f32 v42, v19  }
0x414: {  	v50 =	vsub.f32 v49, v29;
	v28 =	vmax.f32 v52, v19;
	v29 =	vmax.f32 v53, v17  }
0x415: {  	v40 =	vld [tilespmem:$0x19630];
	v38 =	vmax.f32 v62, $0.0e+00;
	v49 =	vmax.f32 v35, v19;
	v23 =	vsub.f32 v23, v27;
	s31 =	spop (v2sf)  }
0x416: {  	v42 =	vld [tilespmem:$0x196A0];
	v27 =	vmul.f32 v45, v44;
	v24 =	vsub.f32 v26, v24;
	v36 =	vsub.f32 v30, v29;
	s14 =	spop (v2sf)  }
0x417: {  	v44 =	vmax.f32 v56, v19;
	v45 =	vmin.f32 v34, v18;
	v22 =	vmax.f32 v37, $0.0e+00;
	v37 =	vld [tilespmem:$0x195C0];
	s15 =	spop (v2sf)  }
0x418: {  	v52 =	vld [tilespmem:$0x196B0];
	v19 =	vmax.f32 v47, v19;
	v25 =	vmax.f32 v25, $0.0e+00;
	v26 =	vmax.f32 v50, $0.0e+00;
	s16 =	spop (v2sf);
	s13 =	ssub.f32 s15, s31  }
0x419: {  	v21 =	vmul.f32 v22, v21;
	v23 =	vmax.f32 v23, $0.0e+00;
	v24 =	vmax.f32 v24, $0.0e+00;
	s14 =	ssub.f32 s16, s14  }
0x41a: {  	v59 =	vld [tilespmem:$0x19620];
	v23 =	vmul.f32 v25, v23;
	v24 =	vmul.f32 v26, v24;
	v26 =	vmin.f32 v54, v20  }
0x41b: {  	v50 =	vld [tilespmem:$0x195D0];
	v46 =	vsub.f32 v40, v35;
	v63 =	vsub.f32 v26, v28;
	v28 =	vmin.f32 v40, v20;
	s13 =	smax.f32 s13, $0.0e+00;
	s14 =	smax.f32 s14, $0.0e+00  }
0x41c: {  	v30 =	vmin.f32 v42, v18;
	v28 =	vsub.f32 v28, v49;
	v26 =	vmax.f32 v37, v17;
	s13 =	smul.f32 s14, s13  }
0x41d: {  	v18 =	vmin.f32 v52, v18;
	v48 =	vsub.f32 v42, v37;
	v26 =	vsub.f32 v30, v26  }
0x41e: {  	v53 =	vmax.f32 v46, $0.0e+00;
	v41 =	vadd.f32 s13, v39;
	v27 =	vadd.f32 s13, v27  }
0x41f: {  	v28 =	vmax.f32 v28, $0.0e+00;
	v25 =	vadd.f32 s13, v51;
	v39 =	vsub.f32 v59, v56  }
0x420: {  	v54 =	vmax.f32 v48, $0.0e+00;
	v56 =	vsub.f32 v52, v50;
	v22 =	vsub.f32 v41, v21  }
0x421: {  	v26 =	vmax.f32 v26, $0.0e+00;
	v21 =	vadd.f32 v21, v21;
	v27 =	vsub.f32 v27, v23  }
0x422: {  	v26 =	vmul.f32 v26, v28;
	v51 =	vld [tilespmem:$0x19640];
	v23 =	vadd.f32 v23, v23;
	v25 =	vsub.f32 v25, v24  }
0x423: {  	v24 =	vadd.f32 v24, v24;
	v41 =	vmax.f32 v33, $0.0e+00;
	v22 =	vmax.f32 v22, $9.999999710e-10  }
0x424: {  	v27 =	vmax.f32 v27, $9.999999710e-10;
	v58 =	vmax.f32 v25, $9.999999710e-10;
	v25 =	vmax.f32 v36, $0.0e+00  }
0x425: {  	v21 =	vsub.f32 v21, v22;
	v22 =	vmul.f32 $5.960464480e-08, v22;
	v57 =	vsub.f32 v23, v27  }
0x426: {  	v60 =	vmul.f32 $5.960464480e-08, v27;
	v24 =	vsub.f32 v24, v58;
	v23 =	vmin.f32 v59, v20  }
0x427: {  	v27 =	vmax.f32 v61, v17;
	v55 =	vsub.f32 v51, v47;
	v20 =	vmin.f32 v51, v20  }
0x428: {  	v17 =	vmax.f32 v50, v17;
	v23 =	vsub.f32 v23, v44;
	v27 =	vsub.f32 v45, v27  }
0x429: {  	v19 =	vsub.f32 v20, v19;
	v17 =	vsub.f32 v18, v17;
	vm3 =	vgt.f32 v21, v22  }
0x42a: {  	v22 =	vmul.f32 $5.960464480e-08, v58;
	vm10 =	vgt.f32 v57, v60;
	v21 =	vmax.f32 v63, $0.0e+00  }
0x42b: {  	v59 =	vmax.f32 v55, $0.0e+00;
	v60 =	vmax.f32 v56, $0.0e+00;
	v63 =	vadd.f32 v26, v26  }
0x42c: {  	v21 =	vmul.f32 v25, v21;
	vm11 =	vgt.f32 v24, v22;
	v22 =	vmul.f32 v41, v38  }
0x42d: {  	v25 =	vmax.f32 v43, $0.0e+00;
	v23 =	vmax.f32 v23, $0.0e+00;
	v27 =	vmax.f32 v27, $0.0e+00  }
0x42e: {  	vm3 =	vmor vm3, vm10;
	v24 =	vmax.f32 v39, $0.0e+00;
	v22 =	vadd.f32 s13, v22  }
0x42f: {  	v19 =	vmax.f32 v19, $0.0e+00;
	v17 =	vmax.f32 v17, $0.0e+00;
	v24 =	vmul.f32 v25, v24  }
0x430: {  	v23 =	vmul.f32 v27, v23;
	v25 =	vmul.f32 v54, v53;
	v22 =	vsub.f32 v22, v21  }
0x431: {  	v17 =	vmul.f32 v17, v19;
	v57 =	vadd.f32 v21, v21;
	v58 =	vadd.f32 s13, v24  }
0x432: {  	v61 =	vadd.f32 s13, v25;
	v18 =	vmax.f32 v22, $9.999999710e-10;
	v22 =	vmul.f32 v60, v59  }
0x433: {  	v21 =	vsub.f32 v58, v23;
	v20 =	vsub.f32 v57, v18;
	v18 =	vmul.f32 $5.960464480e-08, v18  }
0x434: {  	vm3 =	vmor vm3, vm11;
	v23 =	vadd.f32 v23, v23;
	v19 =	vadd.f32 s13, v22  }
0x435: {  	v62 =	vsub.f32 v61, v26;
	v21 =	vmax.f32 v21, $9.999999710e-10;
	vm12 =	vgt.f32 v20, v18  }
0x436: {  	v18 =	vsub.f32 v23, v21;
	v21 =	vmul.f32 $5.960464480e-08, v21;
	v19 =	vsub.f32 v19, v17  }
0x437: {  	v20 =	vmax.f32 v62, $9.999999710e-10;
	vm3 =	vmor vm3, vm12;
	v17 =	vadd.f32 v17, v17  }
0x438: {  	v22 =	vsub.f32 v63, v20;
	v20 =	vmul.f32 $5.960464480e-08, v20;
	v19 =	vmax.f32 v19, $9.999999710e-10  }
0x439: {  	vm13 =	vgt.f32 v18, v21;
	v17 =	vsub.f32 v17, v19;
	v18 =	vmul.f32 $5.960464480e-08, v19  }
0x43a: {  	vm3 =	vmor vm3, vm13;
	vm14 =	vgt.f32 v22, v20  }
0x43b: {  	vm3 =	vmor vm3, vm14;
	vm15 =	vgt.f32 v17, v18  }
0x43c: {  	vm3 =	vmor vm3, vm15  }
0x43d: {  	v17 =	vmpcnt.ones.xlane vm3;
	_ =	sdelay $0x1  }
0x43e: {  	(v2sf) =	vpush v17, $0x0;
	_ =	sdelay $0xb  }
0x43f: {  	p5 =	slt.f32 s9, $-Inf;
	p6 =	sgt.f32 s9, $-Inf  }
0x440: {  	_ = 	snop  }
0x441: {  	p0 =	por p6, p5  }
0x442: {  	p0 =	por !p0, !p0;
	s13 =	spop (v2sf)  }
0x443: {  	p1 =	slt.s32 @!p0 s13, $0x1  }
0x444: {  	p1 =	por p0, p1  }
.Ltmp6:
0x445: {  	_ = 	snop;
	(pc) =	sbr.rel @p1 .LBB2_9-.Ltmp6, $1  }
0x446: {  	_ =	sdelay $0x3  }
.LBB2_10:
0x447: {  	v16 =	vmov s12  }
0x448: {  	vm3 =	veq.s32 v16, v0  }
0x449: {  	v15 =	vsel vm3, $0xFF800000, v15  }
0x44a: {  	vm3 =	vge.f32 v15, $5.000000070e-02  }
0x44b: {  	v15 =	vnsel vm3, $0xFF800000, v15  }
0x44c: {  	(xrf0) =	vmax.scan.msk.f32 $0xffff, v15;
	_ =	sdelay $0x5  }
0x44d: {  	v15, _, _ =	vpop (xrf0)  }
0x44e: {  	v16 =	vmov s10;
	v15 =	vbroadcast v15, $0xF  }
0x44f: {  	vm3 =	veq.s32 v16, v0  }
0x450: {  	v14 =	vsel vm3, v15, v14  }
0x451: {  	(xrf0) =	vmax.scan.msk.f32 $0xffff, v14;
	_ =	sdelay $0x5  }
0x452: {  	v14, _, _ =	vpop (xrf0)  }
0x453: {  	v16 =	vmov s8;
	v14 =	vbroadcast v14, $0xF  }
0x454: {  	vm4 =	veq.s32 v16, v6;
	vm3 =	veq.s32 v16, v0  }
0x455: {  	vm5 =	veq.s32 v16, v5;
	v9 =	vsel vm3, v14, v9;
	vm3 =	veq.s32 v16, v4  }
0x456: {  	v12 =	vsel vm4, v14, v12;
	v10 =	vsel vm5, v14, v10;
	v11 =	vsel vm3, v14, v11  }
0x457: {  	vm3 =	veq.s32 v16, v7;
	v17 =	vmax.f32 v12, v10;
	v16 =	vmax.f32 v9, v11  }
0x458: {  	v8 =	vsel vm3, v14, v8;
	v14 =	vmax.f32 v16, v17  }
0x459: {  	v14 =	vmax.f32 v14, v8  }
0x45a: {  	(xrf0) =	vmax.scan.msk.f32 $0xffff, v14;
	_ =	sdelay $0x5  }
0x45b: {  	v14, _, _ =	vpop (xrf0)  }
0x45c: {  	v16 =	vbroadcast v14, $0xF;
	_ =	sdelay $0x1  }
0x45d: {  	vm3 =	veq.f32 v9, v16  }
0x45e: {  	vm4 =	veq.f32 v11, v16;
	v17 =	vmpcnt.ones.xlane vm3  }
0x45f: {  	(v2sf) =	vpush v14, $0xF;
	vm5 =	veq.f32 v12, v16;
	v14 =	vmpcnt.ones.xlane vm4  }
0x460: {  	vm6 =	veq.f32 v10, v16;
	(v2sf) =	vpush v17, $0x0;
	v17 =	vmpcnt.ones.xlane vm5  }
0x461: {  	(v2sf) =	vpush v14, $0x0;
	v14 =	vmpcnt.ones.xlane vm6  }
0x462: {  	(v2sf) =	vpush v17, $0x0  }
0x463: {  	(v2sf) =	vpush v14, $0x0;
	_ =	sdelay $0xa  }
0x464: {  	s9 =	spop (v2sf)  }
0x465: {  	s26 =	spop (v2sf)  }
0x466: {  	s28 =	spop (v2sf)  }
0x467: {  	s29 =	spop (v2sf)  }
0x468: {  	s13 =	spop (v2sf)  }
0x469: {  	vm7 =	veq.f32 v8, v16;
	p0 =	sgt.s32 s13, $0x0  }
0x46a: {  	p1 =	sgt.s32 s29, $0x0;
	vm7 =	vmmov @p0 vm6  }
0x46b: {  	p2 =	sgt.s32 s28, $0x0;
	vm7 =	vmmov @p1 vm5  }
0x46c: {  	p3 =	sgt.s32 s26, $0x0;
	vm7 =	vmmov @p2 vm4  }
0x46d: {  	vm7 =	vmmov @p3 vm3  }
0x46e: {  	v14 =	vmctz.xlane vm7;
	_ =	sdelay $0x1  }
0x46f: {  	(v2sf) =	vpush v14, $0x0;
	_ =	sdelay $0xc  }
0x470: {  	s8 =	simm.s32 $0x30;
	v14 =	vmov s11  }
0x471: {  	v17 =	vmov s7;
	s8 =	simm.s32 @!p0 $0x40  }
0x472: {  	s8 =	simm.s32 @p1 $0x20;
	s7 =	spop (v2sf)  }
0x473: {  	s8 =	simm.s32 @p2 $0x10;
	p0 =	slt.s32 s7, $0xF  }
0x474: {  	s8 =	simm.s32 @p3 $0x0;
	s7 =	simm.s32 @!p0 $0xF  }
0x475: {  	[tilespmem:v14+s4+$0x0] =	vst.idx.msk $0x1, v3;
	s8 =	sadd.s32 s7, s8  }
0x476: {  	[tilespmem:v17+s2+$0x0] =	vst.idx.msk $0x1, v15;
	s7 =	sshll.u32 s8, $0x4  }
0x477: {  	v14 =	vld [tilespmem:s7+$0x19000];
	_ =	sdelay $0x4  }
0x478: {  	vm3 =	veq.f32 v14, v16  }
0x479: {  	v15 =	vmctz.xlane vm3;
	_ =	sdelay $0x1  }
0x47a: {  	(v2sf) =	vpush v15, $0x0;
	_ =	sdelay $0xe  }
0x47b: {  	s10 =	spop (v2sf)  }
0x47c: {  	p0 =	slt.s32 s10, $0xF  }
0x47d: {  	s10 =	simm.s32 @!p0 $0xF  }
0x47e: {  	s7 =	sadd.s32 s10, s7  }
0x47f: {  	s30 =	sshll.u32 s7, $0x4  }
0x480: {  	v15 =	vld [tilespmem:s30+$0x14000];
	_ =	sdelay $0x4  }
0x481: {  	vm3 =	veq.f32 v15, v16  }
0x482: {  	v16 =	vmctz.xlane vm3;
	_ =	sdelay $0x1  }
0x483: {  	(v2sf) =	vpush v16, $0x0;
	_ =	sdelay $0xa  }
0x484: {  	v21 =	vld [tilespmem:$0x19500]  }
0x485: {  	v22 =	vld [tilespmem:$0x195E0]  }
0x486: {  	v23 =	vld [tilespmem:$0x19570]  }
0x487: {  	v24 =	vld [tilespmem:$0x19650]  }
0x488: {  	v27 =	vld [tilespmem:$0x19510];
	s12 =	spop (v2sf)  }
0x489: {  	v28 =	vld [tilespmem:$0x19580];
	p0 =	slt.s32 s12, $0xF  }
0x48a: {  	v38 =	vld [tilespmem:$0x195F0];
	s12 =	simm.s32 @!p0 $0xF  }
0x48b: {  	v40 =	vld [tilespmem:$0x19660];
	s11 =	sadd.s32 s12, s30  }
0x48c: {  	v42 =	vld [tilespmem:$0x19520];
	v16 =	vadd.s32 s11, v2  }
0x48d: {  	v43 =	vld [tilespmem:$0x19600]  }
0x48e: {  	v29 =	vld [tilespmem:$0x19590]  }
0x48f: {  	v32 =	vld [tilespmem:$0x19670]  }
0x490: {  	v52 =	vld [tilespmem:$0x19530]  }
0x491: {  	v18 =	vld.idx.msk [tilespmem:v16+s3+$0x0], $0xffff  }
0x492: {  	v53 =	vld [tilespmem:$0x195A0]  }
0x493: {  	v54 =	vld [tilespmem:$0x19610]  }
0x494: {  	v55 =	vld [tilespmem:$0x19680];
	v25 =	vsub.f32 v22, v21;
	v26 =	vsub.f32 v24, v23  }
0x495: {  	v30 =	vsub.f32 v38, v27;
	v31 =	vsub.f32 v40, v28  }
0x496: {  	v46 =	vsub.f32 v43, v42;
	(v2sf) =	vpush v18, $0x0  }
0x497: {  	v48 =	vsub.f32 v32, v29;
	(v2sf) =	vpush v18, $0x1  }
0x498: {  	v62 =	vsub.f32 v54, v52;
	(v2sf) =	vpush v18, $0x2  }
0x499: {  	v33 =	vsub.f32 v55, v53;
	(v2sf) =	vpush v18, $0x3  }
0x49a: {  	v61 =	vld [tilespmem:$0x195B0];
	v25 =	vmax.f32 v25, $0.0e+00;
	v26 =	vmax.f32 v26, $0.0e+00;
	v44 =	vmax.f32 v30, $0.0e+00  }
0x49b: {  	v34 =	vld [tilespmem:$0x19690];
	v45 =	vmax.f32 v31, $0.0e+00;
	v47 =	vmax.f32 v46, $0.0e+00;
	v19 =	vbroadcast v18, $0x0  }
0x49c: {  	v30 =	vmax.f32 v48, $0.0e+00;
	v17 =	vbroadcast v18, $0x1;
	v20 =	vbroadcast v18, $0x2  }
0x49d: {  	v39 =	vmul.f32 v26, v25;
	v51 =	vmul.f32 v30, v47;
	v21 =	vmax.f32 v21, v19  }
0x49e: {  	v23 =	vmax.f32 v23, v17;
	v22 =	vmin.f32 v22, v20;
	v27 =	vmax.f32 v27, v19  }
0x49f: {  	v28 =	vmax.f32 v28, v17;
	v18 =	vbroadcast v18, $0x3;
	v21 =	vsub.f32 v22, v21  }
0x4a0: {  	v35 =	vld [tilespmem:$0x19550];
	v29 =	vmax.f32 v29, v17;
	v26 =	vmin.f32 v43, v20;
	v43 =	vsub.f32 v34, v61  }
0x4a1: {  	v24 =	vmin.f32 v24, v18;
	v21 =	vmax.f32 v21, $0.0e+00;
	v25 =	vmin.f32 v40, v18  }
0x4a2: {  	v56 =	vld [tilespmem:$0x19540];
	v49 =	vmin.f32 v32, v18;
	v30 =	vmin.f32 v55, v18;
	v37 =	vsub.f32 v24, v23  }
0x4a3: {  	v47 =	vld [tilespmem:$0x19560];
	v23 =	vmin.f32 v38, v20;
	v25 =	vsub.f32 v25, v28;
	v24 =	vmax.f32 v42, v19  }
0x4a4: {  	v50 =	vsub.f32 v49, v29;
	v28 =	vmax.f32 v52, v19;
	v29 =	vmax.f32 v53, v17  }
0x4a5: {  	v40 =	vld [tilespmem:$0x19630];
	v38 =	vmax.f32 v62, $0.0e+00;
	v49 =	vmax.f32 v35, v19;
	v23 =	vsub.f32 v23, v27;
	s31 =	spop (v2sf)  }
0x4a6: {  	v42 =	vld [tilespmem:$0x196A0];
	v27 =	vmul.f32 v45, v44;
	v24 =	vsub.f32 v26, v24;
	v36 =	vsub.f32 v30, v29;
	s14 =	spop (v2sf)  }
0x4a7: {  	v44 =	vmax.f32 v56, v19;
	v45 =	vmin.f32 v34, v18;
	v22 =	vmax.f32 v37, $0.0e+00;
	v37 =	vld [tilespmem:$0x195C0];
	s15 =	spop (v2sf)  }
0x4a8: {  	v52 =	vld [tilespmem:$0x196B0];
	v19 =	vmax.f32 v47, v19;
	v25 =	vmax.f32 v25, $0.0e+00;
	v26 =	vmax.f32 v50, $0.0e+00;
	s16 =	spop (v2sf);
	s13 =	ssub.f32 s15, s31  }
0x4a9: {  	v21 =	vmul.f32 v22, v21;
	v23 =	vmax.f32 v23, $0.0e+00;
	v24 =	vmax.f32 v24, $0.0e+00;
	s14 =	ssub.f32 s16, s14  }
0x4aa: {  	v59 =	vld [tilespmem:$0x19620];
	v23 =	vmul.f32 v25, v23;
	v24 =	vmul.f32 v26, v24;
	v26 =	vmin.f32 v54, v20  }
0x4ab: {  	v50 =	vld [tilespmem:$0x195D0];
	v46 =	vsub.f32 v40, v35;
	v63 =	vsub.f32 v26, v28;
	v28 =	vmin.f32 v40, v20;
	s13 =	smax.f32 s13, $0.0e+00;
	s14 =	smax.f32 s14, $0.0e+00  }
0x4ac: {  	v30 =	vmin.f32 v42, v18;
	v28 =	vsub.f32 v28, v49;
	v26 =	vmax.f32 v37, v17;
	s13 =	smul.f32 s14, s13  }
0x4ad: {  	v18 =	vmin.f32 v52, v18;
	v48 =	vsub.f32 v42, v37;
	v26 =	vsub.f32 v30, v26  }
0x4ae: {  	v53 =	vmax.f32 v46, $0.0e+00;
	v41 =	vadd.f32 s13, v39;
	v27 =	vadd.f32 s13, v27  }
0x4af: {  	v28 =	vmax.f32 v28, $0.0e+00;
	v25 =	vadd.f32 s13, v51;
	v39 =	vsub.f32 v59, v56  }
0x4b0: {  	v54 =	vmax.f32 v48, $0.0e+00;
	v56 =	vsub.f32 v52, v50;
	v22 =	vsub.f32 v41, v21  }
0x4b1: {  	v26 =	vmax.f32 v26, $0.0e+00;
	v21 =	vadd.f32 v21, v21;
	v27 =	vsub.f32 v27, v23  }
0x4b2: {  	v26 =	vmul.f32 v26, v28;
	v51 =	vld [tilespmem:$0x19640];
	v23 =	vadd.f32 v23, v23;
	v25 =	vsub.f32 v25, v24  }
0x4b3: {  	v24 =	vadd.f32 v24, v24;
	v41 =	vmax.f32 v33, $0.0e+00;
	v22 =	vmax.f32 v22, $9.999999710e-10  }
0x4b4: {  	v27 =	vmax.f32 v27, $9.999999710e-10;
	v58 =	vmax.f32 v25, $9.999999710e-10;
	v25 =	vmax.f32 v36, $0.0e+00  }
0x4b5: {  	v21 =	vsub.f32 v21, v22;
	v22 =	vmul.f32 $5.960464480e-08, v22;
	v57 =	vsub.f32 v23, v27  }
0x4b6: {  	v60 =	vmul.f32 $5.960464480e-08, v27;
	v24 =	vsub.f32 v24, v58;
	v23 =	vmin.f32 v59, v20  }
0x4b7: {  	v27 =	vmax.f32 v61, v17;
	v55 =	vsub.f32 v51, v47;
	v20 =	vmin.f32 v51, v20  }
0x4b8: {  	v17 =	vmax.f32 v50, v17;
	v23 =	vsub.f32 v23, v44;
	v27 =	vsub.f32 v45, v27  }
0x4b9: {  	v19 =	vsub.f32 v20, v19;
	v17 =	vsub.f32 v18, v17;
	vm3 =	vgt.f32 v21, v22  }
0x4ba: {  	v22 =	vmul.f32 $5.960464480e-08, v58;
	vm10 =	vgt.f32 v57, v60;
	v21 =	vmax.f32 v63, $0.0e+00  }
0x4bb: {  	v59 =	vmax.f32 v55, $0.0e+00;
	v60 =	vmax.f32 v56, $0.0e+00;
	v63 =	vadd.f32 v26, v26  }
0x4bc: {  	v21 =	vmul.f32 v25, v21;
	vm11 =	vgt.f32 v24, v22;
	v22 =	vmul.f32 v41, v38  }
0x4bd: {  	v25 =	vmax.f32 v43, $0.0e+00;
	v23 =	vmax.f32 v23, $0.0e+00;
	v27 =	vmax.f32 v27, $0.0e+00  }
0x4be: {  	vm3 =	vmor vm3, vm10;
	v24 =	vmax.f32 v39, $0.0e+00;
	v22 =	vadd.f32 s13, v22  }
0x4bf: {  	v19 =	vmax.f32 v19, $0.0e+00;
	v17 =	vmax.f32 v17, $0.0e+00;
	v24 =	vmul.f32 v25, v24  }
0x4c0: {  	v23 =	vmul.f32 v27, v23;
	v25 =	vmul.f32 v54, v53;
	v22 =	vsub.f32 v22, v21  }
0x4c1: {  	v17 =	vmul.f32 v17, v19;
	v57 =	vadd.f32 v21, v21;
	v58 =	vadd.f32 s13, v24  }
0x4c2: {  	v61 =	vadd.f32 s13, v25;
	v18 =	vmax.f32 v22, $9.999999710e-10;
	v22 =	vmul.f32 v60, v59  }
0x4c3: {  	v21 =	vsub.f32 v58, v23;
	v20 =	vsub.f32 v57, v18;
	v18 =	vmul.f32 $5.960464480e-08, v18  }
0x4c4: {  	vm3 =	vmor vm3, vm11;
	v23 =	vadd.f32 v23, v23;
	v19 =	vadd.f32 s13, v22  }
0x4c5: {  	v62 =	vsub.f32 v61, v26;
	v21 =	vmax.f32 v21, $9.999999710e-10;
	vm12 =	vgt.f32 v20, v18  }
0x4c6: {  	v18 =	vsub.f32 v23, v21;
	v21 =	vmul.f32 $5.960464480e-08, v21;
	v19 =	vsub.f32 v19, v17  }
0x4c7: {  	v20 =	vmax.f32 v62, $9.999999710e-10;
	vm3 =	vmor vm3, vm12;
	v17 =	vadd.f32 v17, v17  }
0x4c8: {  	v22 =	vsub.f32 v63, v20;
	v20 =	vmul.f32 $5.960464480e-08, v20;
	v19 =	vmax.f32 v19, $9.999999710e-10  }
0x4c9: {  	vm13 =	vgt.f32 v18, v21;
	v17 =	vsub.f32 v17, v19;
	v18 =	vmul.f32 $5.960464480e-08, v19  }
0x4ca: {  	vm3 =	vmor vm3, vm13;
	vm14 =	vgt.f32 v22, v20  }
0x4cb: {  	vm3 =	vmor vm3, vm14;
	vm15 =	vgt.f32 v17, v18  }
0x4cc: {  	vm3 =	vmor vm3, vm15  }
0x4cd: {  	v17 =	vmpcnt.ones.xlane vm3;
	_ =	sdelay $0x1  }
0x4ce: {  	(v2sf) =	vpush v17, $0x0;
	_ =	sdelay $0xb  }
0x4cf: {  	p5 =	slt.f32 s9, $-Inf;
	p6 =	sgt.f32 s9, $-Inf  }
0x4d0: {  	_ = 	snop  }
0x4d1: {  	p0 =	por p6, p5  }
0x4d2: {  	p0 =	por !p0, !p0;
	s13 =	spop (v2sf)  }
0x4d3: {  	p1 =	sgt.s32 @!p0 s13, $0x0  }
0x4d4: {  	p1 =	por p0, !p1  }
.Ltmp7:
0x4d5: {  	_ = 	snop;
	(pc) =	sbr.rel @!p1 .LBB2_10-.Ltmp7, $1  }
0x4d6: {  	_ =	sdelay $0x3  }
.Ltmp8:
0x4d7: {  	(pc) =	sbr.rel .LBB2_12-.Ltmp8, $4  }
0x4d8: {  	v17 =	vmov s11  }
0x4d9: {  	v18 =	vpsel p0, v16, v16;
	v16 =	vpsel p0, v9, v9;
	v9 =	vpsel p0, v12, v12  }
0x4da: {  	s9 =	smov.u32 @p0 s9;
	v10 =	vpsel p0, v10, v10;
	s8 =	smov.u32 @p0 s8;
	v12 =	vpsel p0, v15, v15;
	v19 =	vpsel p0, v17, v17  }
0x4db: {  	s7 =	smov.u32 @p0 s7;
	s10 =	smov.u32 @p0 s10;
	s12 =	smov.u32 @p0 s12;
	v17 =	vpsel p0, v11, v11;
	v11 =	vpsel p0, v8, v8;
	v8 =	vpsel p0, v14, v14  }
.Lfunc_end2:
_tile_overlayer_lowered:
.L_overlay_start_2:
0x4dc: {  	(tag) =	ssettag $0x2  }
0x4dd: {  	s0 =	rddreg [dreg:$0x0];
	s2 =	stileid.u32  }
0x4de: {  	s1 =	rddreg [dreg:$0x1];
	p0 =	sne.s32 s2, $0x0  }
0x4df: {  	s3 =	rddreg [dreg:$0x2];
	[bflag:$0x3] =	sbarrier.arrive $0xFFFF;
	s2 =	simm.s32 @!p0 $0x1C02  }
0x4e0: {  	[timem:s3], [sflag:s2] =	dma.local @!p0 [hbm:s0], s1  }
0x4e1: {  	s0 =	simm.s32 @!p0 $0x2  }
0x4e2: {  	_ =	swait.ge @!p0 [sflag:s0], s1  }
0x4e3: {  	s1 =	ssub.s32 @!p0 $0x0, s1;
	[sflag:s0] =	ssyncset.done @!p0 $0x0  }
0x4e4: {  	[sflag:s0] =	ssyncadd.s32 @!p0 s1  }
0x4e5: {  	[bflag:$0x3] =	sbarrier.arrive $0xFFFF  }
0x4e6: {  	_ =	shalt  }

</sc_bundles>
